<compile_context>
chip_gen: v7x
topology: tpu7x:2x2x1
jax: 0.10.2.dev20260603
libtpu: 0.0.44.dev20260713+nightly
codegen_flags: <defaults>
</compile_context>

<pallas_src>
import functools

import jax
import jax.numpy as jnp
from jax import lax
from jax.experimental import pallas as pl
from jax.experimental.pallas import tpu as pltpu
from jax.experimental.pallas import tpu_sc as plsc

_BATCH = 16384
_INPUT_DIM = 39
_N_CONT = 13
_N_CAT = 26
_VOCAB = 100000
_EMB = 16
_OUT_DIM = _N_CONT + _N_CAT * _EMB
_TROWS = _N_CAT * _VOCAB // 8

_NC = 2
_NS = 16
_NW = _NC * _NS
_ROWS_PER_W = _BATCH // _NW
_CHUNK = 128
_N_CHUNKS = _ROWS_PER_W // _CHUNK
_NGRP = _CHUNK // 16


def _emb_kernel(x_hbm, tab_hbm, out_hbm, x_v, idx_v, rem_v, g_v, out_v, gsem, wsem):
    wid = lax.axis_index("s") * _NC + lax.axis_index("c")
    lane = lax.broadcasted_iota(jnp.int32, (16,), 0)

    for t in range(_N_CHUNKS):
        base = wid * _ROWS_PER_W + t * _CHUNK

        pltpu.sync_copy(x_hbm.at[pl.ds(base, _CHUNK), :], x_v)

        def row_body(i, _):
            col_i = jnp.full((16,), i, jnp.int32)
            xa = x_v[i, pl.ds(_N_CONT, 16)]
            xb = x_v[i, pl.ds(_N_CONT + 10, 16)]
            plsc.store_scatter(idx_v, [lane, col_i], xa >> 3)
            plsc.store_scatter(idx_v, [lane + 10, col_i], xb >> 3)
            plsc.store_scatter(rem_v, [lane, col_i], xa & 7)
            plsc.store_scatter(rem_v, [lane + 10, col_i], xb & 7)
            xc = x_v[i, pl.ds(0, 16)]
            out_v[i, pl.ds(0, 16)] = xc.astype(jnp.float32)
            return 0

        lax.fori_loop(0, _CHUNK, row_body, 0)

        pltpu.make_async_copy(tab_hbm.at[0].at[idx_v.at[0]], g_v.at[0], gsem).start()

        def feat_body(c, _):
            buf = lax.rem(c, 2)
            pltpu.make_async_copy(
                tab_hbm.at[c].at[idx_v.at[c]], g_v.at[buf], gsem
            ).wait()

            @pl.when(c + 1 < _N_CAT)
            def _start_next():
                pltpu.make_async_copy(
                    tab_hbm.at[c + 1].at[idx_v.at[c + 1]], g_v.at[lax.rem(c + 1, 2)], gsem
                ).start()

            bufv = jnp.full((16,), buf, jnp.int32)
            colbase = _N_CONT + _EMB * c

            def grp_body(g, _):
                rowv = g * 16 + lane
                rv = rem_v[c, pl.ds(g * 16, 16)]
                for e in range(_EMB):
                    vals = plsc.load_gather(g_v, [bufv, rowv, rv + 8 * e])
                    plsc.store_scatter(
                        out_v, [rowv, jnp.full((16,), colbase + e, jnp.int32)], vals
                    )
                return 0

            lax.fori_loop(0, _NGRP, grp_body, 0)
            return 0

        lax.fori_loop(0, _N_CAT, feat_body, 0)

        pltpu.sync_copy(out_v, out_hbm.at[pl.ds(base, _CHUNK), :])


@jax.jit
def _run(x, tab128):
    mesh = plsc.VectorSubcoreMesh(core_axis_name="c", subcore_axis_name="s")
    f = functools.partial(
        pl.kernel,
        mesh=mesh,
        out_type=jax.ShapeDtypeStruct((_BATCH, _OUT_DIM), jnp.float32),
        scratch_types=[
            pltpu.VMEM((_CHUNK, _INPUT_DIM), jnp.int32),
            pltpu.VMEM((_N_CAT, _CHUNK), jnp.int32),
            pltpu.VMEM((_N_CAT, _CHUNK), jnp.int32),
            pltpu.VMEM((2, _CHUNK, 128), jnp.float32),
            pltpu.VMEM((_CHUNK, _OUT_DIM), jnp.float32),
            pltpu.SemaphoreType.DMA,
            pltpu.SemaphoreType.DMA,
        ],
        compiler_params=pltpu.CompilerParams(
            use_tc_tiling_on_sc=True, needs_layout_passes=False
        ),
    )(_emb_kernel)
    return f(x, tab128)


_NTV = _VOCAB // 128
_NFP = _N_CAT * _NTV
_VTAIL = _VOCAB - _NTV * 128


def _relayout_kernel(a_hbm, atail_hbm, out_hbm, in_v, tp_v, isem, osem):
    wid = lax.axis_index("s") * _NC + lax.axis_index("c")
    lane = lax.broadcasted_iota(jnp.int32, (16,), 0)
    n_mine = (_NFP - 1 - wid) // _NW + 1

    def start_in(i, buf):
        p = wid + i * _NW
        c = p // _NTV
        tv = p % _NTV
        pltpu.make_async_copy(
            a_hbm.at[c, :, pl.ds(tv * 128, 128)], in_v.at[buf], isem
        ).start()

    start_in(0, 0)

    def pair_body(i, _):
        buf = lax.rem(i, 2)
        p = wid + i * _NW
        c = p // _NTV
        tv = p % _NTV
        pltpu.make_async_copy(
            a_hbm.at[0, :, pl.ds(0, 128)], in_v.at[buf], isem
        ).wait()

        @pl.when(i + 1 < n_mine)
        def _prefetch():
            start_in(i + 1, 1 - buf)

        @pl.when(i >= 2)
        def _drain_out():
            pltpu.make_async_copy(
                tp_v.at[buf, :, pl.ds(0, 128)], out_hbm.at[0, pl.ds(0, 16), :], osem
            ).wait()

        bufv = jnp.full((16,), buf, jnp.int32)
        lm8 = lane & 7
        rowvs = [(lane >> 3) + 2 * k for k in range(8)]
        for e in range(_EMB):
            colv = lm8 + 8 * e
            for k in range(8):
                v = in_v[buf, e, pl.ds(16 * k, 16)]
                plsc.store_scatter(tp_v, [bufv, rowvs[k], colv], v)

        pltpu.make_async_copy(
            tp_v.at[buf, :, pl.ds(0, 128)],
            out_hbm.at[c, pl.ds(tv * 16, 16), :], osem
        ).start()
        return 0

    lax.fori_loop(0, n_mine, pair_body, 0)

    for k in range(2):
        @pl.when(n_mine >= k + 1)
        def _drain():
            pltpu.make_async_copy(
                tp_v.at[0, :, pl.ds(0, 128)], out_hbm.at[0, pl.ds(0, 16), :], osem
            ).wait()

    @pl.when(wid < _N_CAT)
    def _tail():
        pltpu.sync_copy(atail_hbm.at[wid], in_v.at[0])

        zv = jnp.full((16,), 0, jnp.int32)
        lm8 = lane & 7
        rowvs = [(lane >> 3) + 2 * k for k in range(_VTAIL // 16)]
        for e in range(_EMB):
            colv = lm8 + 8 * e
            for k in range(_VTAIL // 16):
                v = in_v[0, e, pl.ds(16 * k, 16)]
                plsc.store_scatter(tp_v, [zv, rowvs[k], colv], v)
        pltpu.sync_copy(
            tp_v.at[0, pl.ds(0, _VTAIL // 8), pl.ds(0, 128)],
            out_hbm.at[wid, pl.ds(_NTV * 16, _VTAIL // 8), :],
        )


@jax.jit
def _sc_relayout(a, a_tail):
    mesh = plsc.VectorSubcoreMesh(core_axis_name="c", subcore_axis_name="s")
    f = functools.partial(
        pl.kernel,
        mesh=mesh,
        out_type=jax.ShapeDtypeStruct((_N_CAT, _VOCAB // 8, 128), jnp.float32),
        scratch_types=[
            pltpu.VMEM((2, _EMB, 128), jnp.float32),
            pltpu.VMEM((2, _EMB, 136), jnp.float32),
            pltpu.SemaphoreType.DMA,
            pltpu.SemaphoreType.DMA,
        ],
        compiler_params=pltpu.CompilerParams(
            use_tc_tiling_on_sc=True, needs_layout_passes=False
        ),
    )(_relayout_kernel)
    return f(a, a_tail)


def kernel(x, tables):
    a = jnp.transpose(tables, (0, 2, 1))
    a_tail = jnp.pad(a[:, :, _NTV * 128:], ((0, 0), (0, 0), (0, 128 - _VTAIL)))
    tab3 = _sc_relayout(a, a_tail)
    return _run(x, tab3)

# --- scband reference (transcript-rebuilt; emitter-appended) ---
"""Pipeline reference for scband-embedding-generator-26036091748359 (READ-ONLY COPY).

The authoritative reference and input builder live on the scoring server;
editing this copy changes nothing except your own understanding.
"""

import jax, jax.numpy as jnp
import numpy as np

BATCH = 16384
INPUT_DIM = 39
N_CONT = 13
N_CAT = 26
VOCAB = 100000
EMB_DIM = 16

def setup_inputs(seed: int = 0) -> dict:
    key = jax.random.key(seed)
    k1, k2 = jax.random.split(key)
    # x holds integer-coded features; continuous columns are cast to float in forward
    x = jax.random.randint(k1, (BATCH, INPUT_DIM), 0, VOCAB, dtype=jnp.int32)
    # 26 embedding tables, all (VOCAB, EMB_DIM), stacked for convenience
    tables = jax.random.normal(k2, (N_CAT, VOCAB, EMB_DIM), dtype=jnp.float32) * 0.01
    return {"x": x, "tables": tables}

def reference(x, tables):
    # Faithful translation of EmbeddingGenerator.forward:
    # iterate features in order; continuous columns pass through as float,
    # categorical columns go through their embedding table.
    cols = []
    cat_feat_counter = 0
    for feat_init_idx in range(INPUT_DIM):
        if feat_init_idx < N_CONT:
            cols.append(x[:, feat_init_idx].astype(jnp.float32).reshape(-1, 1))
        else:
            idx = x[:, feat_init_idx]
            cols.append(jnp.take(tables[cat_feat_counter], idx, axis=0))
            cat_feat_counter += 1
    post_embeddings = jnp.concatenate(cols, axis=1)
    return post_embeddings

if False:  # reference __main__ guard neutralized (emitter)
    out = reference(**setup_inputs())
    print(out.shape)  # (16384, 13 + 26*16) = (16384, 429)

if __name__ == "__main__":
    import jax
    _d = setup_inputs()
    print(jax.jit(kernel)(*tuple(_d.values())))

</pallas_src>

<mosaic_0001>
#map = affine_map<(d0, d1) -> (0, 0, 0)>
module attributes {stable_mosaic.version = 14 : i64} {
  func.func @_relayout_kernel(%arg0: i32, %arg1: i32, %arg2: memref<26x16x100000xf32, #tpu.memory_space<hbm>>, %arg3: memref<26x16x128xf32, #tpu.memory_space<hbm>>, %arg4: memref<26x12500x128xf32, #tpu.memory_space<hbm>>, %arg5: memref<2x16x128xf32, #tpu.memory_space<vmem>>, %arg6: memref<2x16x136xf32, #tpu.memory_space<vmem>>, %arg7: memref<!tpu.dma_semaphore, #tpu.memory_space<semaphore_mem>>, %arg8: memref<!tpu.dma_semaphore, #tpu.memory_space<semaphore_mem>>) attributes {dimension_semantics = [#tpu.dimension_semantics<core_parallel>, #tpu.dimension_semantics<subcore_parallel>], iteration_bounds = array<i64: 2, 16>, scalar_prefetch = 0 : i64, scratch_operands = 4 : i64, tpu.core_type = #tpu.core_type<sc_vector_subcore>, window_params = [{transform_indices = #map}, {transform_indices = #map}, {transform_indices = #map}]} {
    %mul3A = arith.constant 2 : i32
    %mul3A_0 = arith.muli %arg1, %mul3A : i32
    %add3A = arith.addi %mul3A_0, %arg0 : i32
    %iota3A = tpu.iota {dimensions = array<i32: 0>} : vector<16xi32>
    %sub3A = arith.constant 20305 : i32
    %sub3A_1 = arith.subi %sub3A, %add3A : i32
    %jit3A = arith.constant 32 : i32
    %div3A = arith.divsi %sub3A_1, %jit3A : i32
    %sign3A = arith.constant 0 : i32
    %sign3A_2 = arith.cmpi sgt, %sub3A_1, %sign3A : i32
    %sign3A_3 = arith.extui %sign3A_2 : i1 to i32
    %sign3A_4 = arith.constant 0 : i32
    %sign3A_5 = arith.cmpi slt, %sub3A_1, %sign3A_4 : i32
    %sign3A_6 = arith.extui %sign3A_5 : i1 to i32
    %sign3A_7 = arith.subi %sign3A_3, %sign3A_6 : i32
    %sign3A_8 = arith.constant 0 : i32
    %sign3A_9 = arith.cmpi sgt, %jit3A, %sign3A_8 : i32
    %sign3A_10 = arith.extui %sign3A_9 : i1 to i32
    %sign3A_11 = arith.constant 0 : i32
    %sign3A_12 = arith.cmpi slt, %jit3A, %sign3A_11 : i32
    %sign3A_13 = arith.extui %sign3A_12 : i1 to i32
    %sign3A_14 = arith.subi %sign3A_10, %sign3A_13 : i32
    %ne3A = arith.cmpi ne, %sign3A_7, %sign3A_14 : i32
    %rem3A = arith.remsi %sub3A_1, %jit3A : i32
    %ne3A_15 = arith.constant 0 : i32
    %ne3A_16 = arith.cmpi ne, %rem3A, %ne3A_15 : i32
    %and3A = arith.andi %ne3A, %ne3A_16 : i1
    %sub3A_17 = arith.constant 1 : i32
    %sub3A_18 = arith.subi %div3A, %sub3A_17 : i32
    %select_n3A = arith.select %and3A, %sub3A_18, %div3A : i32
    %add3A_19 = arith.constant 1 : i32
    %add3A_20 = arith.addi %select_n3A, %add3A_19 : i32
    %add3A_21 = arith.constant 0 : i32
    %add3A_22 = arith.addi %add3A, %add3A_21 : i32
    %jit3A_23 = arith.constant 781 : i32
    %div3A_24 = arith.divsi %add3A_22, %jit3A_23 : i32
    %sign3A_25 = arith.constant 0 : i32
    %sign3A_26 = arith.cmpi sgt, %add3A_22, %sign3A_25 : i32
    %sign3A_27 = arith.extui %sign3A_26 : i1 to i32
    %sign3A_28 = arith.constant 0 : i32
    %sign3A_29 = arith.cmpi slt, %add3A_22, %sign3A_28 : i32
    %sign3A_30 = arith.extui %sign3A_29 : i1 to i32
    %sign3A_31 = arith.subi %sign3A_27, %sign3A_30 : i32
    %sign3A_32 = arith.constant 0 : i32
    %sign3A_33 = arith.cmpi sgt, %jit3A_23, %sign3A_32 : i32
    %sign3A_34 = arith.extui %sign3A_33 : i1 to i32
    %sign3A_35 = arith.constant 0 : i32
    %sign3A_36 = arith.cmpi slt, %jit3A_23, %sign3A_35 : i32
    %sign3A_37 = arith.extui %sign3A_36 : i1 to i32
    %sign3A_38 = arith.subi %sign3A_34, %sign3A_37 : i32
    %ne3A_39 = arith.cmpi ne, %sign3A_31, %sign3A_38 : i32
    %rem3A_40 = arith.remsi %add3A_22, %jit3A_23 : i32
    %ne3A_41 = arith.constant 0 : i32
    %ne3A_42 = arith.cmpi ne, %rem3A_40, %ne3A_41 : i32
    %and3A_43 = arith.andi %ne3A_39, %ne3A_42 : i1
    %sub3A_44 = arith.constant 1 : i32
    %sub3A_45 = arith.subi %div3A_24, %sub3A_44 : i32
    %select_n3A_46 = arith.select %and3A_43, %sub3A_45, %div3A_24 : i32
    %jit3A_47 = arith.constant 781 : i32
    %eq3A = arith.constant 0 : i32
    %eq3A_48 = arith.cmpi eq, %jit3A_47, %eq3A : i32
    %jit3A_49 = arith.constant 1 : i32
    %select_n3A_50 = arith.select %eq3A_48, %jit3A_49, %jit3A_47 : i32
    %rem3A_51 = arith.remsi %add3A_22, %select_n3A_50 : i32
    %ne3A_52 = arith.constant 0 : i32
    %ne3A_53 = arith.cmpi ne, %rem3A_51, %ne3A_52 : i32
    %lt3A = arith.constant 0 : i32
    %lt3A_54 = arith.cmpi slt, %rem3A_51, %lt3A : i32
    %lt3A_55 = arith.constant 0 : i32
    %lt3A_56 = arith.cmpi slt, %select_n3A_50, %lt3A_55 : i32
    %ne3A_57 = arith.xori %lt3A_54, %lt3A_56 : i1
    %and3A_58 = arith.andi %ne3A_57, %ne3A_53 : i1
    %add3A_59 = arith.addi %rem3A_51, %select_n3A_50 : i32
    %select_n3A_60 = arith.select %and3A_58, %add3A_59, %rem3A_51 : i32
    %mul3A_61 = arith.constant 128 : i32
    %mul3A_62 = arith.muli %select_n3A_60, %mul3A_61 : i32
    %dma_start3A = arith.constant 0 : i32
    %dma_start3A_63 = arith.constant 0 : i32
    %dma_start3A_64 = arith.constant 0 : i32
    %dma_start3A_65 = tpu.memref_slice %arg5[%dma_start3A, %dma_start3A_63, %dma_start3A_64] : memref<2x16x128xf32, #tpu.memory_space<vmem>> -> memref<1x16x128xf32, #tpu.memory_space<vmem>>
    %dma_start3A_66 = tpu.memref_squeeze %dma_start3A_65 : memref<1x16x128xf32, #tpu.memory_space<vmem>> -> memref<16x128xf32, #tpu.memory_space<vmem>>
    %dma_start3A_67 = arith.constant 0 : i32
    %dma_start3A_68 = tpu.memref_slice %arg2[%select_n3A_46, %dma_start3A_67, %mul3A_62] : memref<26x16x100000xf32, #tpu.memory_space<hbm>> -> memref<1x16x128xf32, #tpu.memory_space<hbm>>
    %dma_start3A_69 = tpu.memref_squeeze %dma_start3A_68 : memref<1x16x128xf32, #tpu.memory_space<hbm>> -> memref<16x128xf32, #tpu.memory_space<hbm>>
    %dma_start3A_70 = arith.constant 0 : i32
    %dma_start3A_71 = arith.constant 0 : i32
    %dma_start3A_72 = tpu.memref_slice %arg5[%dma_start3A, %dma_start3A_70, %dma_start3A_71] : memref<2x16x128xf32, #tpu.memory_space<vmem>> -> memref<1x16x128xf32, #tpu.memory_space<vmem>>
    %dma_start3A_73 = tpu.memref_squeeze %dma_start3A_72 : memref<1x16x128xf32, #tpu.memory_space<vmem>> -> memref<16x128xf32, #tpu.memory_space<vmem>>
    %dma_start3A_74 = arith.constant 0 : i32
    %dma_start3A_75 = tpu.memref_slice %arg2[%select_n3A_46, %dma_start3A_74, %mul3A_62] : memref<26x16x100000xf32, #tpu.memory_space<hbm>> -> memref<1x16x128xf32, #tpu.memory_space<hbm>>
    %dma_start3A_76 = tpu.memref_squeeze %dma_start3A_75 : memref<1x16x128xf32, #tpu.memory_space<hbm>> -> memref<16x128xf32, #tpu.memory_space<hbm>>
    tpu.enqueue_dma source(%dma_start3A_76 : memref<16x128xf32, #tpu.memory_space<hbm>>) target(%dma_start3A_73 : memref<16x128xf32, #tpu.memory_space<vmem>>) target_semaphore(%arg7 : memref<!tpu.dma_semaphore, #tpu.memory_space<semaphore_mem>>)
    %while3A = arith.constant 0 : i32
    %while3A_77 = arith.constant 0 : i32
    %while3A_78 = arith.subi %add3A_20, %while3A : i32
    %while3A_79 = arith.addi %while3A, %while3A_78 : i32
    %while3A_80 = arith.constant 1 : i32
    %while3A_81 = arith.divsi %while3A_78, %while3A_80 : i32
    %while3A_82 = arith.muli %while3A_81, %while3A_80 : i32
    %while3A_83 = arith.addi %while3A, %while3A_82 : i32
    %while3A_84 = arith.constant 1 : i32
    %while3A_85 = scf.for %while3A_100 = %while3A to %while3A_83 step %while3A_84 iter_args(%while3A_101 = %while3A_77) -> (i32)  : i32 {
      %rem3A_102 = arith.constant 2 : i32
      %rem3A_103 = arith.remsi %while3A_100, %rem3A_102 : i32
      %mul3A_104 = arith.constant 32 : i32
      %mul3A_105 = arith.muli %while3A_100, %mul3A_104 : i32
      %add3A_106 = arith.addi %add3A, %mul3A_105 : i32
      %jit3A_107 = arith.constant 781 : i32
      %div3A_108 = arith.divsi %add3A_106, %jit3A_107 : i32
      %sign3A_109 = arith.constant 0 : i32
      %sign3A_110 = arith.cmpi sgt, %add3A_106, %sign3A_109 : i32
      %sign3A_111 = arith.extui %sign3A_110 : i1 to i32
      %sign3A_112 = arith.constant 0 : i32
      %sign3A_113 = arith.cmpi slt, %add3A_106, %sign3A_112 : i32
      %sign3A_114 = arith.extui %sign3A_113 : i1 to i32
      %sign3A_115 = arith.subi %sign3A_111, %sign3A_114 : i32
      %sign3A_116 = arith.constant 0 : i32
      %sign3A_117 = arith.cmpi sgt, %jit3A_107, %sign3A_116 : i32
      %sign3A_118 = arith.extui %sign3A_117 : i1 to i32
      %sign3A_119 = arith.constant 0 : i32
      %sign3A_120 = arith.cmpi slt, %jit3A_107, %sign3A_119 : i32
      %sign3A_121 = arith.extui %sign3A_120 : i1 to i32
      %sign3A_122 = arith.subi %sign3A_118, %sign3A_121 : i32
      %ne3A_123 = arith.cmpi ne, %sign3A_115, %sign3A_122 : i32
      %rem3A_124 = arith.remsi %add3A_106, %jit3A_107 : i32
      %ne3A_125 = arith.constant 0 : i32
      %ne3A_126 = arith.cmpi ne, %rem3A_124, %ne3A_125 : i32
      %and3A_127 = arith.andi %ne3A_123, %ne3A_126 : i1
      %sub3A_128 = arith.constant 1 : i32
      %sub3A_129 = arith.subi %div3A_108, %sub3A_128 : i32
      %select_n3A_130 = arith.select %and3A_127, %sub3A_129, %div3A_108 : i32
      %jit3A_131 = arith.constant 781 : i32
      %eq3A_132 = arith.constant 0 : i32
      %eq3A_133 = arith.cmpi eq, %jit3A_131, %eq3A_132 : i32
      %jit3A_134 = arith.constant 1 : i32
      %select_n3A_135 = arith.select %eq3A_133, %jit3A_134, %jit3A_131 : i32
      %rem3A_136 = arith.remsi %add3A_106, %select_n3A_135 : i32
      %ne3A_137 = arith.constant 0 : i32
      %ne3A_138 = arith.cmpi ne, %rem3A_136, %ne3A_137 : i32
      %lt3A_139 = arith.constant 0 : i32
      %lt3A_140 = arith.cmpi slt, %rem3A_136, %lt3A_139 : i32
      %lt3A_141 = arith.constant 0 : i32
      %lt3A_142 = arith.cmpi slt, %select_n3A_135, %lt3A_141 : i32
      %ne3A_143 = arith.xori %lt3A_140, %lt3A_142 : i1
      %and3A_144 = arith.andi %ne3A_143, %ne3A_138 : i1
      %add3A_145 = arith.addi %rem3A_136, %select_n3A_135 : i32
      %select_n3A_146 = arith.select %and3A_144, %add3A_145, %rem3A_136 : i32
      %dma_wait3A = arith.constant 0 : i32
      %dma_wait3A_147 = arith.constant 0 : i32
      %dma_wait3A_148 = arith.constant 0 : i32
      %dma_wait3A_149 = tpu.memref_slice %arg5[%rem3A_103, %dma_wait3A_147, %dma_wait3A_148] : memref<2x16x128xf32, #tpu.memory_space<vmem>> -> memref<1x16x128xf32, #tpu.memory_space<vmem>>
      %dma_wait3A_150 = tpu.memref_squeeze %dma_wait3A_149 : memref<1x16x128xf32, #tpu.memory_space<vmem>> -> memref<16x128xf32, #tpu.memory_space<vmem>>
      %dma_wait3A_151 = arith.constant 0 : i32
      %dma_wait3A_152 = arith.constant 0 : i32
      %dma_wait3A_153 = tpu.memref_slice %arg2[%dma_wait3A, %dma_wait3A_151, %dma_wait3A_152] : memref<26x16x100000xf32, #tpu.memory_space<hbm>> -> memref<1x16x128xf32, #tpu.memory_space<hbm>>
      %dma_wait3A_154 = tpu.memref_squeeze %dma_wait3A_153 : memref<1x16x128xf32, #tpu.memory_space<hbm>> -> memref<16x128xf32, #tpu.memory_space<hbm>>
      %dma_wait3A_155 = arith.constant 0 : i32
      %dma_wait3A_156 = arith.constant 0 : i32
      %dma_wait3A_157 = tpu.memref_slice %arg5[%rem3A_103, %dma_wait3A_155, %dma_wait3A_156] : memref<2x16x128xf32, #tpu.memory_space<vmem>> -> memref<1x16x128xf32, #tpu.memory_space<vmem>>
      %dma_wait3A_158 = tpu.memref_squeeze %dma_wait3A_157 : memref<1x16x128xf32, #tpu.memory_space<vmem>> -> memref<16x128xf32, #tpu.memory_space<vmem>>
      %dma_wait3A_159 = arith.constant 0 : i32
      %dma_wait3A_160 = arith.constant 0 : i32
      %dma_wait3A_161 = tpu.memref_slice %arg2[%dma_wait3A, %dma_wait3A_159, %dma_wait3A_160] : memref<26x16x100000xf32, #tpu.memory_space<hbm>> -> memref<1x16x128xf32, #tpu.memory_space<hbm>>
      %dma_wait3A_162 = tpu.memref_squeeze %dma_wait3A_161 : memref<1x16x128xf32, #tpu.memory_space<hbm>> -> memref<16x128xf32, #tpu.memory_space<hbm>>
      tpu.wait_dma2 semaphore(%arg7 : memref<!tpu.dma_semaphore, #tpu.memory_space<semaphore_mem>>) src(%dma_wait3A_162 : memref<16x128xf32, #tpu.memory_space<hbm>>) dst(%dma_wait3A_158 : memref<16x128xf32, #tpu.memory_space<vmem>>)
      %add3A_163 = arith.constant 1 : i32
      %add3A_164 = arith.addi %while3A_100, %add3A_163 : i32
      %lt3A_165 = arith.cmpi slt, %add3A_164, %add3A_20 : i32
      %convert_element_type3A_166 = arith.extui %lt3A_165 : i1 to i32
      %cond3A_167 = arith.constant 0 : i32
      %cond3A_168 = arith.cmpi ne, %convert_element_type3A_166, %cond3A_167 : i32
      scf.if %cond3A_168 {
        %add3A_928 = arith.constant 1 : i32
        %add3A_929 = arith.addi %while3A_100, %add3A_928 : i32
        %sub3A_930 = arith.constant 1 : i32
        %sub3A_931 = arith.subi %sub3A_930, %rem3A_103 : i32
        %mul3A_932 = arith.constant 32 : i32
        %mul3A_933 = arith.muli %add3A_929, %mul3A_932 : i32
        %add3A_934 = arith.addi %add3A, %mul3A_933 : i32
        %jit3A_935 = arith.constant 781 : i32
        %div3A_936 = arith.divsi %add3A_934, %jit3A_935 : i32
        %sign3A_937 = arith.constant 0 : i32
        %sign3A_938 = arith.cmpi sgt, %add3A_934, %sign3A_937 : i32
        %sign3A_939 = arith.extui %sign3A_938 : i1 to i32
        %sign3A_940 = arith.constant 0 : i32
        %sign3A_941 = arith.cmpi slt, %add3A_934, %sign3A_940 : i32
        %sign3A_942 = arith.extui %sign3A_941 : i1 to i32
        %sign3A_943 = arith.subi %sign3A_939, %sign3A_942 : i32
        %sign3A_944 = arith.constant 0 : i32
        %sign3A_945 = arith.cmpi sgt, %jit3A_935, %sign3A_944 : i32
        %sign3A_946 = arith.extui %sign3A_945 : i1 to i32
        %sign3A_947 = arith.constant 0 : i32
        %sign3A_948 = arith.cmpi slt, %jit3A_935, %sign3A_947 : i32
        %sign3A_949 = arith.extui %sign3A_948 : i1 to i32
        %sign3A_950 = arith.subi %sign3A_946, %sign3A_949 : i32
        %ne3A_951 = arith.cmpi ne, %sign3A_943, %sign3A_950 : i32
        %rem3A_952 = arith.remsi %add3A_934, %jit3A_935 : i32
        %ne3A_953 = arith.constant 0 : i32
        %ne3A_954 = arith.cmpi ne, %rem3A_952, %ne3A_953 : i32
        %and3A_955 = arith.andi %ne3A_951, %ne3A_954 : i1
        %sub3A_956 = arith.constant 1 : i32
        %sub3A_957 = arith.subi %div3A_936, %sub3A_956 : i32
        %select_n3A_958 = arith.select %and3A_955, %sub3A_957, %div3A_936 : i32
        %jit3A_959 = arith.constant 781 : i32
        %eq3A_960 = arith.constant 0 : i32
        %eq3A_961 = arith.cmpi eq, %jit3A_959, %eq3A_960 : i32
        %jit3A_962 = arith.constant 1 : i32
        %select_n3A_963 = arith.select %eq3A_961, %jit3A_962, %jit3A_959 : i32
        %rem3A_964 = arith.remsi %add3A_934, %select_n3A_963 : i32
        %ne3A_965 = arith.constant 0 : i32
        %ne3A_966 = arith.cmpi ne, %rem3A_964, %ne3A_965 : i32
        %lt3A_967 = arith.constant 0 : i32
        %lt3A_968 = arith.cmpi slt, %rem3A_964, %lt3A_967 : i32
        %lt3A_969 = arith.constant 0 : i32
        %lt3A_970 = arith.cmpi slt, %select_n3A_963, %lt3A_969 : i32
        %ne3A_971 = arith.xori %lt3A_968, %lt3A_970 : i1
        %and3A_972 = arith.andi %ne3A_971, %ne3A_966 : i1
        %add3A_973 = arith.addi %rem3A_964, %select_n3A_963 : i32
        %select_n3A_974 = arith.select %and3A_972, %add3A_973, %rem3A_964 : i32
        %mul3A_975 = arith.constant 128 : i32
        %mul3A_976 = arith.muli %select_n3A_974, %mul3A_975 : i32
        %dma_start3A_977 = arith.constant 0 : i32
        %dma_start3A_978 = arith.constant 0 : i32
        %dma_start3A_979 = tpu.memref_slice %arg5[%sub3A_931, %dma_start3A_977, %dma_start3A_978] : memref<2x16x128xf32, #tpu.memory_space<vmem>> -> memref<1x16x128xf32, #tpu.memory_space<vmem>>
        %dma_start3A_980 = tpu.memref_squeeze %dma_start3A_979 : memref<1x16x128xf32, #tpu.memory_space<vmem>> -> memref<16x128xf32, #tpu.memory_space<vmem>>
        %dma_start3A_981 = arith.constant 0 : i32
        %dma_start3A_982 = tpu.memref_slice %arg2[%select_n3A_958, %dma_start3A_981, %mul3A_976] : memref<26x16x100000xf32, #tpu.memory_space<hbm>> -> memref<1x16x128xf32, #tpu.memory_space<hbm>>
        %dma_start3A_983 = tpu.memref_squeeze %dma_start3A_982 : memref<1x16x128xf32, #tpu.memory_space<hbm>> -> memref<16x128xf32, #tpu.memory_space<hbm>>
        %dma_start3A_984 = arith.constant 0 : i32
        %dma_start3A_985 = arith.constant 0 : i32
        %dma_start3A_986 = tpu.memref_slice %arg5[%sub3A_931, %dma_start3A_984, %dma_start3A_985] : memref<2x16x128xf32, #tpu.memory_space<vmem>> -> memref<1x16x128xf32, #tpu.memory_space<vmem>>
        %dma_start3A_987 = tpu.memref_squeeze %dma_start3A_986 : memref<1x16x128xf32, #tpu.memory_space<vmem>> -> memref<16x128xf32, #tpu.memory_space<vmem>>
        %dma_start3A_988 = arith.constant 0 : i32
        %dma_start3A_989 = tpu.memref_slice %arg2[%select_n3A_958, %dma_start3A_988, %mul3A_976] : memref<26x16x100000xf32, #tpu.memory_space<hbm>> -> memref<1x16x128xf32, #tpu.memory_space<hbm>>
        %dma_start3A_990 = tpu.memref_squeeze %dma_start3A_989 : memref<1x16x128xf32, #tpu.memory_space<hbm>> -> memref<16x128xf32, #tpu.memory_space<hbm>>
        tpu.enqueue_dma source(%dma_start3A_990 : memref<16x128xf32, #tpu.memory_space<hbm>>) target(%dma_start3A_987 : memref<16x128xf32, #tpu.memory_space<vmem>>) target_semaphore(%arg7 : memref<!tpu.dma_semaphore, #tpu.memory_space<semaphore_mem>>)
      } else {
      }
      %ge3A_169 = arith.constant 2 : i32
      %ge3A_170 = arith.cmpi sge, %while3A_100, %ge3A_169 : i32
      %convert_element_type3A_171 = arith.extui %ge3A_170 : i1 to i32
      %cond3A_172 = arith.constant 0 : i32
      %cond3A_173 = arith.cmpi ne, %convert_element_type3A_171, %cond3A_172 : i32
      scf.if %cond3A_173 {
        %dma_wait3A_928 = arith.constant 0 : i32
        %dma_wait3A_929 = arith.constant 0 : i32
        %dma_wait3A_930 = arith.constant 0 : i32
        %dma_wait3A_931 = tpu.memref_slice %arg6[%rem3A_103, %dma_wait3A_929, %dma_wait3A_930] : memref<2x16x136xf32, #tpu.memory_space<vmem>> -> memref<1x16x128xf32, #tpu.memory_space<vmem>>
        %dma_wait3A_932 = tpu.memref_squeeze %dma_wait3A_931 : memref<1x16x128xf32, #tpu.memory_space<vmem>> -> memref<16x128xf32, #tpu.memory_space<vmem>>
        %dma_wait3A_933 = arith.constant 0 : i32
        %dma_wait3A_934 = arith.constant 0 : i32
        %dma_wait3A_935 = tpu.memref_slice %arg4[%dma_wait3A_928, %dma_wait3A_933, %dma_wait3A_934] : memref<26x12500x128xf32, #tpu.memory_space<hbm>> -> memref<1x16x128xf32, #tpu.memory_space<hbm>>
        %dma_wait3A_936 = tpu.memref_squeeze %dma_wait3A_935 : memref<1x16x128xf32, #tpu.memory_space<hbm>> -> memref<16x128xf32, #tpu.memory_space<hbm>>
        %dma_wait3A_937 = arith.constant 0 : i32
        %dma_wait3A_938 = arith.constant 0 : i32
        %dma_wait3A_939 = tpu.memref_slice %arg4[%dma_wait3A_928, %dma_wait3A_937, %dma_wait3A_938] : memref<26x12500x128xf32, #tpu.memory_space<hbm>> -> memref<1x16x128xf32, #tpu.memory_space<hbm>>
        %dma_wait3A_940 = tpu.memref_squeeze %dma_wait3A_939 : memref<1x16x128xf32, #tpu.memory_space<hbm>> -> memref<16x128xf32, #tpu.memory_space<hbm>>
        %dma_wait3A_941 = arith.constant 0 : i32
        %dma_wait3A_942 = arith.constant 0 : i32
        %dma_wait3A_943 = tpu.memref_slice %arg6[%rem3A_103, %dma_wait3A_941, %dma_wait3A_942] : memref<2x16x136xf32, #tpu.memory_space<vmem>> -> memref<1x16x128xf32, #tpu.memory_space<vmem>>
        %dma_wait3A_944 = tpu.memref_squeeze %dma_wait3A_943 : memref<1x16x128xf32, #tpu.memory_space<vmem>> -> memref<16x128xf32, #tpu.memory_space<vmem>>
        tpu.wait_dma2 semaphore(%arg8 : memref<!tpu.dma_semaphore, #tpu.memory_space<semaphore_mem>>) src(%dma_wait3A_944 : memref<16x128xf32, #tpu.memory_space<vmem>>) dst(%dma_wait3A_940 : memref<16x128xf32, #tpu.memory_space<hbm>>)
      } else {
      }
      %broadcast_in_dim3A = vector.broadcast %rem3A_103 : i32 to vector<16xi32>
      %and3A_174 = arith.constant 7 : i32
      %and3A_175 = vector.broadcast %and3A_174 : i32 to vector<16xi32>
      %and3A_176 = arith.andi %iota3A, %and3A_175 : vector<16xi32>
      %shift_right_arithmetic3A = arith.constant 3 : i32
      %shift_right_arithmetic3A_177 = vector.broadcast %shift_right_arithmetic3A : i32 to vector<16xi32>
      %shift_right_arithmetic3A_178 = arith.shrsi %iota3A, %shift_right_arithmetic3A_177 : vector<16xi32>
      %add3A_179 = arith.constant 0 : i32
      %add3A_180 = vector.broadcast %add3A_179 : i32 to vector<16xi32>
      %add3A_181 = arith.addi %shift_right_arithmetic3A_178, %add3A_180 : vector<16xi32>
      %shift_right_arithmetic3A_182 = arith.constant 3 : i32
      %shift_right_arithmetic3A_183 = vector.broadcast %shift_right_arithmetic3A_182 : i32 to vector<16xi32>
      %shift_right_arithmetic3A_184 = arith.shrsi %iota3A, %shift_right_arithmetic3A_183 : vector<16xi32>
      %add3A_185 = arith.constant 2 : i32
      %add3A_186 = vector.broadcast %add3A_185 : i32 to vector<16xi32>
      %add3A_187 = arith.addi %shift_right_arithmetic3A_184, %add3A_186 : vector<16xi32>
      %shift_right_arithmetic3A_188 = arith.constant 3 : i32
      %shift_right_arithmetic3A_189 = vector.broadcast %shift_right_arithmetic3A_188 : i32 to vector<16xi32>
      %shift_right_arithmetic3A_190 = arith.shrsi %iota3A, %shift_right_arithmetic3A_189 : vector<16xi32>
      %add3A_191 = arith.constant 4 : i32
      %add3A_192 = vector.broadcast %add3A_191 : i32 to vector<16xi32>
      %add3A_193 = arith.addi %shift_right_arithmetic3A_190, %add3A_192 : vector<16xi32>
      %shift_right_arithmetic3A_194 = arith.constant 3 : i32
      %shift_right_arithmetic3A_195 = vector.broadcast %shift_right_arithmetic3A_194 : i32 to vector<16xi32>
      %shift_right_arithmetic3A_196 = arith.shrsi %iota3A, %shift_right_arithmetic3A_195 : vector<16xi32>
      %add3A_197 = arith.constant 6 : i32
      %add3A_198 = vector.broadcast %add3A_197 : i32 to vector<16xi32>
      %add3A_199 = arith.addi %shift_right_arithmetic3A_196, %add3A_198 : vector<16xi32>
      %shift_right_arithmetic3A_200 = arith.constant 3 : i32
      %shift_right_arithmetic3A_201 = vector.broadcast %shift_right_arithmetic3A_200 : i32 to vector<16xi32>
      %shift_right_arithmetic3A_202 = arith.shrsi %iota3A, %shift_right_arithmetic3A_201 : vector<16xi32>
      %add3A_203 = arith.constant 8 : i32
      %add3A_204 = vector.broadcast %add3A_203 : i32 to vector<16xi32>
      %add3A_205 = arith.addi %shift_right_arithmetic3A_202, %add3A_204 : vector<16xi32>
      %shift_right_arithmetic3A_206 = arith.constant 3 : i32
      %shift_right_arithmetic3A_207 = vector.broadcast %shift_right_arithmetic3A_206 : i32 to vector<16xi32>
      %shift_right_arithmetic3A_208 = arith.shrsi %iota3A, %shift_right_arithmetic3A_207 : vector<16xi32>
      %add3A_209 = arith.constant 10 : i32
      %add3A_210 = vector.broadcast %add3A_209 : i32 to vector<16xi32>
      %add3A_211 = arith.addi %shift_right_arithmetic3A_208, %add3A_210 : vector<16xi32>
      %shift_right_arithmetic3A_212 = arith.constant 3 : i32
      %shift_right_arithmetic3A_213 = vector.broadcast %shift_right_arithmetic3A_212 : i32 to vector<16xi32>
      %shift_right_arithmetic3A_214 = arith.shrsi %iota3A, %shift_right_arithmetic3A_213 : vector<16xi32>
      %add3A_215 = arith.constant 12 : i32
      %add3A_216 = vector.broadcast %add3A_215 : i32 to vector<16xi32>
      %add3A_217 = arith.addi %shift_right_arithmetic3A_214, %add3A_216 : vector<16xi32>
      %shift_right_arithmetic3A_218 = arith.constant 3 : i32
      %shift_right_arithmetic3A_219 = vector.broadcast %shift_right_arithmetic3A_218 : i32 to vector<16xi32>
      %shift_right_arithmetic3A_220 = arith.shrsi %iota3A, %shift_right_arithmetic3A_219 : vector<16xi32>
      %add3A_221 = arith.constant 14 : i32
      %add3A_222 = vector.broadcast %add3A_221 : i32 to vector<16xi32>
      %add3A_223 = arith.addi %shift_right_arithmetic3A_220, %add3A_222 : vector<16xi32>
      %add3A_224 = arith.constant 0 : i32
      %add3A_225 = vector.broadcast %add3A_224 : i32 to vector<16xi32>
      %add3A_226 = arith.addi %and3A_176, %add3A_225 : vector<16xi32>
      %get3A = arith.constant 0 : i32
      %get3A_227 = arith.index_cast %rem3A_103 : i32 to index
      %get3A_228 = arith.index_cast %get3A : i32 to index
      %get3A_229 = arith.constant 0 : index
      %get3A_230 = tpu.vector_load %arg5[%get3A_227, %get3A_228, %get3A_229] {strides = array<i32>} : memref<2x16x128xf32, #tpu.memory_space<vmem>>, vector<16xf32>,
      tpu.vector_store_idx %arg6[%broadcast_in_dim3A, %add3A_181, %add3A_226], %get3A_230 : memref<2x16x136xf32, #tpu.memory_space<vmem>>[vector<16xi32>, vector<16xi32>, vector<16xi32>], vector<16xf32>,
      %get3A_231 = arith.constant 0 : i32
      %get3A_232 = arith.index_cast %rem3A_103 : i32 to index
      %get3A_233 = arith.index_cast %get3A_231 : i32 to index
      %get3A_234 = arith.constant 16 : index
      %get3A_235 = tpu.vector_load %arg5[%get3A_232, %get3A_233, %get3A_234] {strides = array<i32>} : memref<2x16x128xf32, #tpu.memory_space<vmem>>, vector<16xf32>,
      tpu.vector_store_idx %arg6[%broadcast_in_dim3A, %add3A_187, %add3A_226], %get3A_235 : memref<2x16x136xf32, #tpu.memory_space<vmem>>[vector<16xi32>, vector<16xi32>, vector<16xi32>], vector<16xf32>,
      %get3A_236 = arith.constant 0 : i32
      %get3A_237 = arith.index_cast %rem3A_103 : i32 to index
      %get3A_238 = arith.index_cast %get3A_236 : i32 to index
      %get3A_239 = arith.constant 32 : index
      %get3A_240 = tpu.vector_load %arg5[%get3A_237, %get3A_238, %get3A_239] {strides = array<i32>} : memref<2x16x128xf32, #tpu.memory_space<vmem>>, vector<16xf32>,
      tpu.vector_store_idx %arg6[%broadcast_in_dim3A, %add3A_193, %add3A_226], %get3A_240 : memref<2x16x136xf32, #tpu.memory_space<vmem>>[vector<16xi32>, vector<16xi32>, vector<16xi32>], vector<16xf32>,
      %get3A_241 = arith.constant 0 : i32
      %get3A_242 = arith.index_cast %rem3A_103 : i32 to index
      %get3A_243 = arith.index_cast %get3A_241 : i32 to index
      %get3A_244 = arith.constant 48 : index
      %get3A_245 = tpu.vector_load %arg5[%get3A_242, %get3A_243, %get3A_244] {strides = array<i32>} : memref<2x16x128xf32, #tpu.memory_space<vmem>>, vector<16xf32>,
      tpu.vector_store_idx %arg6[%broadcast_in_dim3A, %add3A_199, %add3A_226], %get3A_245 : memref<2x16x136xf32, #tpu.memory_space<vmem>>[vector<16xi32>, vector<16xi32>, vector<16xi32>], vector<16xf32>,
      %get3A_246 = arith.constant 0 : i32
      %get3A_247 = arith.index_cast %rem3A_103 : i32 to index
      %get3A_248 = arith.index_cast %get3A_246 : i32 to index
      %get3A_249 = arith.constant 64 : index
      %get3A_250 = tpu.vector_load %arg5[%get3A_247, %get3A_248, %get3A_249] {strides = array<i32>} : memref<2x16x128xf32, #tpu.memory_space<vmem>>, vector<16xf32>,
      tpu.vector_store_idx %arg6[%broadcast_in_dim3A, %add3A_205, %add3A_226], %get3A_250 : memref<2x16x136xf32, #tpu.memory_space<vmem>>[vector<16xi32>, vector<16xi32>, vector<16xi32>], vector<16xf32>,
      %get3A_251 = arith.constant 0 : i32
      %get3A_252 = arith.index_cast %rem3A_103 : i32 to index
      %get3A_253 = arith.index_cast %get3A_251 : i32 to index
      %get3A_254 = arith.constant 80 : index
      %get3A_255 = tpu.vector_load %arg5[%get3A_252, %get3A_253, %get3A_254] {strides = array<i32>} : memref<2x16x128xf32, #tpu.memory_space<vmem>>, vector<16xf32>,
      tpu.vector_store_idx %arg6[%broadcast_in_dim3A, %add3A_211, %add3A_226], %get3A_255 : memref<2x16x136xf32, #tpu.memory_space<vmem>>[vector<16xi32>, vector<16xi32>, vector<16xi32>], vector<16xf32>,
      %get3A_256 = arith.constant 0 : i32
      %get3A_257 = arith.index_cast %rem3A_103 : i32 to index
      %get3A_258 = arith.index_cast %get3A_256 : i32 to index
      %get3A_259 = arith.constant 96 : index
      %get3A_260 = tpu.vector_load %arg5[%get3A_257, %get3A_258, %get3A_259] {strides = array<i32>} : memref<2x16x128xf32, #tpu.memory_space<vmem>>, vector<16xf32>,
      tpu.vector_store_idx %arg6[%broadcast_in_dim3A, %add3A_217, %add3A_226], %get3A_260 : memref<2x16x136xf32, #tpu.memory_space<vmem>>[vector<16xi32>, vector<16xi32>, vector<16xi32>], vector<16xf32>,
      %get3A_261 = arith.constant 0 : i32
      %get3A_262 = arith.index_cast %rem3A_103 : i32 to index
      %get3A_263 = arith.index_cast %get3A_261 : i32 to index
      %get3A_264 = arith.constant 112 : index
      %get3A_265 = tpu.vector_load %arg5[%get3A_262, %get3A_263, %get3A_264] {strides = array<i32>} : memref<2x16x128xf32, #tpu.memory_space<vmem>>, vector<16xf32>,
      tpu.vector_store_idx %arg6[%broadcast_in_dim3A, %add3A_223, %add3A_226], %get3A_265 : memref<2x16x136xf32, #tpu.memory_space<vmem>>[vector<16xi32>, vector<16xi32>, vector<16xi32>], vector<16xf32>,
      %add3A_266 = arith.constant 8 : i32
      %add3A_267 = vector.broadcast %add3A_266 : i32 to vector<16xi32>
      %add3A_268 = arith.addi %and3A_176, %add3A_267 : vector<16xi32>
      %get3A_269 = arith.constant 1 : i32
      %get3A_270 = arith.index_cast %rem3A_103 : i32 to index
      %get3A_271 = arith.index_cast %get3A_269 : i32 to index
      %get3A_272 = arith.constant 0 : index
      %get3A_273 = tpu.vector_load %arg5[%get3A_270, %get3A_271, %get3A_272] {strides = array<i32>} : memref<2x16x128xf32, #tpu.memory_space<vmem>>, vector<16xf32>,
      tpu.vector_store_idx %arg6[%broadcast_in_dim3A, %add3A_181, %add3A_268], %get3A_273 : memref<2x16x136xf32, #tpu.memory_space<vmem>>[vector<16xi32>, vector<16xi32>, vector<16xi32>], vector<16xf32>,
      %get3A_274 = arith.constant 1 : i32
      %get3A_275 = arith.index_cast %rem3A_103 : i32 to index
      %get3A_276 = arith.index_cast %get3A_274 : i32 to index
      %get3A_277 = arith.constant 16 : index
      %get3A_278 = tpu.vector_load %arg5[%get3A_275, %get3A_276, %get3A_277] {strides = array<i32>} : memref<2x16x128xf32, #tpu.memory_space<vmem>>, vector<16xf32>,
      tpu.vector_store_idx %arg6[%broadcast_in_dim3A, %add3A_187, %add3A_268], %get3A_278 : memref<2x16x136xf32, #tpu.memory_space<vmem>>[vector<16xi32>, vector<16xi32>, vector<16xi32>], vector<16xf32>,
      %get3A_279 = arith.constant 1 : i32
      %get3A_280 = arith.index_cast %rem3A_103 : i32 to index
      %get3A_281 = arith.index_cast %get3A_279 : i32 to index
      %get3A_282 = arith.constant 32 : index
      %get3A_283 = tpu.vector_load %arg5[%get3A_280, %get3A_281, %get3A_282] {strides = array<i32>} : memref<2x16x128xf32, #tpu.memory_space<vmem>>, vector<16xf32>,
      tpu.vector_store_idx %arg6[%broadcast_in_dim3A, %add3A_193, %add3A_268], %get3A_283 : memref<2x16x136xf32, #tpu.memory_space<vmem>>[vector<16xi32>, vector<16xi32>, vector<16xi32>], vector<16xf32>,
      %get3A_284 = arith.constant 1 : i32
      %get3A_285 = arith.index_cast %rem3A_103 : i32 to index
      %get3A_286 = arith.index_cast %get3A_284 : i32 to index
      %get3A_287 = arith.constant 48 : index
      %get3A_288 = tpu.vector_load %arg5[%get3A_285, %get3A_286, %get3A_287] {strides = array<i32>} : memref<2x16x128xf32, #tpu.memory_space<vmem>>, vector<16xf32>,
      tpu.vector_store_idx %arg6[%broadcast_in_dim3A, %add3A_199, %add3A_268], %get3A_288 : memref<2x16x136xf32, #tpu.memory_space<vmem>>[vector<16xi32>, vector<16xi32>, vector<16xi32>], vector<16xf32>,
      %get3A_289 = arith.constant 1 : i32
      %get3A_290 = arith.index_cast %rem3A_103 : i32 to index
      %get3A_291 = arith.index_cast %get3A_289 : i32 to index
      %get3A_292 = arith.constant 64 : index
      %get3A_293 = tpu.vector_load %arg5[%get3A_290, %get3A_291, %get3A_292] {strides = array<i32>} : memref<2x16x128xf32, #tpu.memory_space<vmem>>, vector<16xf32>,
      tpu.vector_store_idx %arg6[%broadcast_in_dim3A, %add3A_205, %add3A_268], %get3A_293 : memref<2x16x136xf32, #tpu.memory_space<vmem>>[vector<16xi32>, vector<16xi32>, vector<16xi32>], vector<16xf32>,
      %get3A_294 = arith.constant 1 : i32
      %get3A_295 = arith.index_cast %rem3A_103 : i32 to index
      %get3A_296 = arith.index_cast %get3A_294 : i32 to index
      %get3A_297 = arith.constant 80 : index
      %get3A_298 = tpu.vector_load %arg5[%get3A_295, %get3A_296, %get3A_297] {strides = array<i32>} : memref<2x16x128xf32, #tpu.memory_space<vmem>>, vector<16xf32>,
      tpu.vector_store_idx %arg6[%broadcast_in_dim3A, %add3A_211, %add3A_268], %get3A_298 : memref<2x16x136xf32, #tpu.memory_space<vmem>>[vector<16xi32>, vector<16xi32>, vector<16xi32>], vector<16xf32>,
      %get3A_299 = arith.constant 1 : i32
      %get3A_300 = arith.index_cast %rem3A_103 : i32 to index
      %get3A_301 = arith.index_cast %get3A_299 : i32 to index
      %get3A_302 = arith.constant 96 : index
      %get3A_303 = tpu.vector_load %arg5[%get3A_300, %get3A_301, %get3A_302] {strides = array<i32>} : memref<2x16x128xf32, #tpu.memory_space<vmem>>, vector<16xf32>,
      tpu.vector_store_idx %arg6[%broadcast_in_dim3A, %add3A_217, %add3A_268], %get3A_303 : memref<2x16x136xf32, #tpu.memory_space<vmem>>[vector<16xi32>, vector<16xi32>, vector<16xi32>], vector<16xf32>,
      %get3A_304 = arith.constant 1 : i32
      %get3A_305 = arith.index_cast %rem3A_103 : i32 to index
      %get3A_306 = arith.index_cast %get3A_304 : i32 to index
      %get3A_307 = arith.constant 112 : index
      %get3A_308 = tpu.vector_load %arg5[%get3A_305, %get3A_306, %get3A_307] {strides = array<i32>} : memref<2x16x128xf32, #tpu.memory_space<vmem>>, vector<16xf32>,
      tpu.vector_store_idx %arg6[%broadcast_in_dim3A, %add3A_223, %add3A_268], %get3A_308 : memref<2x16x136xf32, #tpu.memory_space<vmem>>[vector<16xi32>, vector<16xi32>, vector<16xi32>], vector<16xf32>,
      %add3A_309 = arith.constant 16 : i32
      %add3A_310 = vector.broadcast %add3A_309 : i32 to vector<16xi32>
      %add3A_311 = arith.addi %and3A_176, %add3A_310 : vector<16xi32>
      %get3A_312 = arith.constant 2 : i32
      %get3A_313 = arith.index_cast %rem3A_103 : i32 to index
      %get3A_314 = arith.index_cast %get3A_312 : i32 to index
      %get3A_315 = arith.constant 0 : index
      %get3A_316 = tpu.vector_load %arg5[%get3A_313, %get3A_314, %get3A_315] {strides = array<i32>} : memref<2x16x128xf32, #tpu.memory_space<vmem>>, vector<16xf32>,
      tpu.vector_store_idx %arg6[%broadcast_in_dim3A, %add3A_181, %add3A_311], %get3A_316 : memref<2x16x136xf32, #tpu.memory_space<vmem>>[vector<16xi32>, vector<16xi32>, vector<16xi32>], vector<16xf32>,
      %get3A_317 = arith.constant 2 : i32
      %get3A_318 = arith.index_cast %rem3A_103 : i32 to index
      %get3A_319 = arith.index_cast %get3A_317 : i32 to index
      %get3A_320 = arith.constant 16 : index
      %get3A_321 = tpu.vector_load %arg5[%get3A_318, %get3A_319, %get3A_320] {strides = array<i32>} : memref<2x16x128xf32, #tpu.memory_space<vmem>>, vector<16xf32>,
      tpu.vector_store_idx %arg6[%broadcast_in_dim3A, %add3A_187, %add3A_311], %get3A_321 : memref<2x16x136xf32, #tpu.memory_space<vmem>>[vector<16xi32>, vector<16xi32>, vector<16xi32>], vector<16xf32>,
      %get3A_322 = arith.constant 2 : i32
      %get3A_323 = arith.index_cast %rem3A_103 : i32 to index
      %get3A_324 = arith.index_cast %get3A_322 : i32 to index
      %get3A_325 = arith.constant 32 : index
      %get3A_326 = tpu.vector_load %arg5[%get3A_323, %get3A_324, %get3A_325] {strides = array<i32>} : memref<2x16x128xf32, #tpu.memory_space<vmem>>, vector<16xf32>,
      tpu.vector_store_idx %arg6[%broadcast_in_dim3A, %add3A_193, %add3A_311], %get3A_326 : memref<2x16x136xf32, #tpu.memory_space<vmem>>[vector<16xi32>, vector<16xi32>, vector<16xi32>], vector<16xf32>,
      %get3A_327 = arith.constant 2 : i32
      %get3A_328 = arith.index_cast %rem3A_103 : i32 to index
      %get3A_329 = arith.index_cast %get3A_327 : i32 to index
      %get3A_330 = arith.constant 48 : index
      %get3A_331 = tpu.vector_load %arg5[%get3A_328, %get3A_329, %get3A_330] {strides = array<i32>} : memref<2x16x128xf32, #tpu.memory_space<vmem>>, vector<16xf32>,
      tpu.vector_store_idx %arg6[%broadcast_in_dim3A, %add3A_199, %add3A_311], %get3A_331 : memref<2x16x136xf32, #tpu.memory_space<vmem>>[vector<16xi32>, vector<16xi32>, vector<16xi32>], vector<16xf32>,
      %get3A_332 = arith.constant 2 : i32
      %get3A_333 = arith.index_cast %rem3A_103 : i32 to index
      %get3A_334 = arith.index_cast %get3A_332 : i32 to index
      %get3A_335 = arith.constant 64 : index
      %get3A_336 = tpu.vector_load %arg5[%get3A_333, %get3A_334, %get3A_335] {strides = array<i32>} : memref<2x16x128xf32, #tpu.memory_space<vmem>>, vector<16xf32>,
      tpu.vector_store_idx %arg6[%broadcast_in_dim3A, %add3A_205, %add3A_311], %get3A_336 : memref<2x16x136xf32, #tpu.memory_space<vmem>>[vector<16xi32>, vector<16xi32>, vector<16xi32>], vector<16xf32>,
      %get3A_337 = arith.constant 2 : i32
      %get3A_338 = arith.index_cast %rem3A_103 : i32 to index
      %get3A_339 = arith.index_cast %get3A_337 : i32 to index
      %get3A_340 = arith.constant 80 : index
      %get3A_341 = tpu.vector_load %arg5[%get3A_338, %get3A_339, %get3A_340] {strides = array<i32>} : memref<2x16x128xf32, #tpu.memory_space<vmem>>, vector<16xf32>,
      tpu.vector_store_idx %arg6[%broadcast_in_dim3A, %add3A_211, %add3A_311], %get3A_341 : memref<2x16x136xf32, #tpu.memory_space<vmem>>[vector<16xi32>, vector<16xi32>, vector<16xi32>], vector<16xf32>,
      %get3A_342 = arith.constant 2 : i32
      %get3A_343 = arith.index_cast %rem3A_103 : i32 to index
      %get3A_344 = arith.index_cast %get3A_342 : i32 to index
      %get3A_345 = arith.constant 96 : index
      %get3A_346 = tpu.vector_load %arg5[%get3A_343, %get3A_344, %get3A_345] {strides = array<i32>} : memref<2x16x128xf32, #tpu.memory_space<vmem>>, vector<16xf32>,
      tpu.vector_store_idx %arg6[%broadcast_in_dim3A, %add3A_217, %add3A_311], %get3A_346 : memref<2x16x136xf32, #tpu.memory_space<vmem>>[vector<16xi32>, vector<16xi32>, vector<16xi32>], vector<16xf32>,
      %get3A_347 = arith.constant 2 : i32
      %get3A_348 = arith.index_cast %rem3A_103 : i32 to index
      %get3A_349 = arith.index_cast %get3A_347 : i32 to index
      %get3A_350 = arith.constant 112 : index
      %get3A_351 = tpu.vector_load %arg5[%get3A_348, %get3A_349, %get3A_350] {strides = array<i32>} : memref<2x16x128xf32, #tpu.memory_space<vmem>>, vector<16xf32>,
      tpu.vector_store_idx %arg6[%broadcast_in_dim3A, %add3A_223, %add3A_311], %get3A_351 : memref<2x16x136xf32, #tpu.memory_space<vmem>>[vector<16xi32>, vector<16xi32>, vector<16xi32>], vector<16xf32>,
      %add3A_352 = arith.constant 24 : i32
      %add3A_353 = vector.broadcast %add3A_352 : i32 to vector<16xi32>
      %add3A_354 = arith.addi %and3A_176, %add3A_353 : vector<16xi32>
      %get3A_355 = arith.constant 3 : i32
      %get3A_356 = arith.index_cast %rem3A_103 : i32 to index
      %get3A_357 = arith.index_cast %get3A_355 : i32 to index
      %get3A_358 = arith.constant 0 : index
      %get3A_359 = tpu.vector_load %arg5[%get3A_356, %get3A_357, %get3A_358] {strides = array<i32>} : memref<2x16x128xf32, #tpu.memory_space<vmem>>, vector<16xf32>,
      tpu.vector_store_idx %arg6[%broadcast_in_dim3A, %add3A_181, %add3A_354], %get3A_359 : memref<2x16x136xf32, #tpu.memory_space<vmem>>[vector<16xi32>, vector<16xi32>, vector<16xi32>], vector<16xf32>,
      %get3A_360 = arith.constant 3 : i32
      %get3A_361 = arith.index_cast %rem3A_103 : i32 to index
      %get3A_362 = arith.index_cast %get3A_360 : i32 to index
      %get3A_363 = arith.constant 16 : index
      %get3A_364 = tpu.vector_load %arg5[%get3A_361, %get3A_362, %get3A_363] {strides = array<i32>} : memref<2x16x128xf32, #tpu.memory_space<vmem>>, vector<16xf32>,
      tpu.vector_store_idx %arg6[%broadcast_in_dim3A, %add3A_187, %add3A_354], %get3A_364 : memref<2x16x136xf32, #tpu.memory_space<vmem>>[vector<16xi32>, vector<16xi32>, vector<16xi32>], vector<16xf32>,
      %get3A_365 = arith.constant 3 : i32
      %get3A_366 = arith.index_cast %rem3A_103 : i32 to index
      %get3A_367 = arith.index_cast %get3A_365 : i32 to index
      %get3A_368 = arith.constant 32 : index
      %get3A_369 = tpu.vector_load %arg5[%get3A_366, %get3A_367, %get3A_368] {strides = array<i32>} : memref<2x16x128xf32, #tpu.memory_space<vmem>>, vector<16xf32>,
      tpu.vector_store_idx %arg6[%broadcast_in_dim3A, %add3A_193, %add3A_354], %get3A_369 : memref<2x16x136xf32, #tpu.memory_space<vmem>>[vector<16xi32>, vector<16xi32>, vector<16xi32>], vector<16xf32>,
      %get3A_370 = arith.constant 3 : i32
      %get3A_371 = arith.index_cast %rem3A_103 : i32 to index
      %get3A_372 = arith.index_cast %get3A_370 : i32 to index
      %get3A_373 = arith.constant 48 : index
      %get3A_374 = tpu.vector_load %arg5[%get3A_371, %get3A_372, %get3A_373] {strides = array<i32>} : memref<2x16x128xf32, #tpu.memory_space<vmem>>, vector<16xf32>,
      tpu.vector_store_idx %arg6[%broadcast_in_dim3A, %add3A_199, %add3A_354], %get3A_374 : memref<2x16x136xf32, #tpu.memory_space<vmem>>[vector<16xi32>, vector<16xi32>, vector<16xi32>], vector<16xf32>,
      %get3A_375 = arith.constant 3 : i32
      %get3A_376 = arith.index_cast %rem3A_103 : i32 to index
      %get3A_377 = arith.index_cast %get3A_375 : i32 to index
      %get3A_378 = arith.constant 64 : index
      %get3A_379 = tpu.vector_load %arg5[%get3A_376, %get3A_377, %get3A_378] {strides = array<i32>} : memref<2x16x128xf32, #tpu.memory_space<vmem>>, vector<16xf32>,
      tpu.vector_store_idx %arg6[%broadcast_in_dim3A, %add3A_205, %add3A_354], %get3A_379 : memref<2x16x136xf32, #tpu.memory_space<vmem>>[vector<16xi32>, vector<16xi32>, vector<16xi32>], vector<16xf32>,
      %get3A_380 = arith.constant 3 : i32
      %get3A_381 = arith.index_cast %rem3A_103 : i32 to index
      %get3A_382 = arith.index_cast %get3A_380 : i32 to index
      %get3A_383 = arith.constant 80 : index
      %get3A_384 = tpu.vector_load %arg5[%get3A_381, %get3A_382, %get3A_383] {strides = array<i32>} : memref<2x16x128xf32, #tpu.memory_space<vmem>>, vector<16xf32>,
      tpu.vector_store_idx %arg6[%broadcast_in_dim3A, %add3A_211, %add3A_354], %get3A_384 : memref<2x16x136xf32, #tpu.memory_space<vmem>>[vector<16xi32>, vector<16xi32>, vector<16xi32>], vector<16xf32>,
      %get3A_385 = arith.constant 3 : i32
      %get3A_386 = arith.index_cast %rem3A_103 : i32 to index
      %get3A_387 = arith.index_cast %get3A_385 : i32 to index
      %get3A_388 = arith.constant 96 : index
      %get3A_389 = tpu.vector_load %arg5[%get3A_386, %get3A_387, %get3A_388] {strides = array<i32>} : memref<2x16x128xf32, #tpu.memory_space<vmem>>, vector<16xf32>,
      tpu.vector_store_idx %arg6[%broadcast_in_dim3A, %add3A_217, %add3A_354], %get3A_389 : memref<2x16x136xf32, #tpu.memory_space<vmem>>[vector<16xi32>, vector<16xi32>, vector<16xi32>], vector<16xf32>,
      %get3A_390 = arith.constant 3 : i32
      %get3A_391 = arith.index_cast %rem3A_103 : i32 to index
      %get3A_392 = arith.index_cast %get3A_390 : i32 to index
      %get3A_393 = arith.constant 112 : index
      %get3A_394 = tpu.vector_load %arg5[%get3A_391, %get3A_392, %get3A_393] {strides = array<i32>} : memref<2x16x128xf32, #tpu.memory_space<vmem>>, vector<16xf32>,
      tpu.vector_store_idx %arg6[%broadcast_in_dim3A, %add3A_223, %add3A_354], %get3A_394 : memref<2x16x136xf32, #tpu.memory_space<vmem>>[vector<16xi32>, vector<16xi32>, vector<16xi32>], vector<16xf32>,
      %add3A_395 = arith.constant 32 : i32
      %add3A_396 = vector.broadcast %add3A_395 : i32 to vector<16xi32>
      %add3A_397 = arith.addi %and3A_176, %add3A_396 : vector<16xi32>
      %get3A_398 = arith.constant 4 : i32
      %get3A_399 = arith.index_cast %rem3A_103 : i32 to index
      %get3A_400 = arith.index_cast %get3A_398 : i32 to index
      %get3A_401 = arith.constant 0 : index
      %get3A_402 = tpu.vector_load %arg5[%get3A_399, %get3A_400, %get3A_401] {strides = array<i32>} : memref<2x16x128xf32, #tpu.memory_space<vmem>>, vector<16xf32>,
      tpu.vector_store_idx %arg6[%broadcast_in_dim3A, %add3A_181, %add3A_397], %get3A_402 : memref<2x16x136xf32, #tpu.memory_space<vmem>>[vector<16xi32>, vector<16xi32>, vector<16xi32>], vector<16xf32>,
      %get3A_403 = arith.constant 4 : i32
      %get3A_404 = arith.index_cast %rem3A_103 : i32 to index
      %get3A_405 = arith.index_cast %get3A_403 : i32 to index
      %get3A_406 = arith.constant 16 : index
      %get3A_407 = tpu.vector_load %arg5[%get3A_404, %get3A_405, %get3A_406] {strides = array<i32>} : memref<2x16x128xf32, #tpu.memory_space<vmem>>, vector<16xf32>,
      tpu.vector_store_idx %arg6[%broadcast_in_dim3A, %add3A_187, %add3A_397], %get3A_407 : memref<2x16x136xf32, #tpu.memory_space<vmem>>[vector<16xi32>, vector<16xi32>, vector<16xi32>], vector<16xf32>,
      %get3A_408 = arith.constant 4 : i32
      %get3A_409 = arith.index_cast %rem3A_103 : i32 to index
      %get3A_410 = arith.index_cast %get3A_408 : i32 to index
      %get3A_411 = arith.constant 32 : index
      %get3A_412 = tpu.vector_load %arg5[%get3A_409, %get3A_410, %get3A_411] {strides = array<i32>} : memref<2x16x128xf32, #tpu.memory_space<vmem>>, vector<16xf32>,
      tpu.vector_store_idx %arg6[%broadcast_in_dim3A, %add3A_193, %add3A_397], %get3A_412 : memref<2x16x136xf32, #tpu.memory_space<vmem>>[vector<16xi32>, vector<16xi32>, vector<16xi32>], vector<16xf32>,
      %get3A_413 = arith.constant 4 : i32
      %get3A_414 = arith.index_cast %rem3A_103 : i32 to index
      %get3A_415 = arith.index_cast %get3A_413 : i32 to index
      %get3A_416 = arith.constant 48 : index
      %get3A_417 = tpu.vector_load %arg5[%get3A_414, %get3A_415, %get3A_416] {strides = array<i32>} : memref<2x16x128xf32, #tpu.memory_space<vmem>>, vector<16xf32>,
      tpu.vector_store_idx %arg6[%broadcast_in_dim3A, %add3A_199, %add3A_397], %get3A_417 : memref<2x16x136xf32, #tpu.memory_space<vmem>>[vector<16xi32>, vector<16xi32>, vector<16xi32>], vector<16xf32>,
      %get3A_418 = arith.constant 4 : i32
      %get3A_419 = arith.index_cast %rem3A_103 : i32 to index
      %get3A_420 = arith.index_cast %get3A_418 : i32 to index
      %get3A_421 = arith.constant 64 : index
      %get3A_422 = tpu.vector_load %arg5[%get3A_419, %get3A_420, %get3A_421] {strides = array<i32>} : memref<2x16x128xf32, #tpu.memory_space<vmem>>, vector<16xf32>,
      tpu.vector_store_idx %arg6[%broadcast_in_dim3A, %add3A_205, %add3A_397], %get3A_422 : memref<2x16x136xf32, #tpu.memory_space<vmem>>[vector<16xi32>, vector<16xi32>, vector<16xi32>], vector<16xf32>,
      %get3A_423 = arith.constant 4 : i32
      %get3A_424 = arith.index_cast %rem3A_103 : i32 to index
      %get3A_425 = arith.index_cast %get3A_423 : i32 to index
      %get3A_426 = arith.constant 80 : index
      %get3A_427 = tpu.vector_load %arg5[%get3A_424, %get3A_425, %get3A_426] {strides = array<i32>} : memref<2x16x128xf32, #tpu.memory_space<vmem>>, vector<16xf32>,
      tpu.vector_store_idx %arg6[%broadcast_in_dim3A, %add3A_211, %add3A_397], %get3A_427 : memref<2x16x136xf32, #tpu.memory_space<vmem>>[vector<16xi32>, vector<16xi32>, vector<16xi32>], vector<16xf32>,
      %get3A_428 = arith.constant 4 : i32
      %get3A_429 = arith.index_cast %rem3A_103 : i32 to index
      %get3A_430 = arith.index_cast %get3A_428 : i32 to index
      %get3A_431 = arith.constant 96 : index
      %get3A_432 = tpu.vector_load %arg5[%get3A_429, %get3A_430, %get3A_431] {strides = array<i32>} : memref<2x16x128xf32, #tpu.memory_space<vmem>>, vector<16xf32>,
      tpu.vector_store_idx %arg6[%broadcast_in_dim3A, %add3A_217, %add3A_397], %get3A_432 : memref<2x16x136xf32, #tpu.memory_space<vmem>>[vector<16xi32>, vector<16xi32>, vector<16xi32>], vector<16xf32>,
      %get3A_433 = arith.constant 4 : i32
      %get3A_434 = arith.index_cast %rem3A_103 : i32 to index
      %get3A_435 = arith.index_cast %get3A_433 : i32 to index
      %get3A_436 = arith.constant 112 : index
      %get3A_437 = tpu.vector_load %arg5[%get3A_434, %get3A_435, %get3A_436] {strides = array<i32>} : memref<2x16x128xf32, #tpu.memory_space<vmem>>, vector<16xf32>,
      tpu.vector_store_idx %arg6[%broadcast_in_dim3A, %add3A_223, %add3A_397], %get3A_437 : memref<2x16x136xf32, #tpu.memory_space<vmem>>[vector<16xi32>, vector<16xi32>, vector<16xi32>], vector<16xf32>,
      %add3A_438 = arith.constant 40 : i32
      %add3A_439 = vector.broadcast %add3A_438 : i32 to vector<16xi32>
      %add3A_440 = arith.addi %and3A_176, %add3A_439 : vector<16xi32>
      %get3A_441 = arith.constant 5 : i32
      %get3A_442 = arith.index_cast %rem3A_103 : i32 to index
      %get3A_443 = arith.index_cast %get3A_441 : i32 to index
      %get3A_444 = arith.constant 0 : index
      %get3A_445 = tpu.vector_load %arg5[%get3A_442, %get3A_443, %get3A_444] {strides = array<i32>} : memref<2x16x128xf32, #tpu.memory_space<vmem>>, vector<16xf32>,
      tpu.vector_store_idx %arg6[%broadcast_in_dim3A, %add3A_181, %add3A_440], %get3A_445 : memref<2x16x136xf32, #tpu.memory_space<vmem>>[vector<16xi32>, vector<16xi32>, vector<16xi32>], vector<16xf32>,
      %get3A_446 = arith.constant 5 : i32
      %get3A_447 = arith.index_cast %rem3A_103 : i32 to index
      %get3A_448 = arith.index_cast %get3A_446 : i32 to index
      %get3A_449 = arith.constant 16 : index
      %get3A_450 = tpu.vector_load %arg5[%get3A_447, %get3A_448, %get3A_449] {strides = array<i32>} : memref<2x16x128xf32, #tpu.memory_space<vmem>>, vector<16xf32>,
      tpu.vector_store_idx %arg6[%broadcast_in_dim3A, %add3A_187, %add3A_440], %get3A_450 : memref<2x16x136xf32, #tpu.memory_space<vmem>>[vector<16xi32>, vector<16xi32>, vector<16xi32>], vector<16xf32>,
      %get3A_451 = arith.constant 5 : i32
      %get3A_452 = arith.index_cast %rem3A_103 : i32 to index
      %get3A_453 = arith.index_cast %get3A_451 : i32 to index
      %get3A_454 = arith.constant 32 : index
      %get3A_455 = tpu.vector_load %arg5[%get3A_452, %get3A_453, %get3A_454] {strides = array<i32>} : memref<2x16x128xf32, #tpu.memory_space<vmem>>, vector<16xf32>,
      tpu.vector_store_idx %arg6[%broadcast_in_dim3A, %add3A_193, %add3A_440], %get3A_455 : memref<2x16x136xf32, #tpu.memory_space<vmem>>[vector<16xi32>, vector<16xi32>, vector<16xi32>], vector<16xf32>,
      %get3A_456 = arith.constant 5 : i32
      %get3A_457 = arith.index_cast %rem3A_103 : i32 to index
      %get3A_458 = arith.index_cast %get3A_456 : i32 to index
      %get3A_459 = arith.constant 48 : index
      %get3A_460 = tpu.vector_load %arg5[%get3A_457, %get3A_458, %get3A_459] {strides = array<i32>} : memref<2x16x128xf32, #tpu.memory_space<vmem>>, vector<16xf32>,
      tpu.vector_store_idx %arg6[%broadcast_in_dim3A, %add3A_199, %add3A_440], %get3A_460 : memref<2x16x136xf32, #tpu.memory_space<vmem>>[vector<16xi32>, vector<16xi32>, vector<16xi32>], vector<16xf32>,
      %get3A_461 = arith.constant 5 : i32
      %get3A_462 = arith.index_cast %rem3A_103 : i32 to index
      %get3A_463 = arith.index_cast %get3A_461 : i32 to index
      %get3A_464 = arith.constant 64 : index
      %get3A_465 = tpu.vector_load %arg5[%get3A_462, %get3A_463, %get3A_464] {strides = array<i32>} : memref<2x16x128xf32, #tpu.memory_space<vmem>>, vector<16xf32>,
      tpu.vector_store_idx %arg6[%broadcast_in_dim3A, %add3A_205, %add3A_440], %get3A_465 : memref<2x16x136xf32, #tpu.memory_space<vmem>>[vector<16xi32>, vector<16xi32>, vector<16xi32>], vector<16xf32>,
      %get3A_466 = arith.constant 5 : i32
      %get3A_467 = arith.index_cast %rem3A_103 : i32 to index
      %get3A_468 = arith.index_cast %get3A_466 : i32 to index
      %get3A_469 = arith.constant 80 : index
      %get3A_470 = tpu.vector_load %arg5[%get3A_467, %get3A_468, %get3A_469] {strides = array<i32>} : memref<2x16x128xf32, #tpu.memory_space<vmem>>, vector<16xf32>,
      tpu.vector_store_idx %arg6[%broadcast_in_dim3A, %add3A_211, %add3A_440], %get3A_470 : memref<2x16x136xf32, #tpu.memory_space<vmem>>[vector<16xi32>, vector<16xi32>, vector<16xi32>], vector<16xf32>,
      %get3A_471 = arith.constant 5 : i32
      %get3A_472 = arith.index_cast %rem3A_103 : i32 to index
      %get3A_473 = arith.index_cast %get3A_471 : i32 to index
      %get3A_474 = arith.constant 96 : index
      %get3A_475 = tpu.vector_load %arg5[%get3A_472, %get3A_473, %get3A_474] {strides = array<i32>} : memref<2x16x128xf32, #tpu.memory_space<vmem>>, vector<16xf32>,
      tpu.vector_store_idx %arg6[%broadcast_in_dim3A, %add3A_217, %add3A_440], %get3A_475 : memref<2x16x136xf32, #tpu.memory_space<vmem>>[vector<16xi32>, vector<16xi32>, vector<16xi32>], vector<16xf32>,
      %get3A_476 = arith.constant 5 : i32
      %get3A_477 = arith.index_cast %rem3A_103 : i32 to index
      %get3A_478 = arith.index_cast %get3A_476 : i32 to index
      %get3A_479 = arith.constant 112 : index
      %get3A_480 = tpu.vector_load %arg5[%get3A_477, %get3A_478, %get3A_479] {strides = array<i32>} : memref<2x16x128xf32, #tpu.memory_space<vmem>>, vector<16xf32>,
      tpu.vector_store_idx %arg6[%broadcast_in_dim3A, %add3A_223, %add3A_440], %get3A_480 : memref<2x16x136xf32, #tpu.memory_space<vmem>>[vector<16xi32>, vector<16xi32>, vector<16xi32>], vector<16xf32>,
      %add3A_481 = arith.constant 48 : i32
      %add3A_482 = vector.broadcast %add3A_481 : i32 to vector<16xi32>
      %add3A_483 = arith.addi %and3A_176, %add3A_482 : vector<16xi32>
      %get3A_484 = arith.constant 6 : i32
      %get3A_485 = arith.index_cast %rem3A_103 : i32 to index
      %get3A_486 = arith.index_cast %get3A_484 : i32 to index
      %get3A_487 = arith.constant 0 : index
      %get3A_488 = tpu.vector_load %arg5[%get3A_485, %get3A_486, %get3A_487] {strides = array<i32>} : memref<2x16x128xf32, #tpu.memory_space<vmem>>, vector<16xf32>,
      tpu.vector_store_idx %arg6[%broadcast_in_dim3A, %add3A_181, %add3A_483], %get3A_488 : memref<2x16x136xf32, #tpu.memory_space<vmem>>[vector<16xi32>, vector<16xi32>, vector<16xi32>], vector<16xf32>,
      %get3A_489 = arith.constant 6 : i32
      %get3A_490 = arith.index_cast %rem3A_103 : i32 to index
      %get3A_491 = arith.index_cast %get3A_489 : i32 to index
      %get3A_492 = arith.constant 16 : index
      %get3A_493 = tpu.vector_load %arg5[%get3A_490, %get3A_491, %get3A_492] {strides = array<i32>} : memref<2x16x128xf32, #tpu.memory_space<vmem>>, vector<16xf32>,
      tpu.vector_store_idx %arg6[%broadcast_in_dim3A, %add3A_187, %add3A_483], %get3A_493 : memref<2x16x136xf32, #tpu.memory_space<vmem>>[vector<16xi32>, vector<16xi32>, vector<16xi32>], vector<16xf32>,
      %get3A_494 = arith.constant 6 : i32
      %get3A_495 = arith.index_cast %rem3A_103 : i32 to index
      %get3A_496 = arith.index_cast %get3A_494 : i32 to index
      %get3A_497 = arith.constant 32 : index
      %get3A_498 = tpu.vector_load %arg5[%get3A_495, %get3A_496, %get3A_497] {strides = array<i32>} : memref<2x16x128xf32, #tpu.memory_space<vmem>>, vector<16xf32>,
      tpu.vector_store_idx %arg6[%broadcast_in_dim3A, %add3A_193, %add3A_483], %get3A_498 : memref<2x16x136xf32, #tpu.memory_space<vmem>>[vector<16xi32>, vector<16xi32>, vector<16xi32>], vector<16xf32>,
      %get3A_499 = arith.constant 6 : i32
      %get3A_500 = arith.index_cast %rem3A_103 : i32 to index
      %get3A_501 = arith.index_cast %get3A_499 : i32 to index
      %get3A_502 = arith.constant 48 : index
      %get3A_503 = tpu.vector_load %arg5[%get3A_500, %get3A_501, %get3A_502] {strides = array<i32>} : memref<2x16x128xf32, #tpu.memory_space<vmem>>, vector<16xf32>,
      tpu.vector_store_idx %arg6[%broadcast_in_dim3A, %add3A_199, %add3A_483], %get3A_503 : memref<2x16x136xf32, #tpu.memory_space<vmem>>[vector<16xi32>, vector<16xi32>, vector<16xi32>], vector<16xf32>,
      %get3A_504 = arith.constant 6 : i32
      %get3A_505 = arith.index_cast %rem3A_103 : i32 to index
      %get3A_506 = arith.index_cast %get3A_504 : i32 to index
      %get3A_507 = arith.constant 64 : index
      %get3A_508 = tpu.vector_load %arg5[%get3A_505, %get3A_506, %get3A_507] {strides = array<i32>} : memref<2x16x128xf32, #tpu.memory_space<vmem>>, vector<16xf32>,
      tpu.vector_store_idx %arg6[%broadcast_in_dim3A, %add3A_205, %add3A_483], %get3A_508 : memref<2x16x136xf32, #tpu.memory_space<vmem>>[vector<16xi32>, vector<16xi32>, vector<16xi32>], vector<16xf32>,
      %get3A_509 = arith.constant 6 : i32
      %get3A_510 = arith.index_cast %rem3A_103 : i32 to index
      %get3A_511 = arith.index_cast %get3A_509 : i32 to index
      %get3A_512 = arith.constant 80 : index
      %get3A_513 = tpu.vector_load %arg5[%get3A_510, %get3A_511, %get3A_512] {strides = array<i32>} : memref<2x16x128xf32, #tpu.memory_space<vmem>>, vector<16xf32>,
      tpu.vector_store_idx %arg6[%broadcast_in_dim3A, %add3A_211, %add3A_483], %get3A_513 : memref<2x16x136xf32, #tpu.memory_space<vmem>>[vector<16xi32>, vector<16xi32>, vector<16xi32>], vector<16xf32>,
      %get3A_514 = arith.constant 6 : i32
      %get3A_515 = arith.index_cast %rem3A_103 : i32 to index
      %get3A_516 = arith.index_cast %get3A_514 : i32 to index
      %get3A_517 = arith.constant 96 : index
      %get3A_518 = tpu.vector_load %arg5[%get3A_515, %get3A_516, %get3A_517] {strides = array<i32>} : memref<2x16x128xf32, #tpu.memory_space<vmem>>, vector<16xf32>,
      tpu.vector_store_idx %arg6[%broadcast_in_dim3A, %add3A_217, %add3A_483], %get3A_518 : memref<2x16x136xf32, #tpu.memory_space<vmem>>[vector<16xi32>, vector<16xi32>, vector<16xi32>], vector<16xf32>,
      %get3A_519 = arith.constant 6 : i32
      %get3A_520 = arith.index_cast %rem3A_103 : i32 to index
      %get3A_521 = arith.index_cast %get3A_519 : i32 to index
      %get3A_522 = arith.constant 112 : index
      %get3A_523 = tpu.vector_load %arg5[%get3A_520, %get3A_521, %get3A_522] {strides = array<i32>} : memref<2x16x128xf32, #tpu.memory_space<vmem>>, vector<16xf32>,
      tpu.vector_store_idx %arg6[%broadcast_in_dim3A, %add3A_223, %add3A_483], %get3A_523 : memref<2x16x136xf32, #tpu.memory_space<vmem>>[vector<16xi32>, vector<16xi32>, vector<16xi32>], vector<16xf32>,
      %add3A_524 = arith.constant 56 : i32
      %add3A_525 = vector.broadcast %add3A_524 : i32 to vector<16xi32>
      %add3A_526 = arith.addi %and3A_176, %add3A_525 : vector<16xi32>
      %get3A_527 = arith.constant 7 : i32
      %get3A_528 = arith.index_cast %rem3A_103 : i32 to index
      %get3A_529 = arith.index_cast %get3A_527 : i32 to index
      %get3A_530 = arith.constant 0 : index
      %get3A_531 = tpu.vector_load %arg5[%get3A_528, %get3A_529, %get3A_530] {strides = array<i32>} : memref<2x16x128xf32, #tpu.memory_space<vmem>>, vector<16xf32>,
      tpu.vector_store_idx %arg6[%broadcast_in_dim3A, %add3A_181, %add3A_526], %get3A_531 : memref<2x16x136xf32, #tpu.memory_space<vmem>>[vector<16xi32>, vector<16xi32>, vector<16xi32>], vector<16xf32>,
      %get3A_532 = arith.constant 7 : i32
      %get3A_533 = arith.index_cast %rem3A_103 : i32 to index
      %get3A_534 = arith.index_cast %get3A_532 : i32 to index
      %get3A_535 = arith.constant 16 : index
      %get3A_536 = tpu.vector_load %arg5[%get3A_533, %get3A_534, %get3A_535] {strides = array<i32>} : memref<2x16x128xf32, #tpu.memory_space<vmem>>, vector<16xf32>,
      tpu.vector_store_idx %arg6[%broadcast_in_dim3A, %add3A_187, %add3A_526], %get3A_536 : memref<2x16x136xf32, #tpu.memory_space<vmem>>[vector<16xi32>, vector<16xi32>, vector<16xi32>], vector<16xf32>,
      %get3A_537 = arith.constant 7 : i32
      %get3A_538 = arith.index_cast %rem3A_103 : i32 to index
      %get3A_539 = arith.index_cast %get3A_537 : i32 to index
      %get3A_540 = arith.constant 32 : index
      %get3A_541 = tpu.vector_load %arg5[%get3A_538, %get3A_539, %get3A_540] {strides = array<i32>} : memref<2x16x128xf32, #tpu.memory_space<vmem>>, vector<16xf32>,
      tpu.vector_store_idx %arg6[%broadcast_in_dim3A, %add3A_193, %add3A_526], %get3A_541 : memref<2x16x136xf32, #tpu.memory_space<vmem>>[vector<16xi32>, vector<16xi32>, vector<16xi32>], vector<16xf32>,
      %get3A_542 = arith.constant 7 : i32
      %get3A_543 = arith.index_cast %rem3A_103 : i32 to index
      %get3A_544 = arith.index_cast %get3A_542 : i32 to index
      %get3A_545 = arith.constant 48 : index
      %get3A_546 = tpu.vector_load %arg5[%get3A_543, %get3A_544, %get3A_545] {strides = array<i32>} : memref<2x16x128xf32, #tpu.memory_space<vmem>>, vector<16xf32>,
      tpu.vector_store_idx %arg6[%broadcast_in_dim3A, %add3A_199, %add3A_526], %get3A_546 : memref<2x16x136xf32, #tpu.memory_space<vmem>>[vector<16xi32>, vector<16xi32>, vector<16xi32>], vector<16xf32>,
      %get3A_547 = arith.constant 7 : i32
      %get3A_548 = arith.index_cast %rem3A_103 : i32 to index
      %get3A_549 = arith.index_cast %get3A_547 : i32 to index
      %get3A_550 = arith.constant 64 : index
      %get3A_551 = tpu.vector_load %arg5[%get3A_548, %get3A_549, %get3A_550] {strides = array<i32>} : memref<2x16x128xf32, #tpu.memory_space<vmem>>, vector<16xf32>,
      tpu.vector_store_idx %arg6[%broadcast_in_dim3A, %add3A_205, %add3A_526], %get3A_551 : memref<2x16x136xf32, #tpu.memory_space<vmem>>[vector<16xi32>, vector<16xi32>, vector<16xi32>], vector<16xf32>,
      %get3A_552 = arith.constant 7 : i32
      %get3A_553 = arith.index_cast %rem3A_103 : i32 to index
      %get3A_554 = arith.index_cast %get3A_552 : i32 to index
      %get3A_555 = arith.constant 80 : index
      %get3A_556 = tpu.vector_load %arg5[%get3A_553, %get3A_554, %get3A_555] {strides = array<i32>} : memref<2x16x128xf32, #tpu.memory_space<vmem>>, vector<16xf32>,
      tpu.vector_store_idx %arg6[%broadcast_in_dim3A, %add3A_211, %add3A_526], %get3A_556 : memref<2x16x136xf32, #tpu.memory_space<vmem>>[vector<16xi32>, vector<16xi32>, vector<16xi32>], vector<16xf32>,
      %get3A_557 = arith.constant 7 : i32
      %get3A_558 = arith.index_cast %rem3A_103 : i32 to index
      %get3A_559 = arith.index_cast %get3A_557 : i32 to index
      %get3A_560 = arith.constant 96 : index
      %get3A_561 = tpu.vector_load %arg5[%get3A_558, %get3A_559, %get3A_560] {strides = array<i32>} : memref<2x16x128xf32, #tpu.memory_space<vmem>>, vector<16xf32>,
      tpu.vector_store_idx %arg6[%broadcast_in_dim3A, %add3A_217, %add3A_526], %get3A_561 : memref<2x16x136xf32, #tpu.memory_space<vmem>>[vector<16xi32>, vector<16xi32>, vector<16xi32>], vector<16xf32>,
      %get3A_562 = arith.constant 7 : i32
      %get3A_563 = arith.index_cast %rem3A_103 : i32 to index
      %get3A_564 = arith.index_cast %get3A_562 : i32 to index
      %get3A_565 = arith.constant 112 : index
      %get3A_566 = tpu.vector_load %arg5[%get3A_563, %get3A_564, %get3A_565] {strides = array<i32>} : memref<2x16x128xf32, #tpu.memory_space<vmem>>, vector<16xf32>,
      tpu.vector_store_idx %arg6[%broadcast_in_dim3A, %add3A_223, %add3A_526], %get3A_566 : memref<2x16x136xf32, #tpu.memory_space<vmem>>[vector<16xi32>, vector<16xi32>, vector<16xi32>], vector<16xf32>,
      %add3A_567 = arith.constant 64 : i32
      %add3A_568 = vector.broadcast %add3A_567 : i32 to vector<16xi32>
      %add3A_569 = arith.addi %and3A_176, %add3A_568 : vector<16xi32>
      %get3A_570 = arith.constant 8 : i32
      %get3A_571 = arith.index_cast %rem3A_103 : i32 to index
      %get3A_572 = arith.index_cast %get3A_570 : i32 to index
      %get3A_573 = arith.constant 0 : index
      %get3A_574 = tpu.vector_load %arg5[%get3A_571, %get3A_572, %get3A_573] {strides = array<i32>} : memref<2x16x128xf32, #tpu.memory_space<vmem>>, vector<16xf32>,
      tpu.vector_store_idx %arg6[%broadcast_in_dim3A, %add3A_181, %add3A_569], %get3A_574 : memref<2x16x136xf32, #tpu.memory_space<vmem>>[vector<16xi32>, vector<16xi32>, vector<16xi32>], vector<16xf32>,
      %get3A_575 = arith.constant 8 : i32
      %get3A_576 = arith.index_cast %rem3A_103 : i32 to index
      %get3A_577 = arith.index_cast %get3A_575 : i32 to index
      %get3A_578 = arith.constant 16 : index
      %get3A_579 = tpu.vector_load %arg5[%get3A_576, %get3A_577, %get3A_578] {strides = array<i32>} : memref<2x16x128xf32, #tpu.memory_space<vmem>>, vector<16xf32>,
      tpu.vector_store_idx %arg6[%broadcast_in_dim3A, %add3A_187, %add3A_569], %get3A_579 : memref<2x16x136xf32, #tpu.memory_space<vmem>>[vector<16xi32>, vector<16xi32>, vector<16xi32>], vector<16xf32>,
      %get3A_580 = arith.constant 8 : i32
      %get3A_581 = arith.index_cast %rem3A_103 : i32 to index
      %get3A_582 = arith.index_cast %get3A_580 : i32 to index
      %get3A_583 = arith.constant 32 : index
      %get3A_584 = tpu.vector_load %arg5[%get3A_581, %get3A_582, %get3A_583] {strides = array<i32>} : memref<2x16x128xf32, #tpu.memory_space<vmem>>, vector<16xf32>,
      tpu.vector_store_idx %arg6[%broadcast_in_dim3A, %add3A_193, %add3A_569], %get3A_584 : memref<2x16x136xf32, #tpu.memory_space<vmem>>[vector<16xi32>, vector<16xi32>, vector<16xi32>], vector<16xf32>,
      %get3A_585 = arith.constant 8 : i32
      %get3A_586 = arith.index_cast %rem3A_103 : i32 to index
      %get3A_587 = arith.index_cast %get3A_585 : i32 to index
      %get3A_588 = arith.constant 48 : index
      %get3A_589 = tpu.vector_load %arg5[%get3A_586, %get3A_587, %get3A_588] {strides = array<i32>} : memref<2x16x128xf32, #tpu.memory_space<vmem>>, vector<16xf32>,
      tpu.vector_store_idx %arg6[%broadcast_in_dim3A, %add3A_199, %add3A_569], %get3A_589 : memref<2x16x136xf32, #tpu.memory_space<vmem>>[vector<16xi32>, vector<16xi32>, vector<16xi32>], vector<16xf32>,
      %get3A_590 = arith.constant 8 : i32
      %get3A_591 = arith.index_cast %rem3A_103 : i32 to index
      %get3A_592 = arith.index_cast %get3A_590 : i32 to index
      %get3A_593 = arith.constant 64 : index
      %get3A_594 = tpu.vector_load %arg5[%get3A_591, %get3A_592, %get3A_593] {strides = array<i32>} : memref<2x16x128xf32, #tpu.memory_space<vmem>>, vector<16xf32>,
      tpu.vector_store_idx %arg6[%broadcast_in_dim3A, %add3A_205, %add3A_569], %get3A_594 : memref<2x16x136xf32, #tpu.memory_space<vmem>>[vector<16xi32>, vector<16xi32>, vector<16xi32>], vector<16xf32>,
      %get3A_595 = arith.constant 8 : i32
      %get3A_596 = arith.index_cast %rem3A_103 : i32 to index
      %get3A_597 = arith.index_cast %get3A_595 : i32 to index
      %get3A_598 = arith.constant 80 : index
      %get3A_599 = tpu.vector_load %arg5[%get3A_596, %get3A_597, %get3A_598] {strides = array<i32>} : memref<2x16x128xf32, #tpu.memory_space<vmem>>, vector<16xf32>,
      tpu.vector_store_idx %arg6[%broadcast_in_dim3A, %add3A_211, %add3A_569], %get3A_599 : memref<2x16x136xf32, #tpu.memory_space<vmem>>[vector<16xi32>, vector<16xi32>, vector<16xi32>], vector<16xf32>,
      %get3A_600 = arith.constant 8 : i32
      %get3A_601 = arith.index_cast %rem3A_103 : i32 to index
      %get3A_602 = arith.index_cast %get3A_600 : i32 to index
      %get3A_603 = arith.constant 96 : index
      %get3A_604 = tpu.vector_load %arg5[%get3A_601, %get3A_602, %get3A_603] {strides = array<i32>} : memref<2x16x128xf32, #tpu.memory_space<vmem>>, vector<16xf32>,
      tpu.vector_store_idx %arg6[%broadcast_in_dim3A, %add3A_217, %add3A_569], %get3A_604 : memref<2x16x136xf32, #tpu.memory_space<vmem>>[vector<16xi32>, vector<16xi32>, vector<16xi32>], vector<16xf32>,
      %get3A_605 = arith.constant 8 : i32
      %get3A_606 = arith.index_cast %rem3A_103 : i32 to index
      %get3A_607 = arith.index_cast %get3A_605 : i32 to index
      %get3A_608 = arith.constant 112 : index
      %get3A_609 = tpu.vector_load %arg5[%get3A_606, %get3A_607, %get3A_608] {strides = array<i32>} : memref<2x16x128xf32, #tpu.memory_space<vmem>>, vector<16xf32>,
      tpu.vector_store_idx %arg6[%broadcast_in_dim3A, %add3A_223, %add3A_569], %get3A_609 : memref<2x16x136xf32, #tpu.memory_space<vmem>>[vector<16xi32>, vector<16xi32>, vector<16xi32>], vector<16xf32>,
      %add3A_610 = arith.constant 72 : i32
      %add3A_611 = vector.broadcast %add3A_610 : i32 to vector<16xi32>
      %add3A_612 = arith.addi %and3A_176, %add3A_611 : vector<16xi32>
      %get3A_613 = arith.constant 9 : i32
      %get3A_614 = arith.index_cast %rem3A_103 : i32 to index
      %get3A_615 = arith.index_cast %get3A_613 : i32 to index
      %get3A_616 = arith.constant 0 : index
      %get3A_617 = tpu.vector_load %arg5[%get3A_614, %get3A_615, %get3A_616] {strides = array<i32>} : memref<2x16x128xf32, #tpu.memory_space<vmem>>, vector<16xf32>,
      tpu.vector_store_idx %arg6[%broadcast_in_dim3A, %add3A_181, %add3A_612], %get3A_617 : memref<2x16x136xf32, #tpu.memory_space<vmem>>[vector<16xi32>, vector<16xi32>, vector<16xi32>], vector<16xf32>,
      %get3A_618 = arith.constant 9 : i32
      %get3A_619 = arith.index_cast %rem3A_103 : i32 to index
      %get3A_620 = arith.index_cast %get3A_618 : i32 to index
      %get3A_621 = arith.constant 16 : index
      %get3A_622 = tpu.vector_load %arg5[%get3A_619, %get3A_620, %get3A_621] {strides = array<i32>} : memref<2x16x128xf32, #tpu.memory_space<vmem>>, vector<16xf32>,
      tpu.vector_store_idx %arg6[%broadcast_in_dim3A, %add3A_187, %add3A_612], %get3A_622 : memref<2x16x136xf32, #tpu.memory_space<vmem>>[vector<16xi32>, vector<16xi32>, vector<16xi32>], vector<16xf32>,
      %get3A_623 = arith.constant 9 : i32
      %get3A_624 = arith.index_cast %rem3A_103 : i32 to index
      %get3A_625 = arith.index_cast %get3A_623 : i32 to index
      %get3A_626 = arith.constant 32 : index
      %get3A_627 = tpu.vector_load %arg5[%get3A_624, %get3A_625, %get3A_626] {strides = array<i32>} : memref<2x16x128xf32, #tpu.memory_space<vmem>>, vector<16xf32>,
      tpu.vector_store_idx %arg6[%broadcast_in_dim3A, %add3A_193, %add3A_612], %get3A_627 : memref<2x16x136xf32, #tpu.memory_space<vmem>>[vector<16xi32>, vector<16xi32>, vector<16xi32>], vector<16xf32>,
      %get3A_628 = arith.constant 9 : i32
      %get3A_629 = arith.index_cast %rem3A_103 : i32 to index
      %get3A_630 = arith.index_cast %get3A_628 : i32 to index
      %get3A_631 = arith.constant 48 : index
      %get3A_632 = tpu.vector_load %arg5[%get3A_629, %get3A_630, %get3A_631] {strides = array<i32>} : memref<2x16x128xf32, #tpu.memory_space<vmem>>, vector<16xf32>,
      tpu.vector_store_idx %arg6[%broadcast_in_dim3A, %add3A_199, %add3A_612], %get3A_632 : memref<2x16x136xf32, #tpu.memory_space<vmem>>[vector<16xi32>, vector<16xi32>, vector<16xi32>], vector<16xf32>,
      %get3A_633 = arith.constant 9 : i32
      %get3A_634 = arith.index_cast %rem3A_103 : i32 to index
      %get3A_635 = arith.index_cast %get3A_633 : i32 to index
      %get3A_636 = arith.constant 64 : index
      %get3A_637 = tpu.vector_load %arg5[%get3A_634, %get3A_635, %get3A_636] {strides = array<i32>} : memref<2x16x128xf32, #tpu.memory_space<vmem>>, vector<16xf32>,
      tpu.vector_store_idx %arg6[%broadcast_in_dim3A, %add3A_205, %add3A_612], %get3A_637 : memref<2x16x136xf32, #tpu.memory_space<vmem>>[vector<16xi32>, vector<16xi32>, vector<16xi32>], vector<16xf32>,
      %get3A_638 = arith.constant 9 : i32
      %get3A_639 = arith.index_cast %rem3A_103 : i32 to index
      %get3A_640 = arith.index_cast %get3A_638 : i32 to index
      %get3A_641 = arith.constant 80 : index
      %get3A_642 = tpu.vector_load %arg5[%get3A_639, %get3A_640, %get3A_641] {strides = array<i32>} : memref<2x16x128xf32, #tpu.memory_space<vmem>>, vector<16xf32>,
      tpu.vector_store_idx %arg6[%broadcast_in_dim3A, %add3A_211, %add3A_612], %get3A_642 : memref<2x16x136xf32, #tpu.memory_space<vmem>>[vector<16xi32>, vector<16xi32>, vector<16xi32>], vector<16xf32>,
      %get3A_643 = arith.constant 9 : i32
      %get3A_644 = arith.index_cast %rem3A_103 : i32 to index
      %get3A_645 = arith.index_cast %get3A_643 : i32 to index
      %get3A_646 = arith.constant 96 : index
      %get3A_647 = tpu.vector_load %arg5[%get3A_644, %get3A_645, %get3A_646] {strides = array<i32>} : memref<2x16x128xf32, #tpu.memory_space<vmem>>, vector<16xf32>,
      tpu.vector_store_idx %arg6[%broadcast_in_dim3A, %add3A_217, %add3A_612], %get3A_647 : memref<2x16x136xf32, #tpu.memory_space<vmem>>[vector<16xi32>, vector<16xi32>, vector<16xi32>], vector<16xf32>,
      %get3A_648 = arith.constant 9 : i32
      %get3A_649 = arith.index_cast %rem3A_103 : i32 to index
      %get3A_650 = arith.index_cast %get3A_648 : i32 to index
      %get3A_651 = arith.constant 112 : index
      %get3A_652 = tpu.vector_load %arg5[%get3A_649, %get3A_650, %get3A_651] {strides = array<i32>} : memref<2x16x128xf32, #tpu.memory_space<vmem>>, vector<16xf32>,
      tpu.vector_store_idx %arg6[%broadcast_in_dim3A, %add3A_223, %add3A_612], %get3A_652 : memref<2x16x136xf32, #tpu.memory_space<vmem>>[vector<16xi32>, vector<16xi32>, vector<16xi32>], vector<16xf32>,
      %add3A_653 = arith.constant 80 : i32
      %add3A_654 = vector.broadcast %add3A_653 : i32 to vector<16xi32>
      %add3A_655 = arith.addi %and3A_176, %add3A_654 : vector<16xi32>
      %get3A_656 = arith.constant 10 : i32
      %get3A_657 = arith.index_cast %rem3A_103 : i32 to index
      %get3A_658 = arith.index_cast %get3A_656 : i32 to index
      %get3A_659 = arith.constant 0 : index
      %get3A_660 = tpu.vector_load %arg5[%get3A_657, %get3A_658, %get3A_659] {strides = array<i32>} : memref<2x16x128xf32, #tpu.memory_space<vmem>>, vector<16xf32>,
      tpu.vector_store_idx %arg6[%broadcast_in_dim3A, %add3A_181, %add3A_655], %get3A_660 : memref<2x16x136xf32, #tpu.memory_space<vmem>>[vector<16xi32>, vector<16xi32>, vector<16xi32>], vector<16xf32>,
      %get3A_661 = arith.constant 10 : i32
      %get3A_662 = arith.index_cast %rem3A_103 : i32 to index
      %get3A_663 = arith.index_cast %get3A_661 : i32 to index
      %get3A_664 = arith.constant 16 : index
      %get3A_665 = tpu.vector_load %arg5[%get3A_662, %get3A_663, %get3A_664] {strides = array<i32>} : memref<2x16x128xf32, #tpu.memory_space<vmem>>, vector<16xf32>,
      tpu.vector_store_idx %arg6[%broadcast_in_dim3A, %add3A_187, %add3A_655], %get3A_665 : memref<2x16x136xf32, #tpu.memory_space<vmem>>[vector<16xi32>, vector<16xi32>, vector<16xi32>], vector<16xf32>,
      %get3A_666 = arith.constant 10 : i32
      %get3A_667 = arith.index_cast %rem3A_103 : i32 to index
      %get3A_668 = arith.index_cast %get3A_666 : i32 to index
      %get3A_669 = arith.constant 32 : index
      %get3A_670 = tpu.vector_load %arg5[%get3A_667, %get3A_668, %get3A_669] {strides = array<i32>} : memref<2x16x128xf32, #tpu.memory_space<vmem>>, vector<16xf32>,
      tpu.vector_store_idx %arg6[%broadcast_in_dim3A, %add3A_193, %add3A_655], %get3A_670 : memref<2x16x136xf32, #tpu.memory_space<vmem>>[vector<16xi32>, vector<16xi32>, vector<16xi32>], vector<16xf32>,
      %get3A_671 = arith.constant 10 : i32
      %get3A_672 = arith.index_cast %rem3A_103 : i32 to index
      %get3A_673 = arith.index_cast %get3A_671 : i32 to index
      %get3A_674 = arith.constant 48 : index
      %get3A_675 = tpu.vector_load %arg5[%get3A_672, %get3A_673, %get3A_674] {strides = array<i32>} : memref<2x16x128xf32, #tpu.memory_space<vmem>>, vector<16xf32>,
      tpu.vector_store_idx %arg6[%broadcast_in_dim3A, %add3A_199, %add3A_655], %get3A_675 : memref<2x16x136xf32, #tpu.memory_space<vmem>>[vector<16xi32>, vector<16xi32>, vector<16xi32>], vector<16xf32>,
      %get3A_676 = arith.constant 10 : i32
      %get3A_677 = arith.index_cast %rem3A_103 : i32 to index
      %get3A_678 = arith.index_cast %get3A_676 : i32 to index
      %get3A_679 = arith.constant 64 : index
      %get3A_680 = tpu.vector_load %arg5[%get3A_677, %get3A_678, %get3A_679] {strides = array<i32>} : memref<2x16x128xf32, #tpu.memory_space<vmem>>, vector<16xf32>,
      tpu.vector_store_idx %arg6[%broadcast_in_dim3A, %add3A_205, %add3A_655], %get3A_680 : memref<2x16x136xf32, #tpu.memory_space<vmem>>[vector<16xi32>, vector<16xi32>, vector<16xi32>], vector<16xf32>,
      %get3A_681 = arith.constant 10 : i32
      %get3A_682 = arith.index_cast %rem3A_103 : i32 to index
      %get3A_683 = arith.index_cast %get3A_681 : i32 to index
      %get3A_684 = arith.constant 80 : index
      %get3A_685 = tpu.vector_load %arg5[%get3A_682, %get3A_683, %get3A_684] {strides = array<i32>} : memref<2x16x128xf32, #tpu.memory_space<vmem>>, vector<16xf32>,
      tpu.vector_store_idx %arg6[%broadcast_in_dim3A, %add3A_211, %add3A_655], %get3A_685 : memref<2x16x136xf32, #tpu.memory_space<vmem>>[vector<16xi32>, vector<16xi32>, vector<16xi32>], vector<16xf32>,
      %get3A_686 = arith.constant 10 : i32
      %get3A_687 = arith.index_cast %rem3A_103 : i32 to index
      %get3A_688 = arith.index_cast %get3A_686 : i32 to index
      %get3A_689 = arith.constant 96 : index
      %get3A_690 = tpu.vector_load %arg5[%get3A_687, %get3A_688, %get3A_689] {strides = array<i32>} : memref<2x16x128xf32, #tpu.memory_space<vmem>>, vector<16xf32>,
      tpu.vector_store_idx %arg6[%broadcast_in_dim3A, %add3A_217, %add3A_655], %get3A_690 : memref<2x16x136xf32, #tpu.memory_space<vmem>>[vector<16xi32>, vector<16xi32>, vector<16xi32>], vector<16xf32>,
      %get3A_691 = arith.constant 10 : i32
      %get3A_692 = arith.index_cast %rem3A_103 : i32 to index
      %get3A_693 = arith.index_cast %get3A_691 : i32 to index
      %get3A_694 = arith.constant 112 : index
      %get3A_695 = tpu.vector_load %arg5[%get3A_692, %get3A_693, %get3A_694] {strides = array<i32>} : memref<2x16x128xf32, #tpu.memory_space<vmem>>, vector<16xf32>,
      tpu.vector_store_idx %arg6[%broadcast_in_dim3A, %add3A_223, %add3A_655], %get3A_695 : memref<2x16x136xf32, #tpu.memory_space<vmem>>[vector<16xi32>, vector<16xi32>, vector<16xi32>], vector<16xf32>,
      %add3A_696 = arith.constant 88 : i32
      %add3A_697 = vector.broadcast %add3A_696 : i32 to vector<16xi32>
      %add3A_698 = arith.addi %and3A_176, %add3A_697 : vector<16xi32>
      %get3A_699 = arith.constant 11 : i32
      %get3A_700 = arith.index_cast %rem3A_103 : i32 to index
      %get3A_701 = arith.index_cast %get3A_699 : i32 to index
      %get3A_702 = arith.constant 0 : index
      %get3A_703 = tpu.vector_load %arg5[%get3A_700, %get3A_701, %get3A_702] {strides = array<i32>} : memref<2x16x128xf32, #tpu.memory_space<vmem>>, vector<16xf32>,
      tpu.vector_store_idx %arg6[%broadcast_in_dim3A, %add3A_181, %add3A_698], %get3A_703 : memref<2x16x136xf32, #tpu.memory_space<vmem>>[vector<16xi32>, vector<16xi32>, vector<16xi32>], vector<16xf32>,
      %get3A_704 = arith.constant 11 : i32
      %get3A_705 = arith.index_cast %rem3A_103 : i32 to index
      %get3A_706 = arith.index_cast %get3A_704 : i32 to index
      %get3A_707 = arith.constant 16 : index
      %get3A_708 = tpu.vector_load %arg5[%get3A_705, %get3A_706, %get3A_707] {strides = array<i32>} : memref<2x16x128xf32, #tpu.memory_space<vmem>>, vector<16xf32>,
      tpu.vector_store_idx %arg6[%broadcast_in_dim3A, %add3A_187, %add3A_698], %get3A_708 : memref<2x16x136xf32, #tpu.memory_space<vmem>>[vector<16xi32>, vector<16xi32>, vector<16xi32>], vector<16xf32>,
      %get3A_709 = arith.constant 11 : i32
      %get3A_710 = arith.index_cast %rem3A_103 : i32 to index
      %get3A_711 = arith.index_cast %get3A_709 : i32 to index
      %get3A_712 = arith.constant 32 : index
      %get3A_713 = tpu.vector_load %arg5[%get3A_710, %get3A_711, %get3A_712] {strides = array<i32>} : memref<2x16x128xf32, #tpu.memory_space<vmem>>, vector<16xf32>,
      tpu.vector_store_idx %arg6[%broadcast_in_dim3A, %add3A_193, %add3A_698], %get3A_713 : memref<2x16x136xf32, #tpu.memory_space<vmem>>[vector<16xi32>, vector<16xi32>, vector<16xi32>], vector<16xf32>,
      %get3A_714 = arith.constant 11 : i32
      %get3A_715 = arith.index_cast %rem3A_103 : i32 to index
      %get3A_716 = arith.index_cast %get3A_714 : i32 to index
      %get3A_717 = arith.constant 48 : index
      %get3A_718 = tpu.vector_load %arg5[%get3A_715, %get3A_716, %get3A_717] {strides = array<i32>} : memref<2x16x128xf32, #tpu.memory_space<vmem>>, vector<16xf32>,
      tpu.vector_store_idx %arg6[%broadcast_in_dim3A, %add3A_199, %add3A_698], %get3A_718 : memref<2x16x136xf32, #tpu.memory_space<vmem>>[vector<16xi32>, vector<16xi32>, vector<16xi32>], vector<16xf32>,
      %get3A_719 = arith.constant 11 : i32
      %get3A_720 = arith.index_cast %rem3A_103 : i32 to index
      %get3A_721 = arith.index_cast %get3A_719 : i32 to index
      %get3A_722 = arith.constant 64 : index
      %get3A_723 = tpu.vector_load %arg5[%get3A_720, %get3A_721, %get3A_722] {strides = array<i32>} : memref<2x16x128xf32, #tpu.memory_space<vmem>>, vector<16xf32>,
      tpu.vector_store_idx %arg6[%broadcast_in_dim3A, %add3A_205, %add3A_698], %get3A_723 : memref<2x16x136xf32, #tpu.memory_space<vmem>>[vector<16xi32>, vector<16xi32>, vector<16xi32>], vector<16xf32>,
      %get3A_724 = arith.constant 11 : i32
      %get3A_725 = arith.index_cast %rem3A_103 : i32 to index
      %get3A_726 = arith.index_cast %get3A_724 : i32 to index
      %get3A_727 = arith.constant 80 : index
      %get3A_728 = tpu.vector_load %arg5[%get3A_725, %get3A_726, %get3A_727] {strides = array<i32>} : memref<2x16x128xf32, #tpu.memory_space<vmem>>, vector<16xf32>,
      tpu.vector_store_idx %arg6[%broadcast_in_dim3A, %add3A_211, %add3A_698], %get3A_728 : memref<2x16x136xf32, #tpu.memory_space<vmem>>[vector<16xi32>, vector<16xi32>, vector<16xi32>], vector<16xf32>,
      %get3A_729 = arith.constant 11 : i32
      %get3A_730 = arith.index_cast %rem3A_103 : i32 to index
      %get3A_731 = arith.index_cast %get3A_729 : i32 to index
      %get3A_732 = arith.constant 96 : index
      %get3A_733 = tpu.vector_load %arg5[%get3A_730, %get3A_731, %get3A_732] {strides = array<i32>} : memref<2x16x128xf32, #tpu.memory_space<vmem>>, vector<16xf32>,
      tpu.vector_store_idx %arg6[%broadcast_in_dim3A, %add3A_217, %add3A_698], %get3A_733 : memref<2x16x136xf32, #tpu.memory_space<vmem>>[vector<16xi32>, vector<16xi32>, vector<16xi32>], vector<16xf32>,
      %get3A_734 = arith.constant 11 : i32
      %get3A_735 = arith.index_cast %rem3A_103 : i32 to index
      %get3A_736 = arith.index_cast %get3A_734 : i32 to index
      %get3A_737 = arith.constant 112 : index
      %get3A_738 = tpu.vector_load %arg5[%get3A_735, %get3A_736, %get3A_737] {strides = array<i32>} : memref<2x16x128xf32, #tpu.memory_space<vmem>>, vector<16xf32>,
      tpu.vector_store_idx %arg6[%broadcast_in_dim3A, %add3A_223, %add3A_698], %get3A_738 : memref<2x16x136xf32, #tpu.memory_space<vmem>>[vector<16xi32>, vector<16xi32>, vector<16xi32>], vector<16xf32>,
      %add3A_739 = arith.constant 96 : i32
      %add3A_740 = vector.broadcast %add3A_739 : i32 to vector<16xi32>
      %add3A_741 = arith.addi %and3A_176, %add3A_740 : vector<16xi32>
      %get3A_742 = arith.constant 12 : i32
      %get3A_743 = arith.index_cast %rem3A_103 : i32 to index
      %get3A_744 = arith.index_cast %get3A_742 : i32 to index
      %get3A_745 = arith.constant 0 : index
      %get3A_746 = tpu.vector_load %arg5[%get3A_743, %get3A_744, %get3A_745] {strides = array<i32>} : memref<2x16x128xf32, #tpu.memory_space<vmem>>, vector<16xf32>,
      tpu.vector_store_idx %arg6[%broadcast_in_dim3A, %add3A_181, %add3A_741], %get3A_746 : memref<2x16x136xf32, #tpu.memory_space<vmem>>[vector<16xi32>, vector<16xi32>, vector<16xi32>], vector<16xf32>,
      %get3A_747 = arith.constant 12 : i32
      %get3A_748 = arith.index_cast %rem3A_103 : i32 to index
      %get3A_749 = arith.index_cast %get3A_747 : i32 to index
      %get3A_750 = arith.constant 16 : index
      %get3A_751 = tpu.vector_load %arg5[%get3A_748, %get3A_749, %get3A_750] {strides = array<i32>} : memref<2x16x128xf32, #tpu.memory_space<vmem>>, vector<16xf32>,
      tpu.vector_store_idx %arg6[%broadcast_in_dim3A, %add3A_187, %add3A_741], %get3A_751 : memref<2x16x136xf32, #tpu.memory_space<vmem>>[vector<16xi32>, vector<16xi32>, vector<16xi32>], vector<16xf32>,
      %get3A_752 = arith.constant 12 : i32
      %get3A_753 = arith.index_cast %rem3A_103 : i32 to index
      %get3A_754 = arith.index_cast %get3A_752 : i32 to index
      %get3A_755 = arith.constant 32 : index
      %get3A_756 = tpu.vector_load %arg5[%get3A_753, %get3A_754, %get3A_755] {strides = array<i32>} : memref<2x16x128xf32, #tpu.memory_space<vmem>>, vector<16xf32>,
      tpu.vector_store_idx %arg6[%broadcast_in_dim3A, %add3A_193, %add3A_741], %get3A_756 : memref<2x16x136xf32, #tpu.memory_space<vmem>>[vector<16xi32>, vector<16xi32>, vector<16xi32>], vector<16xf32>,
      %get3A_757 = arith.constant 12 : i32
      %get3A_758 = arith.index_cast %rem3A_103 : i32 to index
      %get3A_759 = arith.index_cast %get3A_757 : i32 to index
      %get3A_760 = arith.constant 48 : index
      %get3A_761 = tpu.vector_load %arg5[%get3A_758, %get3A_759, %get3A_760] {strides = array<i32>} : memref<2x16x128xf32, #tpu.memory_space<vmem>>, vector<16xf32>,
      tpu.vector_store_idx %arg6[%broadcast_in_dim3A, %add3A_199, %add3A_741], %get3A_761 : memref<2x16x136xf32, #tpu.memory_space<vmem>>[vector<16xi32>, vector<16xi32>, vector<16xi32>], vector<16xf32>,
      %get3A_762 = arith.constant 12 : i32
      %get3A_763 = arith.index_cast %rem3A_103 : i32 to index
      %get3A_764 = arith.index_cast %get3A_762 : i32 to index
      %get3A_765 = arith.constant 64 : index
      %get3A_766 = tpu.vector_load %arg5[%get3A_763, %get3A_764, %get3A_765] {strides = array<i32>} : memref<2x16x128xf32, #tpu.memory_space<vmem>>, vector<16xf32>,
      tpu.vector_store_idx %arg6[%broadcast_in_dim3A, %add3A_205, %add3A_741], %get3A_766 : memref<2x16x136xf32, #tpu.memory_space<vmem>>[vector<16xi32>, vector<16xi32>, vector<16xi32>], vector<16xf32>,
      %get3A_767 = arith.constant 12 : i32
      %get3A_768 = arith.index_cast %rem3A_103 : i32 to index
      %get3A_769 = arith.index_cast %get3A_767 : i32 to index
      %get3A_770 = arith.constant 80 : index
      %get3A_771 = tpu.vector_load %arg5[%get3A_768, %get3A_769, %get3A_770] {strides = array<i32>} : memref<2x16x128xf32, #tpu.memory_space<vmem>>, vector<16xf32>,
      tpu.vector_store_idx %arg6[%broadcast_in_dim3A, %add3A_211, %add3A_741], %get3A_771 : memref<2x16x136xf32, #tpu.memory_space<vmem>>[vector<16xi32>, vector<16xi32>, vector<16xi32>], vector<16xf32>,
      %get3A_772 = arith.constant 12 : i32
      %get3A_773 = arith.index_cast %rem3A_103 : i32 to index
      %get3A_774 = arith.index_cast %get3A_772 : i32 to index
      %get3A_775 = arith.constant 96 : index
      %get3A_776 = tpu.vector_load %arg5[%get3A_773, %get3A_774, %get3A_775] {strides = array<i32>} : memref<2x16x128xf32, #tpu.memory_space<vmem>>, vector<16xf32>,
      tpu.vector_store_idx %arg6[%broadcast_in_dim3A, %add3A_217, %add3A_741], %get3A_776 : memref<2x16x136xf32, #tpu.memory_space<vmem>>[vector<16xi32>, vector<16xi32>, vector<16xi32>], vector<16xf32>,
      %get3A_777 = arith.constant 12 : i32
      %get3A_778 = arith.index_cast %rem3A_103 : i32 to index
      %get3A_779 = arith.index_cast %get3A_777 : i32 to index
      %get3A_780 = arith.constant 112 : index
      %get3A_781 = tpu.vector_load %arg5[%get3A_778, %get3A_779, %get3A_780] {strides = array<i32>} : memref<2x16x128xf32, #tpu.memory_space<vmem>>, vector<16xf32>,
      tpu.vector_store_idx %arg6[%broadcast_in_dim3A, %add3A_223, %add3A_741], %get3A_781 : memref<2x16x136xf32, #tpu.memory_space<vmem>>[vector<16xi32>, vector<16xi32>, vector<16xi32>], vector<16xf32>,
      %add3A_782 = arith.constant 104 : i32
      %add3A_783 = vector.broadcast %add3A_782 : i32 to vector<16xi32>
      %add3A_784 = arith.addi %and3A_176, %add3A_783 : vector<16xi32>
      %get3A_785 = arith.constant 13 : i32
      %get3A_786 = arith.index_cast %rem3A_103 : i32 to index
      %get3A_787 = arith.index_cast %get3A_785 : i32 to index
      %get3A_788 = arith.constant 0 : index
      %get3A_789 = tpu.vector_load %arg5[%get3A_786, %get3A_787, %get3A_788] {strides = array<i32>} : memref<2x16x128xf32, #tpu.memory_space<vmem>>, vector<16xf32>,
      tpu.vector_store_idx %arg6[%broadcast_in_dim3A, %add3A_181, %add3A_784], %get3A_789 : memref<2x16x136xf32, #tpu.memory_space<vmem>>[vector<16xi32>, vector<16xi32>, vector<16xi32>], vector<16xf32>,
      %get3A_790 = arith.constant 13 : i32
      %get3A_791 = arith.index_cast %rem3A_103 : i32 to index
      %get3A_792 = arith.index_cast %get3A_790 : i32 to index
      %get3A_793 = arith.constant 16 : index
      %get3A_794 = tpu.vector_load %arg5[%get3A_791, %get3A_792, %get3A_793] {strides = array<i32>} : memref<2x16x128xf32, #tpu.memory_space<vmem>>, vector<16xf32>,
      tpu.vector_store_idx %arg6[%broadcast_in_dim3A, %add3A_187, %add3A_784], %get3A_794 : memref<2x16x136xf32, #tpu.memory_space<vmem>>[vector<16xi32>, vector<16xi32>, vector<16xi32>], vector<16xf32>,
      %get3A_795 = arith.constant 13 : i32
      %get3A_796 = arith.index_cast %rem3A_103 : i32 to index
      %get3A_797 = arith.index_cast %get3A_795 : i32 to index
      %get3A_798 = arith.constant 32 : index
      %get3A_799 = tpu.vector_load %arg5[%get3A_796, %get3A_797, %get3A_798] {strides = array<i32>} : memref<2x16x128xf32, #tpu.memory_space<vmem>>, vector<16xf32>,
      tpu.vector_store_idx %arg6[%broadcast_in_dim3A, %add3A_193, %add3A_784], %get3A_799 : memref<2x16x136xf32, #tpu.memory_space<vmem>>[vector<16xi32>, vector<16xi32>, vector<16xi32>], vector<16xf32>,
      %get3A_800 = arith.constant 13 : i32
      %get3A_801 = arith.index_cast %rem3A_103 : i32 to index
      %get3A_802 = arith.index_cast %get3A_800 : i32 to index
      %get3A_803 = arith.constant 48 : index
      %get3A_804 = tpu.vector_load %arg5[%get3A_801, %get3A_802, %get3A_803] {strides = array<i32>} : memref<2x16x128xf32, #tpu.memory_space<vmem>>, vector<16xf32>,
      tpu.vector_store_idx %arg6[%broadcast_in_dim3A, %add3A_199, %add3A_784], %get3A_804 : memref<2x16x136xf32, #tpu.memory_space<vmem>>[vector<16xi32>, vector<16xi32>, vector<16xi32>], vector<16xf32>,
      %get3A_805 = arith.constant 13 : i32
      %get3A_806 = arith.index_cast %rem3A_103 : i32 to index
      %get3A_807 = arith.index_cast %get3A_805 : i32 to index
      %get3A_808 = arith.constant 64 : index
      %get3A_809 = tpu.vector_load %arg5[%get3A_806, %get3A_807, %get3A_808] {strides = array<i32>} : memref<2x16x128xf32, #tpu.memory_space<vmem>>, vector<16xf32>,
      tpu.vector_store_idx %arg6[%broadcast_in_dim3A, %add3A_205, %add3A_784], %get3A_809 : memref<2x16x136xf32, #tpu.memory_space<vmem>>[vector<16xi32>, vector<16xi32>, vector<16xi32>], vector<16xf32>,
      %get3A_810 = arith.constant 13 : i32
      %get3A_811 = arith.index_cast %rem3A_103 : i32 to index
      %get3A_812 = arith.index_cast %get3A_810 : i32 to index
      %get3A_813 = arith.constant 80 : index
      %get3A_814 = tpu.vector_load %arg5[%get3A_811, %get3A_812, %get3A_813] {strides = array<i32>} : memref<2x16x128xf32, #tpu.memory_space<vmem>>, vector<16xf32>,
      tpu.vector_store_idx %arg6[%broadcast_in_dim3A, %add3A_211, %add3A_784], %get3A_814 : memref<2x16x136xf32, #tpu.memory_space<vmem>>[vector<16xi32>, vector<16xi32>, vector<16xi32>], vector<16xf32>,
      %get3A_815 = arith.constant 13 : i32
      %get3A_816 = arith.index_cast %rem3A_103 : i32 to index
      %get3A_817 = arith.index_cast %get3A_815 : i32 to index
      %get3A_818 = arith.constant 96 : index
      %get3A_819 = tpu.vector_load %arg5[%get3A_816, %get3A_817, %get3A_818] {strides = array<i32>} : memref<2x16x128xf32, #tpu.memory_space<vmem>>, vector<16xf32>,
      tpu.vector_store_idx %arg6[%broadcast_in_dim3A, %add3A_217, %add3A_784], %get3A_819 : memref<2x16x136xf32, #tpu.memory_space<vmem>>[vector<16xi32>, vector<16xi32>, vector<16xi32>], vector<16xf32>,
      %get3A_820 = arith.constant 13 : i32
      %get3A_821 = arith.index_cast %rem3A_103 : i32 to index
      %get3A_822 = arith.index_cast %get3A_820 : i32 to index
      %get3A_823 = arith.constant 112 : index
      %get3A_824 = tpu.vector_load %arg5[%get3A_821, %get3A_822, %get3A_823] {strides = array<i32>} : memref<2x16x128xf32, #tpu.memory_space<vmem>>, vector<16xf32>,
      tpu.vector_store_idx %arg6[%broadcast_in_dim3A, %add3A_223, %add3A_784], %get3A_824 : memref<2x16x136xf32, #tpu.memory_space<vmem>>[vector<16xi32>, vector<16xi32>, vector<16xi32>], vector<16xf32>,
      %add3A_825 = arith.constant 112 : i32
      %add3A_826 = vector.broadcast %add3A_825 : i32 to vector<16xi32>
      %add3A_827 = arith.addi %and3A_176, %add3A_826 : vector<16xi32>
      %get3A_828 = arith.constant 14 : i32
      %get3A_829 = arith.index_cast %rem3A_103 : i32 to index
      %get3A_830 = arith.index_cast %get3A_828 : i32 to index
      %get3A_831 = arith.constant 0 : index
      %get3A_832 = tpu.vector_load %arg5[%get3A_829, %get3A_830, %get3A_831] {strides = array<i32>} : memref<2x16x128xf32, #tpu.memory_space<vmem>>, vector<16xf32>,
      tpu.vector_store_idx %arg6[%broadcast_in_dim3A, %add3A_181, %add3A_827], %get3A_832 : memref<2x16x136xf32, #tpu.memory_space<vmem>>[vector<16xi32>, vector<16xi32>, vector<16xi32>], vector<16xf32>,
      %get3A_833 = arith.constant 14 : i32
      %get3A_834 = arith.index_cast %rem3A_103 : i32 to index
      %get3A_835 = arith.index_cast %get3A_833 : i32 to index
      %get3A_836 = arith.constant 16 : index
      %get3A_837 = tpu.vector_load %arg5[%get3A_834, %get3A_835, %get3A_836] {strides = array<i32>} : memref<2x16x128xf32, #tpu.memory_space<vmem>>, vector<16xf32>,
      tpu.vector_store_idx %arg6[%broadcast_in_dim3A, %add3A_187, %add3A_827], %get3A_837 : memref<2x16x136xf32, #tpu.memory_space<vmem>>[vector<16xi32>, vector<16xi32>, vector<16xi32>], vector<16xf32>,
      %get3A_838 = arith.constant 14 : i32
      %get3A_839 = arith.index_cast %rem3A_103 : i32 to index
      %get3A_840 = arith.index_cast %get3A_838 : i32 to index
      %get3A_841 = arith.constant 32 : index
      %get3A_842 = tpu.vector_load %arg5[%get3A_839, %get3A_840, %get3A_841] {strides = array<i32>} : memref<2x16x128xf32, #tpu.memory_space<vmem>>, vector<16xf32>,
      tpu.vector_store_idx %arg6[%broadcast_in_dim3A, %add3A_193, %add3A_827], %get3A_842 : memref<2x16x136xf32, #tpu.memory_space<vmem>>[vector<16xi32>, vector<16xi32>, vector<16xi32>], vector<16xf32>,
      %get3A_843 = arith.constant 14 : i32
      %get3A_844 = arith.index_cast %rem3A_103 : i32 to index
      %get3A_845 = arith.index_cast %get3A_843 : i32 to index
      %get3A_846 = arith.constant 48 : index
      %get3A_847 = tpu.vector_load %arg5[%get3A_844, %get3A_845, %get3A_846] {strides = array<i32>} : memref<2x16x128xf32, #tpu.memory_space<vmem>>, vector<16xf32>,
      tpu.vector_store_idx %arg6[%broadcast_in_dim3A, %add3A_199, %add3A_827], %get3A_847 : memref<2x16x136xf32, #tpu.memory_space<vmem>>[vector<16xi32>, vector<16xi32>, vector<16xi32>], vector<16xf32>,
      %get3A_848 = arith.constant 14 : i32
      %get3A_849 = arith.index_cast %rem3A_103 : i32 to index
      %get3A_850 = arith.index_cast %get3A_848 : i32 to index
      %get3A_851 = arith.constant 64 : index
      %get3A_852 = tpu.vector_load %arg5[%get3A_849, %get3A_850, %get3A_851] {strides = array<i32>} : memref<2x16x128xf32, #tpu.memory_space<vmem>>, vector<16xf32>,
      tpu.vector_store_idx %arg6[%broadcast_in_dim3A, %add3A_205, %add3A_827], %get3A_852 : memref<2x16x136xf32, #tpu.memory_space<vmem>>[vector<16xi32>, vector<16xi32>, vector<16xi32>], vector<16xf32>,
      %get3A_853 = arith.constant 14 : i32
      %get3A_854 = arith.index_cast %rem3A_103 : i32 to index
      %get3A_855 = arith.index_cast %get3A_853 : i32 to index
      %get3A_856 = arith.constant 80 : index
      %get3A_857 = tpu.vector_load %arg5[%get3A_854, %get3A_855, %get3A_856] {strides = array<i32>} : memref<2x16x128xf32, #tpu.memory_space<vmem>>, vector<16xf32>,
      tpu.vector_store_idx %arg6[%broadcast_in_dim3A, %add3A_211, %add3A_827], %get3A_857 : memref<2x16x136xf32, #tpu.memory_space<vmem>>[vector<16xi32>, vector<16xi32>, vector<16xi32>], vector<16xf32>,
      %get3A_858 = arith.constant 14 : i32
      %get3A_859 = arith.index_cast %rem3A_103 : i32 to index
      %get3A_860 = arith.index_cast %get3A_858 : i32 to index
      %get3A_861 = arith.constant 96 : index
      %get3A_862 = tpu.vector_load %arg5[%get3A_859, %get3A_860, %get3A_861] {strides = array<i32>} : memref<2x16x128xf32, #tpu.memory_space<vmem>>, vector<16xf32>,
      tpu.vector_store_idx %arg6[%broadcast_in_dim3A, %add3A_217, %add3A_827], %get3A_862 : memref<2x16x136xf32, #tpu.memory_space<vmem>>[vector<16xi32>, vector<16xi32>, vector<16xi32>], vector<16xf32>,
      %get3A_863 = arith.constant 14 : i32
      %get3A_864 = arith.index_cast %rem3A_103 : i32 to index
      %get3A_865 = arith.index_cast %get3A_863 : i32 to index
      %get3A_866 = arith.constant 112 : index
      %get3A_867 = tpu.vector_load %arg5[%get3A_864, %get3A_865, %get3A_866] {strides = array<i32>} : memref<2x16x128xf32, #tpu.memory_space<vmem>>, vector<16xf32>,
      tpu.vector_store_idx %arg6[%broadcast_in_dim3A, %add3A_223, %add3A_827], %get3A_867 : memref<2x16x136xf32, #tpu.memory_space<vmem>>[vector<16xi32>, vector<16xi32>, vector<16xi32>], vector<16xf32>,
      %add3A_868 = arith.constant 120 : i32
      %add3A_869 = vector.broadcast %add3A_868 : i32 to vector<16xi32>
      %add3A_870 = arith.addi %and3A_176, %add3A_869 : vector<16xi32>
      %get3A_871 = arith.constant 15 : i32
      %get3A_872 = arith.index_cast %rem3A_103 : i32 to index
      %get3A_873 = arith.index_cast %get3A_871 : i32 to index
      %get3A_874 = arith.constant 0 : index
      %get3A_875 = tpu.vector_load %arg5[%get3A_872, %get3A_873, %get3A_874] {strides = array<i32>} : memref<2x16x128xf32, #tpu.memory_space<vmem>>, vector<16xf32>,
      tpu.vector_store_idx %arg6[%broadcast_in_dim3A, %add3A_181, %add3A_870], %get3A_875 : memref<2x16x136xf32, #tpu.memory_space<vmem>>[vector<16xi32>, vector<16xi32>, vector<16xi32>], vector<16xf32>,
      %get3A_876 = arith.constant 15 : i32
      %get3A_877 = arith.index_cast %rem3A_103 : i32 to index
      %get3A_878 = arith.index_cast %get3A_876 : i32 to index
      %get3A_879 = arith.constant 16 : index
      %get3A_880 = tpu.vector_load %arg5[%get3A_877, %get3A_878, %get3A_879] {strides = array<i32>} : memref<2x16x128xf32, #tpu.memory_space<vmem>>, vector<16xf32>,
      tpu.vector_store_idx %arg6[%broadcast_in_dim3A, %add3A_187, %add3A_870], %get3A_880 : memref<2x16x136xf32, #tpu.memory_space<vmem>>[vector<16xi32>, vector<16xi32>, vector<16xi32>], vector<16xf32>,
      %get3A_881 = arith.constant 15 : i32
      %get3A_882 = arith.index_cast %rem3A_103 : i32 to index
      %get3A_883 = arith.index_cast %get3A_881 : i32 to index
      %get3A_884 = arith.constant 32 : index
      %get3A_885 = tpu.vector_load %arg5[%get3A_882, %get3A_883, %get3A_884] {strides = array<i32>} : memref<2x16x128xf32, #tpu.memory_space<vmem>>, vector<16xf32>,
      tpu.vector_store_idx %arg6[%broadcast_in_dim3A, %add3A_193, %add3A_870], %get3A_885 : memref<2x16x136xf32, #tpu.memory_space<vmem>>[vector<16xi32>, vector<16xi32>, vector<16xi32>], vector<16xf32>,
      %get3A_886 = arith.constant 15 : i32
      %get3A_887 = arith.index_cast %rem3A_103 : i32 to index
      %get3A_888 = arith.index_cast %get3A_886 : i32 to index
      %get3A_889 = arith.constant 48 : index
      %get3A_890 = tpu.vector_load %arg5[%get3A_887, %get3A_888, %get3A_889] {strides = array<i32>} : memref<2x16x128xf32, #tpu.memory_space<vmem>>, vector<16xf32>,
      tpu.vector_store_idx %arg6[%broadcast_in_dim3A, %add3A_199, %add3A_870], %get3A_890 : memref<2x16x136xf32, #tpu.memory_space<vmem>>[vector<16xi32>, vector<16xi32>, vector<16xi32>], vector<16xf32>,
      %get3A_891 = arith.constant 15 : i32
      %get3A_892 = arith.index_cast %rem3A_103 : i32 to index
      %get3A_893 = arith.index_cast %get3A_891 : i32 to index
      %get3A_894 = arith.constant 64 : index
      %get3A_895 = tpu.vector_load %arg5[%get3A_892, %get3A_893, %get3A_894] {strides = array<i32>} : memref<2x16x128xf32, #tpu.memory_space<vmem>>, vector<16xf32>,
      tpu.vector_store_idx %arg6[%broadcast_in_dim3A, %add3A_205, %add3A_870], %get3A_895 : memref<2x16x136xf32, #tpu.memory_space<vmem>>[vector<16xi32>, vector<16xi32>, vector<16xi32>], vector<16xf32>,
      %get3A_896 = arith.constant 15 : i32
      %get3A_897 = arith.index_cast %rem3A_103 : i32 to index
      %get3A_898 = arith.index_cast %get3A_896 : i32 to index
      %get3A_899 = arith.constant 80 : index
      %get3A_900 = tpu.vector_load %arg5[%get3A_897, %get3A_898, %get3A_899] {strides = array<i32>} : memref<2x16x128xf32, #tpu.memory_space<vmem>>, vector<16xf32>,
      tpu.vector_store_idx %arg6[%broadcast_in_dim3A, %add3A_211, %add3A_870], %get3A_900 : memref<2x16x136xf32, #tpu.memory_space<vmem>>[vector<16xi32>, vector<16xi32>, vector<16xi32>], vector<16xf32>,
      %get3A_901 = arith.constant 15 : i32
      %get3A_902 = arith.index_cast %rem3A_103 : i32 to index
      %get3A_903 = arith.index_cast %get3A_901 : i32 to index
      %get3A_904 = arith.constant 96 : index
      %get3A_905 = tpu.vector_load %arg5[%get3A_902, %get3A_903, %get3A_904] {strides = array<i32>} : memref<2x16x128xf32, #tpu.memory_space<vmem>>, vector<16xf32>,
      tpu.vector_store_idx %arg6[%broadcast_in_dim3A, %add3A_217, %add3A_870], %get3A_905 : memref<2x16x136xf32, #tpu.memory_space<vmem>>[vector<16xi32>, vector<16xi32>, vector<16xi32>], vector<16xf32>,
      %get3A_906 = arith.constant 15 : i32
      %get3A_907 = arith.index_cast %rem3A_103 : i32 to index
      %get3A_908 = arith.index_cast %get3A_906 : i32 to index
      %get3A_909 = arith.constant 112 : index
      %get3A_910 = tpu.vector_load %arg5[%get3A_907, %get3A_908, %get3A_909] {strides = array<i32>} : memref<2x16x128xf32, #tpu.memory_space<vmem>>, vector<16xf32>,
      tpu.vector_store_idx %arg6[%broadcast_in_dim3A, %add3A_223, %add3A_870], %get3A_910 : memref<2x16x136xf32, #tpu.memory_space<vmem>>[vector<16xi32>, vector<16xi32>, vector<16xi32>], vector<16xf32>,
      %mul3A_911 = arith.constant 16 : i32
      %mul3A_912 = arith.muli %select_n3A_146, %mul3A_911 : i32
      %dma_start3A_913 = arith.constant 0 : i32
      %dma_start3A_914 = arith.constant 0 : i32
      %dma_start3A_915 = tpu.memref_slice %arg6[%rem3A_103, %dma_start3A_913, %dma_start3A_914] : memref<2x16x136xf32, #tpu.memory_space<vmem>> -> memref<1x16x128xf32, #tpu.memory_space<vmem>>
      %dma_start3A_916 = tpu.memref_squeeze %dma_start3A_915 : memref<1x16x128xf32, #tpu.memory_space<vmem>> -> memref<16x128xf32, #tpu.memory_space<vmem>>
      %dma_start3A_917 = arith.constant 0 : i32
      %dma_start3A_918 = tpu.memref_slice %arg4[%select_n3A_130, %mul3A_912, %dma_start3A_917] : memref<26x12500x128xf32, #tpu.memory_space<hbm>> -> memref<1x16x128xf32, #tpu.memory_space<hbm>>
      %dma_start3A_919 = tpu.memref_squeeze %dma_start3A_918 : memref<1x16x128xf32, #tpu.memory_space<hbm>> -> memref<16x128xf32, #tpu.memory_space<hbm>>
      %dma_start3A_920 = arith.constant 0 : i32
      %dma_start3A_921 = tpu.memref_slice %arg4[%select_n3A_130, %mul3A_912, %dma_start3A_920] : memref<26x12500x128xf32, #tpu.memory_space<hbm>> -> memref<1x16x128xf32, #tpu.memory_space<hbm>>
      %dma_start3A_922 = tpu.memref_squeeze %dma_start3A_921 : memref<1x16x128xf32, #tpu.memory_space<hbm>> -> memref<16x128xf32, #tpu.memory_space<hbm>>
      %dma_start3A_923 = arith.constant 0 : i32
      %dma_start3A_924 = arith.constant 0 : i32
      %dma_start3A_925 = tpu.memref_slice %arg6[%rem3A_103, %dma_start3A_923, %dma_start3A_924] : memref<2x16x136xf32, #tpu.memory_space<vmem>> -> memref<1x16x128xf32, #tpu.memory_space<vmem>>
      %dma_start3A_926 = tpu.memref_squeeze %dma_start3A_925 : memref<1x16x128xf32, #tpu.memory_space<vmem>> -> memref<16x128xf32, #tpu.memory_space<vmem>>
      tpu.enqueue_dma source(%dma_start3A_926 : memref<16x128xf32, #tpu.memory_space<vmem>>) target(%dma_start3A_922 : memref<16x128xf32, #tpu.memory_space<hbm>>) target_semaphore(%arg8 : memref<!tpu.dma_semaphore, #tpu.memory_space<semaphore_mem>>)
      %while3A_927 = arith.constant 0 : i32
      scf.yield %while3A_927 : i32
    }
    %while3A_86 = arith.constant 1 : i32
    %while3A_87 = scf.for %while3A_100 = %while3A_83 to %while3A_79 step %while3A_86 iter_args(%while3A_101 = %while3A_85) -> (i32)  : i32 {
      %rem3A_102 = arith.constant 2 : i32
      %rem3A_103 = arith.remsi %while3A_100, %rem3A_102 : i32
      %mul3A_104 = arith.constant 32 : i32
      %mul3A_105 = arith.muli %while3A_100, %mul3A_104 : i32
      %add3A_106 = arith.addi %add3A, %mul3A_105 : i32
      %jit3A_107 = arith.constant 781 : i32
      %div3A_108 = arith.divsi %add3A_106, %jit3A_107 : i32
      %sign3A_109 = arith.constant 0 : i32
      %sign3A_110 = arith.cmpi sgt, %add3A_106, %sign3A_109 : i32
      %sign3A_111 = arith.extui %sign3A_110 : i1 to i32
      %sign3A_112 = arith.constant 0 : i32
      %sign3A_113 = arith.cmpi slt, %add3A_106, %sign3A_112 : i32
      %sign3A_114 = arith.extui %sign3A_113 : i1 to i32
      %sign3A_115 = arith.subi %sign3A_111, %sign3A_114 : i32
      %sign3A_116 = arith.constant 0 : i32
      %sign3A_117 = arith.cmpi sgt, %jit3A_107, %sign3A_116 : i32
      %sign3A_118 = arith.extui %sign3A_117 : i1 to i32
      %sign3A_119 = arith.constant 0 : i32
      %sign3A_120 = arith.cmpi slt, %jit3A_107, %sign3A_119 : i32
      %sign3A_121 = arith.extui %sign3A_120 : i1 to i32
      %sign3A_122 = arith.subi %sign3A_118, %sign3A_121 : i32
      %ne3A_123 = arith.cmpi ne, %sign3A_115, %sign3A_122 : i32
      %rem3A_124 = arith.remsi %add3A_106, %jit3A_107 : i32
      %ne3A_125 = arith.constant 0 : i32
      %ne3A_126 = arith.cmpi ne, %rem3A_124, %ne3A_125 : i32
      %and3A_127 = arith.andi %ne3A_123, %ne3A_126 : i1
      %sub3A_128 = arith.constant 1 : i32
      %sub3A_129 = arith.subi %div3A_108, %sub3A_128 : i32
      %select_n3A_130 = arith.select %and3A_127, %sub3A_129, %div3A_108 : i32
      %jit3A_131 = arith.constant 781 : i32
      %eq3A_132 = arith.constant 0 : i32
      %eq3A_133 = arith.cmpi eq, %jit3A_131, %eq3A_132 : i32
      %jit3A_134 = arith.constant 1 : i32
      %select_n3A_135 = arith.select %eq3A_133, %jit3A_134, %jit3A_131 : i32
      %rem3A_136 = arith.remsi %add3A_106, %select_n3A_135 : i32
      %ne3A_137 = arith.constant 0 : i32
      %ne3A_138 = arith.cmpi ne, %rem3A_136, %ne3A_137 : i32
      %lt3A_139 = arith.constant 0 : i32
      %lt3A_140 = arith.cmpi slt, %rem3A_136, %lt3A_139 : i32
      %lt3A_141 = arith.constant 0 : i32
      %lt3A_142 = arith.cmpi slt, %select_n3A_135, %lt3A_141 : i32
      %ne3A_143 = arith.xori %lt3A_140, %lt3A_142 : i1
      %and3A_144 = arith.andi %ne3A_143, %ne3A_138 : i1
      %add3A_145 = arith.addi %rem3A_136, %select_n3A_135 : i32
      %select_n3A_146 = arith.select %and3A_144, %add3A_145, %rem3A_136 : i32
      %dma_wait3A = arith.constant 0 : i32
      %dma_wait3A_147 = arith.constant 0 : i32
      %dma_wait3A_148 = arith.constant 0 : i32
      %dma_wait3A_149 = tpu.memref_slice %arg5[%rem3A_103, %dma_wait3A_147, %dma_wait3A_148] : memref<2x16x128xf32, #tpu.memory_space<vmem>> -> memref<1x16x128xf32, #tpu.memory_space<vmem>>
      %dma_wait3A_150 = tpu.memref_squeeze %dma_wait3A_149 : memref<1x16x128xf32, #tpu.memory_space<vmem>> -> memref<16x128xf32, #tpu.memory_space<vmem>>
      %dma_wait3A_151 = arith.constant 0 : i32
      %dma_wait3A_152 = arith.constant 0 : i32
      %dma_wait3A_153 = tpu.memref_slice %arg2[%dma_wait3A, %dma_wait3A_151, %dma_wait3A_152] : memref<26x16x100000xf32, #tpu.memory_space<hbm>> -> memref<1x16x128xf32, #tpu.memory_space<hbm>>
      %dma_wait3A_154 = tpu.memref_squeeze %dma_wait3A_153 : memref<1x16x128xf32, #tpu.memory_space<hbm>> -> memref<16x128xf32, #tpu.memory_space<hbm>>
      %dma_wait3A_155 = arith.constant 0 : i32
      %dma_wait3A_156 = arith.constant 0 : i32
      %dma_wait3A_157 = tpu.memref_slice %arg5[%rem3A_103, %dma_wait3A_155, %dma_wait3A_156] : memref<2x16x128xf32, #tpu.memory_space<vmem>> -> memref<1x16x128xf32, #tpu.memory_space<vmem>>
      %dma_wait3A_158 = tpu.memref_squeeze %dma_wait3A_157 : memref<1x16x128xf32, #tpu.memory_space<vmem>> -> memref<16x128xf32, #tpu.memory_space<vmem>>
      %dma_wait3A_159 = arith.constant 0 : i32
      %dma_wait3A_160 = arith.constant 0 : i32
      %dma_wait3A_161 = tpu.memref_slice %arg2[%dma_wait3A, %dma_wait3A_159, %dma_wait3A_160] : memref<26x16x100000xf32, #tpu.memory_space<hbm>> -> memref<1x16x128xf32, #tpu.memory_space<hbm>>
      %dma_wait3A_162 = tpu.memref_squeeze %dma_wait3A_161 : memref<1x16x128xf32, #tpu.memory_space<hbm>> -> memref<16x128xf32, #tpu.memory_space<hbm>>
      tpu.wait_dma2 semaphore(%arg7 : memref<!tpu.dma_semaphore, #tpu.memory_space<semaphore_mem>>) src(%dma_wait3A_162 : memref<16x128xf32, #tpu.memory_space<hbm>>) dst(%dma_wait3A_158 : memref<16x128xf32, #tpu.memory_space<vmem>>)
      %add3A_163 = arith.constant 1 : i32
      %add3A_164 = arith.addi %while3A_100, %add3A_163 : i32
      %lt3A_165 = arith.cmpi slt, %add3A_164, %add3A_20 : i32
      %convert_element_type3A_166 = arith.extui %lt3A_165 : i1 to i32
      %cond3A_167 = arith.constant 0 : i32
      %cond3A_168 = arith.cmpi ne, %convert_element_type3A_166, %cond3A_167 : i32
      scf.if %cond3A_168 {
        %add3A_928 = arith.constant 1 : i32
        %add3A_929 = arith.addi %while3A_100, %add3A_928 : i32
        %sub3A_930 = arith.constant 1 : i32
        %sub3A_931 = arith.subi %sub3A_930, %rem3A_103 : i32
        %mul3A_932 = arith.constant 32 : i32
        %mul3A_933 = arith.muli %add3A_929, %mul3A_932 : i32
        %add3A_934 = arith.addi %add3A, %mul3A_933 : i32
        %jit3A_935 = arith.constant 781 : i32
        %div3A_936 = arith.divsi %add3A_934, %jit3A_935 : i32
        %sign3A_937 = arith.constant 0 : i32
        %sign3A_938 = arith.cmpi sgt, %add3A_934, %sign3A_937 : i32
        %sign3A_939 = arith.extui %sign3A_938 : i1 to i32
        %sign3A_940 = arith.constant 0 : i32
        %sign3A_941 = arith.cmpi slt, %add3A_934, %sign3A_940 : i32
        %sign3A_942 = arith.extui %sign3A_941 : i1 to i32
        %sign3A_943 = arith.subi %sign3A_939, %sign3A_942 : i32
        %sign3A_944 = arith.constant 0 : i32
        %sign3A_945 = arith.cmpi sgt, %jit3A_935, %sign3A_944 : i32
        %sign3A_946 = arith.extui %sign3A_945 : i1 to i32
        %sign3A_947 = arith.constant 0 : i32
        %sign3A_948 = arith.cmpi slt, %jit3A_935, %sign3A_947 : i32
        %sign3A_949 = arith.extui %sign3A_948 : i1 to i32
        %sign3A_950 = arith.subi %sign3A_946, %sign3A_949 : i32
        %ne3A_951 = arith.cmpi ne, %sign3A_943, %sign3A_950 : i32
        %rem3A_952 = arith.remsi %add3A_934, %jit3A_935 : i32
        %ne3A_953 = arith.constant 0 : i32
        %ne3A_954 = arith.cmpi ne, %rem3A_952, %ne3A_953 : i32
        %and3A_955 = arith.andi %ne3A_951, %ne3A_954 : i1
        %sub3A_956 = arith.constant 1 : i32
        %sub3A_957 = arith.subi %div3A_936, %sub3A_956 : i32
        %select_n3A_958 = arith.select %and3A_955, %sub3A_957, %div3A_936 : i32
        %jit3A_959 = arith.constant 781 : i32
        %eq3A_960 = arith.constant 0 : i32
        %eq3A_961 = arith.cmpi eq, %jit3A_959, %eq3A_960 : i32
        %jit3A_962 = arith.constant 1 : i32
        %select_n3A_963 = arith.select %eq3A_961, %jit3A_962, %jit3A_959 : i32
        %rem3A_964 = arith.remsi %add3A_934, %select_n3A_963 : i32
        %ne3A_965 = arith.constant 0 : i32
        %ne3A_966 = arith.cmpi ne, %rem3A_964, %ne3A_965 : i32
        %lt3A_967 = arith.constant 0 : i32
        %lt3A_968 = arith.cmpi slt, %rem3A_964, %lt3A_967 : i32
        %lt3A_969 = arith.constant 0 : i32
        %lt3A_970 = arith.cmpi slt, %select_n3A_963, %lt3A_969 : i32
        %ne3A_971 = arith.xori %lt3A_968, %lt3A_970 : i1
        %and3A_972 = arith.andi %ne3A_971, %ne3A_966 : i1
        %add3A_973 = arith.addi %rem3A_964, %select_n3A_963 : i32
        %select_n3A_974 = arith.select %and3A_972, %add3A_973, %rem3A_964 : i32
        %mul3A_975 = arith.constant 128 : i32
        %mul3A_976 = arith.muli %select_n3A_974, %mul3A_975 : i32
        %dma_start3A_977 = arith.constant 0 : i32
        %dma_start3A_978 = arith.constant 0 : i32
        %dma_start3A_979 = tpu.memref_slice %arg5[%sub3A_931, %dma_start3A_977, %dma_start3A_978] : memref<2x16x128xf32, #tpu.memory_space<vmem>> -> memref<1x16x128xf32, #tpu.memory_space<vmem>>
        %dma_start3A_980 = tpu.memref_squeeze %dma_start3A_979 : memref<1x16x128xf32, #tpu.memory_space<vmem>> -> memref<16x128xf32, #tpu.memory_space<vmem>>
        %dma_start3A_981 = arith.constant 0 : i32
        %dma_start3A_982 = tpu.memref_slice %arg2[%select_n3A_958, %dma_start3A_981, %mul3A_976] : memref<26x16x100000xf32, #tpu.memory_space<hbm>> -> memref<1x16x128xf32, #tpu.memory_space<hbm>>
        %dma_start3A_983 = tpu.memref_squeeze %dma_start3A_982 : memref<1x16x128xf32, #tpu.memory_space<hbm>> -> memref<16x128xf32, #tpu.memory_space<hbm>>
        %dma_start3A_984 = arith.constant 0 : i32
        %dma_start3A_985 = arith.constant 0 : i32
        %dma_start3A_986 = tpu.memref_slice %arg5[%sub3A_931, %dma_start3A_984, %dma_start3A_985] : memref<2x16x128xf32, #tpu.memory_space<vmem>> -> memref<1x16x128xf32, #tpu.memory_space<vmem>>
        %dma_start3A_987 = tpu.memref_squeeze %dma_start3A_986 : memref<1x16x128xf32, #tpu.memory_space<vmem>> -> memref<16x128xf32, #tpu.memory_space<vmem>>
        %dma_start3A_988 = arith.constant 0 : i32
        %dma_start3A_989 = tpu.memref_slice %arg2[%select_n3A_958, %dma_start3A_988, %mul3A_976] : memref<26x16x100000xf32, #tpu.memory_space<hbm>> -> memref<1x16x128xf32, #tpu.memory_space<hbm>>
        %dma_start3A_990 = tpu.memref_squeeze %dma_start3A_989 : memref<1x16x128xf32, #tpu.memory_space<hbm>> -> memref<16x128xf32, #tpu.memory_space<hbm>>
        tpu.enqueue_dma source(%dma_start3A_990 : memref<16x128xf32, #tpu.memory_space<hbm>>) target(%dma_start3A_987 : memref<16x128xf32, #tpu.memory_space<vmem>>) target_semaphore(%arg7 : memref<!tpu.dma_semaphore, #tpu.memory_space<semaphore_mem>>)
      } else {
      }
      %ge3A_169 = arith.constant 2 : i32
      %ge3A_170 = arith.cmpi sge, %while3A_100, %ge3A_169 : i32
      %convert_element_type3A_171 = arith.extui %ge3A_170 : i1 to i32
      %cond3A_172 = arith.constant 0 : i32
      %cond3A_173 = arith.cmpi ne, %convert_element_type3A_171, %cond3A_172 : i32
      scf.if %cond3A_173 {
        %dma_wait3A_928 = arith.constant 0 : i32
        %dma_wait3A_929 = arith.constant 0 : i32
        %dma_wait3A_930 = arith.constant 0 : i32
        %dma_wait3A_931 = tpu.memref_slice %arg6[%rem3A_103, %dma_wait3A_929, %dma_wait3A_930] : memref<2x16x136xf32, #tpu.memory_space<vmem>> -> memref<1x16x128xf32, #tpu.memory_space<vmem>>
        %dma_wait3A_932 = tpu.memref_squeeze %dma_wait3A_931 : memref<1x16x128xf32, #tpu.memory_space<vmem>> -> memref<16x128xf32, #tpu.memory_space<vmem>>
        %dma_wait3A_933 = arith.constant 0 : i32
        %dma_wait3A_934 = arith.constant 0 : i32
        %dma_wait3A_935 = tpu.memref_slice %arg4[%dma_wait3A_928, %dma_wait3A_933, %dma_wait3A_934] : memref<26x12500x128xf32, #tpu.memory_space<hbm>> -> memref<1x16x128xf32, #tpu.memory_space<hbm>>
        %dma_wait3A_936 = tpu.memref_squeeze %dma_wait3A_935 : memref<1x16x128xf32, #tpu.memory_space<hbm>> -> memref<16x128xf32, #tpu.memory_space<hbm>>
        %dma_wait3A_937 = arith.constant 0 : i32
        %dma_wait3A_938 = arith.constant 0 : i32
        %dma_wait3A_939 = tpu.memref_slice %arg4[%dma_wait3A_928, %dma_wait3A_937, %dma_wait3A_938] : memref<26x12500x128xf32, #tpu.memory_space<hbm>> -> memref<1x16x128xf32, #tpu.memory_space<hbm>>
        %dma_wait3A_940 = tpu.memref_squeeze %dma_wait3A_939 : memref<1x16x128xf32, #tpu.memory_space<hbm>> -> memref<16x128xf32, #tpu.memory_space<hbm>>
        %dma_wait3A_941 = arith.constant 0 : i32
        %dma_wait3A_942 = arith.constant 0 : i32
        %dma_wait3A_943 = tpu.memref_slice %arg6[%rem3A_103, %dma_wait3A_941, %dma_wait3A_942] : memref<2x16x136xf32, #tpu.memory_space<vmem>> -> memref<1x16x128xf32, #tpu.memory_space<vmem>>
        %dma_wait3A_944 = tpu.memref_squeeze %dma_wait3A_943 : memref<1x16x128xf32, #tpu.memory_space<vmem>> -> memref<16x128xf32, #tpu.memory_space<vmem>>
        tpu.wait_dma2 semaphore(%arg8 : memref<!tpu.dma_semaphore, #tpu.memory_space<semaphore_mem>>) src(%dma_wait3A_944 : memref<16x128xf32, #tpu.memory_space<vmem>>) dst(%dma_wait3A_940 : memref<16x128xf32, #tpu.memory_space<hbm>>)
      } else {
      }
      %broadcast_in_dim3A = vector.broadcast %rem3A_103 : i32 to vector<16xi32>
      %and3A_174 = arith.constant 7 : i32
      %and3A_175 = vector.broadcast %and3A_174 : i32 to vector<16xi32>
      %and3A_176 = arith.andi %iota3A, %and3A_175 : vector<16xi32>
      %shift_right_arithmetic3A = arith.constant 3 : i32
      %shift_right_arithmetic3A_177 = vector.broadcast %shift_right_arithmetic3A : i32 to vector<16xi32>
      %shift_right_arithmetic3A_178 = arith.shrsi %iota3A, %shift_right_arithmetic3A_177 : vector<16xi32>
      %add3A_179 = arith.constant 0 : i32
      %add3A_180 = vector.broadcast %add3A_179 : i32 to vector<16xi32>
      %add3A_181 = arith.addi %shift_right_arithmetic3A_178, %add3A_180 : vector<16xi32>
      %shift_right_arithmetic3A_182 = arith.constant 3 : i32
      %shift_right_arithmetic3A_183 = vector.broadcast %shift_right_arithmetic3A_182 : i32 to vector<16xi32>
      %shift_right_arithmetic3A_184 = arith.shrsi %iota3A, %shift_right_arithmetic3A_183 : vector<16xi32>
      %add3A_185 = arith.constant 2 : i32
      %add3A_186 = vector.broadcast %add3A_185 : i32 to vector<16xi32>
      %add3A_187 = arith.addi %shift_right_arithmetic3A_184, %add3A_186 : vector<16xi32>
      %shift_right_arithmetic3A_188 = arith.constant 3 : i32
      %shift_right_arithmetic3A_189 = vector.broadcast %shift_right_arithmetic3A_188 : i32 to vector<16xi32>
      %shift_right_arithmetic3A_190 = arith.shrsi %iota3A, %shift_right_arithmetic3A_189 : vector<16xi32>
      %add3A_191 = arith.constant 4 : i32
      %add3A_192 = vector.broadcast %add3A_191 : i32 to vector<16xi32>
      %add3A_193 = arith.addi %shift_right_arithmetic3A_190, %add3A_192 : vector<16xi32>
      %shift_right_arithmetic3A_194 = arith.constant 3 : i32
      %shift_right_arithmetic3A_195 = vector.broadcast %shift_right_arithmetic3A_194 : i32 to vector<16xi32>
      %shift_right_arithmetic3A_196 = arith.shrsi %iota3A, %shift_right_arithmetic3A_195 : vector<16xi32>
      %add3A_197 = arith.constant 6 : i32
      %add3A_198 = vector.broadcast %add3A_197 : i32 to vector<16xi32>
      %add3A_199 = arith.addi %shift_right_arithmetic3A_196, %add3A_198 : vector<16xi32>
      %shift_right_arithmetic3A_200 = arith.constant 3 : i32
      %shift_right_arithmetic3A_201 = vector.broadcast %shift_right_arithmetic3A_200 : i32 to vector<16xi32>
      %shift_right_arithmetic3A_202 = arith.shrsi %iota3A, %shift_right_arithmetic3A_201 : vector<16xi32>
      %add3A_203 = arith.constant 8 : i32
      %add3A_204 = vector.broadcast %add3A_203 : i32 to vector<16xi32>
      %add3A_205 = arith.addi %shift_right_arithmetic3A_202, %add3A_204 : vector<16xi32>
      %shift_right_arithmetic3A_206 = arith.constant 3 : i32
      %shift_right_arithmetic3A_207 = vector.broadcast %shift_right_arithmetic3A_206 : i32 to vector<16xi32>
      %shift_right_arithmetic3A_208 = arith.shrsi %iota3A, %shift_right_arithmetic3A_207 : vector<16xi32>
      %add3A_209 = arith.constant 10 : i32
      %add3A_210 = vector.broadcast %add3A_209 : i32 to vector<16xi32>
      %add3A_211 = arith.addi %shift_right_arithmetic3A_208, %add3A_210 : vector<16xi32>
      %shift_right_arithmetic3A_212 = arith.constant 3 : i32
      %shift_right_arithmetic3A_213 = vector.broadcast %shift_right_arithmetic3A_212 : i32 to vector<16xi32>
      %shift_right_arithmetic3A_214 = arith.shrsi %iota3A, %shift_right_arithmetic3A_213 : vector<16xi32>
      %add3A_215 = arith.constant 12 : i32
      %add3A_216 = vector.broadcast %add3A_215 : i32 to vector<16xi32>
      %add3A_217 = arith.addi %shift_right_arithmetic3A_214, %add3A_216 : vector<16xi32>
      %shift_right_arithmetic3A_218 = arith.constant 3 : i32
      %shift_right_arithmetic3A_219 = vector.broadcast %shift_right_arithmetic3A_218 : i32 to vector<16xi32>
      %shift_right_arithmetic3A_220 = arith.shrsi %iota3A, %shift_right_arithmetic3A_219 : vector<16xi32>
      %add3A_221 = arith.constant 14 : i32
      %add3A_222 = vector.broadcast %add3A_221 : i32 to vector<16xi32>
      %add3A_223 = arith.addi %shift_right_arithmetic3A_220, %add3A_222 : vector<16xi32>
      %add3A_224 = arith.constant 0 : i32
      %add3A_225 = vector.broadcast %add3A_224 : i32 to vector<16xi32>
      %add3A_226 = arith.addi %and3A_176, %add3A_225 : vector<16xi32>
      %get3A = arith.constant 0 : i32
      %get3A_227 = arith.index_cast %rem3A_103 : i32 to index
      %get3A_228 = arith.index_cast %get3A : i32 to index
      %get3A_229 = arith.constant 0 : index
      %get3A_230 = tpu.vector_load %arg5[%get3A_227, %get3A_228, %get3A_229] {strides = array<i32>} : memref<2x16x128xf32, #tpu.memory_space<vmem>>, vector<16xf32>,
      tpu.vector_store_idx %arg6[%broadcast_in_dim3A, %add3A_181, %add3A_226], %get3A_230 : memref<2x16x136xf32, #tpu.memory_space<vmem>>[vector<16xi32>, vector<16xi32>, vector<16xi32>], vector<16xf32>,
      %get3A_231 = arith.constant 0 : i32
      %get3A_232 = arith.index_cast %rem3A_103 : i32 to index
      %get3A_233 = arith.index_cast %get3A_231 : i32 to index
      %get3A_234 = arith.constant 16 : index
      %get3A_235 = tpu.vector_load %arg5[%get3A_232, %get3A_233, %get3A_234] {strides = array<i32>} : memref<2x16x128xf32, #tpu.memory_space<vmem>>, vector<16xf32>,
      tpu.vector_store_idx %arg6[%broadcast_in_dim3A, %add3A_187, %add3A_226], %get3A_235 : memref<2x16x136xf32, #tpu.memory_space<vmem>>[vector<16xi32>, vector<16xi32>, vector<16xi32>], vector<16xf32>,
      %get3A_236 = arith.constant 0 : i32
      %get3A_237 = arith.index_cast %rem3A_103 : i32 to index
      %get3A_238 = arith.index_cast %get3A_236 : i32 to index
      %get3A_239 = arith.constant 32 : index
      %get3A_240 = tpu.vector_load %arg5[%get3A_237, %get3A_238, %get3A_239] {strides = array<i32>} : memref<2x16x128xf32, #tpu.memory_space<vmem>>, vector<16xf32>,
      tpu.vector_store_idx %arg6[%broadcast_in_dim3A, %add3A_193, %add3A_226], %get3A_240 : memref<2x16x136xf32, #tpu.memory_space<vmem>>[vector<16xi32>, vector<16xi32>, vector<16xi32>], vector<16xf32>,
      %get3A_241 = arith.constant 0 : i32
      %get3A_242 = arith.index_cast %rem3A_103 : i32 to index
      %get3A_243 = arith.index_cast %get3A_241 : i32 to index
      %get3A_244 = arith.constant 48 : index
      %get3A_245 = tpu.vector_load %arg5[%get3A_242, %get3A_243, %get3A_244] {strides = array<i32>} : memref<2x16x128xf32, #tpu.memory_space<vmem>>, vector<16xf32>,
      tpu.vector_store_idx %arg6[%broadcast_in_dim3A, %add3A_199, %add3A_226], %get3A_245 : memref<2x16x136xf32, #tpu.memory_space<vmem>>[vector<16xi32>, vector<16xi32>, vector<16xi32>], vector<16xf32>,
      %get3A_246 = arith.constant 0 : i32
      %get3A_247 = arith.index_cast %rem3A_103 : i32 to index
      %get3A_248 = arith.index_cast %get3A_246 : i32 to index
      %get3A_249 = arith.constant 64 : index
      %get3A_250 = tpu.vector_load %arg5[%get3A_247, %get3A_248, %get3A_249] {strides = array<i32>} : memref<2x16x128xf32, #tpu.memory_space<vmem>>, vector<16xf32>,
      tpu.vector_store_idx %arg6[%broadcast_in_dim3A, %add3A_205, %add3A_226], %get3A_250 : memref<2x16x136xf32, #tpu.memory_space<vmem>>[vector<16xi32>, vector<16xi32>, vector<16xi32>], vector<16xf32>,
      %get3A_251 = arith.constant 0 : i32
      %get3A_252 = arith.index_cast %rem3A_103 : i32 to index
      %get3A_253 = arith.index_cast %get3A_251 : i32 to index
      %get3A_254 = arith.constant 80 : index
      %get3A_255 = tpu.vector_load %arg5[%get3A_252, %get3A_253, %get3A_254] {strides = array<i32>} : memref<2x16x128xf32, #tpu.memory_space<vmem>>, vector<16xf32>,
      tpu.vector_store_idx %arg6[%broadcast_in_dim3A, %add3A_211, %add3A_226], %get3A_255 : memref<2x16x136xf32, #tpu.memory_space<vmem>>[vector<16xi32>, vector<16xi32>, vector<16xi32>], vector<16xf32>,
      %get3A_256 = arith.constant 0 : i32
      %get3A_257 = arith.index_cast %rem3A_103 : i32 to index
      %get3A_258 = arith.index_cast %get3A_256 : i32 to index
      %get3A_259 = arith.constant 96 : index
      %get3A_260 = tpu.vector_load %arg5[%get3A_257, %get3A_258, %get3A_259] {strides = array<i32>} : memref<2x16x128xf32, #tpu.memory_space<vmem>>, vector<16xf32>,
      tpu.vector_store_idx %arg6[%broadcast_in_dim3A, %add3A_217, %add3A_226], %get3A_260 : memref<2x16x136xf32, #tpu.memory_space<vmem>>[vector<16xi32>, vector<16xi32>, vector<16xi32>], vector<16xf32>,
      %get3A_261 = arith.constant 0 : i32
      %get3A_262 = arith.index_cast %rem3A_103 : i32 to index
      %get3A_263 = arith.index_cast %get3A_261 : i32 to index
      %get3A_264 = arith.constant 112 : index
      %get3A_265 = tpu.vector_load %arg5[%get3A_262, %get3A_263, %get3A_264] {strides = array<i32>} : memref<2x16x128xf32, #tpu.memory_space<vmem>>, vector<16xf32>,
      tpu.vector_store_idx %arg6[%broadcast_in_dim3A, %add3A_223, %add3A_226], %get3A_265 : memref<2x16x136xf32, #tpu.memory_space<vmem>>[vector<16xi32>, vector<16xi32>, vector<16xi32>], vector<16xf32>,
      %add3A_266 = arith.constant 8 : i32
      %add3A_267 = vector.broadcast %add3A_266 : i32 to vector<16xi32>
      %add3A_268 = arith.addi %and3A_176, %add3A_267 : vector<16xi32>
      %get3A_269 = arith.constant 1 : i32
      %get3A_270 = arith.index_cast %rem3A_103 : i32 to index
      %get3A_271 = arith.index_cast %get3A_269 : i32 to index
      %get3A_272 = arith.constant 0 : index
      %get3A_273 = tpu.vector_load %arg5[%get3A_270, %get3A_271, %get3A_272] {strides = array<i32>} : memref<2x16x128xf32, #tpu.memory_space<vmem>>, vector<16xf32>,
      tpu.vector_store_idx %arg6[%broadcast_in_dim3A, %add3A_181, %add3A_268], %get3A_273 : memref<2x16x136xf32, #tpu.memory_space<vmem>>[vector<16xi32>, vector<16xi32>, vector<16xi32>], vector<16xf32>,
      %get3A_274 = arith.constant 1 : i32
      %get3A_275 = arith.index_cast %rem3A_103 : i32 to index
      %get3A_276 = arith.index_cast %get3A_274 : i32 to index
      %get3A_277 = arith.constant 16 : index
      %get3A_278 = tpu.vector_load %arg5[%get3A_275, %get3A_276, %get3A_277] {strides = array<i32>} : memref<2x16x128xf32, #tpu.memory_space<vmem>>, vector<16xf32>,
      tpu.vector_store_idx %arg6[%broadcast_in_dim3A, %add3A_187, %add3A_268], %get3A_278 : memref<2x16x136xf32, #tpu.memory_space<vmem>>[vector<16xi32>, vector<16xi32>, vector<16xi32>], vector<16xf32>,
      %get3A_279 = arith.constant 1 : i32
      %get3A_280 = arith.index_cast %rem3A_103 : i32 to index
      %get3A_281 = arith.index_cast %get3A_279 : i32 to index
      %get3A_282 = arith.constant 32 : index
      %get3A_283 = tpu.vector_load %arg5[%get3A_280, %get3A_281, %get3A_282] {strides = array<i32>} : memref<2x16x128xf32, #tpu.memory_space<vmem>>, vector<16xf32>,
      tpu.vector_store_idx %arg6[%broadcast_in_dim3A, %add3A_193, %add3A_268], %get3A_283 : memref<2x16x136xf32, #tpu.memory_space<vmem>>[vector<16xi32>, vector<16xi32>, vector<16xi32>], vector<16xf32>,
      %get3A_284 = arith.constant 1 : i32
      %get3A_285 = arith.index_cast %rem3A_103 : i32 to index
      %get3A_286 = arith.index_cast %get3A_284 : i32 to index
      %get3A_287 = arith.constant 48 : index
      %get3A_288 = tpu.vector_load %arg5[%get3A_285, %get3A_286, %get3A_287] {strides = array<i32>} : memref<2x16x128xf32, #tpu.memory_space<vmem>>, vector<16xf32>,
      tpu.vector_store_idx %arg6[%broadcast_in_dim3A, %add3A_199, %add3A_268], %get3A_288 : memref<2x16x136xf32, #tpu.memory_space<vmem>>[vector<16xi32>, vector<16xi32>, vector<16xi32>], vector<16xf32>,
      %get3A_289 = arith.constant 1 : i32
      %get3A_290 = arith.index_cast %rem3A_103 : i32 to index
      %get3A_291 = arith.index_cast %get3A_289 : i32 to index
      %get3A_292 = arith.constant 64 : index
      %get3A_293 = tpu.vector_load %arg5[%get3A_290, %get3A_291, %get3A_292] {strides = array<i32>} : memref<2x16x128xf32, #tpu.memory_space<vmem>>, vector<16xf32>,
      tpu.vector_store_idx %arg6[%broadcast_in_dim3A, %add3A_205, %add3A_268], %get3A_293 : memref<2x16x136xf32, #tpu.memory_space<vmem>>[vector<16xi32>, vector<16xi32>, vector<16xi32>], vector<16xf32>,
      %get3A_294 = arith.constant 1 : i32
      %get3A_295 = arith.index_cast %rem3A_103 : i32 to index
      %get3A_296 = arith.index_cast %get3A_294 : i32 to index
      %get3A_297 = arith.constant 80 : index
      %get3A_298 = tpu.vector_load %arg5[%get3A_295, %get3A_296, %get3A_297] {strides = array<i32>} : memref<2x16x128xf32, #tpu.memory_space<vmem>>, vector<16xf32>,
      tpu.vector_store_idx %arg6[%broadcast_in_dim3A, %add3A_211, %add3A_268], %get3A_298 : memref<2x16x136xf32, #tpu.memory_space<vmem>>[vector<16xi32>, vector<16xi32>, vector<16xi32>], vector<16xf32>,
      %get3A_299 = arith.constant 1 : i32
      %get3A_300 = arith.index_cast %rem3A_103 : i32 to index
      %get3A_301 = arith.index_cast %get3A_299 : i32 to index
      %get3A_302 = arith.constant 96 : index
      %get3A_303 = tpu.vector_load %arg5[%get3A_300, %get3A_301, %get3A_302] {strides = array<i32>} : memref<2x16x128xf32, #tpu.memory_space<vmem>>, vector<16xf32>,
      tpu.vector_store_idx %arg6[%broadcast_in_dim3A, %add3A_217, %add3A_268], %get3A_303 : memref<2x16x136xf32, #tpu.memory_space<vmem>>[vector<16xi32>, vector<16xi32>, vector<16xi32>], vector<16xf32>,
      %get3A_304 = arith.constant 1 : i32
      %get3A_305 = arith.index_cast %rem3A_103 : i32 to index
      %get3A_306 = arith.index_cast %get3A_304 : i32 to index
      %get3A_307 = arith.constant 112 : index
      %get3A_308 = tpu.vector_load %arg5[%get3A_305, %get3A_306, %get3A_307] {strides = array<i32>} : memref<2x16x128xf32, #tpu.memory_space<vmem>>, vector<16xf32>,
      tpu.vector_store_idx %arg6[%broadcast_in_dim3A, %add3A_223, %add3A_268], %get3A_308 : memref<2x16x136xf32, #tpu.memory_space<vmem>>[vector<16xi32>, vector<16xi32>, vector<16xi32>], vector<16xf32>,
      %add3A_309 = arith.constant 16 : i32
      %add3A_310 = vector.broadcast %add3A_309 : i32 to vector<16xi32>
      %add3A_311 = arith.addi %and3A_176, %add3A_310 : vector<16xi32>
      %get3A_312 = arith.constant 2 : i32
      %get3A_313 = arith.index_cast %rem3A_103 : i32 to index
      %get3A_314 = arith.index_cast %get3A_312 : i32 to index
      %get3A_315 = arith.constant 0 : index
      %get3A_316 = tpu.vector_load %arg5[%get3A_313, %get3A_314, %get3A_315] {strides = array<i32>} : memref<2x16x128xf32, #tpu.memory_space<vmem>>, vector<16xf32>,
      tpu.vector_store_idx %arg6[%broadcast_in_dim3A, %add3A_181, %add3A_311], %get3A_316 : memref<2x16x136xf32, #tpu.memory_space<vmem>>[vector<16xi32>, vector<16xi32>, vector<16xi32>], vector<16xf32>,
      %get3A_317 = arith.constant 2 : i32
      %get3A_318 = arith.index_cast %rem3A_103 : i32 to index
      %get3A_319 = arith.index_cast %get3A_317 : i32 to index
      %get3A_320 = arith.constant 16 : index
      %get3A_321 = tpu.vector_load %arg5[%get3A_318, %get3A_319, %get3A_320] {strides = array<i32>} : memref<2x16x128xf32, #tpu.memory_space<vmem>>, vector<16xf32>,
      tpu.vector_store_idx %arg6[%broadcast_in_dim3A, %add3A_187, %add3A_311], %get3A_321 : memref<2x16x136xf32, #tpu.memory_space<vmem>>[vector<16xi32>, vector<16xi32>, vector<16xi32>], vector<16xf32>,
      %get3A_322 = arith.constant 2 : i32
      %get3A_323 = arith.index_cast %rem3A_103 : i32 to index
      %get3A_324 = arith.index_cast %get3A_322 : i32 to index
      %get3A_325 = arith.constant 32 : index
      %get3A_326 = tpu.vector_load %arg5[%get3A_323, %get3A_324, %get3A_325] {strides = array<i32>} : memref<2x16x128xf32, #tpu.memory_space<vmem>>, vector<16xf32>,
      tpu.vector_store_idx %arg6[%broadcast_in_dim3A, %add3A_193, %add3A_311], %get3A_326 : memref<2x16x136xf32, #tpu.memory_space<vmem>>[vector<16xi32>, vector<16xi32>, vector<16xi32>], vector<16xf32>,
      %get3A_327 = arith.constant 2 : i32
      %get3A_328 = arith.index_cast %rem3A_103 : i32 to index
      %get3A_329 = arith.index_cast %get3A_327 : i32 to index
      %get3A_330 = arith.constant 48 : index
      %get3A_331 = tpu.vector_load %arg5[%get3A_328, %get3A_329, %get3A_330] {strides = array<i32>} : memref<2x16x128xf32, #tpu.memory_space<vmem>>, vector<16xf32>,
      tpu.vector_store_idx %arg6[%broadcast_in_dim3A, %add3A_199, %add3A_311], %get3A_331 : memref<2x16x136xf32, #tpu.memory_space<vmem>>[vector<16xi32>, vector<16xi32>, vector<16xi32>], vector<16xf32>,
      %get3A_332 = arith.constant 2 : i32
      %get3A_333 = arith.index_cast %rem3A_103 : i32 to index
      %get3A_334 = arith.index_cast %get3A_332 : i32 to index
      %get3A_335 = arith.constant 64 : index
      %get3A_336 = tpu.vector_load %arg5[%get3A_333, %get3A_334, %get3A_335] {strides = array<i32>} : memref<2x16x128xf32, #tpu.memory_space<vmem>>, vector<16xf32>,
      tpu.vector_store_idx %arg6[%broadcast_in_dim3A, %add3A_205, %add3A_311], %get3A_336 : memref<2x16x136xf32, #tpu.memory_space<vmem>>[vector<16xi32>, vector<16xi32>, vector<16xi32>], vector<16xf32>,
      %get3A_337 = arith.constant 2 : i32
      %get3A_338 = arith.index_cast %rem3A_103 : i32 to index
      %get3A_339 = arith.index_cast %get3A_337 : i32 to index
      %get3A_340 = arith.constant 80 : index
      %get3A_341 = tpu.vector_load %arg5[%get3A_338, %get3A_339, %get3A_340] {strides = array<i32>} : memref<2x16x128xf32, #tpu.memory_space<vmem>>, vector<16xf32>,
      tpu.vector_store_idx %arg6[%broadcast_in_dim3A, %add3A_211, %add3A_311], %get3A_341 : memref<2x16x136xf32, #tpu.memory_space<vmem>>[vector<16xi32>, vector<16xi32>, vector<16xi32>], vector<16xf32>,
      %get3A_342 = arith.constant 2 : i32
      %get3A_343 = arith.index_cast %rem3A_103 : i32 to index
      %get3A_344 = arith.index_cast %get3A_342 : i32 to index
      %get3A_345 = arith.constant 96 : index
      %get3A_346 = tpu.vector_load %arg5[%get3A_343, %get3A_344, %get3A_345] {strides = array<i32>} : memref<2x16x128xf32, #tpu.memory_space<vmem>>, vector<16xf32>,
      tpu.vector_store_idx %arg6[%broadcast_in_dim3A, %add3A_217, %add3A_311], %get3A_346 : memref<2x16x136xf32, #tpu.memory_space<vmem>>[vector<16xi32>, vector<16xi32>, vector<16xi32>], vector<16xf32>,
      %get3A_347 = arith.constant 2 : i32
      %get3A_348 = arith.index_cast %rem3A_103 : i32 to index
      %get3A_349 = arith.index_cast %get3A_347 : i32 to index
      %get3A_350 = arith.constant 112 : index
      %get3A_351 = tpu.vector_load %arg5[%get3A_348, %get3A_349, %get3A_350] {strides = array<i32>} : memref<2x16x128xf32, #tpu.memory_space<vmem>>, vector<16xf32>,
      tpu.vector_store_idx %arg6[%broadcast_in_dim3A, %add3A_223, %add3A_311], %get3A_351 : memref<2x16x136xf32, #tpu.memory_space<vmem>>[vector<16xi32>, vector<16xi32>, vector<16xi32>], vector<16xf32>,
      %add3A_352 = arith.constant 24 : i32
      %add3A_353 = vector.broadcast %add3A_352 : i32 to vector<16xi32>
      %add3A_354 = arith.addi %and3A_176, %add3A_353 : vector<16xi32>
      %get3A_355 = arith.constant 3 : i32
      %get3A_356 = arith.index_cast %rem3A_103 : i32 to index
      %get3A_357 = arith.index_cast %get3A_355 : i32 to index
      %get3A_358 = arith.constant 0 : index
      %get3A_359 = tpu.vector_load %arg5[%get3A_356, %get3A_357, %get3A_358] {strides = array<i32>} : memref<2x16x128xf32, #tpu.memory_space<vmem>>, vector<16xf32>,
      tpu.vector_store_idx %arg6[%broadcast_in_dim3A, %add3A_181, %add3A_354], %get3A_359 : memref<2x16x136xf32, #tpu.memory_space<vmem>>[vector<16xi32>, vector<16xi32>, vector<16xi32>], vector<16xf32>,
      %get3A_360 = arith.constant 3 : i32
      %get3A_361 = arith.index_cast %rem3A_103 : i32 to index
      %get3A_362 = arith.index_cast %get3A_360 : i32 to index
      %get3A_363 = arith.constant 16 : index
      %get3A_364 = tpu.vector_load %arg5[%get3A_361, %get3A_362, %get3A_363] {strides = array<i32>} : memref<2x16x128xf32, #tpu.memory_space<vmem>>, vector<16xf32>,
      tpu.vector_store_idx %arg6[%broadcast_in_dim3A, %add3A_187, %add3A_354], %get3A_364 : memref<2x16x136xf32, #tpu.memory_space<vmem>>[vector<16xi32>, vector<16xi32>, vector<16xi32>], vector<16xf32>,
      %get3A_365 = arith.constant 3 : i32
      %get3A_366 = arith.index_cast %rem3A_103 : i32 to index
      %get3A_367 = arith.index_cast %get3A_365 : i32 to index
      %get3A_368 = arith.constant 32 : index
      %get3A_369 = tpu.vector_load %arg5[%get3A_366, %get3A_367, %get3A_368] {strides = array<i32>} : memref<2x16x128xf32, #tpu.memory_space<vmem>>, vector<16xf32>,
      tpu.vector_store_idx %arg6[%broadcast_in_dim3A, %add3A_193, %add3A_354], %get3A_369 : memref<2x16x136xf32, #tpu.memory_space<vmem>>[vector<16xi32>, vector<16xi32>, vector<16xi32>], vector<16xf32>,
      %get3A_370 = arith.constant 3 : i32
      %get3A_371 = arith.index_cast %rem3A_103 : i32 to index
      %get3A_372 = arith.index_cast %get3A_370 : i32 to index
      %get3A_373 = arith.constant 48 : index
      %get3A_374 = tpu.vector_load %arg5[%get3A_371, %get3A_372, %get3A_373] {strides = array<i32>} : memref<2x16x128xf32, #tpu.memory_space<vmem>>, vector<16xf32>,
      tpu.vector_store_idx %arg6[%broadcast_in_dim3A, %add3A_199, %add3A_354], %get3A_374 : memref<2x16x136xf32, #tpu.memory_space<vmem>>[vector<16xi32>, vector<16xi32>, vector<16xi32>], vector<16xf32>,
      %get3A_375 = arith.constant 3 : i32
      %get3A_376 = arith.index_cast %rem3A_103 : i32 to index
      %get3A_377 = arith.index_cast %get3A_375 : i32 to index
      %get3A_378 = arith.constant 64 : index
      %get3A_379 = tpu.vector_load %arg5[%get3A_376, %get3A_377, %get3A_378] {strides = array<i32>} : memref<2x16x128xf32, #tpu.memory_space<vmem>>, vector<16xf32>,
      tpu.vector_store_idx %arg6[%broadcast_in_dim3A, %add3A_205, %add3A_354], %get3A_379 : memref<2x16x136xf32, #tpu.memory_space<vmem>>[vector<16xi32>, vector<16xi32>, vector<16xi32>], vector<16xf32>,
      %get3A_380 = arith.constant 3 : i32
      %get3A_381 = arith.index_cast %rem3A_103 : i32 to index
      %get3A_382 = arith.index_cast %get3A_380 : i32 to index
      %get3A_383 = arith.constant 80 : index
      %get3A_384 = tpu.vector_load %arg5[%get3A_381, %get3A_382, %get3A_383] {strides = array<i32>} : memref<2x16x128xf32, #tpu.memory_space<vmem>>, vector<16xf32>,
      tpu.vector_store_idx %arg6[%broadcast_in_dim3A, %add3A_211, %add3A_354], %get3A_384 : memref<2x16x136xf32, #tpu.memory_space<vmem>>[vector<16xi32>, vector<16xi32>, vector<16xi32>], vector<16xf32>,
      %get3A_385 = arith.constant 3 : i32
      %get3A_386 = arith.index_cast %rem3A_103 : i32 to index
      %get3A_387 = arith.index_cast %get3A_385 : i32 to index
      %get3A_388 = arith.constant 96 : index
      %get3A_389 = tpu.vector_load %arg5[%get3A_386, %get3A_387, %get3A_388] {strides = array<i32>} : memref<2x16x128xf32, #tpu.memory_space<vmem>>, vector<16xf32>,
      tpu.vector_store_idx %arg6[%broadcast_in_dim3A, %add3A_217, %add3A_354], %get3A_389 : memref<2x16x136xf32, #tpu.memory_space<vmem>>[vector<16xi32>, vector<16xi32>, vector<16xi32>], vector<16xf32>,
      %get3A_390 = arith.constant 3 : i32
      %get3A_391 = arith.index_cast %rem3A_103 : i32 to index
      %get3A_392 = arith.index_cast %get3A_390 : i32 to index
      %get3A_393 = arith.constant 112 : index
      %get3A_394 = tpu.vector_load %arg5[%get3A_391, %get3A_392, %get3A_393] {strides = array<i32>} : memref<2x16x128xf32, #tpu.memory_space<vmem>>, vector<16xf32>,
      tpu.vector_store_idx %arg6[%broadcast_in_dim3A, %add3A_223, %add3A_354], %get3A_394 : memref<2x16x136xf32, #tpu.memory_space<vmem>>[vector<16xi32>, vector<16xi32>, vector<16xi32>], vector<16xf32>,
      %add3A_395 = arith.constant 32 : i32
      %add3A_396 = vector.broadcast %add3A_395 : i32 to vector<16xi32>
      %add3A_397 = arith.addi %and3A_176, %add3A_396 : vector<16xi32>
      %get3A_398 = arith.constant 4 : i32
      %get3A_399 = arith.index_cast %rem3A_103 : i32 to index
      %get3A_400 = arith.index_cast %get3A_398 : i32 to index
      %get3A_401 = arith.constant 0 : index
      %get3A_402 = tpu.vector_load %arg5[%get3A_399, %get3A_400, %get3A_401] {strides = array<i32>} : memref<2x16x128xf32, #tpu.memory_space<vmem>>, vector<16xf32>,
      tpu.vector_store_idx %arg6[%broadcast_in_dim3A, %add3A_181, %add3A_397], %get3A_402 : memref<2x16x136xf32, #tpu.memory_space<vmem>>[vector<16xi32>, vector<16xi32>, vector<16xi32>], vector<16xf32>,
      %get3A_403 = arith.constant 4 : i32
      %get3A_404 = arith.index_cast %rem3A_103 : i32 to index
      %get3A_405 = arith.index_cast %get3A_403 : i32 to index
      %get3A_406 = arith.constant 16 : index
      %get3A_407 = tpu.vector_load %arg5[%get3A_404, %get3A_405, %get3A_406] {strides = array<i32>} : memref<2x16x128xf32, #tpu.memory_space<vmem>>, vector<16xf32>,
      tpu.vector_store_idx %arg6[%broadcast_in_dim3A, %add3A_187, %add3A_397], %get3A_407 : memref<2x16x136xf32, #tpu.memory_space<vmem>>[vector<16xi32>, vector<16xi32>, vector<16xi32>], vector<16xf32>,
      %get3A_408 = arith.constant 4 : i32
      %get3A_409 = arith.index_cast %rem3A_103 : i32 to index
      %get3A_410 = arith.index_cast %get3A_408 : i32 to index
      %get3A_411 = arith.constant 32 : index
      %get3A_412 = tpu.vector_load %arg5[%get3A_409, %get3A_410, %get3A_411] {strides = array<i32>} : memref<2x16x128xf32, #tpu.memory_space<vmem>>, vector<16xf32>,
      tpu.vector_store_idx %arg6[%broadcast_in_dim3A, %add3A_193, %add3A_397], %get3A_412 : memref<2x16x136xf32, #tpu.memory_space<vmem>>[vector<16xi32>, vector<16xi32>, vector<16xi32>], vector<16xf32>,
      %get3A_413 = arith.constant 4 : i32
      %get3A_414 = arith.index_cast %rem3A_103 : i32 to index
      %get3A_415 = arith.index_cast %get3A_413 : i32 to index
      %get3A_416 = arith.constant 48 : index
      %get3A_417 = tpu.vector_load %arg5[%get3A_414, %get3A_415, %get3A_416] {strides = array<i32>} : memref<2x16x128xf32, #tpu.memory_space<vmem>>, vector<16xf32>,
      tpu.vector_store_idx %arg6[%broadcast_in_dim3A, %add3A_199, %add3A_397], %get3A_417 : memref<2x16x136xf32, #tpu.memory_space<vmem>>[vector<16xi32>, vector<16xi32>, vector<16xi32>], vector<16xf32>,
      %get3A_418 = arith.constant 4 : i32
      %get3A_419 = arith.index_cast %rem3A_103 : i32 to index
      %get3A_420 = arith.index_cast %get3A_418 : i32 to index
      %get3A_421 = arith.constant 64 : index
      %get3A_422 = tpu.vector_load %arg5[%get3A_419, %get3A_420, %get3A_421] {strides = array<i32>} : memref<2x16x128xf32, #tpu.memory_space<vmem>>, vector<16xf32>,
      tpu.vector_store_idx %arg6[%broadcast_in_dim3A, %add3A_205, %add3A_397], %get3A_422 : memref<2x16x136xf32, #tpu.memory_space<vmem>>[vector<16xi32>, vector<16xi32>, vector<16xi32>], vector<16xf32>,
      %get3A_423 = arith.constant 4 : i32
      %get3A_424 = arith.index_cast %rem3A_103 : i32 to index
      %get3A_425 = arith.index_cast %get3A_423 : i32 to index
      %get3A_426 = arith.constant 80 : index
      %get3A_427 = tpu.vector_load %arg5[%get3A_424, %get3A_425, %get3A_426] {strides = array<i32>} : memref<2x16x128xf32, #tpu.memory_space<vmem>>, vector<16xf32>,
      tpu.vector_store_idx %arg6[%broadcast_in_dim3A, %add3A_211, %add3A_397], %get3A_427 : memref<2x16x136xf32, #tpu.memory_space<vmem>>[vector<16xi32>, vector<16xi32>, vector<16xi32>], vector<16xf32>,
      %get3A_428 = arith.constant 4 : i32
      %get3A_429 = arith.index_cast %rem3A_103 : i32 to index
      %get3A_430 = arith.index_cast %get3A_428 : i32 to index
      %get3A_431 = arith.constant 96 : index
      %get3A_432 = tpu.vector_load %arg5[%get3A_429, %get3A_430, %get3A_431] {strides = array<i32>} : memref<2x16x128xf32, #tpu.memory_space<vmem>>, vector<16xf32>,
      tpu.vector_store_idx %arg6[%broadcast_in_dim3A, %add3A_217, %add3A_397], %get3A_432 : memref<2x16x136xf32, #tpu.memory_space<vmem>>[vector<16xi32>, vector<16xi32>, vector<16xi32>], vector<16xf32>,
      %get3A_433 = arith.constant 4 : i32
      %get3A_434 = arith.index_cast %rem3A_103 : i32 to index
      %get3A_435 = arith.index_cast %get3A_433 : i32 to index
      %get3A_436 = arith.constant 112 : index
      %get3A_437 = tpu.vector_load %arg5[%get3A_434, %get3A_435, %get3A_436] {strides = array<i32>} : memref<2x16x128xf32, #tpu.memory_space<vmem>>, vector<16xf32>,
      tpu.vector_store_idx %arg6[%broadcast_in_dim3A, %add3A_223, %add3A_397], %get3A_437 : memref<2x16x136xf32, #tpu.memory_space<vmem>>[vector<16xi32>, vector<16xi32>, vector<16xi32>], vector<16xf32>,
      %add3A_438 = arith.constant 40 : i32
      %add3A_439 = vector.broadcast %add3A_438 : i32 to vector<16xi32>
      %add3A_440 = arith.addi %and3A_176, %add3A_439 : vector<16xi32>
      %get3A_441 = arith.constant 5 : i32
      %get3A_442 = arith.index_cast %rem3A_103 : i32 to index
      %get3A_443 = arith.index_cast %get3A_441 : i32 to index
      %get3A_444 = arith.constant 0 : index
      %get3A_445 = tpu.vector_load %arg5[%get3A_442, %get3A_443, %get3A_444] {strides = array<i32>} : memref<2x16x128xf32, #tpu.memory_space<vmem>>, vector<16xf32>,
      tpu.vector_store_idx %arg6[%broadcast_in_dim3A, %add3A_181, %add3A_440], %get3A_445 : memref<2x16x136xf32, #tpu.memory_space<vmem>>[vector<16xi32>, vector<16xi32>, vector<16xi32>], vector<16xf32>,
      %get3A_446 = arith.constant 5 : i32
      %get3A_447 = arith.index_cast %rem3A_103 : i32 to index
      %get3A_448 = arith.index_cast %get3A_446 : i32 to index
      %get3A_449 = arith.constant 16 : index
      %get3A_450 = tpu.vector_load %arg5[%get3A_447, %get3A_448, %get3A_449] {strides = array<i32>} : memref<2x16x128xf32, #tpu.memory_space<vmem>>, vector<16xf32>,
      tpu.vector_store_idx %arg6[%broadcast_in_dim3A, %add3A_187, %add3A_440], %get3A_450 : memref<2x16x136xf32, #tpu.memory_space<vmem>>[vector<16xi32>, vector<16xi32>, vector<16xi32>], vector<16xf32>,
      %get3A_451 = arith.constant 5 : i32
      %get3A_452 = arith.index_cast %rem3A_103 : i32 to index
      %get3A_453 = arith.index_cast %get3A_451 : i32 to index
      %get3A_454 = arith.constant 32 : index
      %get3A_455 = tpu.vector_load %arg5[%get3A_452, %get3A_453, %get3A_454] {strides = array<i32>} : memref<2x16x128xf32, #tpu.memory_space<vmem>>, vector<16xf32>,
      tpu.vector_store_idx %arg6[%broadcast_in_dim3A, %add3A_193, %add3A_440], %get3A_455 : memref<2x16x136xf32, #tpu.memory_space<vmem>>[vector<16xi32>, vector<16xi32>, vector<16xi32>], vector<16xf32>,
      %get3A_456 = arith.constant 5 : i32
      %get3A_457 = arith.index_cast %rem3A_103 : i32 to index
      %get3A_458 = arith.index_cast %get3A_456 : i32 to index
      %get3A_459 = arith.constant 48 : index
      %get3A_460 = tpu.vector_load %arg5[%get3A_457, %get3A_458, %get3A_459] {strides = array<i32>} : memref<2x16x128xf32, #tpu.memory_space<vmem>>, vector<16xf32>,
      tpu.vector_store_idx %arg6[%broadcast_in_dim3A, %add3A_199, %add3A_440], %get3A_460 : memref<2x16x136xf32, #tpu.memory_space<vmem>>[vector<16xi32>, vector<16xi32>, vector<16xi32>], vector<16xf32>,
      %get3A_461 = arith.constant 5 : i32
      %get3A_462 = arith.index_cast %rem3A_103 : i32 to index
      %get3A_463 = arith.index_cast %get3A_461 : i32 to index
      %get3A_464 = arith.constant 64 : index
      %get3A_465 = tpu.vector_load %arg5[%get3A_462, %get3A_463, %get3A_464] {strides = array<i32>} : memref<2x16x128xf32, #tpu.memory_space<vmem>>, vector<16xf32>,
      tpu.vector_store_idx %arg6[%broadcast_in_dim3A, %add3A_205, %add3A_440], %get3A_465 : memref<2x16x136xf32, #tpu.memory_space<vmem>>[vector<16xi32>, vector<16xi32>, vector<16xi32>], vector<16xf32>,
      %get3A_466 = arith.constant 5 : i32
      %get3A_467 = arith.index_cast %rem3A_103 : i32 to index
      %get3A_468 = arith.index_cast %get3A_466 : i32 to index
      %get3A_469 = arith.constant 80 : index
      %get3A_470 = tpu.vector_load %arg5[%get3A_467, %get3A_468, %get3A_469] {strides = array<i32>} : memref<2x16x128xf32, #tpu.memory_space<vmem>>, vector<16xf32>,
      tpu.vector_store_idx %arg6[%broadcast_in_dim3A, %add3A_211, %add3A_440], %get3A_470 : memref<2x16x136xf32, #tpu.memory_space<vmem>>[vector<16xi32>, vector<16xi32>, vector<16xi32>], vector<16xf32>,
      %get3A_471 = arith.constant 5 : i32
      %get3A_472 = arith.index_cast %rem3A_103 : i32 to index
      %get3A_473 = arith.index_cast %get3A_471 : i32 to index
      %get3A_474 = arith.constant 96 : index
      %get3A_475 = tpu.vector_load %arg5[%get3A_472, %get3A_473, %get3A_474] {strides = array<i32>} : memref<2x16x128xf32, #tpu.memory_space<vmem>>, vector<16xf32>,
      tpu.vector_store_idx %arg6[%broadcast_in_dim3A, %add3A_217, %add3A_440], %get3A_475 : memref<2x16x136xf32, #tpu.memory_space<vmem>>[vector<16xi32>, vector<16xi32>, vector<16xi32>], vector<16xf32>,
      %get3A_476 = arith.constant 5 : i32
      %get3A_477 = arith.index_cast %rem3A_103 : i32 to index
      %get3A_478 = arith.index_cast %get3A_476 : i32 to index
      %get3A_479 = arith.constant 112 : index
      %get3A_480 = tpu.vector_load %arg5[%get3A_477, %get3A_478, %get3A_479] {strides = array<i32>} : memref<2x16x128xf32, #tpu.memory_space<vmem>>, vector<16xf32>,
      tpu.vector_store_idx %arg6[%broadcast_in_dim3A, %add3A_223, %add3A_440], %get3A_480 : memref<2x16x136xf32, #tpu.memory_space<vmem>>[vector<16xi32>, vector<16xi32>, vector<16xi32>], vector<16xf32>,
      %add3A_481 = arith.constant 48 : i32
      %add3A_482 = vector.broadcast %add3A_481 : i32 to vector<16xi32>
      %add3A_483 = arith.addi %and3A_176, %add3A_482 : vector<16xi32>
      %get3A_484 = arith.constant 6 : i32
      %get3A_485 = arith.index_cast %rem3A_103 : i32 to index
      %get3A_486 = arith.index_cast %get3A_484 : i32 to index
      %get3A_487 = arith.constant 0 : index
      %get3A_488 = tpu.vector_load %arg5[%get3A_485, %get3A_486, %get3A_487] {strides = array<i32>} : memref<2x16x128xf32, #tpu.memory_space<vmem>>, vector<16xf32>,
      tpu.vector_store_idx %arg6[%broadcast_in_dim3A, %add3A_181, %add3A_483], %get3A_488 : memref<2x16x136xf32, #tpu.memory_space<vmem>>[vector<16xi32>, vector<16xi32>, vector<16xi32>], vector<16xf32>,
      %get3A_489 = arith.constant 6 : i32
      %get3A_490 = arith.index_cast %rem3A_103 : i32 to index
      %get3A_491 = arith.index_cast %get3A_489 : i32 to index
      %get3A_492 = arith.constant 16 : index
      %get3A_493 = tpu.vector_load %arg5[%get3A_490, %get3A_491, %get3A_492] {strides = array<i32>} : memref<2x16x128xf32, #tpu.memory_space<vmem>>, vector<16xf32>,
      tpu.vector_store_idx %arg6[%broadcast_in_dim3A, %add3A_187, %add3A_483], %get3A_493 : memref<2x16x136xf32, #tpu.memory_space<vmem>>[vector<16xi32>, vector<16xi32>, vector<16xi32>], vector<16xf32>,
      %get3A_494 = arith.constant 6 : i32
      %get3A_495 = arith.index_cast %rem3A_103 : i32 to index
      %get3A_496 = arith.index_cast %get3A_494 : i32 to index
      %get3A_497 = arith.constant 32 : index
      %get3A_498 = tpu.vector_load %arg5[%get3A_495, %get3A_496, %get3A_497] {strides = array<i32>} : memref<2x16x128xf32, #tpu.memory_space<vmem>>, vector<16xf32>,
      tpu.vector_store_idx %arg6[%broadcast_in_dim3A, %add3A_193, %add3A_483], %get3A_498 : memref<2x16x136xf32, #tpu.memory_space<vmem>>[vector<16xi32>, vector<16xi32>, vector<16xi32>], vector<16xf32>,
      %get3A_499 = arith.constant 6 : i32
      %get3A_500 = arith.index_cast %rem3A_103 : i32 to index
      %get3A_501 = arith.index_cast %get3A_499 : i32 to index
      %get3A_502 = arith.constant 48 : index
      %get3A_503 = tpu.vector_load %arg5[%get3A_500, %get3A_501, %get3A_502] {strides = array<i32>} : memref<2x16x128xf32, #tpu.memory_space<vmem>>, vector<16xf32>,
      tpu.vector_store_idx %arg6[%broadcast_in_dim3A, %add3A_199, %add3A_483], %get3A_503 : memref<2x16x136xf32, #tpu.memory_space<vmem>>[vector<16xi32>, vector<16xi32>, vector<16xi32>], vector<16xf32>,
      %get3A_504 = arith.constant 6 : i32
      %get3A_505 = arith.index_cast %rem3A_103 : i32 to index
      %get3A_506 = arith.index_cast %get3A_504 : i32 to index
      %get3A_507 = arith.constant 64 : index
      %get3A_508 = tpu.vector_load %arg5[%get3A_505, %get3A_506, %get3A_507] {strides = array<i32>} : memref<2x16x128xf32, #tpu.memory_space<vmem>>, vector<16xf32>,
      tpu.vector_store_idx %arg6[%broadcast_in_dim3A, %add3A_205, %add3A_483], %get3A_508 : memref<2x16x136xf32, #tpu.memory_space<vmem>>[vector<16xi32>, vector<16xi32>, vector<16xi32>], vector<16xf32>,
      %get3A_509 = arith.constant 6 : i32
      %get3A_510 = arith.index_cast %rem3A_103 : i32 to index
      %get3A_511 = arith.index_cast %get3A_509 : i32 to index
      %get3A_512 = arith.constant 80 : index
      %get3A_513 = tpu.vector_load %arg5[%get3A_510, %get3A_511, %get3A_512] {strides = array<i32>} : memref<2x16x128xf32, #tpu.memory_space<vmem>>, vector<16xf32>,
      tpu.vector_store_idx %arg6[%broadcast_in_dim3A, %add3A_211, %add3A_483], %get3A_513 : memref<2x16x136xf32, #tpu.memory_space<vmem>>[vector<16xi32>, vector<16xi32>, vector<16xi32>], vector<16xf32>,
      %get3A_514 = arith.constant 6 : i32
      %get3A_515 = arith.index_cast %rem3A_103 : i32 to index
      %get3A_516 = arith.index_cast %get3A_514 : i32 to index
      %get3A_517 = arith.constant 96 : index
      %get3A_518 = tpu.vector_load %arg5[%get3A_515, %get3A_516, %get3A_517] {strides = array<i32>} : memref<2x16x128xf32, #tpu.memory_space<vmem>>, vector<16xf32>,
      tpu.vector_store_idx %arg6[%broadcast_in_dim3A, %add3A_217, %add3A_483], %get3A_518 : memref<2x16x136xf32, #tpu.memory_space<vmem>>[vector<16xi32>, vector<16xi32>, vector<16xi32>], vector<16xf32>,
      %get3A_519 = arith.constant 6 : i32
      %get3A_520 = arith.index_cast %rem3A_103 : i32 to index
      %get3A_521 = arith.index_cast %get3A_519 : i32 to index
      %get3A_522 = arith.constant 112 : index
      %get3A_523 = tpu.vector_load %arg5[%get3A_520, %get3A_521, %get3A_522] {strides = array<i32>} : memref<2x16x128xf32, #tpu.memory_space<vmem>>, vector<16xf32>,
      tpu.vector_store_idx %arg6[%broadcast_in_dim3A, %add3A_223, %add3A_483], %get3A_523 : memref<2x16x136xf32, #tpu.memory_space<vmem>>[vector<16xi32>, vector<16xi32>, vector<16xi32>], vector<16xf32>,
      %add3A_524 = arith.constant 56 : i32
      %add3A_525 = vector.broadcast %add3A_524 : i32 to vector<16xi32>
      %add3A_526 = arith.addi %and3A_176, %add3A_525 : vector<16xi32>
      %get3A_527 = arith.constant 7 : i32
      %get3A_528 = arith.index_cast %rem3A_103 : i32 to index
      %get3A_529 = arith.index_cast %get3A_527 : i32 to index
      %get3A_530 = arith.constant 0 : index
      %get3A_531 = tpu.vector_load %arg5[%get3A_528, %get3A_529, %get3A_530] {strides = array<i32>} : memref<2x16x128xf32, #tpu.memory_space<vmem>>, vector<16xf32>,
      tpu.vector_store_idx %arg6[%broadcast_in_dim3A, %add3A_181, %add3A_526], %get3A_531 : memref<2x16x136xf32, #tpu.memory_space<vmem>>[vector<16xi32>, vector<16xi32>, vector<16xi32>], vector<16xf32>,
      %get3A_532 = arith.constant 7 : i32
      %get3A_533 = arith.index_cast %rem3A_103 : i32 to index
      %get3A_534 = arith.index_cast %get3A_532 : i32 to index
      %get3A_535 = arith.constant 16 : index
      %get3A_536 = tpu.vector_load %arg5[%get3A_533, %get3A_534, %get3A_535] {strides = array<i32>} : memref<2x16x128xf32, #tpu.memory_space<vmem>>, vector<16xf32>,
      tpu.vector_store_idx %arg6[%broadcast_in_dim3A, %add3A_187, %add3A_526], %get3A_536 : memref<2x16x136xf32, #tpu.memory_space<vmem>>[vector<16xi32>, vector<16xi32>, vector<16xi32>], vector<16xf32>,
      %get3A_537 = arith.constant 7 : i32
      %get3A_538 = arith.index_cast %rem3A_103 : i32 to index
      %get3A_539 = arith.index_cast %get3A_537 : i32 to index
      %get3A_540 = arith.constant 32 : index
      %get3A_541 = tpu.vector_load %arg5[%get3A_538, %get3A_539, %get3A_540] {strides = array<i32>} : memref<2x16x128xf32, #tpu.memory_space<vmem>>, vector<16xf32>,
      tpu.vector_store_idx %arg6[%broadcast_in_dim3A, %add3A_193, %add3A_526], %get3A_541 : memref<2x16x136xf32, #tpu.memory_space<vmem>>[vector<16xi32>, vector<16xi32>, vector<16xi32>], vector<16xf32>,
      %get3A_542 = arith.constant 7 : i32
      %get3A_543 = arith.index_cast %rem3A_103 : i32 to index
      %get3A_544 = arith.index_cast %get3A_542 : i32 to index
      %get3A_545 = arith.constant 48 : index
      %get3A_546 = tpu.vector_load %arg5[%get3A_543, %get3A_544, %get3A_545] {strides = array<i32>} : memref<2x16x128xf32, #tpu.memory_space<vmem>>, vector<16xf32>,
      tpu.vector_store_idx %arg6[%broadcast_in_dim3A, %add3A_199, %add3A_526], %get3A_546 : memref<2x16x136xf32, #tpu.memory_space<vmem>>[vector<16xi32>, vector<16xi32>, vector<16xi32>], vector<16xf32>,
      %get3A_547 = arith.constant 7 : i32
      %get3A_548 = arith.index_cast %rem3A_103 : i32 to index
      %get3A_549 = arith.index_cast %get3A_547 : i32 to index
      %get3A_550 = arith.constant 64 : index
      %get3A_551 = tpu.vector_load %arg5[%get3A_548, %get3A_549, %get3A_550] {strides = array<i32>} : memref<2x16x128xf32, #tpu.memory_space<vmem>>, vector<16xf32>,
      tpu.vector_store_idx %arg6[%broadcast_in_dim3A, %add3A_205, %add3A_526], %get3A_551 : memref<2x16x136xf32, #tpu.memory_space<vmem>>[vector<16xi32>, vector<16xi32>, vector<16xi32>], vector<16xf32>,
      %get3A_552 = arith.constant 7 : i32
      %get3A_553 = arith.index_cast %rem3A_103 : i32 to index
      %get3A_554 = arith.index_cast %get3A_552 : i32 to index
      %get3A_555 = arith.constant 80 : index
      %get3A_556 = tpu.vector_load %arg5[%get3A_553, %get3A_554, %get3A_555] {strides = array<i32>} : memref<2x16x128xf32, #tpu.memory_space<vmem>>, vector<16xf32>,
      tpu.vector_store_idx %arg6[%broadcast_in_dim3A, %add3A_211, %add3A_526], %get3A_556 : memref<2x16x136xf32, #tpu.memory_space<vmem>>[vector<16xi32>, vector<16xi32>, vector<16xi32>], vector<16xf32>,
      %get3A_557 = arith.constant 7 : i32
      %get3A_558 = arith.index_cast %rem3A_103 : i32 to index
      %get3A_559 = arith.index_cast %get3A_557 : i32 to index
      %get3A_560 = arith.constant 96 : index
      %get3A_561 = tpu.vector_load %arg5[%get3A_558, %get3A_559, %get3A_560] {strides = array<i32>} : memref<2x16x128xf32, #tpu.memory_space<vmem>>, vector<16xf32>,
      tpu.vector_store_idx %arg6[%broadcast_in_dim3A, %add3A_217, %add3A_526], %get3A_561 : memref<2x16x136xf32, #tpu.memory_space<vmem>>[vector<16xi32>, vector<16xi32>, vector<16xi32>], vector<16xf32>,
      %get3A_562 = arith.constant 7 : i32
      %get3A_563 = arith.index_cast %rem3A_103 : i32 to index
      %get3A_564 = arith.index_cast %get3A_562 : i32 to index
      %get3A_565 = arith.constant 112 : index
      %get3A_566 = tpu.vector_load %arg5[%get3A_563, %get3A_564, %get3A_565] {strides = array<i32>} : memref<2x16x128xf32, #tpu.memory_space<vmem>>, vector<16xf32>,
      tpu.vector_store_idx %arg6[%broadcast_in_dim3A, %add3A_223, %add3A_526], %get3A_566 : memref<2x16x136xf32, #tpu.memory_space<vmem>>[vector<16xi32>, vector<16xi32>, vector<16xi32>], vector<16xf32>,
      %add3A_567 = arith.constant 64 : i32
      %add3A_568 = vector.broadcast %add3A_567 : i32 to vector<16xi32>
      %add3A_569 = arith.addi %and3A_176, %add3A_568 : vector<16xi32>
      %get3A_570 = arith.constant 8 : i32
      %get3A_571 = arith.index_cast %rem3A_103 : i32 to index
      %get3A_572 = arith.index_cast %get3A_570 : i32 to index
      %get3A_573 = arith.constant 0 : index
      %get3A_574 = tpu.vector_load %arg5[%get3A_571, %get3A_572, %get3A_573] {strides = array<i32>} : memref<2x16x128xf32, #tpu.memory_space<vmem>>, vector<16xf32>,
      tpu.vector_store_idx %arg6[%broadcast_in_dim3A, %add3A_181, %add3A_569], %get3A_574 : memref<2x16x136xf32, #tpu.memory_space<vmem>>[vector<16xi32>, vector<16xi32>, vector<16xi32>], vector<16xf32>,
      %get3A_575 = arith.constant 8 : i32
      %get3A_576 = arith.index_cast %rem3A_103 : i32 to index
      %get3A_577 = arith.index_cast %get3A_575 : i32 to index
      %get3A_578 = arith.constant 16 : index
      %get3A_579 = tpu.vector_load %arg5[%get3A_576, %get3A_577, %get3A_578] {strides = array<i32>} : memref<2x16x128xf32, #tpu.memory_space<vmem>>, vector<16xf32>,
      tpu.vector_store_idx %arg6[%broadcast_in_dim3A, %add3A_187, %add3A_569], %get3A_579 : memref<2x16x136xf32, #tpu.memory_space<vmem>>[vector<16xi32>, vector<16xi32>, vector<16xi32>], vector<16xf32>,
      %get3A_580 = arith.constant 8 : i32
      %get3A_581 = arith.index_cast %rem3A_103 : i32 to index
      %get3A_582 = arith.index_cast %get3A_580 : i32 to index
      %get3A_583 = arith.constant 32 : index
      %get3A_584 = tpu.vector_load %arg5[%get3A_581, %get3A_582, %get3A_583] {strides = array<i32>} : memref<2x16x128xf32, #tpu.memory_space<vmem>>, vector<16xf32>,
      tpu.vector_store_idx %arg6[%broadcast_in_dim3A, %add3A_193, %add3A_569], %get3A_584 : memref<2x16x136xf32, #tpu.memory_space<vmem>>[vector<16xi32>, vector<16xi32>, vector<16xi32>], vector<16xf32>,
      %get3A_585 = arith.constant 8 : i32
      %get3A_586 = arith.index_cast %rem3A_103 : i32 to index
      %get3A_587 = arith.index_cast %get3A_585 : i32 to index
      %get3A_588 = arith.constant 48 : index
      %get3A_589 = tpu.vector_load %arg5[%get3A_586, %get3A_587, %get3A_588] {strides = array<i32>} : memref<2x16x128xf32, #tpu.memory_space<vmem>>, vector<16xf32>,
      tpu.vector_store_idx %arg6[%broadcast_in_dim3A, %add3A_199, %add3A_569], %get3A_589 : memref<2x16x136xf32, #tpu.memory_space<vmem>>[vector<16xi32>, vector<16xi32>, vector<16xi32>], vector<16xf32>,
      %get3A_590 = arith.constant 8 : i32
      %get3A_591 = arith.index_cast %rem3A_103 : i32 to index
      %get3A_592 = arith.index_cast %get3A_590 : i32 to index
      %get3A_593 = arith.constant 64 : index
      %get3A_594 = tpu.vector_load %arg5[%get3A_591, %get3A_592, %get3A_593] {strides = array<i32>} : memref<2x16x128xf32, #tpu.memory_space<vmem>>, vector<16xf32>,
      tpu.vector_store_idx %arg6[%broadcast_in_dim3A, %add3A_205, %add3A_569], %get3A_594 : memref<2x16x136xf32, #tpu.memory_space<vmem>>[vector<16xi32>, vector<16xi32>, vector<16xi32>], vector<16xf32>,
      %get3A_595 = arith.constant 8 : i32
      %get3A_596 = arith.index_cast %rem3A_103 : i32 to index
      %get3A_597 = arith.index_cast %get3A_595 : i32 to index
      %get3A_598 = arith.constant 80 : index
      %get3A_599 = tpu.vector_load %arg5[%get3A_596, %get3A_597, %get3A_598] {strides = array<i32>} : memref<2x16x128xf32, #tpu.memory_space<vmem>>, vector<16xf32>,
      tpu.vector_store_idx %arg6[%broadcast_in_dim3A, %add3A_211, %add3A_569], %get3A_599 : memref<2x16x136xf32, #tpu.memory_space<vmem>>[vector<16xi32>, vector<16xi32>, vector<16xi32>], vector<16xf32>,
      %get3A_600 = arith.constant 8 : i32
      %get3A_601 = arith.index_cast %rem3A_103 : i32 to index
      %get3A_602 = arith.index_cast %get3A_600 : i32 to index
      %get3A_603 = arith.constant 96 : index
      %get3A_604 = tpu.vector_load %arg5[%get3A_601, %get3A_602, %get3A_603] {strides = array<i32>} : memref<2x16x128xf32, #tpu.memory_space<vmem>>, vector<16xf32>,
      tpu.vector_store_idx %arg6[%broadcast_in_dim3A, %add3A_217, %add3A_569], %get3A_604 : memref<2x16x136xf32, #tpu.memory_space<vmem>>[vector<16xi32>, vector<16xi32>, vector<16xi32>], vector<16xf32>,
      %get3A_605 = arith.constant 8 : i32
      %get3A_606 = arith.index_cast %rem3A_103 : i32 to index
      %get3A_607 = arith.index_cast %get3A_605 : i32 to index
      %get3A_608 = arith.constant 112 : index
      %get3A_609 = tpu.vector_load %arg5[%get3A_606, %get3A_607, %get3A_608] {strides = array<i32>} : memref<2x16x128xf32, #tpu.memory_space<vmem>>, vector<16xf32>,
      tpu.vector_store_idx %arg6[%broadcast_in_dim3A, %add3A_223, %add3A_569], %get3A_609 : memref<2x16x136xf32, #tpu.memory_space<vmem>>[vector<16xi32>, vector<16xi32>, vector<16xi32>], vector<16xf32>,
      %add3A_610 = arith.constant 72 : i32
      %add3A_611 = vector.broadcast %add3A_610 : i32 to vector<16xi32>
      %add3A_612 = arith.addi %and3A_176, %add3A_611 : vector<16xi32>
      %get3A_613 = arith.constant 9 : i32
      %get3A_614 = arith.index_cast %rem3A_103 : i32 to index
      %get3A_615 = arith.index_cast %get3A_613 : i32 to index
      %get3A_616 = arith.constant 0 : index
      %get3A_617 = tpu.vector_load %arg5[%get3A_614, %get3A_615, %get3A_616] {strides = array<i32>} : memref<2x16x128xf32, #tpu.memory_space<vmem>>, vector<16xf32>,
      tpu.vector_store_idx %arg6[%broadcast_in_dim3A, %add3A_181, %add3A_612], %get3A_617 : memref<2x16x136xf32, #tpu.memory_space<vmem>>[vector<16xi32>, vector<16xi32>, vector<16xi32>], vector<16xf32>,
      %get3A_618 = arith.constant 9 : i32
      %get3A_619 = arith.index_cast %rem3A_103 : i32 to index
      %get3A_620 = arith.index_cast %get3A_618 : i32 to index
      %get3A_621 = arith.constant 16 : index
      %get3A_622 = tpu.vector_load %arg5[%get3A_619, %get3A_620, %get3A_621] {strides = array<i32>} : memref<2x16x128xf32, #tpu.memory_space<vmem>>, vector<16xf32>,
      tpu.vector_store_idx %arg6[%broadcast_in_dim3A, %add3A_187, %add3A_612], %get3A_622 : memref<2x16x136xf32, #tpu.memory_space<vmem>>[vector<16xi32>, vector<16xi32>, vector<16xi32>], vector<16xf32>,
      %get3A_623 = arith.constant 9 : i32
      %get3A_624 = arith.index_cast %rem3A_103 : i32 to index
      %get3A_625 = arith.index_cast %get3A_623 : i32 to index
      %get3A_626 = arith.constant 32 : index
      %get3A_627 = tpu.vector_load %arg5[%get3A_624, %get3A_625, %get3A_626] {strides = array<i32>} : memref<2x16x128xf32, #tpu.memory_space<vmem>>, vector<16xf32>,
      tpu.vector_store_idx %arg6[%broadcast_in_dim3A, %add3A_193, %add3A_612], %get3A_627 : memref<2x16x136xf32, #tpu.memory_space<vmem>>[vector<16xi32>, vector<16xi32>, vector<16xi32>], vector<16xf32>,
      %get3A_628 = arith.constant 9 : i32
      %get3A_629 = arith.index_cast %rem3A_103 : i32 to index
      %get3A_630 = arith.index_cast %get3A_628 : i32 to index
      %get3A_631 = arith.constant 48 : index
      %get3A_632 = tpu.vector_load %arg5[%get3A_629, %get3A_630, %get3A_631] {strides = array<i32>} : memref<2x16x128xf32, #tpu.memory_space<vmem>>, vector<16xf32>,
      tpu.vector_store_idx %arg6[%broadcast_in_dim3A, %add3A_199, %add3A_612], %get3A_632 : memref<2x16x136xf32, #tpu.memory_space<vmem>>[vector<16xi32>, vector<16xi32>, vector<16xi32>], vector<16xf32>,
      %get3A_633 = arith.constant 9 : i32
      %get3A_634 = arith.index_cast %rem3A_103 : i32 to index
      %get3A_635 = arith.index_cast %get3A_633 : i32 to index
      %get3A_636 = arith.constant 64 : index
      %get3A_637 = tpu.vector_load %arg5[%get3A_634, %get3A_635, %get3A_636] {strides = array<i32>} : memref<2x16x128xf32, #tpu.memory_space<vmem>>, vector<16xf32>,
      tpu.vector_store_idx %arg6[%broadcast_in_dim3A, %add3A_205, %add3A_612], %get3A_637 : memref<2x16x136xf32, #tpu.memory_space<vmem>>[vector<16xi32>, vector<16xi32>, vector<16xi32>], vector<16xf32>,
      %get3A_638 = arith.constant 9 : i32
      %get3A_639 = arith.index_cast %rem3A_103 : i32 to index
      %get3A_640 = arith.index_cast %get3A_638 : i32 to index
      %get3A_641 = arith.constant 80 : index
      %get3A_642 = tpu.vector_load %arg5[%get3A_639, %get3A_640, %get3A_641] {strides = array<i32>} : memref<2x16x128xf32, #tpu.memory_space<vmem>>, vector<16xf32>,
      tpu.vector_store_idx %arg6[%broadcast_in_dim3A, %add3A_211, %add3A_612], %get3A_642 : memref<2x16x136xf32, #tpu.memory_space<vmem>>[vector<16xi32>, vector<16xi32>, vector<16xi32>], vector<16xf32>,
      %get3A_643 = arith.constant 9 : i32
      %get3A_644 = arith.index_cast %rem3A_103 : i32 to index
      %get3A_645 = arith.index_cast %get3A_643 : i32 to index
      %get3A_646 = arith.constant 96 : index
      %get3A_647 = tpu.vector_load %arg5[%get3A_644, %get3A_645, %get3A_646] {strides = array<i32>} : memref<2x16x128xf32, #tpu.memory_space<vmem>>, vector<16xf32>,
      tpu.vector_store_idx %arg6[%broadcast_in_dim3A, %add3A_217, %add3A_612], %get3A_647 : memref<2x16x136xf32, #tpu.memory_space<vmem>>[vector<16xi32>, vector<16xi32>, vector<16xi32>], vector<16xf32>,
      %get3A_648 = arith.constant 9 : i32
      %get3A_649 = arith.index_cast %rem3A_103 : i32 to index
      %get3A_650 = arith.index_cast %get3A_648 : i32 to index
      %get3A_651 = arith.constant 112 : index
      %get3A_652 = tpu.vector_load %arg5[%get3A_649, %get3A_650, %get3A_651] {strides = array<i32>} : memref<2x16x128xf32, #tpu.memory_space<vmem>>, vector<16xf32>,
      tpu.vector_store_idx %arg6[%broadcast_in_dim3A, %add3A_223, %add3A_612], %get3A_652 : memref<2x16x136xf32, #tpu.memory_space<vmem>>[vector<16xi32>, vector<16xi32>, vector<16xi32>], vector<16xf32>,
      %add3A_653 = arith.constant 80 : i32
      %add3A_654 = vector.broadcast %add3A_653 : i32 to vector<16xi32>
      %add3A_655 = arith.addi %and3A_176, %add3A_654 : vector<16xi32>
      %get3A_656 = arith.constant 10 : i32
      %get3A_657 = arith.index_cast %rem3A_103 : i32 to index
      %get3A_658 = arith.index_cast %get3A_656 : i32 to index
      %get3A_659 = arith.constant 0 : index
      %get3A_660 = tpu.vector_load %arg5[%get3A_657, %get3A_658, %get3A_659] {strides = array<i32>} : memref<2x16x128xf32, #tpu.memory_space<vmem>>, vector<16xf32>,
      tpu.vector_store_idx %arg6[%broadcast_in_dim3A, %add3A_181, %add3A_655], %get3A_660 : memref<2x16x136xf32, #tpu.memory_space<vmem>>[vector<16xi32>, vector<16xi32>, vector<16xi32>], vector<16xf32>,
      %get3A_661 = arith.constant 10 : i32
      %get3A_662 = arith.index_cast %rem3A_103 : i32 to index
      %get3A_663 = arith.index_cast %get3A_661 : i32 to index
      %get3A_664 = arith.constant 16 : index
      %get3A_665 = tpu.vector_load %arg5[%get3A_662, %get3A_663, %get3A_664] {strides = array<i32>} : memref<2x16x128xf32, #tpu.memory_space<vmem>>, vector<16xf32>,
      tpu.vector_store_idx %arg6[%broadcast_in_dim3A, %add3A_187, %add3A_655], %get3A_665 : memref<2x16x136xf32, #tpu.memory_space<vmem>>[vector<16xi32>, vector<16xi32>, vector<16xi32>], vector<16xf32>,
      %get3A_666 = arith.constant 10 : i32
      %get3A_667 = arith.index_cast %rem3A_103 : i32 to index
      %get3A_668 = arith.index_cast %get3A_666 : i32 to index
      %get3A_669 = arith.constant 32 : index
      %get3A_670 = tpu.vector_load %arg5[%get3A_667, %get3A_668, %get3A_669] {strides = array<i32>} : memref<2x16x128xf32, #tpu.memory_space<vmem>>, vector<16xf32>,
      tpu.vector_store_idx %arg6[%broadcast_in_dim3A, %add3A_193, %add3A_655], %get3A_670 : memref<2x16x136xf32, #tpu.memory_space<vmem>>[vector<16xi32>, vector<16xi32>, vector<16xi32>], vector<16xf32>,
      %get3A_671 = arith.constant 10 : i32
      %get3A_672 = arith.index_cast %rem3A_103 : i32 to index
      %get3A_673 = arith.index_cast %get3A_671 : i32 to index
      %get3A_674 = arith.constant 48 : index
      %get3A_675 = tpu.vector_load %arg5[%get3A_672, %get3A_673, %get3A_674] {strides = array<i32>} : memref<2x16x128xf32, #tpu.memory_space<vmem>>, vector<16xf32>,
      tpu.vector_store_idx %arg6[%broadcast_in_dim3A, %add3A_199, %add3A_655], %get3A_675 : memref<2x16x136xf32, #tpu.memory_space<vmem>>[vector<16xi32>, vector<16xi32>, vector<16xi32>], vector<16xf32>,
      %get3A_676 = arith.constant 10 : i32
      %get3A_677 = arith.index_cast %rem3A_103 : i32 to index
      %get3A_678 = arith.index_cast %get3A_676 : i32 to index
      %get3A_679 = arith.constant 64 : index
      %get3A_680 = tpu.vector_load %arg5[%get3A_677, %get3A_678, %get3A_679] {strides = array<i32>} : memref<2x16x128xf32, #tpu.memory_space<vmem>>, vector<16xf32>,
      tpu.vector_store_idx %arg6[%broadcast_in_dim3A, %add3A_205, %add3A_655], %get3A_680 : memref<2x16x136xf32, #tpu.memory_space<vmem>>[vector<16xi32>, vector<16xi32>, vector<16xi32>], vector<16xf32>,
      %get3A_681 = arith.constant 10 : i32
      %get3A_682 = arith.index_cast %rem3A_103 : i32 to index
      %get3A_683 = arith.index_cast %get3A_681 : i32 to index
      %get3A_684 = arith.constant 80 : index
      %get3A_685 = tpu.vector_load %arg5[%get3A_682, %get3A_683, %get3A_684] {strides = array<i32>} : memref<2x16x128xf32, #tpu.memory_space<vmem>>, vector<16xf32>,
      tpu.vector_store_idx %arg6[%broadcast_in_dim3A, %add3A_211, %add3A_655], %get3A_685 : memref<2x16x136xf32, #tpu.memory_space<vmem>>[vector<16xi32>, vector<16xi32>, vector<16xi32>], vector<16xf32>,
      %get3A_686 = arith.constant 10 : i32
      %get3A_687 = arith.index_cast %rem3A_103 : i32 to index
      %get3A_688 = arith.index_cast %get3A_686 : i32 to index
      %get3A_689 = arith.constant 96 : index
      %get3A_690 = tpu.vector_load %arg5[%get3A_687, %get3A_688, %get3A_689] {strides = array<i32>} : memref<2x16x128xf32, #tpu.memory_space<vmem>>, vector<16xf32>,
      tpu.vector_store_idx %arg6[%broadcast_in_dim3A, %add3A_217, %add3A_655], %get3A_690 : memref<2x16x136xf32, #tpu.memory_space<vmem>>[vector<16xi32>, vector<16xi32>, vector<16xi32>], vector<16xf32>,
      %get3A_691 = arith.constant 10 : i32
      %get3A_692 = arith.index_cast %rem3A_103 : i32 to index
      %get3A_693 = arith.index_cast %get3A_691 : i32 to index
      %get3A_694 = arith.constant 112 : index
      %get3A_695 = tpu.vector_load %arg5[%get3A_692, %get3A_693, %get3A_694] {strides = array<i32>} : memref<2x16x128xf32, #tpu.memory_space<vmem>>, vector<16xf32>,
      tpu.vector_store_idx %arg6[%broadcast_in_dim3A, %add3A_223, %add3A_655], %get3A_695 : memref<2x16x136xf32, #tpu.memory_space<vmem>>[vector<16xi32>, vector<16xi32>, vector<16xi32>], vector<16xf32>,
      %add3A_696 = arith.constant 88 : i32
      %add3A_697 = vector.broadcast %add3A_696 : i32 to vector<16xi32>
      %add3A_698 = arith.addi %and3A_176, %add3A_697 : vector<16xi32>
      %get3A_699 = arith.constant 11 : i32
      %get3A_700 = arith.index_cast %rem3A_103 : i32 to index
      %get3A_701 = arith.index_cast %get3A_699 : i32 to index
      %get3A_702 = arith.constant 0 : index
      %get3A_703 = tpu.vector_load %arg5[%get3A_700, %get3A_701, %get3A_702] {strides = array<i32>} : memref<2x16x128xf32, #tpu.memory_space<vmem>>, vector<16xf32>,
      tpu.vector_store_idx %arg6[%broadcast_in_dim3A, %add3A_181, %add3A_698], %get3A_703 : memref<2x16x136xf32, #tpu.memory_space<vmem>>[vector<16xi32>, vector<16xi32>, vector<16xi32>], vector<16xf32>,
      %get3A_704 = arith.constant 11 : i32
      %get3A_705 = arith.index_cast %rem3A_103 : i32 to index
      %get3A_706 = arith.index_cast %get3A_704 : i32 to index
      %get3A_707 = arith.constant 16 : index
      %get3A_708 = tpu.vector_load %arg5[%get3A_705, %get3A_706, %get3A_707] {strides = array<i32>} : memref<2x16x128xf32, #tpu.memory_space<vmem>>, vector<16xf32>,
      tpu.vector_store_idx %arg6[%broadcast_in_dim3A, %add3A_187, %add3A_698], %get3A_708 : memref<2x16x136xf32, #tpu.memory_space<vmem>>[vector<16xi32>, vector<16xi32>, vector<16xi32>], vector<16xf32>,
      %get3A_709 = arith.constant 11 : i32
      %get3A_710 = arith.index_cast %rem3A_103 : i32 to index
      %get3A_711 = arith.index_cast %get3A_709 : i32 to index
      %get3A_712 = arith.constant 32 : index
      %get3A_713 = tpu.vector_load %arg5[%get3A_710, %get3A_711, %get3A_712] {strides = array<i32>} : memref<2x16x128xf32, #tpu.memory_space<vmem>>, vector<16xf32>,
      tpu.vector_store_idx %arg6[%broadcast_in_dim3A, %add3A_193, %add3A_698], %get3A_713 : memref<2x16x136xf32, #tpu.memory_space<vmem>>[vector<16xi32>, vector<16xi32>, vector<16xi32>], vector<16xf32>,
      %get3A_714 = arith.constant 11 : i32
      %get3A_715 = arith.index_cast %rem3A_103 : i32 to index
      %get3A_716 = arith.index_cast %get3A_714 : i32 to index
      %get3A_717 = arith.constant 48 : index
      %get3A_718 = tpu.vector_load %arg5[%get3A_715, %get3A_716, %get3A_717] {strides = array<i32>} : memref<2x16x128xf32, #tpu.memory_space<vmem>>, vector<16xf32>,
      tpu.vector_store_idx %arg6[%broadcast_in_dim3A, %add3A_199, %add3A_698], %get3A_718 : memref<2x16x136xf32, #tpu.memory_space<vmem>>[vector<16xi32>, vector<16xi32>, vector<16xi32>], vector<16xf32>,
      %get3A_719 = arith.constant 11 : i32
      %get3A_720 = arith.index_cast %rem3A_103 : i32 to index
      %get3A_721 = arith.index_cast %get3A_719 : i32 to index
      %get3A_722 = arith.constant 64 : index
      %get3A_723 = tpu.vector_load %arg5[%get3A_720, %get3A_721, %get3A_722] {strides = array<i32>} : memref<2x16x128xf32, #tpu.memory_space<vmem>>, vector<16xf32>,
      tpu.vector_store_idx %arg6[%broadcast_in_dim3A, %add3A_205, %add3A_698], %get3A_723 : memref<2x16x136xf32, #tpu.memory_space<vmem>>[vector<16xi32>, vector<16xi32>, vector<16xi32>], vector<16xf32>,
      %get3A_724 = arith.constant 11 : i32
      %get3A_725 = arith.index_cast %rem3A_103 : i32 to index
      %get3A_726 = arith.index_cast %get3A_724 : i32 to index
      %get3A_727 = arith.constant 80 : index
      %get3A_728 = tpu.vector_load %arg5[%get3A_725, %get3A_726, %get3A_727] {strides = array<i32>} : memref<2x16x128xf32, #tpu.memory_space<vmem>>, vector<16xf32>,
      tpu.vector_store_idx %arg6[%broadcast_in_dim3A, %add3A_211, %add3A_698], %get3A_728 : memref<2x16x136xf32, #tpu.memory_space<vmem>>[vector<16xi32>, vector<16xi32>, vector<16xi32>], vector<16xf32>,
      %get3A_729 = arith.constant 11 : i32
      %get3A_730 = arith.index_cast %rem3A_103 : i32 to index
      %get3A_731 = arith.index_cast %get3A_729 : i32 to index
      %get3A_732 = arith.constant 96 : index
      %get3A_733 = tpu.vector_load %arg5[%get3A_730, %get3A_731, %get3A_732] {strides = array<i32>} : memref<2x16x128xf32, #tpu.memory_space<vmem>>, vector<16xf32>,
      tpu.vector_store_idx %arg6[%broadcast_in_dim3A, %add3A_217, %add3A_698], %get3A_733 : memref<2x16x136xf32, #tpu.memory_space<vmem>>[vector<16xi32>, vector<16xi32>, vector<16xi32>], vector<16xf32>,
      %get3A_734 = arith.constant 11 : i32
      %get3A_735 = arith.index_cast %rem3A_103 : i32 to index
      %get3A_736 = arith.index_cast %get3A_734 : i32 to index
      %get3A_737 = arith.constant 112 : index
      %get3A_738 = tpu.vector_load %arg5[%get3A_735, %get3A_736, %get3A_737] {strides = array<i32>} : memref<2x16x128xf32, #tpu.memory_space<vmem>>, vector<16xf32>,
      tpu.vector_store_idx %arg6[%broadcast_in_dim3A, %add3A_223, %add3A_698], %get3A_738 : memref<2x16x136xf32, #tpu.memory_space<vmem>>[vector<16xi32>, vector<16xi32>, vector<16xi32>], vector<16xf32>,
      %add3A_739 = arith.constant 96 : i32
      %add3A_740 = vector.broadcast %add3A_739 : i32 to vector<16xi32>
      %add3A_741 = arith.addi %and3A_176, %add3A_740 : vector<16xi32>
      %get3A_742 = arith.constant 12 : i32
      %get3A_743 = arith.index_cast %rem3A_103 : i32 to index
      %get3A_744 = arith.index_cast %get3A_742 : i32 to index
      %get3A_745 = arith.constant 0 : index
      %get3A_746 = tpu.vector_load %arg5[%get3A_743, %get3A_744, %get3A_745] {strides = array<i32>} : memref<2x16x128xf32, #tpu.memory_space<vmem>>, vector<16xf32>,
      tpu.vector_store_idx %arg6[%broadcast_in_dim3A, %add3A_181, %add3A_741], %get3A_746 : memref<2x16x136xf32, #tpu.memory_space<vmem>>[vector<16xi32>, vector<16xi32>, vector<16xi32>], vector<16xf32>,
      %get3A_747 = arith.constant 12 : i32
      %get3A_748 = arith.index_cast %rem3A_103 : i32 to index
      %get3A_749 = arith.index_cast %get3A_747 : i32 to index
      %get3A_750 = arith.constant 16 : index
      %get3A_751 = tpu.vector_load %arg5[%get3A_748, %get3A_749, %get3A_750] {strides = array<i32>} : memref<2x16x128xf32, #tpu.memory_space<vmem>>, vector<16xf32>,
      tpu.vector_store_idx %arg6[%broadcast_in_dim3A, %add3A_187, %add3A_741], %get3A_751 : memref<2x16x136xf32, #tpu.memory_space<vmem>>[vector<16xi32>, vector<16xi32>, vector<16xi32>], vector<16xf32>,
      %get3A_752 = arith.constant 12 : i32
      %get3A_753 = arith.index_cast %rem3A_103 : i32 to index
      %get3A_754 = arith.index_cast %get3A_752 : i32 to index
      %get3A_755 = arith.constant 32 : index
      %get3A_756 = tpu.vector_load %arg5[%get3A_753, %get3A_754, %get3A_755] {strides = array<i32>} : memref<2x16x128xf32, #tpu.memory_space<vmem>>, vector<16xf32>,
      tpu.vector_store_idx %arg6[%broadcast_in_dim3A, %add3A_193, %add3A_741], %get3A_756 : memref<2x16x136xf32, #tpu.memory_space<vmem>>[vector<16xi32>, vector<16xi32>, vector<16xi32>], vector<16xf32>,
      %get3A_757 = arith.constant 12 : i32
      %get3A_758 = arith.index_cast %rem3A_103 : i32 to index
      %get3A_759 = arith.index_cast %get3A_757 : i32 to index
      %get3A_760 = arith.constant 48 : index
      %get3A_761 = tpu.vector_load %arg5[%get3A_758, %get3A_759, %get3A_760] {strides = array<i32>} : memref<2x16x128xf32, #tpu.memory_space<vmem>>, vector<16xf32>,
      tpu.vector_store_idx %arg6[%broadcast_in_dim3A, %add3A_199, %add3A_741], %get3A_761 : memref<2x16x136xf32, #tpu.memory_space<vmem>>[vector<16xi32>, vector<16xi32>, vector<16xi32>], vector<16xf32>,
      %get3A_762 = arith.constant 12 : i32
      %get3A_763 = arith.index_cast %rem3A_103 : i32 to index
      %get3A_764 = arith.index_cast %get3A_762 : i32 to index
      %get3A_765 = arith.constant 64 : index
      %get3A_766 = tpu.vector_load %arg5[%get3A_763, %get3A_764, %get3A_765] {strides = array<i32>} : memref<2x16x128xf32, #tpu.memory_space<vmem>>, vector<16xf32>,
      tpu.vector_store_idx %arg6[%broadcast_in_dim3A, %add3A_205, %add3A_741], %get3A_766 : memref<2x16x136xf32, #tpu.memory_space<vmem>>[vector<16xi32>, vector<16xi32>, vector<16xi32>], vector<16xf32>,
      %get3A_767 = arith.constant 12 : i32
      %get3A_768 = arith.index_cast %rem3A_103 : i32 to index
      %get3A_769 = arith.index_cast %get3A_767 : i32 to index
      %get3A_770 = arith.constant 80 : index
      %get3A_771 = tpu.vector_load %arg5[%get3A_768, %get3A_769, %get3A_770] {strides = array<i32>} : memref<2x16x128xf32, #tpu.memory_space<vmem>>, vector<16xf32>,
      tpu.vector_store_idx %arg6[%broadcast_in_dim3A, %add3A_211, %add3A_741], %get3A_771 : memref<2x16x136xf32, #tpu.memory_space<vmem>>[vector<16xi32>, vector<16xi32>, vector<16xi32>], vector<16xf32>,
      %get3A_772 = arith.constant 12 : i32
      %get3A_773 = arith.index_cast %rem3A_103 : i32 to index
      %get3A_774 = arith.index_cast %get3A_772 : i32 to index
      %get3A_775 = arith.constant 96 : index
      %get3A_776 = tpu.vector_load %arg5[%get3A_773, %get3A_774, %get3A_775] {strides = array<i32>} : memref<2x16x128xf32, #tpu.memory_space<vmem>>, vector<16xf32>,
      tpu.vector_store_idx %arg6[%broadcast_in_dim3A, %add3A_217, %add3A_741], %get3A_776 : memref<2x16x136xf32, #tpu.memory_space<vmem>>[vector<16xi32>, vector<16xi32>, vector<16xi32>], vector<16xf32>,
      %get3A_777 = arith.constant 12 : i32
      %get3A_778 = arith.index_cast %rem3A_103 : i32 to index
      %get3A_779 = arith.index_cast %get3A_777 : i32 to index
      %get3A_780 = arith.constant 112 : index
      %get3A_781 = tpu.vector_load %arg5[%get3A_778, %get3A_779, %get3A_780] {strides = array<i32>} : memref<2x16x128xf32, #tpu.memory_space<vmem>>, vector<16xf32>,
      tpu.vector_store_idx %arg6[%broadcast_in_dim3A, %add3A_223, %add3A_741], %get3A_781 : memref<2x16x136xf32, #tpu.memory_space<vmem>>[vector<16xi32>, vector<16xi32>, vector<16xi32>], vector<16xf32>,
      %add3A_782 = arith.constant 104 : i32
      %add3A_783 = vector.broadcast %add3A_782 : i32 to vector<16xi32>
      %add3A_784 = arith.addi %and3A_176, %add3A_783 : vector<16xi32>
      %get3A_785 = arith.constant 13 : i32
      %get3A_786 = arith.index_cast %rem3A_103 : i32 to index
      %get3A_787 = arith.index_cast %get3A_785 : i32 to index
      %get3A_788 = arith.constant 0 : index
      %get3A_789 = tpu.vector_load %arg5[%get3A_786, %get3A_787, %get3A_788] {strides = array<i32>} : memref<2x16x128xf32, #tpu.memory_space<vmem>>, vector<16xf32>,
      tpu.vector_store_idx %arg6[%broadcast_in_dim3A, %add3A_181, %add3A_784], %get3A_789 : memref<2x16x136xf32, #tpu.memory_space<vmem>>[vector<16xi32>, vector<16xi32>, vector<16xi32>], vector<16xf32>,
      %get3A_790 = arith.constant 13 : i32
      %get3A_791 = arith.index_cast %rem3A_103 : i32 to index
      %get3A_792 = arith.index_cast %get3A_790 : i32 to index
      %get3A_793 = arith.constant 16 : index
      %get3A_794 = tpu.vector_load %arg5[%get3A_791, %get3A_792, %get3A_793] {strides = array<i32>} : memref<2x16x128xf32, #tpu.memory_space<vmem>>, vector<16xf32>,
      tpu.vector_store_idx %arg6[%broadcast_in_dim3A, %add3A_187, %add3A_784], %get3A_794 : memref<2x16x136xf32, #tpu.memory_space<vmem>>[vector<16xi32>, vector<16xi32>, vector<16xi32>], vector<16xf32>,
      %get3A_795 = arith.constant 13 : i32
      %get3A_796 = arith.index_cast %rem3A_103 : i32 to index
      %get3A_797 = arith.index_cast %get3A_795 : i32 to index
      %get3A_798 = arith.constant 32 : index
      %get3A_799 = tpu.vector_load %arg5[%get3A_796, %get3A_797, %get3A_798] {strides = array<i32>} : memref<2x16x128xf32, #tpu.memory_space<vmem>>, vector<16xf32>,
      tpu.vector_store_idx %arg6[%broadcast_in_dim3A, %add3A_193, %add3A_784], %get3A_799 : memref<2x16x136xf32, #tpu.memory_space<vmem>>[vector<16xi32>, vector<16xi32>, vector<16xi32>], vector<16xf32>,
      %get3A_800 = arith.constant 13 : i32
      %get3A_801 = arith.index_cast %rem3A_103 : i32 to index
      %get3A_802 = arith.index_cast %get3A_800 : i32 to index
      %get3A_803 = arith.constant 48 : index
      %get3A_804 = tpu.vector_load %arg5[%get3A_801, %get3A_802, %get3A_803] {strides = array<i32>} : memref<2x16x128xf32, #tpu.memory_space<vmem>>, vector<16xf32>,
      tpu.vector_store_idx %arg6[%broadcast_in_dim3A, %add3A_199, %add3A_784], %get3A_804 : memref<2x16x136xf32, #tpu.memory_space<vmem>>[vector<16xi32>, vector<16xi32>, vector<16xi32>], vector<16xf32>,
      %get3A_805 = arith.constant 13 : i32
      %get3A_806 = arith.index_cast %rem3A_103 : i32 to index
      %get3A_807 = arith.index_cast %get3A_805 : i32 to index
      %get3A_808 = arith.constant 64 : index
      %get3A_809 = tpu.vector_load %arg5[%get3A_806, %get3A_807, %get3A_808] {strides = array<i32>} : memref<2x16x128xf32, #tpu.memory_space<vmem>>, vector<16xf32>,
      tpu.vector_store_idx %arg6[%broadcast_in_dim3A, %add3A_205, %add3A_784], %get3A_809 : memref<2x16x136xf32, #tpu.memory_space<vmem>>[vector<16xi32>, vector<16xi32>, vector<16xi32>], vector<16xf32>,
      %get3A_810 = arith.constant 13 : i32
      %get3A_811 = arith.index_cast %rem3A_103 : i32 to index
      %get3A_812 = arith.index_cast %get3A_810 : i32 to index
      %get3A_813 = arith.constant 80 : index
      %get3A_814 = tpu.vector_load %arg5[%get3A_811, %get3A_812, %get3A_813] {strides = array<i32>} : memref<2x16x128xf32, #tpu.memory_space<vmem>>, vector<16xf32>,
      tpu.vector_store_idx %arg6[%broadcast_in_dim3A, %add3A_211, %add3A_784], %get3A_814 : memref<2x16x136xf32, #tpu.memory_space<vmem>>[vector<16xi32>, vector<16xi32>, vector<16xi32>], vector<16xf32>,
      %get3A_815 = arith.constant 13 : i32
      %get3A_816 = arith.index_cast %rem3A_103 : i32 to index
      %get3A_817 = arith.index_cast %get3A_815 : i32 to index
      %get3A_818 = arith.constant 96 : index
      %get3A_819 = tpu.vector_load %arg5[%get3A_816, %get3A_817, %get3A_818] {strides = array<i32>} : memref<2x16x128xf32, #tpu.memory_space<vmem>>, vector<16xf32>,
      tpu.vector_store_idx %arg6[%broadcast_in_dim3A, %add3A_217, %add3A_784], %get3A_819 : memref<2x16x136xf32, #tpu.memory_space<vmem>>[vector<16xi32>, vector<16xi32>, vector<16xi32>], vector<16xf32>,
      %get3A_820 = arith.constant 13 : i32
      %get3A_821 = arith.index_cast %rem3A_103 : i32 to index
      %get3A_822 = arith.index_cast %get3A_820 : i32 to index
      %get3A_823 = arith.constant 112 : index
      %get3A_824 = tpu.vector_load %arg5[%get3A_821, %get3A_822, %get3A_823] {strides = array<i32>} : memref<2x16x128xf32, #tpu.memory_space<vmem>>, vector<16xf32>,
      tpu.vector_store_idx %arg6[%broadcast_in_dim3A, %add3A_223, %add3A_784], %get3A_824 : memref<2x16x136xf32, #tpu.memory_space<vmem>>[vector<16xi32>, vector<16xi32>, vector<16xi32>], vector<16xf32>,
      %add3A_825 = arith.constant 112 : i32
      %add3A_826 = vector.broadcast %add3A_825 : i32 to vector<16xi32>
      %add3A_827 = arith.addi %and3A_176, %add3A_826 : vector<16xi32>
      %get3A_828 = arith.constant 14 : i32
      %get3A_829 = arith.index_cast %rem3A_103 : i32 to index
      %get3A_830 = arith.index_cast %get3A_828 : i32 to index
      %get3A_831 = arith.constant 0 : index
      %get3A_832 = tpu.vector_load %arg5[%get3A_829, %get3A_830, %get3A_831] {strides = array<i32>} : memref<2x16x128xf32, #tpu.memory_space<vmem>>, vector<16xf32>,
      tpu.vector_store_idx %arg6[%broadcast_in_dim3A, %add3A_181, %add3A_827], %get3A_832 : memref<2x16x136xf32, #tpu.memory_space<vmem>>[vector<16xi32>, vector<16xi32>, vector<16xi32>], vector<16xf32>,
      %get3A_833 = arith.constant 14 : i32
      %get3A_834 = arith.index_cast %rem3A_103 : i32 to index
      %get3A_835 = arith.index_cast %get3A_833 : i32 to index
      %get3A_836 = arith.constant 16 : index
      %get3A_837 = tpu.vector_load %arg5[%get3A_834, %get3A_835, %get3A_836] {strides = array<i32>} : memref<2x16x128xf32, #tpu.memory_space<vmem>>, vector<16xf32>,
      tpu.vector_store_idx %arg6[%broadcast_in_dim3A, %add3A_187, %add3A_827], %get3A_837 : memref<2x16x136xf32, #tpu.memory_space<vmem>>[vector<16xi32>, vector<16xi32>, vector<16xi32>], vector<16xf32>,
      %get3A_838 = arith.constant 14 : i32
      %get3A_839 = arith.index_cast %rem3A_103 : i32 to index
      %get3A_840 = arith.index_cast %get3A_838 : i32 to index
      %get3A_841 = arith.constant 32 : index
      %get3A_842 = tpu.vector_load %arg5[%get3A_839, %get3A_840, %get3A_841] {strides = array<i32>} : memref<2x16x128xf32, #tpu.memory_space<vmem>>, vector<16xf32>,
      tpu.vector_store_idx %arg6[%broadcast_in_dim3A, %add3A_193, %add3A_827], %get3A_842 : memref<2x16x136xf32, #tpu.memory_space<vmem>>[vector<16xi32>, vector<16xi32>, vector<16xi32>], vector<16xf32>,
      %get3A_843 = arith.constant 14 : i32
      %get3A_844 = arith.index_cast %rem3A_103 : i32 to index
      %get3A_845 = arith.index_cast %get3A_843 : i32 to index
      %get3A_846 = arith.constant 48 : index
      %get3A_847 = tpu.vector_load %arg5[%get3A_844, %get3A_845, %get3A_846] {strides = array<i32>} : memref<2x16x128xf32, #tpu.memory_space<vmem>>, vector<16xf32>,
      tpu.vector_store_idx %arg6[%broadcast_in_dim3A, %add3A_199, %add3A_827], %get3A_847 : memref<2x16x136xf32, #tpu.memory_space<vmem>>[vector<16xi32>, vector<16xi32>, vector<16xi32>], vector<16xf32>,
      %get3A_848 = arith.constant 14 : i32
      %get3A_849 = arith.index_cast %rem3A_103 : i32 to index
      %get3A_850 = arith.index_cast %get3A_848 : i32 to index
      %get3A_851 = arith.constant 64 : index
      %get3A_852 = tpu.vector_load %arg5[%get3A_849, %get3A_850, %get3A_851] {strides = array<i32>} : memref<2x16x128xf32, #tpu.memory_space<vmem>>, vector<16xf32>,
      tpu.vector_store_idx %arg6[%broadcast_in_dim3A, %add3A_205, %add3A_827], %get3A_852 : memref<2x16x136xf32, #tpu.memory_space<vmem>>[vector<16xi32>, vector<16xi32>, vector<16xi32>], vector<16xf32>,
      %get3A_853 = arith.constant 14 : i32
      %get3A_854 = arith.index_cast %rem3A_103 : i32 to index
      %get3A_855 = arith.index_cast %get3A_853 : i32 to index
      %get3A_856 = arith.constant 80 : index
      %get3A_857 = tpu.vector_load %arg5[%get3A_854, %get3A_855, %get3A_856] {strides = array<i32>} : memref<2x16x128xf32, #tpu.memory_space<vmem>>, vector<16xf32>,
      tpu.vector_store_idx %arg6[%broadcast_in_dim3A, %add3A_211, %add3A_827], %get3A_857 : memref<2x16x136xf32, #tpu.memory_space<vmem>>[vector<16xi32>, vector<16xi32>, vector<16xi32>], vector<16xf32>,
      %get3A_858 = arith.constant 14 : i32
      %get3A_859 = arith.index_cast %rem3A_103 : i32 to index
      %get3A_860 = arith.index_cast %get3A_858 : i32 to index
      %get3A_861 = arith.constant 96 : index
      %get3A_862 = tpu.vector_load %arg5[%get3A_859, %get3A_860, %get3A_861] {strides = array<i32>} : memref<2x16x128xf32, #tpu.memory_space<vmem>>, vector<16xf32>,
      tpu.vector_store_idx %arg6[%broadcast_in_dim3A, %add3A_217, %add3A_827], %get3A_862 : memref<2x16x136xf32, #tpu.memory_space<vmem>>[vector<16xi32>, vector<16xi32>, vector<16xi32>], vector<16xf32>,
      %get3A_863 = arith.constant 14 : i32
      %get3A_864 = arith.index_cast %rem3A_103 : i32 to index
      %get3A_865 = arith.index_cast %get3A_863 : i32 to index
      %get3A_866 = arith.constant 112 : index
      %get3A_867 = tpu.vector_load %arg5[%get3A_864, %get3A_865, %get3A_866] {strides = array<i32>} : memref<2x16x128xf32, #tpu.memory_space<vmem>>, vector<16xf32>,
      tpu.vector_store_idx %arg6[%broadcast_in_dim3A, %add3A_223, %add3A_827], %get3A_867 : memref<2x16x136xf32, #tpu.memory_space<vmem>>[vector<16xi32>, vector<16xi32>, vector<16xi32>], vector<16xf32>,
      %add3A_868 = arith.constant 120 : i32
      %add3A_869 = vector.broadcast %add3A_868 : i32 to vector<16xi32>
      %add3A_870 = arith.addi %and3A_176, %add3A_869 : vector<16xi32>
      %get3A_871 = arith.constant 15 : i32
      %get3A_872 = arith.index_cast %rem3A_103 : i32 to index
      %get3A_873 = arith.index_cast %get3A_871 : i32 to index
      %get3A_874 = arith.constant 0 : index
      %get3A_875 = tpu.vector_load %arg5[%get3A_872, %get3A_873, %get3A_874] {strides = array<i32>} : memref<2x16x128xf32, #tpu.memory_space<vmem>>, vector<16xf32>,
      tpu.vector_store_idx %arg6[%broadcast_in_dim3A, %add3A_181, %add3A_870], %get3A_875 : memref<2x16x136xf32, #tpu.memory_space<vmem>>[vector<16xi32>, vector<16xi32>, vector<16xi32>], vector<16xf32>,
      %get3A_876 = arith.constant 15 : i32
      %get3A_877 = arith.index_cast %rem3A_103 : i32 to index
      %get3A_878 = arith.index_cast %get3A_876 : i32 to index
      %get3A_879 = arith.constant 16 : index
      %get3A_880 = tpu.vector_load %arg5[%get3A_877, %get3A_878, %get3A_879] {strides = array<i32>} : memref<2x16x128xf32, #tpu.memory_space<vmem>>, vector<16xf32>,
      tpu.vector_store_idx %arg6[%broadcast_in_dim3A, %add3A_187, %add3A_870], %get3A_880 : memref<2x16x136xf32, #tpu.memory_space<vmem>>[vector<16xi32>, vector<16xi32>, vector<16xi32>], vector<16xf32>,
      %get3A_881 = arith.constant 15 : i32
      %get3A_882 = arith.index_cast %rem3A_103 : i32 to index
      %get3A_883 = arith.index_cast %get3A_881 : i32 to index
      %get3A_884 = arith.constant 32 : index
      %get3A_885 = tpu.vector_load %arg5[%get3A_882, %get3A_883, %get3A_884] {strides = array<i32>} : memref<2x16x128xf32, #tpu.memory_space<vmem>>, vector<16xf32>,
      tpu.vector_store_idx %arg6[%broadcast_in_dim3A, %add3A_193, %add3A_870], %get3A_885 : memref<2x16x136xf32, #tpu.memory_space<vmem>>[vector<16xi32>, vector<16xi32>, vector<16xi32>], vector<16xf32>,
      %get3A_886 = arith.constant 15 : i32
      %get3A_887 = arith.index_cast %rem3A_103 : i32 to index
      %get3A_888 = arith.index_cast %get3A_886 : i32 to index
      %get3A_889 = arith.constant 48 : index
      %get3A_890 = tpu.vector_load %arg5[%get3A_887, %get3A_888, %get3A_889] {strides = array<i32>} : memref<2x16x128xf32, #tpu.memory_space<vmem>>, vector<16xf32>,
      tpu.vector_store_idx %arg6[%broadcast_in_dim3A, %add3A_199, %add3A_870], %get3A_890 : memref<2x16x136xf32, #tpu.memory_space<vmem>>[vector<16xi32>, vector<16xi32>, vector<16xi32>], vector<16xf32>,
      %get3A_891 = arith.constant 15 : i32
      %get3A_892 = arith.index_cast %rem3A_103 : i32 to index
      %get3A_893 = arith.index_cast %get3A_891 : i32 to index
      %get3A_894 = arith.constant 64 : index
      %get3A_895 = tpu.vector_load %arg5[%get3A_892, %get3A_893, %get3A_894] {strides = array<i32>} : memref<2x16x128xf32, #tpu.memory_space<vmem>>, vector<16xf32>,
      tpu.vector_store_idx %arg6[%broadcast_in_dim3A, %add3A_205, %add3A_870], %get3A_895 : memref<2x16x136xf32, #tpu.memory_space<vmem>>[vector<16xi32>, vector<16xi32>, vector<16xi32>], vector<16xf32>,
      %get3A_896 = arith.constant 15 : i32
      %get3A_897 = arith.index_cast %rem3A_103 : i32 to index
      %get3A_898 = arith.index_cast %get3A_896 : i32 to index
      %get3A_899 = arith.constant 80 : index
      %get3A_900 = tpu.vector_load %arg5[%get3A_897, %get3A_898, %get3A_899] {strides = array<i32>} : memref<2x16x128xf32, #tpu.memory_space<vmem>>, vector<16xf32>,
      tpu.vector_store_idx %arg6[%broadcast_in_dim3A, %add3A_211, %add3A_870], %get3A_900 : memref<2x16x136xf32, #tpu.memory_space<vmem>>[vector<16xi32>, vector<16xi32>, vector<16xi32>], vector<16xf32>,
      %get3A_901 = arith.constant 15 : i32
      %get3A_902 = arith.index_cast %rem3A_103 : i32 to index
      %get3A_903 = arith.index_cast %get3A_901 : i32 to index
      %get3A_904 = arith.constant 96 : index
      %get3A_905 = tpu.vector_load %arg5[%get3A_902, %get3A_903, %get3A_904] {strides = array<i32>} : memref<2x16x128xf32, #tpu.memory_space<vmem>>, vector<16xf32>,
      tpu.vector_store_idx %arg6[%broadcast_in_dim3A, %add3A_217, %add3A_870], %get3A_905 : memref<2x16x136xf32, #tpu.memory_space<vmem>>[vector<16xi32>, vector<16xi32>, vector<16xi32>], vector<16xf32>,
      %get3A_906 = arith.constant 15 : i32
      %get3A_907 = arith.index_cast %rem3A_103 : i32 to index
      %get3A_908 = arith.index_cast %get3A_906 : i32 to index
      %get3A_909 = arith.constant 112 : index
      %get3A_910 = tpu.vector_load %arg5[%get3A_907, %get3A_908, %get3A_909] {strides = array<i32>} : memref<2x16x128xf32, #tpu.memory_space<vmem>>, vector<16xf32>,
      tpu.vector_store_idx %arg6[%broadcast_in_dim3A, %add3A_223, %add3A_870], %get3A_910 : memref<2x16x136xf32, #tpu.memory_space<vmem>>[vector<16xi32>, vector<16xi32>, vector<16xi32>], vector<16xf32>,
      %mul3A_911 = arith.constant 16 : i32
      %mul3A_912 = arith.muli %select_n3A_146, %mul3A_911 : i32
      %dma_start3A_913 = arith.constant 0 : i32
      %dma_start3A_914 = arith.constant 0 : i32
      %dma_start3A_915 = tpu.memref_slice %arg6[%rem3A_103, %dma_start3A_913, %dma_start3A_914] : memref<2x16x136xf32, #tpu.memory_space<vmem>> -> memref<1x16x128xf32, #tpu.memory_space<vmem>>
      %dma_start3A_916 = tpu.memref_squeeze %dma_start3A_915 : memref<1x16x128xf32, #tpu.memory_space<vmem>> -> memref<16x128xf32, #tpu.memory_space<vmem>>
      %dma_start3A_917 = arith.constant 0 : i32
      %dma_start3A_918 = tpu.memref_slice %arg4[%select_n3A_130, %mul3A_912, %dma_start3A_917] : memref<26x12500x128xf32, #tpu.memory_space<hbm>> -> memref<1x16x128xf32, #tpu.memory_space<hbm>>
      %dma_start3A_919 = tpu.memref_squeeze %dma_start3A_918 : memref<1x16x128xf32, #tpu.memory_space<hbm>> -> memref<16x128xf32, #tpu.memory_space<hbm>>
      %dma_start3A_920 = arith.constant 0 : i32
      %dma_start3A_921 = tpu.memref_slice %arg4[%select_n3A_130, %mul3A_912, %dma_start3A_920] : memref<26x12500x128xf32, #tpu.memory_space<hbm>> -> memref<1x16x128xf32, #tpu.memory_space<hbm>>
      %dma_start3A_922 = tpu.memref_squeeze %dma_start3A_921 : memref<1x16x128xf32, #tpu.memory_space<hbm>> -> memref<16x128xf32, #tpu.memory_space<hbm>>
      %dma_start3A_923 = arith.constant 0 : i32
      %dma_start3A_924 = arith.constant 0 : i32
      %dma_start3A_925 = tpu.memref_slice %arg6[%rem3A_103, %dma_start3A_923, %dma_start3A_924] : memref<2x16x136xf32, #tpu.memory_space<vmem>> -> memref<1x16x128xf32, #tpu.memory_space<vmem>>
      %dma_start3A_926 = tpu.memref_squeeze %dma_start3A_925 : memref<1x16x128xf32, #tpu.memory_space<vmem>> -> memref<16x128xf32, #tpu.memory_space<vmem>>
      tpu.enqueue_dma source(%dma_start3A_926 : memref<16x128xf32, #tpu.memory_space<vmem>>) target(%dma_start3A_922 : memref<16x128xf32, #tpu.memory_space<hbm>>) target_semaphore(%arg8 : memref<!tpu.dma_semaphore, #tpu.memory_space<semaphore_mem>>)
      %while3A_927 = arith.constant 0 : i32
      scf.yield %while3A_927 : i32
    }
    %ge3A = arith.constant 1 : i32
    %ge3A_88 = arith.cmpi sge, %add3A_20, %ge3A : i32
    %convert_element_type3A = arith.extui %ge3A_88 : i1 to i32
    %cond3A = arith.constant 0 : i32
    %cond3A_89 = arith.cmpi ne, %convert_element_type3A, %cond3A : i32
    scf.if %cond3A_89 {
      %dma_wait3A = arith.constant 0 : i32
      %dma_wait3A_100 = arith.constant 0 : i32
      %dma_wait3A_101 = arith.constant 0 : i32
      %dma_wait3A_102 = arith.constant 0 : i32
      %dma_wait3A_103 = tpu.memref_slice %arg6[%dma_wait3A, %dma_wait3A_101, %dma_wait3A_102] : memref<2x16x136xf32, #tpu.memory_space<vmem>> -> memref<1x16x128xf32, #tpu.memory_space<vmem>>
      %dma_wait3A_104 = tpu.memref_squeeze %dma_wait3A_103 : memref<1x16x128xf32, #tpu.memory_space<vmem>> -> memref<16x128xf32, #tpu.memory_space<vmem>>
      %dma_wait3A_105 = arith.constant 0 : i32
      %dma_wait3A_106 = arith.constant 0 : i32
      %dma_wait3A_107 = tpu.memref_slice %arg4[%dma_wait3A_100, %dma_wait3A_105, %dma_wait3A_106] : memref<26x12500x128xf32, #tpu.memory_space<hbm>> -> memref<1x16x128xf32, #tpu.memory_space<hbm>>
      %dma_wait3A_108 = tpu.memref_squeeze %dma_wait3A_107 : memref<1x16x128xf32, #tpu.memory_space<hbm>> -> memref<16x128xf32, #tpu.memory_space<hbm>>
      %dma_wait3A_109 = arith.constant 0 : i32
      %dma_wait3A_110 = arith.constant 0 : i32
      %dma_wait3A_111 = tpu.memref_slice %arg4[%dma_wait3A_100, %dma_wait3A_109, %dma_wait3A_110] : memref<26x12500x128xf32, #tpu.memory_space<hbm>> -> memref<1x16x128xf32, #tpu.memory_space<hbm>>
      %dma_wait3A_112 = tpu.memref_squeeze %dma_wait3A_111 : memref<1x16x128xf32, #tpu.memory_space<hbm>> -> memref<16x128xf32, #tpu.memory_space<hbm>>
      %dma_wait3A_113 = arith.constant 0 : i32
      %dma_wait3A_114 = arith.constant 0 : i32
      %dma_wait3A_115 = tpu.memref_slice %arg6[%dma_wait3A, %dma_wait3A_113, %dma_wait3A_114] : memref<2x16x136xf32, #tpu.memory_space<vmem>> -> memref<1x16x128xf32, #tpu.memory_space<vmem>>
      %dma_wait3A_116 = tpu.memref_squeeze %dma_wait3A_115 : memref<1x16x128xf32, #tpu.memory_space<vmem>> -> memref<16x128xf32, #tpu.memory_space<vmem>>
      tpu.wait_dma2 semaphore(%arg8 : memref<!tpu.dma_semaphore, #tpu.memory_space<semaphore_mem>>) src(%dma_wait3A_116 : memref<16x128xf32, #tpu.memory_space<vmem>>) dst(%dma_wait3A_112 : memref<16x128xf32, #tpu.memory_space<hbm>>)
    } else {
    }
    %ge3A_90 = arith.constant 2 : i32
    %ge3A_91 = arith.cmpi sge, %add3A_20, %ge3A_90 : i32
    %convert_element_type3A_92 = arith.extui %ge3A_91 : i1 to i32
    %cond3A_93 = arith.constant 0 : i32
    %cond3A_94 = arith.cmpi ne, %convert_element_type3A_92, %cond3A_93 : i32
    scf.if %cond3A_94 {
      %dma_wait3A = arith.constant 0 : i32
      %dma_wait3A_100 = arith.constant 0 : i32
      %dma_wait3A_101 = arith.constant 0 : i32
      %dma_wait3A_102 = arith.constant 0 : i32
      %dma_wait3A_103 = tpu.memref_slice %arg6[%dma_wait3A, %dma_wait3A_101, %dma_wait3A_102] : memref<2x16x136xf32, #tpu.memory_space<vmem>> -> memref<1x16x128xf32, #tpu.memory_space<vmem>>
      %dma_wait3A_104 = tpu.memref_squeeze %dma_wait3A_103 : memref<1x16x128xf32, #tpu.memory_space<vmem>> -> memref<16x128xf32, #tpu.memory_space<vmem>>
      %dma_wait3A_105 = arith.constant 0 : i32
      %dma_wait3A_106 = arith.constant 0 : i32
      %dma_wait3A_107 = tpu.memref_slice %arg4[%dma_wait3A_100, %dma_wait3A_105, %dma_wait3A_106] : memref<26x12500x128xf32, #tpu.memory_space<hbm>> -> memref<1x16x128xf32, #tpu.memory_space<hbm>>
      %dma_wait3A_108 = tpu.memref_squeeze %dma_wait3A_107 : memref<1x16x128xf32, #tpu.memory_space<hbm>> -> memref<16x128xf32, #tpu.memory_space<hbm>>
      %dma_wait3A_109 = arith.constant 0 : i32
      %dma_wait3A_110 = arith.constant 0 : i32
      %dma_wait3A_111 = tpu.memref_slice %arg4[%dma_wait3A_100, %dma_wait3A_109, %dma_wait3A_110] : memref<26x12500x128xf32, #tpu.memory_space<hbm>> -> memref<1x16x128xf32, #tpu.memory_space<hbm>>
      %dma_wait3A_112 = tpu.memref_squeeze %dma_wait3A_111 : memref<1x16x128xf32, #tpu.memory_space<hbm>> -> memref<16x128xf32, #tpu.memory_space<hbm>>
      %dma_wait3A_113 = arith.constant 0 : i32
      %dma_wait3A_114 = arith.constant 0 : i32
      %dma_wait3A_115 = tpu.memref_slice %arg6[%dma_wait3A, %dma_wait3A_113, %dma_wait3A_114] : memref<2x16x136xf32, #tpu.memory_space<vmem>> -> memref<1x16x128xf32, #tpu.memory_space<vmem>>
      %dma_wait3A_116 = tpu.memref_squeeze %dma_wait3A_115 : memref<1x16x128xf32, #tpu.memory_space<vmem>> -> memref<16x128xf32, #tpu.memory_space<vmem>>
      tpu.wait_dma2 semaphore(%arg8 : memref<!tpu.dma_semaphore, #tpu.memory_space<semaphore_mem>>) src(%dma_wait3A_116 : memref<16x128xf32, #tpu.memory_space<vmem>>) dst(%dma_wait3A_112 : memref<16x128xf32, #tpu.memory_space<hbm>>)
    } else {
    }
    %lt3A_95 = arith.constant 26 : i32
    %lt3A_96 = arith.cmpi slt, %add3A, %lt3A_95 : i32
    %convert_element_type3A_97 = arith.extui %lt3A_96 : i1 to i32
    %cond3A_98 = arith.constant 0 : i32
    %cond3A_99 = arith.cmpi ne, %convert_element_type3A_97, %cond3A_98 : i32
    scf.if %cond3A_99 {
      %run_scoped3A = arith.constant 0 : i32
      "tpu.region"() ({
        %run_scoped3A_355 = tpu.sem_alloc : memref<!tpu.dma_semaphore, #tpu.memory_space<semaphore_mem>>
        %dma_start3A_356 = arith.constant 0 : i32
        %dma_start3A_357 = arith.constant 0 : i32
        %dma_start3A_358 = tpu.memref_slice %arg5[%run_scoped3A, %dma_start3A_356, %dma_start3A_357] : memref<2x16x128xf32, #tpu.memory_space<vmem>> -> memref<1x16x128xf32, #tpu.memory_space<vmem>>
        %dma_start3A_359 = tpu.memref_squeeze %dma_start3A_358 : memref<1x16x128xf32, #tpu.memory_space<vmem>> -> memref<16x128xf32, #tpu.memory_space<vmem>>
        %dma_start3A_360 = arith.constant 0 : i32
        %dma_start3A_361 = arith.constant 0 : i32
        %dma_start3A_362 = tpu.memref_slice %arg3[%add3A, %dma_start3A_360, %dma_start3A_361] : memref<26x16x128xf32, #tpu.memory_space<hbm>> -> memref<1x16x128xf32, #tpu.memory_space<hbm>>
        %dma_start3A_363 = tpu.memref_squeeze %dma_start3A_362 : memref<1x16x128xf32, #tpu.memory_space<hbm>> -> memref<16x128xf32, #tpu.memory_space<hbm>>
        %dma_start3A_364 = arith.constant 0 : i32
        %dma_start3A_365 = arith.constant 0 : i32
        %dma_start3A_366 = tpu.memref_slice %arg5[%run_scoped3A, %dma_start3A_364, %dma_start3A_365] : memref<2x16x128xf32, #tpu.memory_space<vmem>> -> memref<1x16x128xf32, #tpu.memory_space<vmem>>
        %dma_start3A_367 = tpu.memref_squeeze %dma_start3A_366 : memref<1x16x128xf32, #tpu.memory_space<vmem>> -> memref<16x128xf32, #tpu.memory_space<vmem>>
        %dma_start3A_368 = arith.constant 0 : i32
        %dma_start3A_369 = arith.constant 0 : i32
        %dma_start3A_370 = tpu.memref_slice %arg3[%add3A, %dma_start3A_368, %dma_start3A_369] : memref<26x16x128xf32, #tpu.memory_space<hbm>> -> memref<1x16x128xf32, #tpu.memory_space<hbm>>
        %dma_start3A_371 = tpu.memref_squeeze %dma_start3A_370 : memref<1x16x128xf32, #tpu.memory_space<hbm>> -> memref<16x128xf32, #tpu.memory_space<hbm>>
        tpu.enqueue_dma source(%dma_start3A_371 : memref<16x128xf32, #tpu.memory_space<hbm>>) target(%dma_start3A_367 : memref<16x128xf32, #tpu.memory_space<vmem>>) target_semaphore(%run_scoped3A_355 : memref<!tpu.dma_semaphore, #tpu.memory_space<semaphore_mem>>)
        %dma_wait3A = arith.constant 0 : i32
        %dma_wait3A_372 = arith.constant 0 : i32
        %dma_wait3A_373 = tpu.memref_slice %arg5[%run_scoped3A, %dma_wait3A, %dma_wait3A_372] : memref<2x16x128xf32, #tpu.memory_space<vmem>> -> memref<1x16x128xf32, #tpu.memory_space<vmem>>
        %dma_wait3A_374 = tpu.memref_squeeze %dma_wait3A_373 : memref<1x16x128xf32, #tpu.memory_space<vmem>> -> memref<16x128xf32, #tpu.memory_space<vmem>>
        %dma_wait3A_375 = arith.constant 0 : i32
        %dma_wait3A_376 = arith.constant 0 : i32
        %dma_wait3A_377 = tpu.memref_slice %arg3[%add3A, %dma_wait3A_375, %dma_wait3A_376] : memref<26x16x128xf32, #tpu.memory_space<hbm>> -> memref<1x16x128xf32, #tpu.memory_space<hbm>>
        %dma_wait3A_378 = tpu.memref_squeeze %dma_wait3A_377 : memref<1x16x128xf32, #tpu.memory_space<hbm>> -> memref<16x128xf32, #tpu.memory_space<hbm>>
        %dma_wait3A_379 = arith.constant 0 : i32
        %dma_wait3A_380 = arith.constant 0 : i32
        %dma_wait3A_381 = tpu.memref_slice %arg5[%run_scoped3A, %dma_wait3A_379, %dma_wait3A_380] : memref<2x16x128xf32, #tpu.memory_space<vmem>> -> memref<1x16x128xf32, #tpu.memory_space<vmem>>
        %dma_wait3A_382 = tpu.memref_squeeze %dma_wait3A_381 : memref<1x16x128xf32, #tpu.memory_space<vmem>> -> memref<16x128xf32, #tpu.memory_space<vmem>>
        %dma_wait3A_383 = arith.constant 0 : i32
        %dma_wait3A_384 = arith.constant 0 : i32
        %dma_wait3A_385 = tpu.memref_slice %arg3[%add3A, %dma_wait3A_383, %dma_wait3A_384] : memref<26x16x128xf32, #tpu.memory_space<hbm>> -> memref<1x16x128xf32, #tpu.memory_space<hbm>>
        %dma_wait3A_386 = tpu.memref_squeeze %dma_wait3A_385 : memref<1x16x128xf32, #tpu.memory_space<hbm>> -> memref<16x128xf32, #tpu.memory_space<hbm>>
        tpu.wait_dma2 semaphore(%run_scoped3A_355 : memref<!tpu.dma_semaphore, #tpu.memory_space<semaphore_mem>>) src(%dma_wait3A_386 : memref<16x128xf32, #tpu.memory_space<hbm>>) dst(%dma_wait3A_382 : memref<16x128xf32, #tpu.memory_space<vmem>>)
        tpu.yield
      }) : () -> ()
      %broadcast_in_dim3A = arith.constant 0 : i32
      %broadcast_in_dim3A_100 = vector.broadcast %broadcast_in_dim3A : i32 to vector<16xi32>
      %and3A_101 = arith.constant 7 : i32
      %and3A_102 = vector.broadcast %and3A_101 : i32 to vector<16xi32>
      %and3A_103 = arith.andi %iota3A, %and3A_102 : vector<16xi32>
      %shift_right_arithmetic3A = arith.constant 3 : i32
      %shift_right_arithmetic3A_104 = vector.broadcast %shift_right_arithmetic3A : i32 to vector<16xi32>
      %shift_right_arithmetic3A_105 = arith.shrsi %iota3A, %shift_right_arithmetic3A_104 : vector<16xi32>
      %add3A_106 = arith.constant 0 : i32
      %add3A_107 = vector.broadcast %add3A_106 : i32 to vector<16xi32>
      %add3A_108 = arith.addi %shift_right_arithmetic3A_105, %add3A_107 : vector<16xi32>
      %shift_right_arithmetic3A_109 = arith.constant 3 : i32
      %shift_right_arithmetic3A_110 = vector.broadcast %shift_right_arithmetic3A_109 : i32 to vector<16xi32>
      %shift_right_arithmetic3A_111 = arith.shrsi %iota3A, %shift_right_arithmetic3A_110 : vector<16xi32>
      %add3A_112 = arith.constant 2 : i32
      %add3A_113 = vector.broadcast %add3A_112 : i32 to vector<16xi32>
      %add3A_114 = arith.addi %shift_right_arithmetic3A_111, %add3A_113 : vector<16xi32>
      %add3A_115 = arith.constant 0 : i32
      %add3A_116 = vector.broadcast %add3A_115 : i32 to vector<16xi32>
      %add3A_117 = arith.addi %and3A_103, %add3A_116 : vector<16xi32>
      %get3A = arith.constant 0 : i32
      %get3A_118 = arith.constant 0 : i32
      %get3A_119 = arith.index_cast %get3A : i32 to index
      %get3A_120 = arith.index_cast %get3A_118 : i32 to index
      %get3A_121 = arith.constant 0 : index
      %get3A_122 = tpu.vector_load %arg5[%get3A_119, %get3A_120, %get3A_121] {strides = array<i32>} : memref<2x16x128xf32, #tpu.memory_space<vmem>>, vector<16xf32>,
      tpu.vector_store_idx %arg6[%broadcast_in_dim3A_100, %add3A_108, %add3A_117], %get3A_122 : memref<2x16x136xf32, #tpu.memory_space<vmem>>[vector<16xi32>, vector<16xi32>, vector<16xi32>], vector<16xf32>,
      %get3A_123 = arith.constant 0 : i32
      %get3A_124 = arith.constant 0 : i32
      %get3A_125 = arith.index_cast %get3A_123 : i32 to index
      %get3A_126 = arith.index_cast %get3A_124 : i32 to index
      %get3A_127 = arith.constant 16 : index
      %get3A_128 = tpu.vector_load %arg5[%get3A_125, %get3A_126, %get3A_127] {strides = array<i32>} : memref<2x16x128xf32, #tpu.memory_space<vmem>>, vector<16xf32>,
      tpu.vector_store_idx %arg6[%broadcast_in_dim3A_100, %add3A_114, %add3A_117], %get3A_128 : memref<2x16x136xf32, #tpu.memory_space<vmem>>[vector<16xi32>, vector<16xi32>, vector<16xi32>], vector<16xf32>,
      %add3A_129 = arith.constant 8 : i32
      %add3A_130 = vector.broadcast %add3A_129 : i32 to vector<16xi32>
      %add3A_131 = arith.addi %and3A_103, %add3A_130 : vector<16xi32>
      %get3A_132 = arith.constant 0 : i32
      %get3A_133 = arith.constant 1 : i32
      %get3A_134 = arith.index_cast %get3A_132 : i32 to index
      %get3A_135 = arith.index_cast %get3A_133 : i32 to index
      %get3A_136 = arith.constant 0 : index
      %get3A_137 = tpu.vector_load %arg5[%get3A_134, %get3A_135, %get3A_136] {strides = array<i32>} : memref<2x16x128xf32, #tpu.memory_space<vmem>>, vector<16xf32>,
      tpu.vector_store_idx %arg6[%broadcast_in_dim3A_100, %add3A_108, %add3A_131], %get3A_137 : memref<2x16x136xf32, #tpu.memory_space<vmem>>[vector<16xi32>, vector<16xi32>, vector<16xi32>], vector<16xf32>,
      %get3A_138 = arith.constant 0 : i32
      %get3A_139 = arith.constant 1 : i32
      %get3A_140 = arith.index_cast %get3A_138 : i32 to index
      %get3A_141 = arith.index_cast %get3A_139 : i32 to index
      %get3A_142 = arith.constant 16 : index
      %get3A_143 = tpu.vector_load %arg5[%get3A_140, %get3A_141, %get3A_142] {strides = array<i32>} : memref<2x16x128xf32, #tpu.memory_space<vmem>>, vector<16xf32>,
      tpu.vector_store_idx %arg6[%broadcast_in_dim3A_100, %add3A_114, %add3A_131], %get3A_143 : memref<2x16x136xf32, #tpu.memory_space<vmem>>[vector<16xi32>, vector<16xi32>, vector<16xi32>], vector<16xf32>,
      %add3A_144 = arith.constant 16 : i32
      %add3A_145 = vector.broadcast %add3A_144 : i32 to vector<16xi32>
      %add3A_146 = arith.addi %and3A_103, %add3A_145 : vector<16xi32>
      %get3A_147 = arith.constant 0 : i32
      %get3A_148 = arith.constant 2 : i32
      %get3A_149 = arith.index_cast %get3A_147 : i32 to index
      %get3A_150 = arith.index_cast %get3A_148 : i32 to index
      %get3A_151 = arith.constant 0 : index
      %get3A_152 = tpu.vector_load %arg5[%get3A_149, %get3A_150, %get3A_151] {strides = array<i32>} : memref<2x16x128xf32, #tpu.memory_space<vmem>>, vector<16xf32>,
      tpu.vector_store_idx %arg6[%broadcast_in_dim3A_100, %add3A_108, %add3A_146], %get3A_152 : memref<2x16x136xf32, #tpu.memory_space<vmem>>[vector<16xi32>, vector<16xi32>, vector<16xi32>], vector<16xf32>,
      %get3A_153 = arith.constant 0 : i32
      %get3A_154 = arith.constant 2 : i32
      %get3A_155 = arith.index_cast %get3A_153 : i32 to index
      %get3A_156 = arith.index_cast %get3A_154 : i32 to index
      %get3A_157 = arith.constant 16 : index
      %get3A_158 = tpu.vector_load %arg5[%get3A_155, %get3A_156, %get3A_157] {strides = array<i32>} : memref<2x16x128xf32, #tpu.memory_space<vmem>>, vector<16xf32>,
      tpu.vector_store_idx %arg6[%broadcast_in_dim3A_100, %add3A_114, %add3A_146], %get3A_158 : memref<2x16x136xf32, #tpu.memory_space<vmem>>[vector<16xi32>, vector<16xi32>, vector<16xi32>], vector<16xf32>,
      %add3A_159 = arith.constant 24 : i32
      %add3A_160 = vector.broadcast %add3A_159 : i32 to vector<16xi32>
      %add3A_161 = arith.addi %and3A_103, %add3A_160 : vector<16xi32>
      %get3A_162 = arith.constant 0 : i32
      %get3A_163 = arith.constant 3 : i32
      %get3A_164 = arith.index_cast %get3A_162 : i32 to index
      %get3A_165 = arith.index_cast %get3A_163 : i32 to index
      %get3A_166 = arith.constant 0 : index
      %get3A_167 = tpu.vector_load %arg5[%get3A_164, %get3A_165, %get3A_166] {strides = array<i32>} : memref<2x16x128xf32, #tpu.memory_space<vmem>>, vector<16xf32>,
      tpu.vector_store_idx %arg6[%broadcast_in_dim3A_100, %add3A_108, %add3A_161], %get3A_167 : memref<2x16x136xf32, #tpu.memory_space<vmem>>[vector<16xi32>, vector<16xi32>, vector<16xi32>], vector<16xf32>,
      %get3A_168 = arith.constant 0 : i32
      %get3A_169 = arith.constant 3 : i32
      %get3A_170 = arith.index_cast %get3A_168 : i32 to index
      %get3A_171 = arith.index_cast %get3A_169 : i32 to index
      %get3A_172 = arith.constant 16 : index
      %get3A_173 = tpu.vector_load %arg5[%get3A_170, %get3A_171, %get3A_172] {strides = array<i32>} : memref<2x16x128xf32, #tpu.memory_space<vmem>>, vector<16xf32>,
      tpu.vector_store_idx %arg6[%broadcast_in_dim3A_100, %add3A_114, %add3A_161], %get3A_173 : memref<2x16x136xf32, #tpu.memory_space<vmem>>[vector<16xi32>, vector<16xi32>, vector<16xi32>], vector<16xf32>,
      %add3A_174 = arith.constant 32 : i32
      %add3A_175 = vector.broadcast %add3A_174 : i32 to vector<16xi32>
      %add3A_176 = arith.addi %and3A_103, %add3A_175 : vector<16xi32>
      %get3A_177 = arith.constant 0 : i32
      %get3A_178 = arith.constant 4 : i32
      %get3A_179 = arith.index_cast %get3A_177 : i32 to index
      %get3A_180 = arith.index_cast %get3A_178 : i32 to index
      %get3A_181 = arith.constant 0 : index
      %get3A_182 = tpu.vector_load %arg5[%get3A_179, %get3A_180, %get3A_181] {strides = array<i32>} : memref<2x16x128xf32, #tpu.memory_space<vmem>>, vector<16xf32>,
      tpu.vector_store_idx %arg6[%broadcast_in_dim3A_100, %add3A_108, %add3A_176], %get3A_182 : memref<2x16x136xf32, #tpu.memory_space<vmem>>[vector<16xi32>, vector<16xi32>, vector<16xi32>], vector<16xf32>,
      %get3A_183 = arith.constant 0 : i32
      %get3A_184 = arith.constant 4 : i32
      %get3A_185 = arith.index_cast %get3A_183 : i32 to index
      %get3A_186 = arith.index_cast %get3A_184 : i32 to index
      %get3A_187 = arith.constant 16 : index
      %get3A_188 = tpu.vector_load %arg5[%get3A_185, %get3A_186, %get3A_187] {strides = array<i32>} : memref<2x16x128xf32, #tpu.memory_space<vmem>>, vector<16xf32>,
      tpu.vector_store_idx %arg6[%broadcast_in_dim3A_100, %add3A_114, %add3A_176], %get3A_188 : memref<2x16x136xf32, #tpu.memory_space<vmem>>[vector<16xi32>, vector<16xi32>, vector<16xi32>], vector<16xf32>,
      %add3A_189 = arith.constant 40 : i32
      %add3A_190 = vector.broadcast %add3A_189 : i32 to vector<16xi32>
      %add3A_191 = arith.addi %and3A_103, %add3A_190 : vector<16xi32>
      %get3A_192 = arith.constant 0 : i32
      %get3A_193 = arith.constant 5 : i32
      %get3A_194 = arith.index_cast %get3A_192 : i32 to index
      %get3A_195 = arith.index_cast %get3A_193 : i32 to index
      %get3A_196 = arith.constant 0 : index
      %get3A_197 = tpu.vector_load %arg5[%get3A_194, %get3A_195, %get3A_196] {strides = array<i32>} : memref<2x16x128xf32, #tpu.memory_space<vmem>>, vector<16xf32>,
      tpu.vector_store_idx %arg6[%broadcast_in_dim3A_100, %add3A_108, %add3A_191], %get3A_197 : memref<2x16x136xf32, #tpu.memory_space<vmem>>[vector<16xi32>, vector<16xi32>, vector<16xi32>], vector<16xf32>,
      %get3A_198 = arith.constant 0 : i32
      %get3A_199 = arith.constant 5 : i32
      %get3A_200 = arith.index_cast %get3A_198 : i32 to index
      %get3A_201 = arith.index_cast %get3A_199 : i32 to index
      %get3A_202 = arith.constant 16 : index
      %get3A_203 = tpu.vector_load %arg5[%get3A_200, %get3A_201, %get3A_202] {strides = array<i32>} : memref<2x16x128xf32, #tpu.memory_space<vmem>>, vector<16xf32>,
      tpu.vector_store_idx %arg6[%broadcast_in_dim3A_100, %add3A_114, %add3A_191], %get3A_203 : memref<2x16x136xf32, #tpu.memory_space<vmem>>[vector<16xi32>, vector<16xi32>, vector<16xi32>], vector<16xf32>,
      %add3A_204 = arith.constant 48 : i32
      %add3A_205 = vector.broadcast %add3A_204 : i32 to vector<16xi32>
      %add3A_206 = arith.addi %and3A_103, %add3A_205 : vector<16xi32>
      %get3A_207 = arith.constant 0 : i32
      %get3A_208 = arith.constant 6 : i32
      %get3A_209 = arith.index_cast %get3A_207 : i32 to index
      %get3A_210 = arith.index_cast %get3A_208 : i32 to index
      %get3A_211 = arith.constant 0 : index
      %get3A_212 = tpu.vector_load %arg5[%get3A_209, %get3A_210, %get3A_211] {strides = array<i32>} : memref<2x16x128xf32, #tpu.memory_space<vmem>>, vector<16xf32>,
      tpu.vector_store_idx %arg6[%broadcast_in_dim3A_100, %add3A_108, %add3A_206], %get3A_212 : memref<2x16x136xf32, #tpu.memory_space<vmem>>[vector<16xi32>, vector<16xi32>, vector<16xi32>], vector<16xf32>,
      %get3A_213 = arith.constant 0 : i32
      %get3A_214 = arith.constant 6 : i32
      %get3A_215 = arith.index_cast %get3A_213 : i32 to index
      %get3A_216 = arith.index_cast %get3A_214 : i32 to index
      %get3A_217 = arith.constant 16 : index
      %get3A_218 = tpu.vector_load %arg5[%get3A_215, %get3A_216, %get3A_217] {strides = array<i32>} : memref<2x16x128xf32, #tpu.memory_space<vmem>>, vector<16xf32>,
      tpu.vector_store_idx %arg6[%broadcast_in_dim3A_100, %add3A_114, %add3A_206], %get3A_218 : memref<2x16x136xf32, #tpu.memory_space<vmem>>[vector<16xi32>, vector<16xi32>, vector<16xi32>], vector<16xf32>,
      %add3A_219 = arith.constant 56 : i32
      %add3A_220 = vector.broadcast %add3A_219 : i32 to vector<16xi32>
      %add3A_221 = arith.addi %and3A_103, %add3A_220 : vector<16xi32>
      %get3A_222 = arith.constant 0 : i32
      %get3A_223 = arith.constant 7 : i32
      %get3A_224 = arith.index_cast %get3A_222 : i32 to index
      %get3A_225 = arith.index_cast %get3A_223 : i32 to index
      %get3A_226 = arith.constant 0 : index
      %get3A_227 = tpu.vector_load %arg5[%get3A_224, %get3A_225, %get3A_226] {strides = array<i32>} : memref<2x16x128xf32, #tpu.memory_space<vmem>>, vector<16xf32>,
      tpu.vector_store_idx %arg6[%broadcast_in_dim3A_100, %add3A_108, %add3A_221], %get3A_227 : memref<2x16x136xf32, #tpu.memory_space<vmem>>[vector<16xi32>, vector<16xi32>, vector<16xi32>], vector<16xf32>,
      %get3A_228 = arith.constant 0 : i32
      %get3A_229 = arith.constant 7 : i32
      %get3A_230 = arith.index_cast %get3A_228 : i32 to index
      %get3A_231 = arith.index_cast %get3A_229 : i32 to index
      %get3A_232 = arith.constant 16 : index
      %get3A_233 = tpu.vector_load %arg5[%get3A_230, %get3A_231, %get3A_232] {strides = array<i32>} : memref<2x16x128xf32, #tpu.memory_space<vmem>>, vector<16xf32>,
      tpu.vector_store_idx %arg6[%broadcast_in_dim3A_100, %add3A_114, %add3A_221], %get3A_233 : memref<2x16x136xf32, #tpu.memory_space<vmem>>[vector<16xi32>, vector<16xi32>, vector<16xi32>], vector<16xf32>,
      %add3A_234 = arith.constant 64 : i32
      %add3A_235 = vector.broadcast %add3A_234 : i32 to vector<16xi32>
      %add3A_236 = arith.addi %and3A_103, %add3A_235 : vector<16xi32>
      %get3A_237 = arith.constant 0 : i32
      %get3A_238 = arith.constant 8 : i32
      %get3A_239 = arith.index_cast %get3A_237 : i32 to index
      %get3A_240 = arith.index_cast %get3A_238 : i32 to index
      %get3A_241 = arith.constant 0 : index
      %get3A_242 = tpu.vector_load %arg5[%get3A_239, %get3A_240, %get3A_241] {strides = array<i32>} : memref<2x16x128xf32, #tpu.memory_space<vmem>>, vector<16xf32>,
      tpu.vector_store_idx %arg6[%broadcast_in_dim3A_100, %add3A_108, %add3A_236], %get3A_242 : memref<2x16x136xf32, #tpu.memory_space<vmem>>[vector<16xi32>, vector<16xi32>, vector<16xi32>], vector<16xf32>,
      %get3A_243 = arith.constant 0 : i32
      %get3A_244 = arith.constant 8 : i32
      %get3A_245 = arith.index_cast %get3A_243 : i32 to index
      %get3A_246 = arith.index_cast %get3A_244 : i32 to index
      %get3A_247 = arith.constant 16 : index
      %get3A_248 = tpu.vector_load %arg5[%get3A_245, %get3A_246, %get3A_247] {strides = array<i32>} : memref<2x16x128xf32, #tpu.memory_space<vmem>>, vector<16xf32>,
      tpu.vector_store_idx %arg6[%broadcast_in_dim3A_100, %add3A_114, %add3A_236], %get3A_248 : memref<2x16x136xf32, #tpu.memory_space<vmem>>[vector<16xi32>, vector<16xi32>, vector<16xi32>], vector<16xf32>,
      %add3A_249 = arith.constant 72 : i32
      %add3A_250 = vector.broadcast %add3A_249 : i32 to vector<16xi32>
      %add3A_251 = arith.addi %and3A_103, %add3A_250 : vector<16xi32>
      %get3A_252 = arith.constant 0 : i32
      %get3A_253 = arith.constant 9 : i32
      %get3A_254 = arith.index_cast %get3A_252 : i32 to index
      %get3A_255 = arith.index_cast %get3A_253 : i32 to index
      %get3A_256 = arith.constant 0 : index
      %get3A_257 = tpu.vector_load %arg5[%get3A_254, %get3A_255, %get3A_256] {strides = array<i32>} : memref<2x16x128xf32, #tpu.memory_space<vmem>>, vector<16xf32>,
      tpu.vector_store_idx %arg6[%broadcast_in_dim3A_100, %add3A_108, %add3A_251], %get3A_257 : memref<2x16x136xf32, #tpu.memory_space<vmem>>[vector<16xi32>, vector<16xi32>, vector<16xi32>], vector<16xf32>,
      %get3A_258 = arith.constant 0 : i32
      %get3A_259 = arith.constant 9 : i32
      %get3A_260 = arith.index_cast %get3A_258 : i32 to index
      %get3A_261 = arith.index_cast %get3A_259 : i32 to index
      %get3A_262 = arith.constant 16 : index
      %get3A_263 = tpu.vector_load %arg5[%get3A_260, %get3A_261, %get3A_262] {strides = array<i32>} : memref<2x16x128xf32, #tpu.memory_space<vmem>>, vector<16xf32>,
      tpu.vector_store_idx %arg6[%broadcast_in_dim3A_100, %add3A_114, %add3A_251], %get3A_263 : memref<2x16x136xf32, #tpu.memory_space<vmem>>[vector<16xi32>, vector<16xi32>, vector<16xi32>], vector<16xf32>,
      %add3A_264 = arith.constant 80 : i32
      %add3A_265 = vector.broadcast %add3A_264 : i32 to vector<16xi32>
      %add3A_266 = arith.addi %and3A_103, %add3A_265 : vector<16xi32>
      %get3A_267 = arith.constant 0 : i32
      %get3A_268 = arith.constant 10 : i32
      %get3A_269 = arith.index_cast %get3A_267 : i32 to index
      %get3A_270 = arith.index_cast %get3A_268 : i32 to index
      %get3A_271 = arith.constant 0 : index
      %get3A_272 = tpu.vector_load %arg5[%get3A_269, %get3A_270, %get3A_271] {strides = array<i32>} : memref<2x16x128xf32, #tpu.memory_space<vmem>>, vector<16xf32>,
      tpu.vector_store_idx %arg6[%broadcast_in_dim3A_100, %add3A_108, %add3A_266], %get3A_272 : memref<2x16x136xf32, #tpu.memory_space<vmem>>[vector<16xi32>, vector<16xi32>, vector<16xi32>], vector<16xf32>,
      %get3A_273 = arith.constant 0 : i32
      %get3A_274 = arith.constant 10 : i32
      %get3A_275 = arith.index_cast %get3A_273 : i32 to index
      %get3A_276 = arith.index_cast %get3A_274 : i32 to index
      %get3A_277 = arith.constant 16 : index
      %get3A_278 = tpu.vector_load %arg5[%get3A_275, %get3A_276, %get3A_277] {strides = array<i32>} : memref<2x16x128xf32, #tpu.memory_space<vmem>>, vector<16xf32>,
      tpu.vector_store_idx %arg6[%broadcast_in_dim3A_100, %add3A_114, %add3A_266], %get3A_278 : memref<2x16x136xf32, #tpu.memory_space<vmem>>[vector<16xi32>, vector<16xi32>, vector<16xi32>], vector<16xf32>,
      %add3A_279 = arith.constant 88 : i32
      %add3A_280 = vector.broadcast %add3A_279 : i32 to vector<16xi32>
      %add3A_281 = arith.addi %and3A_103, %add3A_280 : vector<16xi32>
      %get3A_282 = arith.constant 0 : i32
      %get3A_283 = arith.constant 11 : i32
      %get3A_284 = arith.index_cast %get3A_282 : i32 to index
      %get3A_285 = arith.index_cast %get3A_283 : i32 to index
      %get3A_286 = arith.constant 0 : index
      %get3A_287 = tpu.vector_load %arg5[%get3A_284, %get3A_285, %get3A_286] {strides = array<i32>} : memref<2x16x128xf32, #tpu.memory_space<vmem>>, vector<16xf32>,
      tpu.vector_store_idx %arg6[%broadcast_in_dim3A_100, %add3A_108, %add3A_281], %get3A_287 : memref<2x16x136xf32, #tpu.memory_space<vmem>>[vector<16xi32>, vector<16xi32>, vector<16xi32>], vector<16xf32>,
      %get3A_288 = arith.constant 0 : i32
      %get3A_289 = arith.constant 11 : i32
      %get3A_290 = arith.index_cast %get3A_288 : i32 to index
      %get3A_291 = arith.index_cast %get3A_289 : i32 to index
      %get3A_292 = arith.constant 16 : index
      %get3A_293 = tpu.vector_load %arg5[%get3A_290, %get3A_291, %get3A_292] {strides = array<i32>} : memref<2x16x128xf32, #tpu.memory_space<vmem>>, vector<16xf32>,
      tpu.vector_store_idx %arg6[%broadcast_in_dim3A_100, %add3A_114, %add3A_281], %get3A_293 : memref<2x16x136xf32, #tpu.memory_space<vmem>>[vector<16xi32>, vector<16xi32>, vector<16xi32>], vector<16xf32>,
      %add3A_294 = arith.constant 96 : i32
      %add3A_295 = vector.broadcast %add3A_294 : i32 to vector<16xi32>
      %add3A_296 = arith.addi %and3A_103, %add3A_295 : vector<16xi32>
      %get3A_297 = arith.constant 0 : i32
      %get3A_298 = arith.constant 12 : i32
      %get3A_299 = arith.index_cast %get3A_297 : i32 to index
      %get3A_300 = arith.index_cast %get3A_298 : i32 to index
      %get3A_301 = arith.constant 0 : index
      %get3A_302 = tpu.vector_load %arg5[%get3A_299, %get3A_300, %get3A_301] {strides = array<i32>} : memref<2x16x128xf32, #tpu.memory_space<vmem>>, vector<16xf32>,
      tpu.vector_store_idx %arg6[%broadcast_in_dim3A_100, %add3A_108, %add3A_296], %get3A_302 : memref<2x16x136xf32, #tpu.memory_space<vmem>>[vector<16xi32>, vector<16xi32>, vector<16xi32>], vector<16xf32>,
      %get3A_303 = arith.constant 0 : i32
      %get3A_304 = arith.constant 12 : i32
      %get3A_305 = arith.index_cast %get3A_303 : i32 to index
      %get3A_306 = arith.index_cast %get3A_304 : i32 to index
      %get3A_307 = arith.constant 16 : index
      %get3A_308 = tpu.vector_load %arg5[%get3A_305, %get3A_306, %get3A_307] {strides = array<i32>} : memref<2x16x128xf32, #tpu.memory_space<vmem>>, vector<16xf32>,
      tpu.vector_store_idx %arg6[%broadcast_in_dim3A_100, %add3A_114, %add3A_296], %get3A_308 : memref<2x16x136xf32, #tpu.memory_space<vmem>>[vector<16xi32>, vector<16xi32>, vector<16xi32>], vector<16xf32>,
      %add3A_309 = arith.constant 104 : i32
      %add3A_310 = vector.broadcast %add3A_309 : i32 to vector<16xi32>
      %add3A_311 = arith.addi %and3A_103, %add3A_310 : vector<16xi32>
      %get3A_312 = arith.constant 0 : i32
      %get3A_313 = arith.constant 13 : i32
      %get3A_314 = arith.index_cast %get3A_312 : i32 to index
      %get3A_315 = arith.index_cast %get3A_313 : i32 to index
      %get3A_316 = arith.constant 0 : index
      %get3A_317 = tpu.vector_load %arg5[%get3A_314, %get3A_315, %get3A_316] {strides = array<i32>} : memref<2x16x128xf32, #tpu.memory_space<vmem>>, vector<16xf32>,
      tpu.vector_store_idx %arg6[%broadcast_in_dim3A_100, %add3A_108, %add3A_311], %get3A_317 : memref<2x16x136xf32, #tpu.memory_space<vmem>>[vector<16xi32>, vector<16xi32>, vector<16xi32>], vector<16xf32>,
      %get3A_318 = arith.constant 0 : i32
      %get3A_319 = arith.constant 13 : i32
      %get3A_320 = arith.index_cast %get3A_318 : i32 to index
      %get3A_321 = arith.index_cast %get3A_319 : i32 to index
      %get3A_322 = arith.constant 16 : index
      %get3A_323 = tpu.vector_load %arg5[%get3A_320, %get3A_321, %get3A_322] {strides = array<i32>} : memref<2x16x128xf32, #tpu.memory_space<vmem>>, vector<16xf32>,
      tpu.vector_store_idx %arg6[%broadcast_in_dim3A_100, %add3A_114, %add3A_311], %get3A_323 : memref<2x16x136xf32, #tpu.memory_space<vmem>>[vector<16xi32>, vector<16xi32>, vector<16xi32>], vector<16xf32>,
      %add3A_324 = arith.constant 112 : i32
      %add3A_325 = vector.broadcast %add3A_324 : i32 to vector<16xi32>
      %add3A_326 = arith.addi %and3A_103, %add3A_325 : vector<16xi32>
      %get3A_327 = arith.constant 0 : i32
      %get3A_328 = arith.constant 14 : i32
      %get3A_329 = arith.index_cast %get3A_327 : i32 to index
      %get3A_330 = arith.index_cast %get3A_328 : i32 to index
      %get3A_331 = arith.constant 0 : index
      %get3A_332 = tpu.vector_load %arg5[%get3A_329, %get3A_330, %get3A_331] {strides = array<i32>} : memref<2x16x128xf32, #tpu.memory_space<vmem>>, vector<16xf32>,
      tpu.vector_store_idx %arg6[%broadcast_in_dim3A_100, %add3A_108, %add3A_326], %get3A_332 : memref<2x16x136xf32, #tpu.memory_space<vmem>>[vector<16xi32>, vector<16xi32>, vector<16xi32>], vector<16xf32>,
      %get3A_333 = arith.constant 0 : i32
      %get3A_334 = arith.constant 14 : i32
      %get3A_335 = arith.index_cast %get3A_333 : i32 to index
      %get3A_336 = arith.index_cast %get3A_334 : i32 to index
      %get3A_337 = arith.constant 16 : index
      %get3A_338 = tpu.vector_load %arg5[%get3A_335, %get3A_336, %get3A_337] {strides = array<i32>} : memref<2x16x128xf32, #tpu.memory_space<vmem>>, vector<16xf32>,
      tpu.vector_store_idx %arg6[%broadcast_in_dim3A_100, %add3A_114, %add3A_326], %get3A_338 : memref<2x16x136xf32, #tpu.memory_space<vmem>>[vector<16xi32>, vector<16xi32>, vector<16xi32>], vector<16xf32>,
      %add3A_339 = arith.constant 120 : i32
      %add3A_340 = vector.broadcast %add3A_339 : i32 to vector<16xi32>
      %add3A_341 = arith.addi %and3A_103, %add3A_340 : vector<16xi32>
      %get3A_342 = arith.constant 0 : i32
      %get3A_343 = arith.constant 15 : i32
      %get3A_344 = arith.index_cast %get3A_342 : i32 to index
      %get3A_345 = arith.index_cast %get3A_343 : i32 to index
      %get3A_346 = arith.constant 0 : index
      %get3A_347 = tpu.vector_load %arg5[%get3A_344, %get3A_345, %get3A_346] {strides = array<i32>} : memref<2x16x128xf32, #tpu.memory_space<vmem>>, vector<16xf32>,
      tpu.vector_store_idx %arg6[%broadcast_in_dim3A_100, %add3A_108, %add3A_341], %get3A_347 : memref<2x16x136xf32, #tpu.memory_space<vmem>>[vector<16xi32>, vector<16xi32>, vector<16xi32>], vector<16xf32>,
      %get3A_348 = arith.constant 0 : i32
      %get3A_349 = arith.constant 15 : i32
      %get3A_350 = arith.index_cast %get3A_348 : i32 to index
      %get3A_351 = arith.index_cast %get3A_349 : i32 to index
      %get3A_352 = arith.constant 16 : index
      %get3A_353 = tpu.vector_load %arg5[%get3A_350, %get3A_351, %get3A_352] {strides = array<i32>} : memref<2x16x128xf32, #tpu.memory_space<vmem>>, vector<16xf32>,
      tpu.vector_store_idx %arg6[%broadcast_in_dim3A_100, %add3A_114, %add3A_341], %get3A_353 : memref<2x16x136xf32, #tpu.memory_space<vmem>>[vector<16xi32>, vector<16xi32>, vector<16xi32>], vector<16xf32>,
      %run_scoped3A_354 = arith.constant 0 : i32
      "tpu.region"() ({
        %run_scoped3A_355 = tpu.sem_alloc : memref<!tpu.dma_semaphore, #tpu.memory_space<semaphore_mem>>
        %dma_start3A_356 = arith.constant 0 : i32
        %dma_start3A_357 = arith.constant 0 : i32
        %dma_start3A_358 = tpu.memref_slice %arg6[%run_scoped3A_354, %dma_start3A_356, %dma_start3A_357] : memref<2x16x136xf32, #tpu.memory_space<vmem>> -> memref<1x4x128xf32, #tpu.memory_space<vmem>>
        %dma_start3A_359 = tpu.memref_squeeze %dma_start3A_358 : memref<1x4x128xf32, #tpu.memory_space<vmem>> -> memref<4x128xf32, #tpu.memory_space<vmem>>
        %dma_start3A_360 = arith.constant 12496 : i32
        %dma_start3A_361 = arith.constant 0 : i32
        %dma_start3A_362 = tpu.memref_slice %arg4[%add3A, %dma_start3A_360, %dma_start3A_361] : memref<26x12500x128xf32, #tpu.memory_space<hbm>> -> memref<1x4x128xf32, #tpu.memory_space<hbm>>
        %dma_start3A_363 = tpu.memref_squeeze %dma_start3A_362 : memref<1x4x128xf32, #tpu.memory_space<hbm>> -> memref<4x128xf32, #tpu.memory_space<hbm>>
        %dma_start3A_364 = arith.constant 12496 : i32
        %dma_start3A_365 = arith.constant 0 : i32
        %dma_start3A_366 = tpu.memref_slice %arg4[%add3A, %dma_start3A_364, %dma_start3A_365] : memref<26x12500x128xf32, #tpu.memory_space<hbm>> -> memref<1x4x128xf32, #tpu.memory_space<hbm>>
        %dma_start3A_367 = tpu.memref_squeeze %dma_start3A_366 : memref<1x4x128xf32, #tpu.memory_space<hbm>> -> memref<4x128xf32, #tpu.memory_space<hbm>>
        %dma_start3A_368 = arith.constant 0 : i32
        %dma_start3A_369 = arith.constant 0 : i32
        %dma_start3A_370 = tpu.memref_slice %arg6[%run_scoped3A_354, %dma_start3A_368, %dma_start3A_369] : memref<2x16x136xf32, #tpu.memory_space<vmem>> -> memref<1x4x128xf32, #tpu.memory_space<vmem>>
        %dma_start3A_371 = tpu.memref_squeeze %dma_start3A_370 : memref<1x4x128xf32, #tpu.memory_space<vmem>> -> memref<4x128xf32, #tpu.memory_space<vmem>>
        tpu.enqueue_dma source(%dma_start3A_371 : memref<4x128xf32, #tpu.memory_space<vmem>>) target(%dma_start3A_367 : memref<4x128xf32, #tpu.memory_space<hbm>>) target_semaphore(%run_scoped3A_355 : memref<!tpu.dma_semaphore, #tpu.memory_space<semaphore_mem>>)
        %dma_wait3A = arith.constant 0 : i32
        %dma_wait3A_372 = arith.constant 0 : i32
        %dma_wait3A_373 = tpu.memref_slice %arg6[%run_scoped3A_354, %dma_wait3A, %dma_wait3A_372] : memref<2x16x136xf32, #tpu.memory_space<vmem>> -> memref<1x4x128xf32, #tpu.memory_space<vmem>>
        %dma_wait3A_374 = tpu.memref_squeeze %dma_wait3A_373 : memref<1x4x128xf32, #tpu.memory_space<vmem>> -> memref<4x128xf32, #tpu.memory_space<vmem>>
        %dma_wait3A_375 = arith.constant 12496 : i32
        %dma_wait3A_376 = arith.constant 0 : i32
        %dma_wait3A_377 = tpu.memref_slice %arg4[%add3A, %dma_wait3A_375, %dma_wait3A_376] : memref<26x12500x128xf32, #tpu.memory_space<hbm>> -> memref<1x4x128xf32, #tpu.memory_space<hbm>>
        %dma_wait3A_378 = tpu.memref_squeeze %dma_wait3A_377 : memref<1x4x128xf32, #tpu.memory_space<hbm>> -> memref<4x128xf32, #tpu.memory_space<hbm>>
        %dma_wait3A_379 = arith.constant 12496 : i32
        %dma_wait3A_380 = arith.constant 0 : i32
        %dma_wait3A_381 = tpu.memref_slice %arg4[%add3A, %dma_wait3A_379, %dma_wait3A_380] : memref<26x12500x128xf32, #tpu.memory_space<hbm>> -> memref<1x4x128xf32, #tpu.memory_space<hbm>>
        %dma_wait3A_382 = tpu.memref_squeeze %dma_wait3A_381 : memref<1x4x128xf32, #tpu.memory_space<hbm>> -> memref<4x128xf32, #tpu.memory_space<hbm>>
        %dma_wait3A_383 = arith.constant 0 : i32
        %dma_wait3A_384 = arith.constant 0 : i32
        %dma_wait3A_385 = tpu.memref_slice %arg6[%run_scoped3A_354, %dma_wait3A_383, %dma_wait3A_384] : memref<2x16x136xf32, #tpu.memory_space<vmem>> -> memref<1x4x128xf32, #tpu.memory_space<vmem>>
        %dma_wait3A_386 = tpu.memref_squeeze %dma_wait3A_385 : memref<1x4x128xf32, #tpu.memory_space<vmem>> -> memref<4x128xf32, #tpu.memory_space<vmem>>
        tpu.wait_dma2 semaphore(%run_scoped3A_355 : memref<!tpu.dma_semaphore, #tpu.memory_space<semaphore_mem>>) src(%dma_wait3A_386 : memref<4x128xf32, #tpu.memory_space<vmem>>) dst(%dma_wait3A_382 : memref<4x128xf32, #tpu.memory_space<hbm>>)
        tpu.yield
      }) : () -> ()
    } else {
    }
    return
  }
}

</mosaic_0001>

<sc_bundles>
// kernel: _sc_relayout.3.cloned.1.call-start
scs
__scs_entry_jumppad:
0x0: {  	(pc) =	sbr.rel $0x88, $3  }
0x1: {  	(tag) =	ssettag $0x0;
	lr =	simm.s32 $0x1  }
0x2: {  	[smem:$0x3F9F] =	sst lr;
	_ =	strace $0xD0000000  }
0x3: {  	_ = 	snop  }
0x4: {  	_ = 	snop  }
0x5: {  	_ = 	snop  }
0x6: {  	_ = 	snop  }
0x7: {  	_ = 	snop  }
__scs_overlays_trampoline_lowered:
0x8: {  	[smem:$0x3FAE] =	sst s0  }
0x9: {  	[smem:$0x3FAF] =	sst s1  }
0xa: {  	[smem:$0x3FB0] =	sst s2  }
0xb: {  	[smem:$0x3FB1] =	sst s3  }
0xc: {  	[smem:$0x3FB2] =	sst s4  }
0xd: {  	[smem:$0x3FB3] =	sst s5  }
0xe: {  	[smem:$0x3FB4] =	sst s6  }
0xf: {  	[smem:$0x3FB5] =	sst s7  }
0x10: {  	[smem:$0x3FB6] =	sst s8  }
0x11: {  	[smem:$0x3FB7] =	sst s9;
	s0 =	simm.s32 @!p0 $0x0  }
0x12: {  	s1 =	sld [smem:$0x3F9D];
	s0 =	simm.s32 @p0 $0x1  }
0x13: {  	[smem:$0x3FB8] =	sst s0;
	s0 =	simm.s32 @!p1 $0x0  }
0x14: {  	s2 =	sld [smem:$0x3F9C];
	s0 =	simm.s32 @p1 $0x1  }
0x15: {  	[smem:$0x3FB9] =	sst s0;
	s0 =	simm.s32 @!p2 $0x0  }
0x16: {  	s3 =	sld [smem:$0x3FDB];
	s0 =	simm.s32 @p2 $0x1  }
0x17: {  	s4 =	simm.s32 $0x1BF5;
	[smem:$0x3FBB] =	sst s0  }
0x18: {  	s0 =	sld [smem:$0x3F9E];
	_ =	swait.ge [sflag:s4], $0x0  }
0x19: {  	s7 =	sld [smem:$0x3F9F]  }
0x1a: {  	s8 =	sadd.s32 $0xFFFFE003, lr  }
0x1b: {  	s9 =	sadd.s32 $0xFFFFFEF7, lr;
	s5 =	simm.s32 $0xFFFFFFFF;
	p2 =	slt.u32 s8, $0xFFFFF086  }
0x1c: {  	p1 =	slt.u32 s9, $0xF7A;
	s5 =	simm.s32 @!p2 $0x0  }
0x1d: {  	s5 =	simm.s32 @p1 $0x1;
	p0 =	seq.s32 s7, s2  }
0x1e: {  	s7 =	smul.u32 @!p0 $0xF7A, s2;
	p2 =	seq.s32 @!p0 s5, $0x0  }
0x1f: {  	s9 =	smul.u32 $0xF7A, s1;
	s8 =	simm.s32 @!p0 $0x1BF5;
	p2 =	por !p2, p0  }
0x20: {  	[sflag:s8] =	ssyncset.s32 @!p0 $0xFFFFF086;
	s6 =	sadd.s32 @!p0 s3, s7;
	s7 =	simm.s32 @!p0 $0x108  }
0x21: {  	s3 =	sadd.s32 s3, s9;
	s6 =	sadd.s32 @!p0 $0x88, s6;
	s7 =	simm.s32 @p2 $0x1082  }
0x22: {  	[simem:s7], [sflag:s8] =	dma.local @!p0 [hbm:s6], $0xF7A  }
0x23: {  	s9 =	sor.u32 $0xD0000000, s2;
	s6 =	simm.s32 $0x108;
	_ =	swait.ge @!p0 [sflag:s8], $0x0  }
0x24: {  	s3 =	sadd.s32 $0x88, s3;
	s6 =	simm.s32 @!p1 $0x1082;
	[sflag:s4] =	ssyncset.s32 $0xFFFFF086  }
0x25: {  	[simem:s6], [sflag:s4] =	dma.local [hbm:s3], $0xF7A  }
0x26: {  	[smem:$0x3F9F] =	sst s1;
	(tag) =	ssettag s2;
	_ =	strace s9  }
0x27: {  	s1 =	sld [smem:$0x3FAF]  }
0x28: {  	s2 =	sld [smem:$0x3FB0]  }
0x29: {  	s4 =	sld [smem:$0x3FB2]  }
0x2a: {  	p0 =	seq.s32 s5, $0x0;
	s5 =	sld [smem:$0x3FB3]  }
0x2b: {  	s6 =	sld [smem:$0x3FB4]  }
0x2c: {  	s7 =	sld [smem:$0x3FB5]  }
0x2d: {  	s3 =	simm.s32 $0x108;
	s8 =	sld [smem:$0x3FB6]  }
0x2e: {  	s3 =	simm.s32 @!p0 $0x1082;
	s9 =	sld [smem:$0x3FB7]  }
0x2f: {  	lr =	sadd.s32 s0, s3;
	s0 =	sld [smem:$0x3FAE]  }
0x30: {  	s3 =	sld [smem:$0x3FB1]  }
0x31: {  	[smem:$0x3FBA] =	sst s10  }
0x32: {  	s10 =	sld [smem:$0x3FB8];
	_ =	sdelay $0x3  }
0x33: {  	p0 =	seq.s32 s10, $0x1;
	s10 =	sld [smem:$0x3FBA];
	_ =	sdelay $0x3  }
0x34: {  	[smem:$0x3FBA] =	sst s10  }
0x35: {  	s10 =	sld [smem:$0x3FB9];
	_ =	sdelay $0x3  }
0x36: {  	p1 =	seq.s32 s10, $0x1;
	s10 =	sld [smem:$0x3FBA];
	_ =	sdelay $0x3  }
0x37: {  	[smem:$0x3FBA] =	sst s10  }
0x38: {  	s10 =	sld [smem:$0x3FBB]  }
0x39: {  	_ = 	snop;
	(pc) =	sbr.ind lr, $3  }
0x3a: {  	_ = 	snop  }
0x3b: {  	_ = 	snop  }
0x3c: {  	p2 =	seq.s32 s10, $0x1;
	s10 =	sld [smem:$0x3FBA]  }
0x3d: {  	_ =	shalt  }
0x3e: {  	_ =	shalt  }
0x3f: {  	_ =	shalt  }
0x40: {  	_ =	shalt  }
0x41: {  	_ =	shalt  }
0x42: {  	_ =	shalt  }
0x43: {  	_ =	shalt  }
0x44: {  	_ =	shalt  }
0x45: {  	_ =	shalt  }
0x46: {  	_ =	shalt  }
0x47: {  	_ =	shalt  }
0x48: {  	_ =	shalt  }
0x49: {  	_ =	shalt  }
0x4a: {  	_ =	shalt  }
0x4b: {  	_ =	shalt  }
0x4c: {  	_ =	shalt  }
0x4d: {  	_ =	shalt  }
0x4e: {  	_ =	shalt  }
0x4f: {  	_ =	shalt  }
0x50: {  	_ =	shalt  }
0x51: {  	_ =	shalt  }
0x52: {  	_ =	shalt  }
0x53: {  	_ =	shalt  }
0x54: {  	_ =	shalt  }
0x55: {  	_ =	shalt  }
0x56: {  	_ =	shalt  }
0x57: {  	_ =	shalt  }
0x58: {  	_ =	shalt  }
0x59: {  	_ =	shalt  }
0x5a: {  	_ =	shalt  }
0x5b: {  	_ =	shalt  }
0x5c: {  	_ =	shalt  }
0x5d: {  	_ =	shalt  }
0x5e: {  	_ =	shalt  }
0x5f: {  	_ =	shalt  }
0x60: {  	_ =	shalt  }
0x61: {  	_ =	shalt  }
0x62: {  	_ =	shalt  }
0x63: {  	_ =	shalt  }
0x64: {  	_ =	shalt  }
0x65: {  	_ =	shalt  }
0x66: {  	_ =	shalt  }
0x67: {  	_ =	shalt  }
0x68: {  	_ =	shalt  }
0x69: {  	_ =	shalt  }
0x6a: {  	_ =	shalt  }
0x6b: {  	_ =	shalt  }
0x6c: {  	_ =	shalt  }
0x6d: {  	_ =	shalt  }
0x6e: {  	_ =	shalt  }
0x6f: {  	_ =	shalt  }
0x70: {  	_ =	shalt  }
0x71: {  	_ =	shalt  }
0x72: {  	_ =	shalt  }
0x73: {  	_ =	shalt  }
0x74: {  	_ =	shalt  }
0x75: {  	_ =	shalt  }
0x76: {  	_ =	shalt  }
0x77: {  	_ =	shalt  }
0x78: {  	_ =	shalt  }
0x79: {  	_ =	shalt  }
0x7a: {  	_ =	shalt  }
0x7b: {  	_ =	shalt  }
0x7c: {  	_ =	shalt  }
0x7d: {  	_ =	shalt  }
0x7e: {  	_ =	shalt  }
0x7f: {  	_ =	shalt  }
0x80: {  	_ =	shalt  }
0x81: {  	_ =	shalt  }
0x82: {  	_ =	shalt  }
0x83: {  	_ =	shalt  }
0x84: {  	_ =	shalt  }
0x85: {  	_ =	shalt  }
0x86: {  	_ =	shalt  }
0x87: {  	_ =	shalt  }
.Lfunc_end0:
.L_simem_size_0:
called_computation_lowered:
.L_overlay_start_0:
0x88: {  	s2 =	sld [smem:$0x3FD9]  }
0x89: {  	s3 =	sld [smem:$0x3FFE];
	_ =	sdelay $0x1  }
0x8a: {  	s1 =	srdreg.scid  }
0x8b: {  	s0 =	sand.u32 $0x1, s1  }
0x8c: {  	s18 =	sshll.u32 s0, $0xA;
	s2 =	sadd.s32 s3, s2  }
0x8d: {  	s2 =	sadd.s32 s2, s18  }
0x8e: {  	[smem:$0x3FC6] =	sst s2  }
0x8f: {  	_ = 	snop  }
0x90: {  	s2 =	sld [smem:$0x3FC9]  }
0x91: {  	s19 =	sld [smem:$0x3FC8]  }
0x92: {  	s4 =	sld [smem:$0x3FD0];
	(tm) =	ssettm $0x1  }
0x93: {  	s5 =	sld [smem:$0x3FFB];
	_ =	sdelay $0x3  }
0x94: {  	_ =	strace s5  }
0x95: {  	s5 =	sld [smem:$0x3FFC];
	_ =	sdelay $0x3  }
0x96: {  	_ =	strace s5  }
0x97: {  	s5 =	sld [smem:$0x3FFD];
	_ =	sdelay $0x3  }
0x98: {  	_ =	strace s5  }
0x99: {  	_ =	strace $0x8FFFFFFF  }
0x9a: {  	s20 =	sld [smem:$0x3FDB];
	_ =	sdelay $0x1  }
0x9b: {  	s6 =	simm.s32 $_scs_section_size  }
0x9c: {  	s7 =	simm.s32 $_size__tile_overlayer_lowered;
	s8 =	simm.s32 $_tile_overlayer_lowered  }
0x9d: {  	s23 =	simm.s32 $0x1BFF;
	s22 =	sshll.u32 s8, $0x1;
	s5 =	sadd.s32 s6, s20  }
0x9e: {  	s9 =	simm.s32 $0x0;
	s21 =	sshll.u32 s7, $0x1;
	s7 =	sadd.s32 s22, s5  }
0x9f: {  	[timem:s9], [sflag:s23] =	dma.local [hbm:s7], s21  }
0xa0: {  	_ =	swait.ge [sflag:s23], s21  }
0xa1: {  	s6 =	ssub.s32 $0x0, s21;
	[sflag:s23] =	ssyncset.done $0x0  }
0xa2: {  	[sflag:s23] =	ssyncadd.s32 s6;
	_ =	sdelay $0x1  }
0xa3: {  	s24 =	simm.s32 $0x1B8B  }
0xa4: {  	_ =	swait.ge [sflag:s24], $0x1  }
0xa5: {  	[sflag:s24] =	ssyncset.done $0x0  }
0xa6: {  	s25 =	simm.s32 $0x1B8E;
	[sflag:s24] =	ssyncadd.s32 $0xFFFFFFFF  }
0xa7: {  	s26 =	simm.s32 $execute0_lowered;
	[smem:$0x3FD2] =	sst s25  }
0xa8: {  	s6 =	sshll.u32 s26, $0x1;
	_ =	strace $0x80000046;
	[dreg:$0x1] =	wrdreg $0xFFFFFFFF  }
0xa9: {  	s28 =	simm.s32 $_size_execute0_lowered;
	s5 =	sadd.s32 s5, s6;
	[dreg:$0x0] =	wrdreg $0x0  }
0xaa: {  	s6 =	sshll.u32 s28, $0x1;
	[dreg:$0x2] =	wrdreg s5  }
0xab: {  	[dreg:$0x3] =	wrdreg s6  }
0xac: {  	[dreg:$0x4] =	wrdreg $0xC0  }
0xad: {  	_ =	task [dreg:s9], $0x5FFFF  }
0xae: {  	[dreg:$0x1] =	wrdreg $0xFFFFFFFF  }
0xaf: {  	[dreg:$0x0] =	wrdreg $0x60  }
0xb0: {  	[dreg:$0x2] =	wrdreg s2  }
0xb1: {  	[dreg:$0x3] =	wrdreg s19  }
0xb2: {  	[dreg:$0x4] =	wrdreg s4  }
0xb3: {  	[dreg:$0x5] =	wrdreg $0x9  }
0xb4: {  	_ =	task.clear_ibuf [dreg:s9], $0x6FFFF;
	_ =	strace $0x90000046  }
0xb5: {  	s29 =	simm.s32 $0x9;
	_ =	strace $0x80000048  }
0xb6: {  	_ =	swait.ge [sflag:s29], $0x1  }
0xb7: {  	[sflag:s29] =	ssyncadd.s32 $0xFFFFFFFF  }
0xb8: {  	_ =	strace $0x90000048  }
0xb9: {  	_ =	sfence  }
0xba: {  	s30 =	sld [smem:$0x0];
	_ =	sdelay $0x2  }
0xbb: {  	s31 =	sshll.u32 s1, $0xD;
	s1 =	sshrl.u32 s1, $0x2  }
0xbc: {  	s3 =	sand.u32 $0x4000, s31;
	s1 =	sadd.s32 s1, s30  }
0xbd: {  	s0 =	sor.u32 s3, s0;
	s1 =	sshll.u32 s1, $0x11  }
0xbe: {  	s0 =	sor.u32 s1, s0  }
0xbf: {  	s0 =	sadd.s32 $0x8F2B, s0  }
0xc0: {  	[sflag:s0] =	ssyncadd.remote.s32 $0x1  }
0xc1: {  	_ =	sfence.sel $0xFFFF  }
0xc2: {  	[dreg:$0x0] =	wrdreg $0xFFFFFFFF;
	(pc) =	sbr.abs _section_cstart, $3  }
0xc3: {  	[dreg:$0x1] =	wrdreg $0xFFFFFFFF  }
0xc4: {  	_ =	task.clear_ibuf [dreg:s9], $0x2FFFF;
	_ =	strace $0x9FFFFFFF  }
0xc5: {  	(tm) =	ssettm $0x7FFFFFFF  }
tec
execute0_lowered:
.L_overlay_start_1:
0x0: {  	(tag) =	ssettag $0x1  }
0x1: {  	v0 =	vimm.s32 $0x76543210  }
0x2: {  	v1 =	vimm.s32 $0x83828180;
	v2 =	vimm.s32 $0x87868584;
	vm1 =	vcmask $0x1F10  }
0x3: {  	v19 =	vimm.s32 $0x187;
	vm0 =	vcmask $0x300;
	v20 =	vimm.s32 $0x287  }
0x4: {  	v21 =	vimm.s32 $0x387;
	v22 =	vimm.s32 $0x887;
	v23 =	vimm.s32 $0xFEDCBA98  }
0x5: {  	v24 =	vimm.s32 $0x987;
	v25 =	vimm.s32 $0xA87;
	v3 =	vimm.s32 $0xB87  }
0x6: {  	v4 =	vimm.s32 $0x8B8A8988;
	v5 =	vimm.s32 $0x8F8E8D8C;
	v27 =	vimm.s32 $0x18F  }
0x7: {  	v28 =	vimm.s32 $0x28F;
	v29 =	vimm.s32 $0x38F;
	v30 =	vimm.s32 $0x88F  }
0x8: {  	v31 =	vimm.s32 $0x93929190;
	v32 =	vimm.s32 $0x98F;
	v33 =	vimm.s32 $0xA8F  }
0x9: {  	v34 =	vimm.s32 $0x97969594;
	v35 =	vimm.s32 $0x13121110;
	v36 =	vimm.s32 $0x17161514  }
0xa: {  	v37 =	vimm.s32 $0xB8F;
	v39 =	vimm.s32 $0x197;
	v40 =	vimm.s32 $0x297  }
0xb: {  	v41 =	vimm.s32 $0x397;
	v42 =	vimm.s32 $0x897;
	v43 =	vimm.s32 $0x9B9A9998  }
0xc: {  	v44 =	vimm.s32 $0x997;
	v45 =	vimm.s32 $0xA97;
	v46 =	vimm.s32 $0x9F9E9D9C  }
0xd: {  	v47 =	vimm.s32 $0x1B1A1918;
	v6 =	vimm.s32 $0x1F1E1D1C;
	v48 =	vimm.s32 $0xB97  }
0xe: {  	v51 =	vimm.s32 $0x19F;
	v52 =	vimm.s32 $0x29F;
	v53 =	vimm.s32 $0x39F  }
0xf: {  	v54 =	vimm.s32 $0x89F;
	v55 =	vimm.s32 $0x99F;
	v56 =	vimm.s32 $0xA3A2A1A0  }
0x10: {  	v57 =	vimm.s32 $0xA9F;
	v58 =	vimm.s32 $0xB9F;
	v59 =	vimm.s32 $0xA7A6A5A4  }
0x11: {  	v60 =	vimm.s32 $0x23222120;
	v61 =	vimm.s32 $0x27262524;
	v7 =	vimm.s32 $0x8A7  }
0x12: {  	v8 =	vimm.s32 $0xABAAA9A8;
	v9 =	vimm.s32 $0x9A7;
	v10 =	vimm.s32 $0xAA7  }
0x13: {  	v0 =	vunpack.c.l.s4.s8 v0;
	v1 =	vunpack.c.0.s8.s32 v1;
	v2 =	vunpack.c.0.s8.s32 v2  }
0x14: {  	v11 =	vsel vm0, $0x100, v19;
	v12 =	vsel vm0, $0x200, v20;
	v13 =	vsel vm0, $0x300, v21  }
0x15: {  	v14 =	vsel vm0, $0x800, v22;
	v4 =	vunpack.c.0.s8.s32 v4;
	v5 =	vunpack.c.0.s8.s32 v5  }
0x16: {  	v15 =	vsel vm0, $0x900, v24;
	v16 =	vsel vm0, $0xA00, v25;
	v17 =	vsel vm0, $0xB00, v3  }
0x17: {  	v18 =	vsel vm0, $0x108, v27;
	v19 =	vsel vm0, $0x208, v28;
	v20 =	vsel vm0, $0x308, v29  }
0x18: {  	v21 =	vsel vm0, $0x808, v30;
	v3 =	vunpack.c.0.s8.s32 v34;
	v22 =	vsel vm0, $0x908, v32  }
0x19: {  	v24 =	vsel vm0, $0xB08, v37;
	v25 =	vsel vm0, $0x110, v39;
	v27 =	vsel vm0, $0x310, v41  }
0x1a: {  	v6 =	vunpack.c.0.s8.s32 v6;
	v28 =	vsel vm0, $0x810, v42;
	v29 =	vsel vm0, $0x910, v44  }
0x1b: {  	v30 =	vsel vm0, $0xA10, v45;
	v32 =	vsel vm0, $0x118, v51;
	v34 =	vsel vm0, $0x318, v53  }
0x1c: {  	v37 =	vsel vm0, $0xA18, v57;
	v42 =	vsel vm0, $0x820, v7;
	v44 =	vimm.s32 $0xAFAEADAC  }
0x1d: {  	v45 =	vimm.s32 $0x2B2A2928;
	v51 =	vimm.s32 $0x3AF;
	v7 =	vimm.s32 $0xC3C2C1C0  }
0x1e: {  	v53 =	vimm.s32 $0x9AF;
	v57 =	vimm.s32 $0x33323130;
	v7 =	vunpack.c.0.s8.s32 v7  }
0x1f: {  	v0 =	vunpack.c.0.s8.s32 v0;
	v1 =	vsel vm1, v2, v1;
	v26 =	vsel vm1, v5, v4  }
0x20: {  	v4 =	vunpack.c.0.s8.s32 v35;
	v5 =	vunpack.c.0.s8.s32 v36;
	v35 =	vsel vm0, $0x818, v54  }
0x21: {  	v36 =	vsel vm0, $0x918, v55;
	v54 =	vimm.s32 $0xB3B2B1B0;
	v55 =	vimm.s32 $0xAAF  }
0x22: {  	v0 =	vcombine.low v0, v1;
	v38 =	vsel vm1, v5, v4;
	v1 =	vunpack.c.0.s8.s32 v43  }
0x23: {  	v4 =	vunpack.c.0.s8.s32 v46;
	v5 =	vunpack.c.0.s8.s32 v47;
	v46 =	vimm.s32 $0x2F2E2D2C  }
0x24: {  	v43 =	vsel vm0, $0x920, v9;
	v47 =	vimm.s32 $0xBA7;
	v9 =	vimm.s32 $0x43424140  }
0x25: {  	v9 =	vunpack.c.0.s8.s32 v9;
	[tilespmem:$0x1FD20] =	vst v0;
	v0 =	vunpack.c.l.s4.s8 v23;
	v23 =	vsel vm0, $0xA08, v33  }
0x26: {  	v1 =	vsel vm1, v4, v1;
	v49 =	vsel vm1, v6, v5;
	v33 =	vsel vm0, $0x218, v52  }
0x27: {  	v4 =	vunpack.c.0.s8.s32 v59;
	v5 =	vunpack.c.0.s8.s32 v60;
	v6 =	vunpack.c.0.s8.s32 v61  }
0x28: {  	v52 =	vimm.s32 $0x8AF;
	v59 =	vimm.s32 $0xBAF;
	v61 =	vimm.s32 $0xBBBAB9B8  }
0x29: {  	v50 =	vcombine.low v49, v1;
	v1 =	vunpack.c.0.s8.s32 v56;
	v49 =	vimm.s32 $0x1AF  }
0x2a: {  	v56 =	vimm.s32 $0xB7B6B5B4;
	v0 =	vunpack.c.0.s8.s32 v0;
	v63 =	vsel vm1, v6, v5  }
0x2b: {  	v5 =	vimm.s32 $0x2A7;
	v6 =	vimm.s32 $0x3A7;
	v2 =	vunpack.c.0.s8.s32 v56  }
0x2c: {  	v62 =	vsel vm1, v4, v1;
	v4 =	vimm.s32 $0x1A7;
	v41 =	vsel vm0, $0x320, v6  }
0x2d: {  	[tilespmem:$0x1FD50] =	vst v50;
	v50 =	vimm.s32 $0x2AF;
	v0 =	vand.u32 $0xF, v0;
	v39 =	vsel vm0, $0x120, v4  }
0x2e: {  	v4 =	vunpack.c.0.s8.s32 v45;
	v45 =	vsel vm0, $0xB20, v47;
	v0 =	vcombine.low v0, v26  }
0x2f: {  	v47 =	vsel vm0, $0x228, v50;
	v50 =	vsel vm0, $0x928, v53;
	v53 =	vimm.s32 $0x3B3A3938  }
0x30: {  	v26 =	vsel vm0, $0x210, v40;
	v40 =	vsel vm0, $0x220, v5;
	[tilespmem:$0x1FD30] =	vst v0;
	v0 =	vunpack.c.0.s8.s32 v31  }
0x31: {  	v5 =	vunpack.c.0.s8.s32 v46;
	v46 =	vsel vm0, $0x128, v49;
	v49 =	vsel vm0, $0x828, v52  }
0x32: {  	v52 =	vsel vm0, $0xB28, v59;
	v59 =	vimm.s32 $0xCBCAC9C8;
	v0 =	vsel vm1, v3, v0  }
0x33: {  	v31 =	vsel vm0, $0xB10, v48;
	v48 =	vsel vm1, v5, v4;
	v0 =	vcombine.low v38, v0  }
0x34: {  	v3 =	vunpack.c.0.s8.s32 v44;
	v44 =	vsel vm0, $0xA20, v10;
	v10 =	vimm.s32 $0x47464544  }
0x35: {  	v38 =	vsel vm0, $0xB18, v58;
	v58 =	vimm.s32 $0x37363534;
	[tilespmem:$0x1FD40] =	vst v0;
	v0 =	vcombine.low v63, v62  }
0x36: {  	v5 =	vunpack.c.0.s8.s32 v53;
	v10 =	vunpack.c.0.s8.s32 v10;
	v4 =	vunpack.c.0.s8.s32 v58  }
0x37: {  	v62 =	vimm.s32 $0xBFBEBDBC;
	v63 =	vimm.s32 $0x1B7;
	[tilespmem:$0x1FD60] =	vst v0;
	v0 =	vunpack.c.0.s8.s32 v8  }
0x38: {  	v58 =	vsel vm1, v10, v9;
	v10 =	vimm.s32 $0xEFEEEDEC;
	v8 =	vimm.s32 $0xC7C6C5C4  }
0x39: {  	v53 =	vsel vm0, $0x130, v63;
	v8 =	vunpack.c.0.s8.s32 v8;
	v0 =	vsel vm1, v3, v0  }
0x3a: {  	v63 =	vimm.s32 $0xD3D2D1D0;
	v3 =	vunpack.c.0.s8.s32 v57;
	v0 =	vcombine.low v48, v0  }
0x3b: {  	v48 =	vsel vm0, $0x328, v51;
	v51 =	vsel vm0, $0xA28, v55;
	v57 =	vsel vm1, v8, v7  }
0x3c: {  	v8 =	vunpack.c.0.s8.s32 v63;
	v63 =	vimm.s32 $0x5F5E5D5C;
	v60 =	vsel vm1, v4, v3  }
0x3d: {  	v3 =	vunpack.c.0.s8.s32 v62;
	v4 =	vunpack.c.0.s8.s32 v59;
	v62 =	vimm.s32 $0x4F4E4D4C  }
0x3e: {  	v59 =	vimm.s32 $0x57565554;
	[tilespmem:$0x1FD70] =	vst v0;
	v0 =	vunpack.c.0.s8.s32 v54;
	v54 =	vimm.s32 $0x3F3E3D3C  }
0x3f: {  	v7 =	vunpack.c.0.s8.s32 v62;
	v62 =	vimm.s32 $0x5B5A5958;
	v6 =	vunpack.c.0.s8.s32 v54  }
0x40: {  	v54 =	vimm.s32 $0xD7D6D5D4;
	v0 =	vsel vm1, v2, v0;
	v2 =	vunpack.c.0.s8.s32 v61  }
0x41: {  	v61 =	vimm.s32 $0x4B4A4948;
	v9 =	vunpack.c.0.s8.s32 v54;
	v54 =	vunpack.c.0.s8.s32 v62  }
0x42: {  	v0 =	vcombine.low v60, v0;
	v56 =	vsel vm1, v6, v5;
	v60 =	vimm.s32 $0xCFCECDCC  }
0x43: {  	v6 =	vunpack.c.0.s8.s32 v61;
	v61 =	vimm.s32 $0xDFDEDDDC;
	v55 =	vsel vm1, v3, v2  }
0x44: {  	v5 =	vunpack.c.0.s8.s32 v60;
	v60 =	vimm.s32 $0xDBDAD9D8;
	[tilespmem:$0x1FD80] =	vst v0;
	v0 =	vcombine.low v56, v55  }
0x45: {  	v55 =	vcombine.low v58, v57;
	v56 =	vsel vm1, v7, v6;
	v57 =	vsel vm1, v9, v8  }
0x46: {  	v58 =	vimm.s32 $0x53525150;
	v6 =	vunpack.c.0.s8.s32 v61;
	v8 =	vimm.s32 $0x67666564  }
0x47: {  	v9 =	vimm.s32 $0xEBEAE9E8;
	v3 =	vunpack.c.0.s8.s32 v58;
	[tilespmem:$0x1FD90] =	vst v0;
	v0 =	vsel vm1, v5, v4  }
0x48: {  	[tilespmem:$0x1FDA0] =	vst v55;
	v4 =	vunpack.c.0.s8.s32 v59;
	v5 =	vunpack.c.0.s8.s32 v60;
	v55 =	vunpack.c.0.s8.s32 v63  }
0x49: {  	v59 =	vimm.s32 $0xE3E2E1E0;
	v60 =	vimm.s32 $0xE7E6E5E4;
	v63 =	vimm.s32 $0x63626160  }
0x4a: {  	v0 =	vcombine.low v56, v0;
	v61 =	vunpack.c.0.s8.s32 v59;
	v62 =	vunpack.c.0.s8.s32 v60  }
0x4b: {  	v2 =	vunpack.c.0.s8.s32 v63;
	v60 =	vimm.s32 $0xF7F6F5F4;
	v63 =	vimm.s32 $0x2B7  }
0x4c: {  	v3 =	vsel vm1, v4, v3;
	v58 =	vsel vm1, v55, v54;
	v4 =	vunpack.c.0.s8.s32 v9  }
0x4d: {  	v54 =	vimm.s32 $0x6B6A6968;
	v55 =	vimm.s32 $0x6F6E6D6C;
	v9 =	vimm.s32 $0x2BF  }
0x4e: {  	v56 =	vcombine.low v3, v57;
	v57 =	vsel vm1, v6, v5;
	v3 =	vunpack.c.0.s8.s32 v8  }
0x4f: {  	v5 =	vunpack.c.0.s8.s32 v10;
	v6 =	vunpack.c.0.s8.s32 v54;
	v7 =	vunpack.c.0.s8.s32 v55  }
0x50: {  	[tilespmem:$0x1FDB0] =	vst v0;
	v8 =	vimm.s32 $0x1BF;
	v0 =	vcombine.low v58, v57;
	v57 =	vimm.s32 $0xF3F2F1F0  }
0x51: {  	[tilespmem:$0x1FDC0] =	vst v56;
	v56 =	vsel vm1, v3, v2;
	v58 =	vsel vm1, v5, v4;
	v59 =	vsel vm1, v7, v6  }
0x52: {  	v2 =	vunpack.c.0.s8.s32 v57;
	v5 =	vunpack.c.0.s8.s32 v60;
	v60 =	vimm.s32 $0x7F7E7D7C  }
0x53: {  	v4 =	vimm.s32 $0x8BF;
	[tilespmem:$0x1FDD0] =	vst v0;
	v0 =	vsel vm1, v62, v61;
	v61 =	vimm.s32 $0x73727170  }
0x54: {  	v62 =	vimm.s32 $0x77767574;
	v10 =	vcombine.low v59, v58;
	v58 =	vimm.s32 $0xFFFEFDFC  }
0x55: {  	v59 =	vimm.s32 $0x7B7A7978;
	v3 =	vunpack.c.0.s8.s32 v60;
	v60 =	vsel vm0, $0x138, v8  }
0x56: {  	v6 =	vunpack.c.0.s8.s32 v61;
	v7 =	vunpack.c.0.s8.s32 v62;
	v0 =	vcombine.low v56, v0  }
0x57: {  	v54 =	vsel vm1, v5, v2;
	v56 =	vimm.s32 $0xFBFAF9F8;
	v1 =	vunpack.c.0.s8.s32 v58  }
0x58: {  	v61 =	vimm.s32 $0x3B7;
	v2 =	vunpack.c.0.s8.s32 v59;
	v57 =	vunpack.c.0.s8.s32 v56  }
0x59: {  	v55 =	vsel vm1, v7, v6;
	v6 =	vimm.s32 $0xAB7;
	v7 =	vimm.s32 $0xBB7  }
0x5a: {  	[tilespmem:$0x1FDE0] =	vst v0;
	v0 =	vcombine.low v55, v54;
	v54 =	vsel vm0, $0x230, v63;
	v55 =	vsel vm0, $0x330, v61  }
0x5b: {  	v63 =	vimm.s32 $0x9B7;
	v58 =	vsel vm0, $0xA30, v6;
	v59 =	vsel vm0, $0xB30, v7  }
0x5c: {  	[tilespmem:$0x1FDF0] =	vst v10;
	v61 =	vsel vm0, $0x238, v9;
	v6 =	vimm.s32 $0xABF;
	v7 =	vimm.s32 $0xBBF  }
0x5d: {  	v8 =	vsel vm0, $0xA38, v6;
	v9 =	vsel vm0, $0xB38, v7;
	[tilespmem:$0x1FE00] =	vst v0;
	v0 =	vsel vm1, v1, v57  }
0x5e: {  	v57 =	vsel vm0, $0x930, v63;
	v63 =	vsel vm0, $0x838, v4;
	[tilespmem:$0x1CB70] =	vst v8;
	v4 =	vimm.s32 $0x2C7  }
0x5f: {  	v2 =	vsel vm1, v3, v2;
	[tilespmem:$0x1CB80] =	vst v9;
	v9 =	vimm.s32 $0x9C7;
	v6 =	vsel vm0, $0x240, v4  }
0x60: {  	v62 =	vimm.s32 $0x8B7;
	v0 =	vcombine.low v2, v0;
	v4 =	vsel vm0, $0x940, v9;
	[tilespmem:$0x1CBA0] =	vst v6  }
0x61: {  	v5 =	vimm.s32 $0x9BF;
	v56 =	vsel vm0, $0x830, v62;
	v10 =	vimm.s32 $0x3BF;
	[tilespmem:$0x1CBD0] =	vst v4  }
0x62: {  	v62 =	vsel vm0, $0x338, v10;
	v10 =	vimm.s32 $0x1C7;
	[tilespmem:$0x1FE10] =	vst v0;
	v0 =	vsel vm0, $0x938, v5  }
0x63: {  	v5 =	vimm.s32 $0x3C7;
	[tilespmem:$0x1CB60] =	vst v0;
	v0 =	vsel vm0, $0x140, v10  }
0x64: {  	v8 =	vimm.s32 $0x8C7;
	v7 =	vsel vm0, $0x340, v5;
	[tilespmem:$0x1CB90] =	vst v0  }
0x65: {  	v10 =	vimm.s32 $0xAC7;
	[tilespmem:$0x1CBB0] =	vst v7;
	v0 =	vsel vm0, $0x840, v8  }
0x66: {  	v6 =	vimm.s32 $0xBC7;
	v5 =	vsel vm0, $0xA40, v10;
	[tilespmem:$0x1CBC0] =	vst v0  }
0x67: {  	v7 =	vimm.s32 $0x1CF;
	[tilespmem:$0x1CBE0] =	vst v5;
	v0 =	vsel vm0, $0xB40, v6  }
0x68: {  	v8 =	vimm.s32 $0x2CF;
	v9 =	vsel vm0, $0x148, v7;
	[tilespmem:$0x1CBF0] =	vst v0  }
0x69: {  	v4 =	vimm.s32 $0x3CF;
	v10 =	vsel vm0, $0x248, v8;
	[tilespmem:$0x1CC00] =	vst v9  }
0x6a: {  	v5 =	vimm.s32 $0x8CF;
	[tilespmem:$0x1CC10] =	vst v10;
	v0 =	vsel vm0, $0x348, v4  }
0x6b: {  	v6 =	vimm.s32 $0x9CF;
	v7 =	vsel vm0, $0x848, v5;
	[tilespmem:$0x1CC20] =	vst v0  }
0x6c: {  	v8 =	vsel vm0, $0x948, v6;
	v9 =	vimm.s32 $0xACF;
	[tilespmem:$0x1CC30] =	vst v7  }
0x6d: {  	v10 =	vimm.s32 $0xBCF;
	[tilespmem:$0x1CC40] =	vst v8;
	v0 =	vsel vm0, $0xA48, v9  }
0x6e: {  	v4 =	vimm.s32 $0x1D7;
	v5 =	vsel vm0, $0xB48, v10;
	[tilespmem:$0x1CC50] =	vst v0  }
0x6f: {  	v6 =	vsel vm0, $0x150, v4;
	v7 =	vimm.s32 $0x2D7;
	[tilespmem:$0x1CC60] =	vst v5  }
0x70: {  	v8 =	vimm.s32 $0x3D7;
	[tilespmem:$0x1CC70] =	vst v6;
	v0 =	vsel vm0, $0x250, v7  }
0x71: {  	v9 =	vimm.s32 $0x8D7;
	v10 =	vsel vm0, $0x350, v8;
	[tilespmem:$0x1CC80] =	vst v0  }
0x72: {  	v4 =	vsel vm0, $0x850, v9;
	v5 =	vimm.s32 $0x9D7;
	[tilespmem:$0x1CC90] =	vst v10  }
0x73: {  	v6 =	vimm.s32 $0xAD7;
	[tilespmem:$0x1CCA0] =	vst v4;
	v0 =	vsel vm0, $0x950, v5  }
0x74: {  	v7 =	vimm.s32 $0xBD7;
	v8 =	vsel vm0, $0xA50, v6;
	[tilespmem:$0x1CCB0] =	vst v0  }
0x75: {  	v9 =	vsel vm0, $0xB50, v7;
	v10 =	vimm.s32 $0x1DF;
	[tilespmem:$0x1CCC0] =	vst v8  }
0x76: {  	v4 =	vimm.s32 $0x2DF;
	[tilespmem:$0x1CCD0] =	vst v9;
	v0 =	vsel vm0, $0x158, v10  }
0x77: {  	v5 =	vimm.s32 $0x3DF;
	v6 =	vsel vm0, $0x258, v4;
	[tilespmem:$0x1CCE0] =	vst v0  }
0x78: {  	v7 =	vsel vm0, $0x358, v5;
	v8 =	vimm.s32 $0x8DF;
	[tilespmem:$0x1CCF0] =	vst v6  }
0x79: {  	v9 =	vimm.s32 $0x9DF;
	[tilespmem:$0x1CD00] =	vst v7;
	v0 =	vsel vm0, $0x858, v8  }
0x7a: {  	v10 =	vimm.s32 $0xADF;
	v4 =	vsel vm0, $0x958, v9;
	[tilespmem:$0x1CD10] =	vst v0  }
0x7b: {  	v5 =	vsel vm0, $0xA58, v10;
	v6 =	vimm.s32 $0xBDF;
	[tilespmem:$0x1CD20] =	vst v4  }
0x7c: {  	v7 =	vimm.s32 $0x1E7;
	[tilespmem:$0x1CD30] =	vst v5;
	v0 =	vsel vm0, $0xB58, v6  }
0x7d: {  	v8 =	vimm.s32 $0x2E7;
	v9 =	vsel vm0, $0x160, v7;
	[tilespmem:$0x1CD40] =	vst v0  }
0x7e: {  	vm14 =	vcmask $0x704;
	v10 =	vsel vm0, $0x260, v8;
	v4 =	vimm.s32 $0x3E7;
	[tilespmem:$0x1CD50] =	vst v9  }
0x7f: {  	v3 =	vsel vm14, $0x201, v12;
	v5 =	vimm.s32 $0x8E7;
	[tilespmem:$0x1CD60] =	vst v10;
	v0 =	vsel vm0, $0x360, v4  }
0x80: {  	v12 =	vsel vm14, $0x809, v21;
	v6 =	vimm.s32 $0x9E7;
	v7 =	vsel vm0, $0x860, v5;
	[tilespmem:$0x1CD70] =	vst v0  }
0x81: {  	v21 =	vsel vm14, $0xA11, v30;
	v8 =	vsel vm0, $0x960, v6;
	v9 =	vimm.s32 $0xAE7;
	[tilespmem:$0x1CD80] =	vst v7  }
0x82: {  	v30 =	vsel vm14, $0x121, v39;
	v10 =	vimm.s32 $0xBE7;
	[tilespmem:$0x1CD90] =	vst v8;
	v0 =	vsel vm0, $0xA60, v9  }
0x83: {  	v39 =	vsel vm14, $0x329, v48;
	v4 =	vimm.s32 $0x1EF;
	v5 =	vsel vm0, $0xB60, v10;
	[tilespmem:$0x1CDA0] =	vst v0  }
0x84: {  	v2 =	vsel vm14, $0x101, v11;
	v6 =	vsel vm0, $0x168, v4;
	v7 =	vimm.s32 $0x2EF;
	[tilespmem:$0x1CDB0] =	vst v5  }
0x85: {  	v11 =	vsel vm14, $0x309, v20;
	v8 =	vimm.s32 $0x3EF;
	[tilespmem:$0x1CDC0] =	vst v6;
	v0 =	vsel vm0, $0x268, v7  }
0x86: {  	v20 =	vsel vm14, $0x911, v29;
	v9 =	vimm.s32 $0x8EF;
	v10 =	vsel vm0, $0x368, v8;
	[tilespmem:$0x1CDD0] =	vst v0  }
0x87: {  	v29 =	vsel vm14, $0xB19, v38;
	v4 =	vsel vm0, $0x868, v9;
	v5 =	vimm.s32 $0x9EF;
	[tilespmem:$0x1CDE0] =	vst v10  }
0x88: {  	v6 =	vimm.s32 $0xAEF;
	v7 =	vimm.s32 $0xBEF;
	[tilespmem:$0x1CDF0] =	vst v4;
	v0 =	vsel vm0, $0x968, v5  }
0x89: {  	v38 =	vsel vm14, $0x229, v47;
	v8 =	vsel vm0, $0xA68, v6;
	v9 =	vsel vm0, $0xB68, v7;
	[tilespmem:$0x1CE00] =	vst v0  }
0x8a: {  	v10 =	vimm.s32 $0x1F7;
	v4 =	vimm.s32 $0x2F7;
	v5 =	vimm.s32 $0x3F7;
	[tilespmem:$0x1CE10] =	vst v8  }
0x8b: {  	[tilespmem:$0x1CE20] =	vst v9;
	v0 =	vsel vm0, $0x170, v10;
	v6 =	vsel vm0, $0x270, v4;
	v8 =	vimm.s32 $0x8F7  }
0x8c: {  	v7 =	vsel vm0, $0x370, v5;
	v10 =	vimm.s32 $0xAF7;
	[tilespmem:$0x1CE30] =	vst v0;
	v0 =	vsel vm0, $0x870, v8  }
0x8d: {  	[tilespmem:$0x1CE40] =	vst v6;
	v5 =	vsel vm0, $0xA70, v10;
	v6 =	vimm.s32 $0xBF7;
	v8 =	vimm.s32 $0x2FF  }
0x8e: {  	[tilespmem:$0x1CE60] =	vst v0;
	v0 =	vsel vm0, $0xB70, v6;
	v10 =	vsel vm0, $0x278, v8;
	v6 =	vimm.s32 $0x9FF  }
0x8f: {  	[tilespmem:$0x1CEB0] =	vst v10;
	v8 =	vsel vm0, $0x978, v6;
	v10 =	vimm.s32 $0xBFF;
	v6 =	vsel vm14, $0x901, v15  }
0x90: {  	v15 =	vsel vm14, $0xB09, v24;
	v24 =	vsel vm14, $0x219, v33;
	v33 =	vsel vm14, $0x821, v42  }
0x91: {  	[tilespmem:$0x1CE50] =	vst v7;
	v42 =	vsel vm14, $0xA29, v51;
	v51 =	vsel vm14, $0x139, v60;
	v60 =	vld [tilespmem:$0x1CB70];
	v1 =	vsel vm0, $0xB78, v10  }
0x92: {  	v47 =	vsel vm14, $0x831, v56;
	v48 =	vsel vm14, $0x931, v57;
	v9 =	vimm.s32 $0x9F7;
	[tilespmem:$0x1CEF0] =	vst v1;
	v1 =	vld [tilespmem:$0x1CBB0]  }
0x93: {  	v4 =	vsel vm0, $0x970, v9;
	v7 =	vimm.s32 $0x1FF;
	[tilespmem:$0x1CE80] =	vst v5;
	v5 =	vimm.s32 $0x8FF  }
0x94: {  	[tilespmem:$0x1CE70] =	vst v4;
	v9 =	vsel vm0, $0x178, v7;
	v4 =	vimm.s32 $0x3FF;
	v7 =	vsel vm0, $0x878, v5  }
0x95: {  	[tilespmem:$0x1CED0] =	vst v7;
	v7 =	vsel vm14, $0xA01, v16;
	v16 =	vsel vm14, $0x111, v25;
	v25 =	vsel vm14, $0x319, v34  }
0x96: {  	v34 =	vsel vm14, $0x921, v43;
	v43 =	vsel vm14, $0xB29, v52;
	v52 =	vsel vm14, $0x239, v61;
	v61 =	vld [tilespmem:$0x1CB80]  }
0x97: {  	[tilespmem:$0x1CE90] =	vst v0;
	v0 =	vsel vm0, $0x378, v4;
	v56 =	vsel vm14, $0xA39, v60;
	v60 =	vsel vm14, $0x341, v1;
	v1 =	vld [tilespmem:$0x1CBC0]  }
0x98: {  	[tilespmem:$0x1CEA0] =	vst v9;
	v9 =	vimm.s32 $0xAFF;
	v4 =	vsel vm14, $0x301, v13;
	v5 =	vsel vm14, $0x801, v14  }
0x99: {  	v13 =	vsel vm14, $0x909, v22;
	v14 =	vsel vm14, $0xA09, v23;
	v22 =	vsel vm14, $0xB11, v31  }
0x9a: {  	[tilespmem:$0x1CEE0] =	vst v8;
	v8 =	vsel vm14, $0xB01, v17;
	v17 =	vsel vm14, $0x211, v26;
	v26 =	vsel vm14, $0x819, v35  }
0x9b: {  	v35 =	vsel vm14, $0xA21, v44;
	v44 =	vsel vm14, $0x131, v53;
	v53 =	vsel vm14, $0x339, v62;
	v62 =	vld [tilespmem:$0x1CB90]  }
0x9c: {  	v23 =	vsel vm14, $0x119, v32;
	v57 =	vsel vm14, $0xB39, v61;
	v61 =	vsel vm14, $0x841, v1;
	v1 =	vld [tilespmem:$0x1CBD0]  }
0x9d: {  	v31 =	vsel vm14, $0x221, v40;
	v32 =	vsel vm14, $0x321, v41;
	v40 =	vsel vm14, $0x829, v49  }
0x9e: {  	v41 =	vsel vm14, $0x929, v50;
	v50 =	vsel vm14, $0xB31, v59;
	[tilespmem:$0x1CEC0] =	vst v0;
	v0 =	vsel vm0, $0xA78, v9  }
0x9f: {  	v59 =	vld [tilespmem:$0x1CB60];
	v9 =	vsel vm14, $0x109, v18;
	v18 =	vsel vm14, $0x311, v27;
	v27 =	vsel vm14, $0x919, v36  }
0xa0: {  	v36 =	vsel vm14, $0xB21, v45;
	v45 =	vsel vm14, $0x231, v54;
	v54 =	vsel vm14, $0x839, v63;
	v63 =	vld [tilespmem:$0x1CBA0]  }
0xa1: {  	v49 =	vsel vm14, $0xA31, v58;
	v58 =	vsel vm14, $0x141, v62;
	v62 =	vsel vm14, $0x941, v1;
	v1 =	vld [tilespmem:$0x1CBE0];
	_ =	sdelay $0x2  }
0xa2: {  	v10 =	vsel vm14, $0x209, v19;
	v19 =	vsel vm14, $0x811, v28  }
0xa3: {  	v28 =	vsel vm14, $0xA19, v37;
	v37 =	vsel vm14, $0x129, v46;
	v46 =	vsel vm14, $0x331, v55  }
0xa4: {  	v55 =	vsel vm14, $0x939, v59;
	v59 =	vsel vm14, $0x241, v63;
	v63 =	vsel vm14, $0xA41, v1;
	v1 =	vld [tilespmem:$0x1CBF0];
	_ =	sdelay $0x4  }
0xa5: {  	v1 =	vsel vm14, $0xB41, v1  }
0xa6: {  	[tilespmem:$0x1CF00] =	vst v1;
	v1 =	vld [tilespmem:$0x1CC00];
	_ =	sdelay $0x4  }
0xa7: {  	v1 =	vsel vm14, $0x149, v1  }
0xa8: {  	[tilespmem:$0x1CF10] =	vst v1;
	v1 =	vld [tilespmem:$0x1CC10];
	_ =	sdelay $0x4  }
0xa9: {  	v1 =	vsel vm14, $0x249, v1  }
0xaa: {  	[tilespmem:$0x1CF20] =	vst v1;
	v1 =	vld [tilespmem:$0x1CC20];
	_ =	sdelay $0x4  }
0xab: {  	v1 =	vsel vm14, $0x349, v1  }
0xac: {  	[tilespmem:$0x1CF30] =	vst v1;
	v1 =	vld [tilespmem:$0x1CC30];
	_ =	sdelay $0x4  }
0xad: {  	v1 =	vsel vm14, $0x849, v1  }
0xae: {  	[tilespmem:$0x1CF40] =	vst v1;
	v1 =	vld [tilespmem:$0x1CC40];
	_ =	sdelay $0x4  }
0xaf: {  	v1 =	vsel vm14, $0x949, v1  }
0xb0: {  	[tilespmem:$0x1CF50] =	vst v1;
	v1 =	vld [tilespmem:$0x1CC50];
	_ =	sdelay $0x4  }
0xb1: {  	v1 =	vsel vm14, $0xA49, v1  }
0xb2: {  	[tilespmem:$0x1CF60] =	vst v1;
	v1 =	vld [tilespmem:$0x1CC60];
	_ =	sdelay $0x4  }
0xb3: {  	v1 =	vsel vm14, $0xB49, v1  }
0xb4: {  	[tilespmem:$0x1CF70] =	vst v1;
	v1 =	vld [tilespmem:$0x1CC70];
	_ =	sdelay $0x4  }
0xb5: {  	v1 =	vsel vm14, $0x151, v1  }
0xb6: {  	[tilespmem:$0x1CF80] =	vst v1;
	v1 =	vld [tilespmem:$0x1CC80];
	_ =	sdelay $0x4  }
0xb7: {  	v1 =	vsel vm14, $0x251, v1  }
0xb8: {  	[tilespmem:$0x1CF90] =	vst v1;
	v1 =	vld [tilespmem:$0x1CC90];
	_ =	sdelay $0x4  }
0xb9: {  	v1 =	vsel vm14, $0x351, v1  }
0xba: {  	[tilespmem:$0x1CFA0] =	vst v1;
	v1 =	vld [tilespmem:$0x1CCA0];
	_ =	sdelay $0x4  }
0xbb: {  	v1 =	vsel vm14, $0x851, v1  }
0xbc: {  	[tilespmem:$0x1CFB0] =	vst v1;
	v1 =	vld [tilespmem:$0x1CCB0];
	_ =	sdelay $0x4  }
0xbd: {  	v1 =	vsel vm14, $0x951, v1  }
0xbe: {  	[tilespmem:$0x1CFC0] =	vst v1;
	v1 =	vld [tilespmem:$0x1CCC0];
	_ =	sdelay $0x4  }
0xbf: {  	v1 =	vsel vm14, $0xA51, v1  }
0xc0: {  	[tilespmem:$0x1CFD0] =	vst v1;
	v1 =	vld [tilespmem:$0x1CCD0];
	_ =	sdelay $0x4  }
0xc1: {  	v1 =	vsel vm14, $0xB51, v1  }
0xc2: {  	[tilespmem:$0x1CFE0] =	vst v1;
	v1 =	vld [tilespmem:$0x1CCE0];
	_ =	sdelay $0x4  }
0xc3: {  	v1 =	vsel vm14, $0x159, v1  }
0xc4: {  	[tilespmem:$0x1CFF0] =	vst v1;
	v1 =	vld [tilespmem:$0x1CCF0];
	_ =	sdelay $0x4  }
0xc5: {  	v1 =	vsel vm14, $0x259, v1  }
0xc6: {  	[tilespmem:$0x1D000] =	vst v1;
	v1 =	vld [tilespmem:$0x1CD00];
	_ =	sdelay $0x4  }
0xc7: {  	v1 =	vsel vm14, $0x359, v1  }
0xc8: {  	[tilespmem:$0x1D010] =	vst v1;
	v1 =	vld [tilespmem:$0x1CD10];
	_ =	sdelay $0x4  }
0xc9: {  	v1 =	vsel vm14, $0x859, v1  }
0xca: {  	[tilespmem:$0x1D020] =	vst v1;
	v1 =	vld [tilespmem:$0x1CD20];
	_ =	sdelay $0x4  }
0xcb: {  	v1 =	vsel vm14, $0x959, v1  }
0xcc: {  	[tilespmem:$0x1D030] =	vst v1;
	v1 =	vld [tilespmem:$0x1CD30];
	_ =	sdelay $0x4  }
0xcd: {  	v1 =	vsel vm14, $0xA59, v1  }
0xce: {  	[tilespmem:$0x1D040] =	vst v1;
	v1 =	vld [tilespmem:$0x1CD40];
	_ =	sdelay $0x4  }
0xcf: {  	v1 =	vsel vm14, $0xB59, v1  }
0xd0: {  	[tilespmem:$0x1D050] =	vst v1;
	v1 =	vld [tilespmem:$0x1CD50];
	_ =	sdelay $0x4  }
0xd1: {  	v1 =	vsel vm14, $0x161, v1  }
0xd2: {  	[tilespmem:$0x1D060] =	vst v1;
	v1 =	vld [tilespmem:$0x1CD60];
	_ =	sdelay $0x4  }
0xd3: {  	v1 =	vsel vm14, $0x261, v1  }
0xd4: {  	[tilespmem:$0x1D070] =	vst v1;
	v1 =	vld [tilespmem:$0x1CD70];
	_ =	sdelay $0x4  }
0xd5: {  	v1 =	vsel vm14, $0x361, v1  }
0xd6: {  	[tilespmem:$0x1D080] =	vst v1;
	v1 =	vld [tilespmem:$0x1CD80];
	_ =	sdelay $0x4  }
0xd7: {  	v1 =	vsel vm14, $0x861, v1  }
0xd8: {  	[tilespmem:$0x1D090] =	vst v1;
	v1 =	vld [tilespmem:$0x1CD90];
	_ =	sdelay $0x4  }
0xd9: {  	v1 =	vsel vm14, $0x961, v1  }
0xda: {  	[tilespmem:$0x1D0A0] =	vst v1;
	v1 =	vld [tilespmem:$0x1CDA0];
	_ =	sdelay $0x4  }
0xdb: {  	v1 =	vsel vm14, $0xA61, v1  }
0xdc: {  	[tilespmem:$0x1D0B0] =	vst v1;
	v1 =	vld [tilespmem:$0x1CDB0];
	_ =	sdelay $0x4  }
0xdd: {  	v1 =	vsel vm14, $0xB61, v1  }
0xde: {  	[tilespmem:$0x1D0C0] =	vst v1;
	v1 =	vld [tilespmem:$0x1CDC0];
	_ =	sdelay $0x4  }
0xdf: {  	v1 =	vsel vm14, $0x169, v1  }
0xe0: {  	[tilespmem:$0x1D0D0] =	vst v1;
	v1 =	vld [tilespmem:$0x1CDD0];
	_ =	sdelay $0x4  }
0xe1: {  	v1 =	vsel vm14, $0x269, v1  }
0xe2: {  	[tilespmem:$0x1D0E0] =	vst v1;
	v1 =	vld [tilespmem:$0x1CDE0];
	_ =	sdelay $0x4  }
0xe3: {  	v1 =	vsel vm14, $0x369, v1  }
0xe4: {  	[tilespmem:$0x1D0F0] =	vst v1;
	v1 =	vld [tilespmem:$0x1CDF0];
	_ =	sdelay $0x4  }
0xe5: {  	v1 =	vsel vm14, $0x869, v1  }
0xe6: {  	[tilespmem:$0x1D100] =	vst v1;
	v1 =	vld [tilespmem:$0x1CE00];
	_ =	sdelay $0x4  }
0xe7: {  	v1 =	vsel vm14, $0x969, v1  }
0xe8: {  	[tilespmem:$0x1D110] =	vst v1;
	v1 =	vld [tilespmem:$0x1CE10];
	_ =	sdelay $0x4  }
0xe9: {  	v1 =	vsel vm14, $0xA69, v1  }
0xea: {  	[tilespmem:$0x1D120] =	vst v1;
	v1 =	vld [tilespmem:$0x1CE20];
	_ =	sdelay $0x4  }
0xeb: {  	v1 =	vsel vm14, $0xB69, v1  }
0xec: {  	[tilespmem:$0x1D130] =	vst v1;
	v1 =	vld [tilespmem:$0x1CE30];
	_ =	sdelay $0x4  }
0xed: {  	v1 =	vsel vm14, $0x171, v1  }
0xee: {  	[tilespmem:$0x1D140] =	vst v1;
	v1 =	vld [tilespmem:$0x1CE40];
	_ =	sdelay $0x4  }
0xef: {  	v1 =	vsel vm14, $0x271, v1  }
0xf0: {  	[tilespmem:$0x1D150] =	vst v1;
	v1 =	vld [tilespmem:$0x1CE50];
	_ =	sdelay $0x4  }
0xf1: {  	v1 =	vsel vm14, $0x371, v1  }
0xf2: {  	[tilespmem:$0x1D160] =	vst v1;
	v1 =	vld [tilespmem:$0x1CE60];
	_ =	sdelay $0x4  }
0xf3: {  	v1 =	vsel vm14, $0x871, v1  }
0xf4: {  	[tilespmem:$0x1D170] =	vst v1;
	v1 =	vld [tilespmem:$0x1CE70];
	_ =	sdelay $0x4  }
0xf5: {  	v1 =	vsel vm14, $0x971, v1  }
0xf6: {  	[tilespmem:$0x1D180] =	vst v1;
	v1 =	vld [tilespmem:$0x1CE80];
	_ =	sdelay $0x4  }
0xf7: {  	v1 =	vsel vm14, $0xA71, v1  }
0xf8: {  	[tilespmem:$0x1D190] =	vst v1;
	v1 =	vld [tilespmem:$0x1CE90];
	_ =	sdelay $0x4  }
0xf9: {  	v1 =	vsel vm14, $0xB71, v1  }
0xfa: {  	[tilespmem:$0x1D1A0] =	vst v1;
	v1 =	vld [tilespmem:$0x1CEA0];
	_ =	sdelay $0x4  }
0xfb: {  	v1 =	vsel vm14, $0x179, v1  }
0xfc: {  	[tilespmem:$0x1D1B0] =	vst v1;
	v1 =	vld [tilespmem:$0x1CEB0];
	_ =	sdelay $0x4  }
0xfd: {  	v1 =	vsel vm14, $0x279, v1  }
0xfe: {  	[tilespmem:$0x1D1C0] =	vst v1;
	v1 =	vld [tilespmem:$0x1CEC0];
	_ =	sdelay $0x4  }
0xff: {  	v1 =	vsel vm14, $0x379, v1  }
0x100: {  	[tilespmem:$0x1D1D0] =	vst v1;
	v1 =	vld [tilespmem:$0x1CED0];
	_ =	sdelay $0x4  }
0x101: {  	v1 =	vsel vm14, $0x879, v1  }
0x102: {  	v0 =	vsel vm14, $0xA79, v0;
	[tilespmem:$0x1D1E0] =	vst v1;
	v1 =	vld [tilespmem:$0x1CEE0]  }
0x103: {  	[tilespmem:$0x1D200] =	vst v0;
	v0 =	vld [tilespmem:$0x1CEF0];
	_ =	sdelay $0x3  }
0x104: {  	v1 =	vsel vm14, $0x979, v1  }
0x105: {  	[tilespmem:$0x1D1F0] =	vst v1;
	v1 =	vsel vm14, $0xB79, v0;
	v0 =	vld [tilespmem:$0x1CF00];
	_ =	sdelay $0x3  }
0x106: {  	vm15 =	vcmask $0xB08  }
0x107: {  	v0 =	vsel vm15, $0xB42, v0  }
0x108: {  	v1 =	vsel vm15, $0xB7A, v1;
	[tilespmem:$0x1D210] =	vst v0;
	v0 =	vld [tilespmem:$0x1CF10]  }
0x109: {  	[tilespmem:$0x1D510] =	vst v1;
	v1 =	vld [tilespmem:$0x1D210];
	_ =	sdelay $0x3  }
0x10a: {  	vm4 =	vcmask $0xF0C;
	v0 =	vsel vm15, $0x14A, v0  }
0x10b: {  	[tilespmem:$0x1D220] =	vst v0;
	v0 =	vld [tilespmem:$0x1CF20];
	v1 =	vsel vm4, $0xB43, v1  }
0x10c: {  	[tilespmem:$0x1D520] =	vst v1;
	v1 =	vld [tilespmem:$0x1D220];
	_ =	sdelay $0x3  }
0x10d: {  	v0 =	vsel vm15, $0x24A, v0  }
0x10e: {  	[tilespmem:$0x1D230] =	vst v0;
	v0 =	vld [tilespmem:$0x1CF30];
	v1 =	vsel vm4, $0x14B, v1  }
0x10f: {  	[tilespmem:$0x1D530] =	vst v1;
	v1 =	vld [tilespmem:$0x1D230];
	_ =	sdelay $0x3  }
0x110: {  	v0 =	vsel vm15, $0x34A, v0  }
0x111: {  	[tilespmem:$0x1D240] =	vst v0;
	v0 =	vld [tilespmem:$0x1CF40];
	v1 =	vsel vm4, $0x24B, v1  }
0x112: {  	[tilespmem:$0x1D540] =	vst v1;
	v1 =	vld [tilespmem:$0x1D240];
	_ =	sdelay $0x3  }
0x113: {  	v0 =	vsel vm15, $0x84A, v0  }
0x114: {  	[tilespmem:$0x1D250] =	vst v0;
	v0 =	vld [tilespmem:$0x1CF50];
	v1 =	vsel vm4, $0x34B, v1  }
0x115: {  	[tilespmem:$0x1D550] =	vst v1;
	v1 =	vld [tilespmem:$0x1D250];
	_ =	sdelay $0x3  }
0x116: {  	v0 =	vsel vm15, $0x94A, v0  }
0x117: {  	[tilespmem:$0x1D260] =	vst v0;
	v0 =	vld [tilespmem:$0x1CF60];
	v1 =	vsel vm4, $0x84B, v1  }
0x118: {  	[tilespmem:$0x1D560] =	vst v1;
	v1 =	vld [tilespmem:$0x1D260];
	_ =	sdelay $0x3  }
0x119: {  	v0 =	vsel vm15, $0xA4A, v0  }
0x11a: {  	[tilespmem:$0x1D270] =	vst v0;
	v0 =	vld [tilespmem:$0x1CF70];
	v1 =	vsel vm4, $0x94B, v1  }
0x11b: {  	[tilespmem:$0x1D570] =	vst v1;
	v1 =	vld [tilespmem:$0x1D270];
	_ =	sdelay $0x3  }
0x11c: {  	v0 =	vsel vm15, $0xB4A, v0  }
0x11d: {  	[tilespmem:$0x1D280] =	vst v0;
	v0 =	vld [tilespmem:$0x1CF80];
	v1 =	vsel vm4, $0xA4B, v1  }
0x11e: {  	[tilespmem:$0x1D580] =	vst v1;
	v1 =	vld [tilespmem:$0x1D280];
	_ =	sdelay $0x3  }
0x11f: {  	v0 =	vsel vm15, $0x152, v0  }
0x120: {  	[tilespmem:$0x1D290] =	vst v0;
	v0 =	vld [tilespmem:$0x1CF90];
	v1 =	vsel vm4, $0xB4B, v1  }
0x121: {  	[tilespmem:$0x1D590] =	vst v1;
	v1 =	vld [tilespmem:$0x1D290];
	_ =	sdelay $0x3  }
0x122: {  	v0 =	vsel vm15, $0x252, v0  }
0x123: {  	[tilespmem:$0x1D2A0] =	vst v0;
	v0 =	vld [tilespmem:$0x1CFA0];
	v1 =	vsel vm4, $0x153, v1  }
0x124: {  	[tilespmem:$0x1D5A0] =	vst v1;
	v1 =	vld [tilespmem:$0x1D2A0];
	_ =	sdelay $0x3  }
0x125: {  	v0 =	vsel vm15, $0x352, v0  }
0x126: {  	[tilespmem:$0x1D2B0] =	vst v0;
	v0 =	vld [tilespmem:$0x1CFB0];
	v1 =	vsel vm4, $0x253, v1  }
0x127: {  	[tilespmem:$0x1D5B0] =	vst v1;
	v1 =	vld [tilespmem:$0x1D2B0];
	_ =	sdelay $0x3  }
0x128: {  	v0 =	vsel vm15, $0x852, v0  }
0x129: {  	[tilespmem:$0x1D2C0] =	vst v0;
	v0 =	vld [tilespmem:$0x1CFC0];
	v1 =	vsel vm4, $0x353, v1  }
0x12a: {  	[tilespmem:$0x1D5C0] =	vst v1;
	v1 =	vld [tilespmem:$0x1D2C0];
	_ =	sdelay $0x3  }
0x12b: {  	v0 =	vsel vm15, $0x952, v0  }
0x12c: {  	[tilespmem:$0x1D2D0] =	vst v0;
	v0 =	vld [tilespmem:$0x1CFD0];
	v1 =	vsel vm4, $0x853, v1  }
0x12d: {  	[tilespmem:$0x1D5D0] =	vst v1;
	v1 =	vld [tilespmem:$0x1D2D0];
	_ =	sdelay $0x3  }
0x12e: {  	v0 =	vsel vm15, $0xA52, v0  }
0x12f: {  	[tilespmem:$0x1D2E0] =	vst v0;
	v0 =	vld [tilespmem:$0x1CFE0];
	v1 =	vsel vm4, $0x953, v1  }
0x130: {  	[tilespmem:$0x1D5E0] =	vst v1;
	v1 =	vld [tilespmem:$0x1D2E0];
	_ =	sdelay $0x3  }
0x131: {  	v0 =	vsel vm15, $0xB52, v0  }
0x132: {  	[tilespmem:$0x1D2F0] =	vst v0;
	v0 =	vld [tilespmem:$0x1CFF0];
	v1 =	vsel vm4, $0xA53, v1  }
0x133: {  	[tilespmem:$0x1D5F0] =	vst v1;
	v1 =	vld [tilespmem:$0x1D2F0];
	_ =	sdelay $0x3  }
0x134: {  	v0 =	vsel vm15, $0x15A, v0  }
0x135: {  	[tilespmem:$0x1D300] =	vst v0;
	v0 =	vld [tilespmem:$0x1D000];
	v1 =	vsel vm4, $0xB53, v1  }
0x136: {  	[tilespmem:$0x1D600] =	vst v1;
	v1 =	vld [tilespmem:$0x1D300];
	_ =	sdelay $0x3  }
0x137: {  	v0 =	vsel vm15, $0x25A, v0  }
0x138: {  	[tilespmem:$0x1D310] =	vst v0;
	v0 =	vld [tilespmem:$0x1D010];
	v1 =	vsel vm4, $0x15B, v1  }
0x139: {  	[tilespmem:$0x1D610] =	vst v1;
	v1 =	vld [tilespmem:$0x1D310];
	_ =	sdelay $0x3  }
0x13a: {  	v0 =	vsel vm15, $0x35A, v0  }
0x13b: {  	[tilespmem:$0x1D320] =	vst v0;
	v0 =	vld [tilespmem:$0x1D020];
	v1 =	vsel vm4, $0x25B, v1  }
0x13c: {  	[tilespmem:$0x1D620] =	vst v1;
	v1 =	vld [tilespmem:$0x1D320];
	_ =	sdelay $0x3  }
0x13d: {  	v0 =	vsel vm15, $0x85A, v0  }
0x13e: {  	[tilespmem:$0x1D330] =	vst v0;
	v0 =	vld [tilespmem:$0x1D030];
	v1 =	vsel vm4, $0x35B, v1  }
0x13f: {  	[tilespmem:$0x1D630] =	vst v1;
	v1 =	vld [tilespmem:$0x1D330];
	_ =	sdelay $0x3  }
0x140: {  	v0 =	vsel vm15, $0x95A, v0  }
0x141: {  	[tilespmem:$0x1D340] =	vst v0;
	v0 =	vld [tilespmem:$0x1D040];
	v1 =	vsel vm4, $0x85B, v1  }
0x142: {  	[tilespmem:$0x1D640] =	vst v1;
	v1 =	vld [tilespmem:$0x1D340];
	_ =	sdelay $0x3  }
0x143: {  	v0 =	vsel vm15, $0xA5A, v0  }
0x144: {  	[tilespmem:$0x1D350] =	vst v0;
	v0 =	vld [tilespmem:$0x1D050];
	v1 =	vsel vm4, $0x95B, v1  }
0x145: {  	[tilespmem:$0x1D650] =	vst v1;
	v1 =	vld [tilespmem:$0x1D350];
	_ =	sdelay $0x3  }
0x146: {  	v0 =	vsel vm15, $0xB5A, v0  }
0x147: {  	[tilespmem:$0x1D360] =	vst v0;
	v0 =	vld [tilespmem:$0x1D060];
	v1 =	vsel vm4, $0xA5B, v1  }
0x148: {  	[tilespmem:$0x1D660] =	vst v1;
	v1 =	vld [tilespmem:$0x1D360];
	_ =	sdelay $0x3  }
0x149: {  	v0 =	vsel vm15, $0x162, v0  }
0x14a: {  	[tilespmem:$0x1D370] =	vst v0;
	v0 =	vld [tilespmem:$0x1D070];
	v1 =	vsel vm4, $0xB5B, v1  }
0x14b: {  	[tilespmem:$0x1D670] =	vst v1;
	v1 =	vld [tilespmem:$0x1D370];
	_ =	sdelay $0x3  }
0x14c: {  	v0 =	vsel vm15, $0x262, v0  }
0x14d: {  	[tilespmem:$0x1D380] =	vst v0;
	v0 =	vld [tilespmem:$0x1D080];
	v1 =	vsel vm4, $0x163, v1  }
0x14e: {  	[tilespmem:$0x1D680] =	vst v1;
	v1 =	vld [tilespmem:$0x1D380];
	_ =	sdelay $0x3  }
0x14f: {  	v0 =	vsel vm15, $0x362, v0  }
0x150: {  	[tilespmem:$0x1D390] =	vst v0;
	v0 =	vld [tilespmem:$0x1D090];
	v1 =	vsel vm4, $0x263, v1  }
0x151: {  	[tilespmem:$0x1D690] =	vst v1;
	v1 =	vld [tilespmem:$0x1D390];
	_ =	sdelay $0x3  }
0x152: {  	v0 =	vsel vm15, $0x862, v0  }
0x153: {  	[tilespmem:$0x1D3A0] =	vst v0;
	v0 =	vld [tilespmem:$0x1D0A0];
	v1 =	vsel vm4, $0x363, v1  }
0x154: {  	[tilespmem:$0x1D6A0] =	vst v1;
	v1 =	vld [tilespmem:$0x1D3A0];
	_ =	sdelay $0x3  }
0x155: {  	v0 =	vsel vm15, $0x962, v0  }
0x156: {  	[tilespmem:$0x1D3B0] =	vst v0;
	v0 =	vld [tilespmem:$0x1D0B0];
	v1 =	vsel vm4, $0x863, v1  }
0x157: {  	[tilespmem:$0x1D6B0] =	vst v1;
	v1 =	vld [tilespmem:$0x1D3B0];
	_ =	sdelay $0x3  }
0x158: {  	v0 =	vsel vm15, $0xA62, v0  }
0x159: {  	[tilespmem:$0x1D3C0] =	vst v0;
	v0 =	vld [tilespmem:$0x1D0C0];
	v1 =	vsel vm4, $0x963, v1  }
0x15a: {  	[tilespmem:$0x1D6C0] =	vst v1;
	v1 =	vld [tilespmem:$0x1D3C0];
	_ =	sdelay $0x3  }
0x15b: {  	v0 =	vsel vm15, $0xB62, v0  }
0x15c: {  	[tilespmem:$0x1D3D0] =	vst v0;
	v0 =	vld [tilespmem:$0x1D0D0];
	v1 =	vsel vm4, $0xA63, v1  }
0x15d: {  	[tilespmem:$0x1D6D0] =	vst v1;
	v1 =	vld [tilespmem:$0x1D3D0];
	_ =	sdelay $0x3  }
0x15e: {  	v0 =	vsel vm15, $0x16A, v0  }
0x15f: {  	[tilespmem:$0x1D3E0] =	vst v0;
	v0 =	vld [tilespmem:$0x1D0E0];
	v1 =	vsel vm4, $0xB63, v1  }
0x160: {  	[tilespmem:$0x1D6E0] =	vst v1;
	v1 =	vld [tilespmem:$0x1D3E0];
	_ =	sdelay $0x3  }
0x161: {  	v0 =	vsel vm15, $0x26A, v0  }
0x162: {  	[tilespmem:$0x1D3F0] =	vst v0;
	v0 =	vld [tilespmem:$0x1D0F0];
	v1 =	vsel vm4, $0x16B, v1  }
0x163: {  	[tilespmem:$0x1D6F0] =	vst v1;
	v1 =	vld [tilespmem:$0x1D3F0];
	_ =	sdelay $0x3  }
0x164: {  	v0 =	vsel vm15, $0x36A, v0  }
0x165: {  	[tilespmem:$0x1D400] =	vst v0;
	v0 =	vld [tilespmem:$0x1D100];
	v1 =	vsel vm4, $0x26B, v1  }
0x166: {  	[tilespmem:$0x1D700] =	vst v1;
	v1 =	vld [tilespmem:$0x1D400];
	_ =	sdelay $0x3  }
0x167: {  	v0 =	vsel vm15, $0x86A, v0  }
0x168: {  	[tilespmem:$0x1D410] =	vst v0;
	v0 =	vld [tilespmem:$0x1D110];
	v1 =	vsel vm4, $0x36B, v1  }
0x169: {  	[tilespmem:$0x1D710] =	vst v1;
	v1 =	vld [tilespmem:$0x1D410];
	_ =	sdelay $0x3  }
0x16a: {  	v0 =	vsel vm15, $0x96A, v0  }
0x16b: {  	[tilespmem:$0x1D420] =	vst v0;
	v0 =	vld [tilespmem:$0x1D120];
	v1 =	vsel vm4, $0x86B, v1  }
0x16c: {  	[tilespmem:$0x1D720] =	vst v1;
	v1 =	vld [tilespmem:$0x1D420];
	_ =	sdelay $0x3  }
0x16d: {  	v0 =	vsel vm15, $0xA6A, v0  }
0x16e: {  	[tilespmem:$0x1D430] =	vst v0;
	v0 =	vld [tilespmem:$0x1D130];
	v1 =	vsel vm4, $0x96B, v1  }
0x16f: {  	[tilespmem:$0x1D730] =	vst v1;
	v1 =	vld [tilespmem:$0x1D430];
	_ =	sdelay $0x3  }
0x170: {  	v0 =	vsel vm15, $0xB6A, v0  }
0x171: {  	[tilespmem:$0x1D440] =	vst v0;
	v0 =	vld [tilespmem:$0x1D140];
	v1 =	vsel vm4, $0xA6B, v1  }
0x172: {  	[tilespmem:$0x1D740] =	vst v1;
	v1 =	vld [tilespmem:$0x1D440];
	_ =	sdelay $0x3  }
0x173: {  	v0 =	vsel vm15, $0x172, v0  }
0x174: {  	[tilespmem:$0x1D450] =	vst v0;
	v0 =	vld [tilespmem:$0x1D150];
	v1 =	vsel vm4, $0xB6B, v1  }
0x175: {  	[tilespmem:$0x1D750] =	vst v1;
	v1 =	vld [tilespmem:$0x1D450];
	_ =	sdelay $0x3  }
0x176: {  	v0 =	vsel vm15, $0x272, v0  }
0x177: {  	[tilespmem:$0x1D460] =	vst v0;
	v0 =	vld [tilespmem:$0x1D160];
	v1 =	vsel vm4, $0x173, v1  }
0x178: {  	[tilespmem:$0x1D760] =	vst v1;
	v1 =	vld [tilespmem:$0x1D460];
	_ =	sdelay $0x3  }
0x179: {  	v0 =	vsel vm15, $0x372, v0  }
0x17a: {  	[tilespmem:$0x1D470] =	vst v0;
	v0 =	vld [tilespmem:$0x1D170];
	v1 =	vsel vm4, $0x273, v1  }
0x17b: {  	[tilespmem:$0x1D770] =	vst v1;
	v1 =	vld [tilespmem:$0x1D470];
	_ =	sdelay $0x3  }
0x17c: {  	v0 =	vsel vm15, $0x872, v0  }
0x17d: {  	[tilespmem:$0x1D480] =	vst v0;
	v0 =	vld [tilespmem:$0x1D180];
	v1 =	vsel vm4, $0x373, v1  }
0x17e: {  	[tilespmem:$0x1D780] =	vst v1;
	v1 =	vld [tilespmem:$0x1D480];
	_ =	sdelay $0x3  }
0x17f: {  	v0 =	vsel vm15, $0x972, v0  }
0x180: {  	[tilespmem:$0x1D490] =	vst v0;
	v0 =	vld [tilespmem:$0x1D190];
	v1 =	vsel vm4, $0x873, v1  }
0x181: {  	[tilespmem:$0x1D790] =	vst v1;
	v1 =	vld [tilespmem:$0x1D490];
	_ =	sdelay $0x3  }
0x182: {  	v0 =	vsel vm15, $0xA72, v0  }
0x183: {  	[tilespmem:$0x1D4A0] =	vst v0;
	v0 =	vld [tilespmem:$0x1D1A0];
	v1 =	vsel vm4, $0x973, v1  }
0x184: {  	[tilespmem:$0x1D7A0] =	vst v1;
	v1 =	vld [tilespmem:$0x1D4A0];
	_ =	sdelay $0x3  }
0x185: {  	v0 =	vsel vm15, $0xB72, v0  }
0x186: {  	[tilespmem:$0x1D4B0] =	vst v0;
	v0 =	vld [tilespmem:$0x1D1B0];
	v1 =	vsel vm4, $0xA73, v1  }
0x187: {  	[tilespmem:$0x1D7B0] =	vst v1;
	v1 =	vld [tilespmem:$0x1D4B0];
	_ =	sdelay $0x3  }
0x188: {  	v0 =	vsel vm15, $0x17A, v0  }
0x189: {  	[tilespmem:$0x1D4C0] =	vst v0;
	v0 =	vld [tilespmem:$0x1D1C0];
	v1 =	vsel vm4, $0xB73, v1  }
0x18a: {  	[tilespmem:$0x1D7C0] =	vst v1;
	v1 =	vld [tilespmem:$0x1D4C0];
	_ =	sdelay $0x3  }
0x18b: {  	v0 =	vsel vm15, $0x27A, v0  }
0x18c: {  	[tilespmem:$0x1D4D0] =	vst v0;
	v0 =	vld [tilespmem:$0x1D1D0];
	v1 =	vsel vm4, $0x17B, v1  }
0x18d: {  	[tilespmem:$0x1D7D0] =	vst v1;
	v1 =	vld [tilespmem:$0x1D4D0];
	_ =	sdelay $0x3  }
0x18e: {  	v0 =	vsel vm15, $0x37A, v0  }
0x18f: {  	[tilespmem:$0x1D4E0] =	vst v0;
	v0 =	vld [tilespmem:$0x1D1E0];
	v1 =	vsel vm4, $0x27B, v1  }
0x190: {  	[tilespmem:$0x1D7E0] =	vst v1;
	v1 =	vld [tilespmem:$0x1D4E0];
	_ =	sdelay $0x3  }
0x191: {  	v0 =	vsel vm15, $0x87A, v0  }
0x192: {  	[tilespmem:$0x1D4F0] =	vst v0;
	v0 =	vld [tilespmem:$0x1D1F0];
	v1 =	vsel vm4, $0x37B, v1  }
0x193: {  	[tilespmem:$0x1D7F0] =	vst v1;
	v1 =	vld [tilespmem:$0x1D4F0];
	_ =	sdelay $0x3  }
0x194: {  	v0 =	vsel vm15, $0x97A, v0  }
0x195: {  	[tilespmem:$0x1D500] =	vst v0;
	v1 =	vsel vm4, $0x87B, v1  }
0x196: {  	[tilespmem:$0x1D800] =	vst v1;
	v1 =	vld [tilespmem:$0x1D500];
	_ =	sdelay $0x4  }
0x197: {  	v1 =	vsel vm4, $0x97B, v1  }
0x198: {  	[tilespmem:$0x1D810] =	vst v1;
	v1 =	vld [tilespmem:$0x1D510];
	_ =	sdelay $0x4  }
0x199: {  	v1 =	vsel vm4, $0xB7B, v1  }
0x19a: {  	[tilespmem:$0x1D820] =	vst v1;
	v1 =	vld [tilespmem:$0x1D520];
	_ =	sdelay $0x3  }
0x19b: {  	vm5 =	vcmask $0x1310  }
0x19c: {  	v1 =	vsel vm5, $0xB44, v1  }
0x19d: {  	[tilespmem:$0x1D830] =	vst v1;
	v1 =	vld [tilespmem:$0x1D530];
	_ =	sdelay $0x4  }
0x19e: {  	v1 =	vsel vm5, $0x14C, v1  }
0x19f: {  	[tilespmem:$0x1D840] =	vst v1;
	v1 =	vld [tilespmem:$0x1D540];
	_ =	sdelay $0x4  }
0x1a0: {  	v1 =	vsel vm5, $0x24C, v1  }
0x1a1: {  	[tilespmem:$0x1D850] =	vst v1;
	v1 =	vld [tilespmem:$0x1D550];
	_ =	sdelay $0x4  }
0x1a2: {  	v1 =	vsel vm5, $0x34C, v1  }
0x1a3: {  	[tilespmem:$0x1D860] =	vst v1;
	v1 =	vld [tilespmem:$0x1D560];
	_ =	sdelay $0x4  }
0x1a4: {  	v1 =	vsel vm5, $0x84C, v1  }
0x1a5: {  	[tilespmem:$0x1D870] =	vst v1;
	v1 =	vld [tilespmem:$0x1D570];
	_ =	sdelay $0x4  }
0x1a6: {  	v1 =	vsel vm5, $0x94C, v1  }
0x1a7: {  	[tilespmem:$0x1D880] =	vst v1;
	v1 =	vld [tilespmem:$0x1D580];
	_ =	sdelay $0x4  }
0x1a8: {  	v1 =	vsel vm5, $0xA4C, v1  }
0x1a9: {  	[tilespmem:$0x1D890] =	vst v1;
	v1 =	vld [tilespmem:$0x1D590];
	_ =	sdelay $0x4  }
0x1aa: {  	v1 =	vsel vm5, $0xB4C, v1  }
0x1ab: {  	[tilespmem:$0x1D8A0] =	vst v1;
	v1 =	vld [tilespmem:$0x1D5A0];
	_ =	sdelay $0x4  }
0x1ac: {  	v1 =	vsel vm5, $0x154, v1  }
0x1ad: {  	[tilespmem:$0x1D8B0] =	vst v1;
	v1 =	vld [tilespmem:$0x1D5B0];
	_ =	sdelay $0x4  }
0x1ae: {  	v1 =	vsel vm5, $0x254, v1  }
0x1af: {  	[tilespmem:$0x1D8C0] =	vst v1;
	v1 =	vld [tilespmem:$0x1D5C0];
	_ =	sdelay $0x4  }
0x1b0: {  	v1 =	vsel vm5, $0x354, v1  }
0x1b1: {  	[tilespmem:$0x1D8D0] =	vst v1;
	v1 =	vld [tilespmem:$0x1D5D0];
	_ =	sdelay $0x4  }
0x1b2: {  	v1 =	vsel vm5, $0x854, v1  }
0x1b3: {  	[tilespmem:$0x1D8E0] =	vst v1;
	v1 =	vld [tilespmem:$0x1D5E0];
	_ =	sdelay $0x4  }
0x1b4: {  	v1 =	vsel vm5, $0x954, v1  }
0x1b5: {  	[tilespmem:$0x1D8F0] =	vst v1;
	v1 =	vld [tilespmem:$0x1D5F0];
	_ =	sdelay $0x4  }
0x1b6: {  	v1 =	vsel vm5, $0xA54, v1  }
0x1b7: {  	[tilespmem:$0x1D900] =	vst v1;
	v1 =	vld [tilespmem:$0x1D600];
	_ =	sdelay $0x4  }
0x1b8: {  	v1 =	vsel vm5, $0xB54, v1  }
0x1b9: {  	[tilespmem:$0x1D910] =	vst v1;
	v1 =	vld [tilespmem:$0x1D610];
	_ =	sdelay $0x4  }
0x1ba: {  	v1 =	vsel vm5, $0x15C, v1  }
0x1bb: {  	[tilespmem:$0x1D920] =	vst v1;
	v1 =	vld [tilespmem:$0x1D620];
	_ =	sdelay $0x4  }
0x1bc: {  	v1 =	vsel vm5, $0x25C, v1  }
0x1bd: {  	[tilespmem:$0x1D930] =	vst v1;
	v1 =	vld [tilespmem:$0x1D630];
	_ =	sdelay $0x4  }
0x1be: {  	v1 =	vsel vm5, $0x35C, v1  }
0x1bf: {  	[tilespmem:$0x1D940] =	vst v1;
	v1 =	vld [tilespmem:$0x1D640];
	_ =	sdelay $0x4  }
0x1c0: {  	v1 =	vsel vm5, $0x85C, v1  }
0x1c1: {  	[tilespmem:$0x1D950] =	vst v1;
	v1 =	vld [tilespmem:$0x1D650];
	_ =	sdelay $0x4  }
0x1c2: {  	v1 =	vsel vm5, $0x95C, v1  }
0x1c3: {  	[tilespmem:$0x1D960] =	vst v1;
	v1 =	vld [tilespmem:$0x1D660];
	_ =	sdelay $0x4  }
0x1c4: {  	v1 =	vsel vm5, $0xA5C, v1  }
0x1c5: {  	[tilespmem:$0x1D970] =	vst v1;
	v1 =	vld [tilespmem:$0x1D670];
	_ =	sdelay $0x4  }
0x1c6: {  	v1 =	vsel vm5, $0xB5C, v1  }
0x1c7: {  	[tilespmem:$0x1D980] =	vst v1;
	v1 =	vld [tilespmem:$0x1D680];
	_ =	sdelay $0x4  }
0x1c8: {  	v1 =	vsel vm5, $0x164, v1  }
0x1c9: {  	[tilespmem:$0x1D990] =	vst v1;
	v1 =	vld [tilespmem:$0x1D690];
	_ =	sdelay $0x4  }
0x1ca: {  	v1 =	vsel vm5, $0x264, v1  }
0x1cb: {  	[tilespmem:$0x1D9A0] =	vst v1;
	v1 =	vld [tilespmem:$0x1D6A0];
	_ =	sdelay $0x4  }
0x1cc: {  	v1 =	vsel vm5, $0x364, v1  }
0x1cd: {  	[tilespmem:$0x1D9B0] =	vst v1;
	v1 =	vld [tilespmem:$0x1D6B0];
	_ =	sdelay $0x4  }
0x1ce: {  	v1 =	vsel vm5, $0x864, v1  }
0x1cf: {  	[tilespmem:$0x1D9C0] =	vst v1;
	v1 =	vld [tilespmem:$0x1D6C0];
	_ =	sdelay $0x4  }
0x1d0: {  	v1 =	vsel vm5, $0x964, v1  }
0x1d1: {  	[tilespmem:$0x1D9D0] =	vst v1;
	v1 =	vld [tilespmem:$0x1D6D0];
	_ =	sdelay $0x4  }
0x1d2: {  	v1 =	vsel vm5, $0xA64, v1  }
0x1d3: {  	[tilespmem:$0x1D9E0] =	vst v1;
	v1 =	vld [tilespmem:$0x1D6E0];
	_ =	sdelay $0x4  }
0x1d4: {  	v1 =	vsel vm5, $0xB64, v1  }
0x1d5: {  	[tilespmem:$0x1D9F0] =	vst v1;
	v1 =	vld [tilespmem:$0x1D6F0];
	_ =	sdelay $0x4  }
0x1d6: {  	v1 =	vsel vm5, $0x16C, v1  }
0x1d7: {  	[tilespmem:$0x1DA00] =	vst v1;
	v1 =	vld [tilespmem:$0x1D700];
	_ =	sdelay $0x4  }
0x1d8: {  	v1 =	vsel vm5, $0x26C, v1  }
0x1d9: {  	[tilespmem:$0x1DA10] =	vst v1;
	v1 =	vld [tilespmem:$0x1D710];
	_ =	sdelay $0x4  }
0x1da: {  	v1 =	vsel vm5, $0x36C, v1  }
0x1db: {  	[tilespmem:$0x1DA20] =	vst v1;
	v1 =	vld [tilespmem:$0x1D720];
	_ =	sdelay $0x4  }
0x1dc: {  	v1 =	vsel vm5, $0x86C, v1  }
0x1dd: {  	[tilespmem:$0x1DA30] =	vst v1;
	v1 =	vld [tilespmem:$0x1D730];
	_ =	sdelay $0x4  }
0x1de: {  	v1 =	vsel vm5, $0x96C, v1  }
0x1df: {  	[tilespmem:$0x1DA40] =	vst v1;
	v1 =	vld [tilespmem:$0x1D740];
	_ =	sdelay $0x4  }
0x1e0: {  	v1 =	vsel vm5, $0xA6C, v1  }
0x1e1: {  	[tilespmem:$0x1DA50] =	vst v1;
	v1 =	vld [tilespmem:$0x1D750];
	_ =	sdelay $0x4  }
0x1e2: {  	v1 =	vsel vm5, $0xB6C, v1  }
0x1e3: {  	[tilespmem:$0x1DA60] =	vst v1;
	v1 =	vld [tilespmem:$0x1D760];
	_ =	sdelay $0x4  }
0x1e4: {  	v1 =	vsel vm5, $0x174, v1  }
0x1e5: {  	[tilespmem:$0x1DA70] =	vst v1;
	v1 =	vld [tilespmem:$0x1D770];
	_ =	sdelay $0x4  }
0x1e6: {  	v1 =	vsel vm5, $0x274, v1  }
0x1e7: {  	[tilespmem:$0x1DA80] =	vst v1;
	v1 =	vld [tilespmem:$0x1D780];
	_ =	sdelay $0x4  }
0x1e8: {  	v1 =	vsel vm5, $0x374, v1  }
0x1e9: {  	[tilespmem:$0x1DA90] =	vst v1;
	v1 =	vld [tilespmem:$0x1D790];
	_ =	sdelay $0x4  }
0x1ea: {  	v1 =	vsel vm5, $0x874, v1  }
0x1eb: {  	[tilespmem:$0x1DAA0] =	vst v1;
	v1 =	vld [tilespmem:$0x1D7A0];
	_ =	sdelay $0x4  }
0x1ec: {  	v1 =	vsel vm5, $0x974, v1  }
0x1ed: {  	[tilespmem:$0x1DAB0] =	vst v1;
	v1 =	vld [tilespmem:$0x1D7B0];
	_ =	sdelay $0x4  }
0x1ee: {  	v1 =	vsel vm5, $0xA74, v1  }
0x1ef: {  	[tilespmem:$0x1DAC0] =	vst v1;
	v1 =	vld [tilespmem:$0x1D7C0];
	_ =	sdelay $0x4  }
0x1f0: {  	v1 =	vsel vm5, $0xB74, v1  }
0x1f1: {  	[tilespmem:$0x1DAD0] =	vst v1;
	v1 =	vld [tilespmem:$0x1D7D0];
	_ =	sdelay $0x4  }
0x1f2: {  	v1 =	vsel vm5, $0x17C, v1  }
0x1f3: {  	[tilespmem:$0x1DAE0] =	vst v1;
	v1 =	vld [tilespmem:$0x1D7E0];
	_ =	sdelay $0x4  }
0x1f4: {  	v1 =	vsel vm5, $0x27C, v1  }
0x1f5: {  	[tilespmem:$0x1DAF0] =	vst v1;
	v1 =	vld [tilespmem:$0x1D7F0];
	_ =	sdelay $0x4  }
0x1f6: {  	v1 =	vsel vm5, $0x37C, v1  }
0x1f7: {  	[tilespmem:$0x1DB00] =	vst v1;
	v1 =	vld [tilespmem:$0x1D800];
	_ =	sdelay $0x4  }
0x1f8: {  	v1 =	vsel vm5, $0x87C, v1  }
0x1f9: {  	[tilespmem:$0x1DB10] =	vst v1;
	v1 =	vld [tilespmem:$0x1D810];
	_ =	sdelay $0x4  }
0x1fa: {  	v1 =	vsel vm5, $0x97C, v1  }
0x1fb: {  	[tilespmem:$0x1DB20] =	vst v1;
	v1 =	vld [tilespmem:$0x1D830];
	_ =	sdelay $0x3  }
0x1fc: {  	vm6 =	vcmask $0x1714  }
0x1fd: {  	v1 =	vsel vm6, $0xB45, v1  }
0x1fe: {  	[tilespmem:$0x1DB40] =	vst v1;
	v1 =	vld [tilespmem:$0x1D840];
	_ =	sdelay $0x4  }
0x1ff: {  	v1 =	vsel vm6, $0x14D, v1  }
0x200: {  	[tilespmem:$0x1DB50] =	vst v1;
	v1 =	vld [tilespmem:$0x1D850];
	_ =	sdelay $0x4  }
0x201: {  	v1 =	vsel vm6, $0x24D, v1  }
0x202: {  	[tilespmem:$0x1DB60] =	vst v1;
	v1 =	vld [tilespmem:$0x1D860];
	_ =	sdelay $0x4  }
0x203: {  	v1 =	vsel vm6, $0x34D, v1  }
0x204: {  	[tilespmem:$0x1DB70] =	vst v1;
	v1 =	vld [tilespmem:$0x1D870];
	_ =	sdelay $0x4  }
0x205: {  	v1 =	vsel vm6, $0x84D, v1  }
0x206: {  	[tilespmem:$0x1DB80] =	vst v1;
	v1 =	vld [tilespmem:$0x1D880];
	_ =	sdelay $0x4  }
0x207: {  	v1 =	vsel vm6, $0x94D, v1  }
0x208: {  	[tilespmem:$0x1DB90] =	vst v1;
	v1 =	vld [tilespmem:$0x1D890];
	_ =	sdelay $0x4  }
0x209: {  	v1 =	vsel vm6, $0xA4D, v1  }
0x20a: {  	[tilespmem:$0x1DBA0] =	vst v1;
	v1 =	vld [tilespmem:$0x1D8A0];
	_ =	sdelay $0x4  }
0x20b: {  	v1 =	vsel vm6, $0xB4D, v1  }
0x20c: {  	[tilespmem:$0x1DBB0] =	vst v1;
	v1 =	vld [tilespmem:$0x1D8B0];
	_ =	sdelay $0x4  }
0x20d: {  	v1 =	vsel vm6, $0x155, v1  }
0x20e: {  	[tilespmem:$0x1DBC0] =	vst v1;
	v1 =	vld [tilespmem:$0x1D8C0];
	_ =	sdelay $0x4  }
0x20f: {  	v1 =	vsel vm6, $0x255, v1  }
0x210: {  	[tilespmem:$0x1DBD0] =	vst v1;
	v1 =	vld [tilespmem:$0x1D8D0];
	_ =	sdelay $0x4  }
0x211: {  	v1 =	vsel vm6, $0x355, v1  }
0x212: {  	[tilespmem:$0x1DBE0] =	vst v1;
	v1 =	vld [tilespmem:$0x1D8E0];
	_ =	sdelay $0x4  }
0x213: {  	v1 =	vsel vm6, $0x855, v1  }
0x214: {  	[tilespmem:$0x1DBF0] =	vst v1;
	v1 =	vld [tilespmem:$0x1D8F0];
	_ =	sdelay $0x4  }
0x215: {  	v1 =	vsel vm6, $0x955, v1  }
0x216: {  	[tilespmem:$0x1DC00] =	vst v1;
	v1 =	vld [tilespmem:$0x1D900];
	_ =	sdelay $0x4  }
0x217: {  	v1 =	vsel vm6, $0xA55, v1  }
0x218: {  	[tilespmem:$0x1DC10] =	vst v1;
	v1 =	vld [tilespmem:$0x1D910];
	_ =	sdelay $0x4  }
0x219: {  	v1 =	vsel vm6, $0xB55, v1  }
0x21a: {  	[tilespmem:$0x1DC20] =	vst v1;
	v1 =	vld [tilespmem:$0x1D920];
	_ =	sdelay $0x4  }
0x21b: {  	v1 =	vsel vm6, $0x15D, v1  }
0x21c: {  	[tilespmem:$0x1DC30] =	vst v1;
	v1 =	vld [tilespmem:$0x1D930];
	_ =	sdelay $0x4  }
0x21d: {  	v1 =	vsel vm6, $0x25D, v1  }
0x21e: {  	[tilespmem:$0x1DC40] =	vst v1;
	v1 =	vld [tilespmem:$0x1D940];
	_ =	sdelay $0x4  }
0x21f: {  	v1 =	vsel vm6, $0x35D, v1  }
0x220: {  	[tilespmem:$0x1DC50] =	vst v1;
	v1 =	vld [tilespmem:$0x1D950];
	_ =	sdelay $0x4  }
0x221: {  	v1 =	vsel vm6, $0x85D, v1  }
0x222: {  	[tilespmem:$0x1DC60] =	vst v1;
	v1 =	vld [tilespmem:$0x1D960];
	_ =	sdelay $0x4  }
0x223: {  	v1 =	vsel vm6, $0x95D, v1  }
0x224: {  	[tilespmem:$0x1DC70] =	vst v1;
	v1 =	vld [tilespmem:$0x1D970];
	_ =	sdelay $0x4  }
0x225: {  	v1 =	vsel vm6, $0xA5D, v1  }
0x226: {  	[tilespmem:$0x1DC80] =	vst v1;
	v1 =	vld [tilespmem:$0x1D980];
	_ =	sdelay $0x4  }
0x227: {  	v1 =	vsel vm6, $0xB5D, v1  }
0x228: {  	[tilespmem:$0x1DC90] =	vst v1;
	v1 =	vld [tilespmem:$0x1D990];
	_ =	sdelay $0x4  }
0x229: {  	v1 =	vsel vm6, $0x165, v1  }
0x22a: {  	[tilespmem:$0x1DCA0] =	vst v1;
	v1 =	vld [tilespmem:$0x1D9A0];
	_ =	sdelay $0x4  }
0x22b: {  	v1 =	vsel vm6, $0x265, v1  }
0x22c: {  	[tilespmem:$0x1DCB0] =	vst v1;
	v1 =	vld [tilespmem:$0x1D9B0];
	_ =	sdelay $0x4  }
0x22d: {  	v1 =	vsel vm6, $0x365, v1  }
0x22e: {  	[tilespmem:$0x1DCC0] =	vst v1;
	v1 =	vld [tilespmem:$0x1D9C0];
	_ =	sdelay $0x4  }
0x22f: {  	v1 =	vsel vm6, $0x865, v1  }
0x230: {  	[tilespmem:$0x1DCD0] =	vst v1;
	v1 =	vld [tilespmem:$0x1D9D0];
	_ =	sdelay $0x4  }
0x231: {  	v1 =	vsel vm6, $0x965, v1  }
0x232: {  	[tilespmem:$0x1DCE0] =	vst v1;
	v1 =	vld [tilespmem:$0x1D9E0];
	_ =	sdelay $0x4  }
0x233: {  	v1 =	vsel vm6, $0xA65, v1  }
0x234: {  	[tilespmem:$0x1DCF0] =	vst v1;
	v1 =	vld [tilespmem:$0x1D9F0];
	_ =	sdelay $0x4  }
0x235: {  	v1 =	vsel vm6, $0xB65, v1  }
0x236: {  	[tilespmem:$0x1DD00] =	vst v1;
	v1 =	vld [tilespmem:$0x1DA00];
	_ =	sdelay $0x4  }
0x237: {  	v1 =	vsel vm6, $0x16D, v1  }
0x238: {  	[tilespmem:$0x1DD10] =	vst v1;
	v1 =	vld [tilespmem:$0x1DA10];
	_ =	sdelay $0x4  }
0x239: {  	v1 =	vsel vm6, $0x26D, v1  }
0x23a: {  	[tilespmem:$0x1DD20] =	vst v1;
	v1 =	vld [tilespmem:$0x1DA20];
	_ =	sdelay $0x4  }
0x23b: {  	v1 =	vsel vm6, $0x36D, v1  }
0x23c: {  	[tilespmem:$0x1DD30] =	vst v1;
	v1 =	vld [tilespmem:$0x1DA30];
	_ =	sdelay $0x4  }
0x23d: {  	v1 =	vsel vm6, $0x86D, v1  }
0x23e: {  	[tilespmem:$0x1DD40] =	vst v1;
	v1 =	vld [tilespmem:$0x1DA40];
	_ =	sdelay $0x4  }
0x23f: {  	v1 =	vsel vm6, $0x96D, v1  }
0x240: {  	[tilespmem:$0x1DD50] =	vst v1;
	v1 =	vld [tilespmem:$0x1DA50];
	_ =	sdelay $0x4  }
0x241: {  	v1 =	vsel vm6, $0xA6D, v1  }
0x242: {  	[tilespmem:$0x1DD60] =	vst v1;
	v1 =	vld [tilespmem:$0x1DA60];
	_ =	sdelay $0x4  }
0x243: {  	v1 =	vsel vm6, $0xB6D, v1  }
0x244: {  	[tilespmem:$0x1DD70] =	vst v1;
	v1 =	vld [tilespmem:$0x1DA70];
	_ =	sdelay $0x4  }
0x245: {  	v1 =	vsel vm6, $0x175, v1  }
0x246: {  	[tilespmem:$0x1DD80] =	vst v1;
	v1 =	vld [tilespmem:$0x1DA80];
	_ =	sdelay $0x4  }
0x247: {  	v1 =	vsel vm6, $0x275, v1  }
0x248: {  	[tilespmem:$0x1DD90] =	vst v1;
	v1 =	vld [tilespmem:$0x1DA90];
	_ =	sdelay $0x4  }
0x249: {  	v1 =	vsel vm6, $0x375, v1  }
0x24a: {  	[tilespmem:$0x1DDA0] =	vst v1;
	v1 =	vld [tilespmem:$0x1DAA0];
	_ =	sdelay $0x4  }
0x24b: {  	v1 =	vsel vm6, $0x875, v1  }
0x24c: {  	[tilespmem:$0x1DDB0] =	vst v1;
	v1 =	vld [tilespmem:$0x1DAB0];
	_ =	sdelay $0x4  }
0x24d: {  	v1 =	vsel vm6, $0x975, v1  }
0x24e: {  	[tilespmem:$0x1DDC0] =	vst v1;
	v1 =	vld [tilespmem:$0x1DAC0];
	_ =	sdelay $0x4  }
0x24f: {  	v1 =	vsel vm6, $0xA75, v1  }
0x250: {  	[tilespmem:$0x1DDD0] =	vst v1;
	v1 =	vld [tilespmem:$0x1DAD0];
	_ =	sdelay $0x2  }
0x251: {  	v0 =	vld [tilespmem:$0x1D200];
	_ =	sdelay $0x1  }
0x252: {  	v1 =	vsel vm6, $0xB75, v1  }
0x253: {  	[tilespmem:$0x1DDE0] =	vst v1;
	v1 =	vld [tilespmem:$0x1DAE0];
	_ =	sdelay $0x1  }
0x254: {  	v0 =	vsel vm15, $0xA7A, v0  }
0x255: {  	v0 =	vsel vm4, $0xA7B, v0  }
0x256: {  	v0 =	vsel vm5, $0xA7C, v0  }
0x257: {  	[tilespmem:$0x1DB30] =	vst v0;
	v1 =	vsel vm6, $0x17D, v1  }
0x258: {  	v0 =	vld [tilespmem:$0x1D820];
	[tilespmem:$0x1DDF0] =	vst v1  }
0x259: {  	v1 =	vld [tilespmem:$0x1DAF0];
	_ =	sdelay $0x4  }
0x25a: {  	v1 =	vsel vm6, $0x27D, v1  }
0x25b: {  	[tilespmem:$0x1DE00] =	vst v1;
	v1 =	vld [tilespmem:$0x1DB00];
	_ =	sdelay $0x4  }
0x25c: {  	v1 =	vsel vm6, $0x37D, v1  }
0x25d: {  	[tilespmem:$0x1DE10] =	vst v1;
	v1 =	vld [tilespmem:$0x1DB10];
	_ =	sdelay $0x4  }
0x25e: {  	v1 =	vsel vm6, $0x87D, v1  }
0x25f: {  	[tilespmem:$0x1DE20] =	vst v1;
	v1 =	vld [tilespmem:$0x1DB20];
	_ =	sdelay $0x4  }
0x260: {  	v1 =	vsel vm6, $0x97D, v1  }
0x261: {  	[tilespmem:$0x1DE30] =	vst v1;
	v1 =	vld [tilespmem:$0x1DB30];
	_ =	sdelay $0x2  }
0x262: {  	v0 =	vsel vm5, $0xB7C, v0  }
0x263: {  	v0 =	vsel vm6, $0xB7D, v0  }
0x264: {  	[tilespmem:$0x1DE50] =	vst v0;
	v0 =	vld [tilespmem:$0x1DB40];
	v1 =	vsel vm6, $0xA7D, v1  }
0x265: {  	[tilespmem:$0x1DE40] =	vst v1;
	v1 =	vld [tilespmem:$0x1DE50];
	_ =	sdelay $0x2  }
0x266: {  	vm7 =	vcmask $0x1B18  }
0x267: {  	v0 =	vsel vm7, $0xB46, v0  }
0x268: {  	[tilespmem:$0x1DE60] =	vst v0;
	v0 =	vld [tilespmem:$0x1DB50];
	v1 =	vsel vm7, $0xB7E, v1  }
0x269: {  	[tilespmem:$0x1E160] =	vst v1;
	v1 =	vld [tilespmem:$0x1DE60];
	_ =	sdelay $0x3  }
0x26a: {  	vm8 =	vcmask $0x1F1C;
	v0 =	vsel vm7, $0x14E, v0  }
0x26b: {  	[tilespmem:$0x1DE70] =	vst v0;
	v0 =	vld [tilespmem:$0x1DB60];
	v1 =	vsel vm8, $0xB47, v1  }
0x26c: {  	[tilespmem:$0x1E170] =	vst v1;
	v1 =	vld [tilespmem:$0x1DE70];
	_ =	sdelay $0x3  }
0x26d: {  	v0 =	vsel vm7, $0x24E, v0  }
0x26e: {  	[tilespmem:$0x1DE80] =	vst v0;
	v0 =	vld [tilespmem:$0x1DB70];
	v1 =	vsel vm8, $0x14F, v1  }
0x26f: {  	[tilespmem:$0x1E180] =	vst v1;
	v1 =	vld [tilespmem:$0x1DE80];
	_ =	sdelay $0x3  }
0x270: {  	v0 =	vsel vm7, $0x34E, v0  }
0x271: {  	[tilespmem:$0x1DE90] =	vst v0;
	v0 =	vld [tilespmem:$0x1DB80];
	v1 =	vsel vm8, $0x24F, v1  }
0x272: {  	[tilespmem:$0x1E190] =	vst v1;
	v1 =	vld [tilespmem:$0x1DE90];
	_ =	sdelay $0x3  }
0x273: {  	v0 =	vsel vm7, $0x84E, v0  }
0x274: {  	[tilespmem:$0x1DEA0] =	vst v0;
	v0 =	vld [tilespmem:$0x1DB90];
	v1 =	vsel vm8, $0x34F, v1  }
0x275: {  	[tilespmem:$0x1E1A0] =	vst v1;
	v1 =	vld [tilespmem:$0x1DEA0];
	_ =	sdelay $0x3  }
0x276: {  	v0 =	vsel vm7, $0x94E, v0  }
0x277: {  	[tilespmem:$0x1DEB0] =	vst v0;
	v0 =	vld [tilespmem:$0x1DBA0];
	v1 =	vsel vm8, $0x84F, v1  }
0x278: {  	[tilespmem:$0x1E1B0] =	vst v1;
	v1 =	vld [tilespmem:$0x1DEB0];
	_ =	sdelay $0x3  }
0x279: {  	v0 =	vsel vm7, $0xA4E, v0  }
0x27a: {  	[tilespmem:$0x1DEC0] =	vst v0;
	v0 =	vld [tilespmem:$0x1DBB0];
	v1 =	vsel vm8, $0x94F, v1  }
0x27b: {  	[tilespmem:$0x1E1C0] =	vst v1;
	v1 =	vld [tilespmem:$0x1DEC0];
	_ =	sdelay $0x3  }
0x27c: {  	v0 =	vsel vm7, $0xB4E, v0  }
0x27d: {  	[tilespmem:$0x1DED0] =	vst v0;
	v0 =	vld [tilespmem:$0x1DBC0];
	v1 =	vsel vm8, $0xA4F, v1  }
0x27e: {  	[tilespmem:$0x1E1D0] =	vst v1;
	v1 =	vld [tilespmem:$0x1DED0];
	_ =	sdelay $0x3  }
0x27f: {  	v0 =	vsel vm7, $0x156, v0  }
0x280: {  	[tilespmem:$0x1DEE0] =	vst v0;
	v0 =	vld [tilespmem:$0x1DBD0];
	v1 =	vsel vm8, $0xB4F, v1  }
0x281: {  	[tilespmem:$0x1E1E0] =	vst v1;
	v1 =	vld [tilespmem:$0x1DEE0];
	_ =	sdelay $0x3  }
0x282: {  	v0 =	vsel vm7, $0x256, v0  }
0x283: {  	[tilespmem:$0x1DEF0] =	vst v0;
	v0 =	vld [tilespmem:$0x1DBE0];
	v1 =	vsel vm8, $0x157, v1  }
0x284: {  	[tilespmem:$0x1E1F0] =	vst v1;
	v1 =	vld [tilespmem:$0x1DEF0];
	_ =	sdelay $0x3  }
0x285: {  	v0 =	vsel vm7, $0x356, v0  }
0x286: {  	[tilespmem:$0x1DF00] =	vst v0;
	v0 =	vld [tilespmem:$0x1DBF0];
	v1 =	vsel vm8, $0x257, v1  }
0x287: {  	[tilespmem:$0x1E200] =	vst v1;
	v1 =	vld [tilespmem:$0x1DF00];
	_ =	sdelay $0x3  }
0x288: {  	v0 =	vsel vm7, $0x856, v0  }
0x289: {  	[tilespmem:$0x1DF10] =	vst v0;
	v0 =	vld [tilespmem:$0x1DC00];
	v1 =	vsel vm8, $0x357, v1  }
0x28a: {  	[tilespmem:$0x1E210] =	vst v1;
	v1 =	vld [tilespmem:$0x1DF10];
	_ =	sdelay $0x3  }
0x28b: {  	v0 =	vsel vm7, $0x956, v0  }
0x28c: {  	[tilespmem:$0x1DF20] =	vst v0;
	v0 =	vld [tilespmem:$0x1DC10];
	v1 =	vsel vm8, $0x857, v1  }
0x28d: {  	[tilespmem:$0x1E220] =	vst v1;
	v1 =	vld [tilespmem:$0x1DF20];
	_ =	sdelay $0x3  }
0x28e: {  	v0 =	vsel vm7, $0xA56, v0  }
0x28f: {  	[tilespmem:$0x1DF30] =	vst v0;
	v0 =	vld [tilespmem:$0x1DC20];
	v1 =	vsel vm8, $0x957, v1  }
0x290: {  	[tilespmem:$0x1E230] =	vst v1;
	v1 =	vld [tilespmem:$0x1DF30];
	_ =	sdelay $0x3  }
0x291: {  	v0 =	vsel vm7, $0xB56, v0  }
0x292: {  	[tilespmem:$0x1DF40] =	vst v0;
	v0 =	vld [tilespmem:$0x1DC30];
	v1 =	vsel vm8, $0xA57, v1  }
0x293: {  	[tilespmem:$0x1E240] =	vst v1;
	v1 =	vld [tilespmem:$0x1DF40];
	_ =	sdelay $0x3  }
0x294: {  	v0 =	vsel vm7, $0x15E, v0  }
0x295: {  	[tilespmem:$0x1DF50] =	vst v0;
	v0 =	vld [tilespmem:$0x1DC40];
	v1 =	vsel vm8, $0xB57, v1  }
0x296: {  	[tilespmem:$0x1E250] =	vst v1;
	v1 =	vld [tilespmem:$0x1DF50];
	_ =	sdelay $0x3  }
0x297: {  	v0 =	vsel vm7, $0x25E, v0  }
0x298: {  	[tilespmem:$0x1DF60] =	vst v0;
	v0 =	vld [tilespmem:$0x1DC50];
	v1 =	vsel vm8, $0x15F, v1  }
0x299: {  	[tilespmem:$0x1E260] =	vst v1;
	v1 =	vld [tilespmem:$0x1DF60];
	_ =	sdelay $0x3  }
0x29a: {  	v0 =	vsel vm7, $0x35E, v0  }
0x29b: {  	[tilespmem:$0x1DF70] =	vst v0;
	v0 =	vld [tilespmem:$0x1DC60];
	v1 =	vsel vm8, $0x25F, v1  }
0x29c: {  	[tilespmem:$0x1E270] =	vst v1;
	v1 =	vld [tilespmem:$0x1DF70];
	_ =	sdelay $0x3  }
0x29d: {  	v0 =	vsel vm7, $0x85E, v0  }
0x29e: {  	[tilespmem:$0x1DF80] =	vst v0;
	v0 =	vld [tilespmem:$0x1DC70];
	v1 =	vsel vm8, $0x35F, v1  }
0x29f: {  	[tilespmem:$0x1E280] =	vst v1;
	v1 =	vld [tilespmem:$0x1DF80];
	_ =	sdelay $0x3  }
0x2a0: {  	v0 =	vsel vm7, $0x95E, v0  }
0x2a1: {  	[tilespmem:$0x1DF90] =	vst v0;
	v0 =	vld [tilespmem:$0x1DC80];
	v1 =	vsel vm8, $0x85F, v1  }
0x2a2: {  	[tilespmem:$0x1E290] =	vst v1;
	v1 =	vld [tilespmem:$0x1DF90];
	_ =	sdelay $0x3  }
0x2a3: {  	v0 =	vsel vm7, $0xA5E, v0  }
0x2a4: {  	[tilespmem:$0x1DFA0] =	vst v0;
	v0 =	vld [tilespmem:$0x1DC90];
	v1 =	vsel vm8, $0x95F, v1  }
0x2a5: {  	[tilespmem:$0x1E2A0] =	vst v1;
	v1 =	vld [tilespmem:$0x1DFA0];
	_ =	sdelay $0x3  }
0x2a6: {  	v0 =	vsel vm7, $0xB5E, v0  }
0x2a7: {  	[tilespmem:$0x1DFB0] =	vst v0;
	v0 =	vld [tilespmem:$0x1DCA0];
	v1 =	vsel vm8, $0xA5F, v1  }
0x2a8: {  	[tilespmem:$0x1E2B0] =	vst v1;
	v1 =	vld [tilespmem:$0x1DFB0];
	_ =	sdelay $0x3  }
0x2a9: {  	v0 =	vsel vm7, $0x166, v0  }
0x2aa: {  	[tilespmem:$0x1DFC0] =	vst v0;
	v0 =	vld [tilespmem:$0x1DCB0];
	v1 =	vsel vm8, $0xB5F, v1  }
0x2ab: {  	[tilespmem:$0x1E2C0] =	vst v1;
	v1 =	vld [tilespmem:$0x1DFC0];
	_ =	sdelay $0x3  }
0x2ac: {  	v0 =	vsel vm7, $0x266, v0  }
0x2ad: {  	[tilespmem:$0x1DFD0] =	vst v0;
	v0 =	vld [tilespmem:$0x1DCC0];
	v1 =	vsel vm8, $0x167, v1  }
0x2ae: {  	[tilespmem:$0x1E2D0] =	vst v1;
	v1 =	vld [tilespmem:$0x1DFD0];
	_ =	sdelay $0x3  }
0x2af: {  	v0 =	vsel vm7, $0x366, v0  }
0x2b0: {  	[tilespmem:$0x1DFE0] =	vst v0;
	v0 =	vld [tilespmem:$0x1DCD0];
	v1 =	vsel vm8, $0x267, v1  }
0x2b1: {  	[tilespmem:$0x1E2E0] =	vst v1;
	v1 =	vld [tilespmem:$0x1DFE0];
	_ =	sdelay $0x3  }
0x2b2: {  	v0 =	vsel vm7, $0x866, v0  }
0x2b3: {  	[tilespmem:$0x1DFF0] =	vst v0;
	v0 =	vld [tilespmem:$0x1DCE0];
	v1 =	vsel vm8, $0x367, v1  }
0x2b4: {  	[tilespmem:$0x1E2F0] =	vst v1;
	v1 =	vld [tilespmem:$0x1DFF0];
	_ =	sdelay $0x3  }
0x2b5: {  	v0 =	vsel vm7, $0x966, v0  }
0x2b6: {  	[tilespmem:$0x1E000] =	vst v0;
	v0 =	vld [tilespmem:$0x1DCF0];
	v1 =	vsel vm8, $0x867, v1  }
0x2b7: {  	[tilespmem:$0x1E300] =	vst v1;
	v1 =	vld [tilespmem:$0x1E000];
	_ =	sdelay $0x3  }
0x2b8: {  	v0 =	vsel vm7, $0xA66, v0  }
0x2b9: {  	[tilespmem:$0x1E010] =	vst v0;
	v0 =	vld [tilespmem:$0x1DD00];
	v1 =	vsel vm8, $0x967, v1  }
0x2ba: {  	[tilespmem:$0x1E310] =	vst v1;
	v1 =	vld [tilespmem:$0x1E010];
	_ =	sdelay $0x3  }
0x2bb: {  	v0 =	vsel vm7, $0xB66, v0  }
0x2bc: {  	[tilespmem:$0x1E020] =	vst v0;
	v0 =	vld [tilespmem:$0x1DD10];
	v1 =	vsel vm8, $0xA67, v1  }
0x2bd: {  	[tilespmem:$0x1E320] =	vst v1;
	v1 =	vld [tilespmem:$0x1E020];
	_ =	sdelay $0x3  }
0x2be: {  	v0 =	vsel vm7, $0x16E, v0  }
0x2bf: {  	[tilespmem:$0x1E030] =	vst v0;
	v0 =	vld [tilespmem:$0x1DD20];
	v1 =	vsel vm8, $0xB67, v1  }
0x2c0: {  	[tilespmem:$0x1E330] =	vst v1;
	v1 =	vld [tilespmem:$0x1E030];
	_ =	sdelay $0x3  }
0x2c1: {  	v0 =	vsel vm7, $0x26E, v0  }
0x2c2: {  	[tilespmem:$0x1E040] =	vst v0;
	v0 =	vld [tilespmem:$0x1DD30];
	v1 =	vsel vm8, $0x16F, v1  }
0x2c3: {  	[tilespmem:$0x1E340] =	vst v1;
	v1 =	vld [tilespmem:$0x1E040];
	_ =	sdelay $0x3  }
0x2c4: {  	v0 =	vsel vm7, $0x36E, v0  }
0x2c5: {  	[tilespmem:$0x1E050] =	vst v0;
	v0 =	vld [tilespmem:$0x1DD40];
	v1 =	vsel vm8, $0x26F, v1  }
0x2c6: {  	[tilespmem:$0x1E350] =	vst v1;
	v1 =	vld [tilespmem:$0x1E050];
	_ =	sdelay $0x3  }
0x2c7: {  	v0 =	vsel vm7, $0x86E, v0  }
0x2c8: {  	[tilespmem:$0x1E060] =	vst v0;
	v0 =	vld [tilespmem:$0x1DD50];
	v1 =	vsel vm8, $0x36F, v1  }
0x2c9: {  	[tilespmem:$0x1E360] =	vst v1;
	v1 =	vld [tilespmem:$0x1E060];
	_ =	sdelay $0x3  }
0x2ca: {  	v0 =	vsel vm7, $0x96E, v0  }
0x2cb: {  	[tilespmem:$0x1E070] =	vst v0;
	v0 =	vld [tilespmem:$0x1DD60];
	v1 =	vsel vm8, $0x86F, v1  }
0x2cc: {  	[tilespmem:$0x1E370] =	vst v1;
	v1 =	vld [tilespmem:$0x1E070];
	_ =	sdelay $0x3  }
0x2cd: {  	v0 =	vsel vm7, $0xA6E, v0  }
0x2ce: {  	[tilespmem:$0x1E080] =	vst v0;
	v0 =	vld [tilespmem:$0x1DD70];
	v1 =	vsel vm8, $0x96F, v1  }
0x2cf: {  	[tilespmem:$0x1E380] =	vst v1;
	v1 =	vld [tilespmem:$0x1E080];
	_ =	sdelay $0x3  }
0x2d0: {  	v0 =	vsel vm7, $0xB6E, v0  }
0x2d1: {  	[tilespmem:$0x1E090] =	vst v0;
	v0 =	vld [tilespmem:$0x1DD80];
	v1 =	vsel vm8, $0xA6F, v1  }
0x2d2: {  	[tilespmem:$0x1E390] =	vst v1;
	v1 =	vld [tilespmem:$0x1E090];
	_ =	sdelay $0x3  }
0x2d3: {  	v0 =	vsel vm7, $0x176, v0  }
0x2d4: {  	[tilespmem:$0x1E0A0] =	vst v0;
	v0 =	vld [tilespmem:$0x1DD90];
	v1 =	vsel vm8, $0xB6F, v1  }
0x2d5: {  	[tilespmem:$0x1E3A0] =	vst v1;
	v1 =	vld [tilespmem:$0x1E0A0];
	_ =	sdelay $0x3  }
0x2d6: {  	v0 =	vsel vm7, $0x276, v0  }
0x2d7: {  	[tilespmem:$0x1E0B0] =	vst v0;
	v0 =	vld [tilespmem:$0x1DDA0];
	v1 =	vsel vm8, $0x177, v1  }
0x2d8: {  	[tilespmem:$0x1E3B0] =	vst v1;
	v1 =	vld [tilespmem:$0x1E0B0];
	_ =	sdelay $0x3  }
0x2d9: {  	v0 =	vsel vm7, $0x376, v0  }
0x2da: {  	[tilespmem:$0x1E0C0] =	vst v0;
	v0 =	vld [tilespmem:$0x1DDB0];
	v1 =	vsel vm8, $0x277, v1  }
0x2db: {  	[tilespmem:$0x1E3C0] =	vst v1;
	v1 =	vld [tilespmem:$0x1E0C0];
	_ =	sdelay $0x3  }
0x2dc: {  	v0 =	vsel vm7, $0x876, v0  }
0x2dd: {  	[tilespmem:$0x1E0D0] =	vst v0;
	v0 =	vld [tilespmem:$0x1DDC0];
	v1 =	vsel vm8, $0x377, v1  }
0x2de: {  	[tilespmem:$0x1E3D0] =	vst v1;
	v1 =	vld [tilespmem:$0x1E0D0];
	_ =	sdelay $0x3  }
0x2df: {  	v0 =	vsel vm7, $0x976, v0  }
0x2e0: {  	[tilespmem:$0x1E0E0] =	vst v0;
	v0 =	vld [tilespmem:$0x1DDD0];
	v1 =	vsel vm8, $0x877, v1  }
0x2e1: {  	[tilespmem:$0x1E3E0] =	vst v1;
	v1 =	vld [tilespmem:$0x1E0E0];
	_ =	sdelay $0x3  }
0x2e2: {  	v0 =	vsel vm7, $0xA76, v0  }
0x2e3: {  	[tilespmem:$0x1E0F0] =	vst v0;
	v0 =	vld [tilespmem:$0x1DDE0];
	v1 =	vsel vm8, $0x977, v1  }
0x2e4: {  	[tilespmem:$0x1E3F0] =	vst v1;
	v1 =	vld [tilespmem:$0x1E0F0];
	_ =	sdelay $0x3  }
0x2e5: {  	v0 =	vsel vm7, $0xB76, v0  }
0x2e6: {  	[tilespmem:$0x1E100] =	vst v0;
	v0 =	vld [tilespmem:$0x1DDF0];
	v1 =	vsel vm8, $0xA77, v1  }
0x2e7: {  	[tilespmem:$0x1E400] =	vst v1;
	v1 =	vld [tilespmem:$0x1E100];
	_ =	sdelay $0x3  }
0x2e8: {  	v0 =	vsel vm7, $0x17E, v0  }
0x2e9: {  	[tilespmem:$0x1E110] =	vst v0;
	v0 =	vld [tilespmem:$0x1DE00];
	v1 =	vsel vm8, $0xB77, v1  }
0x2ea: {  	[tilespmem:$0x1E410] =	vst v1;
	v1 =	vld [tilespmem:$0x1E110];
	_ =	sdelay $0x3  }
0x2eb: {  	v0 =	vsel vm7, $0x27E, v0  }
0x2ec: {  	[tilespmem:$0x1E120] =	vst v0;
	v0 =	vld [tilespmem:$0x1DE10];
	v1 =	vsel vm8, $0x17F, v1  }
0x2ed: {  	[tilespmem:$0x1E420] =	vst v1;
	v1 =	vld [tilespmem:$0x1E120];
	_ =	sdelay $0x3  }
0x2ee: {  	v0 =	vsel vm7, $0x37E, v0  }
0x2ef: {  	[tilespmem:$0x1E130] =	vst v0;
	v0 =	vld [tilespmem:$0x1DE20];
	v1 =	vsel vm8, $0x27F, v1  }
0x2f0: {  	[tilespmem:$0x1E430] =	vst v1;
	v1 =	vld [tilespmem:$0x1E130];
	_ =	sdelay $0x3  }
0x2f1: {  	v0 =	vsel vm7, $0x87E, v0  }
0x2f2: {  	[tilespmem:$0x1E140] =	vst v0;
	v0 =	vld [tilespmem:$0x1DE30];
	v1 =	vsel vm8, $0x37F, v1  }
0x2f3: {  	[tilespmem:$0x1E440] =	vst v1;
	v1 =	vld [tilespmem:$0x1E140];
	_ =	sdelay $0x3  }
0x2f4: {  	v0 =	vsel vm7, $0x97E, v0  }
0x2f5: {  	[tilespmem:$0x1E150] =	vst v0;
	v1 =	vsel vm8, $0x87F, v1  }
0x2f6: {  	[tilespmem:$0x1E450] =	vst v1;
	v1 =	vld [tilespmem:$0x1E150];
	_ =	sdelay $0x4  }
0x2f7: {  	v1 =	vsel vm8, $0x97F, v1  }
0x2f8: {  	[tilespmem:$0x1E460] =	vst v1;
	v1 =	vld [tilespmem:$0x1E170];
	_ =	sdelay $0x3  }
0x2f9: {  	vm9 =	vcmask $0x2320  }
0x2fa: {  	v1 =	vsel vm9, $0xBC0, v1  }
0x2fb: {  	[tilespmem:$0x1E480] =	vst v1;
	v1 =	vld [tilespmem:$0x1E180];
	_ =	sdelay $0x4  }
0x2fc: {  	v1 =	vsel vm9, $0x1C8, v1  }
0x2fd: {  	[tilespmem:$0x1E490] =	vst v1;
	v1 =	vld [tilespmem:$0x1E190];
	_ =	sdelay $0x4  }
0x2fe: {  	v1 =	vsel vm9, $0x2C8, v1  }
0x2ff: {  	[tilespmem:$0x1E4A0] =	vst v1;
	v1 =	vld [tilespmem:$0x1E1A0];
	_ =	sdelay $0x4  }
0x300: {  	v1 =	vsel vm9, $0x3C8, v1  }
0x301: {  	[tilespmem:$0x1E4B0] =	vst v1;
	v1 =	vld [tilespmem:$0x1E1B0];
	_ =	sdelay $0x4  }
0x302: {  	v1 =	vsel vm9, $0x8C8, v1  }
0x303: {  	[tilespmem:$0x1E4C0] =	vst v1;
	v1 =	vld [tilespmem:$0x1E1C0];
	_ =	sdelay $0x4  }
0x304: {  	v1 =	vsel vm9, $0x9C8, v1  }
0x305: {  	[tilespmem:$0x1E4D0] =	vst v1;
	v1 =	vld [tilespmem:$0x1E1D0];
	_ =	sdelay $0x4  }
0x306: {  	v1 =	vsel vm9, $0xAC8, v1  }
0x307: {  	[tilespmem:$0x1E4E0] =	vst v1;
	v1 =	vld [tilespmem:$0x1E1E0];
	_ =	sdelay $0x4  }
0x308: {  	v1 =	vsel vm9, $0xBC8, v1  }
0x309: {  	[tilespmem:$0x1E4F0] =	vst v1;
	v1 =	vld [tilespmem:$0x1E1F0];
	_ =	sdelay $0x4  }
0x30a: {  	v1 =	vsel vm9, $0x1D0, v1  }
0x30b: {  	[tilespmem:$0x1E500] =	vst v1;
	v1 =	vld [tilespmem:$0x1E200];
	_ =	sdelay $0x4  }
0x30c: {  	v1 =	vsel vm9, $0x2D0, v1  }
0x30d: {  	[tilespmem:$0x1E510] =	vst v1;
	v1 =	vld [tilespmem:$0x1E210];
	_ =	sdelay $0x4  }
0x30e: {  	v1 =	vsel vm9, $0x3D0, v1  }
0x30f: {  	[tilespmem:$0x1E520] =	vst v1;
	v1 =	vld [tilespmem:$0x1E220];
	_ =	sdelay $0x4  }
0x310: {  	v1 =	vsel vm9, $0x8D0, v1  }
0x311: {  	[tilespmem:$0x1E530] =	vst v1;
	v1 =	vld [tilespmem:$0x1E230];
	_ =	sdelay $0x4  }
0x312: {  	v1 =	vsel vm9, $0x9D0, v1  }
0x313: {  	[tilespmem:$0x1E540] =	vst v1;
	v1 =	vld [tilespmem:$0x1E240];
	_ =	sdelay $0x4  }
0x314: {  	v1 =	vsel vm9, $0xAD0, v1  }
0x315: {  	[tilespmem:$0x1E550] =	vst v1;
	v1 =	vld [tilespmem:$0x1E250];
	_ =	sdelay $0x4  }
0x316: {  	v1 =	vsel vm9, $0xBD0, v1  }
0x317: {  	[tilespmem:$0x1E560] =	vst v1;
	v1 =	vld [tilespmem:$0x1E260];
	_ =	sdelay $0x4  }
0x318: {  	v1 =	vsel vm9, $0x1D8, v1  }
0x319: {  	[tilespmem:$0x1E570] =	vst v1;
	v1 =	vld [tilespmem:$0x1E270];
	_ =	sdelay $0x4  }
0x31a: {  	v1 =	vsel vm9, $0x2D8, v1  }
0x31b: {  	[tilespmem:$0x1E580] =	vst v1;
	v1 =	vld [tilespmem:$0x1E280];
	_ =	sdelay $0x4  }
0x31c: {  	v1 =	vsel vm9, $0x3D8, v1  }
0x31d: {  	[tilespmem:$0x1E590] =	vst v1;
	v1 =	vld [tilespmem:$0x1E290];
	_ =	sdelay $0x4  }
0x31e: {  	v1 =	vsel vm9, $0x8D8, v1  }
0x31f: {  	[tilespmem:$0x1E5A0] =	vst v1;
	v1 =	vld [tilespmem:$0x1E2A0];
	_ =	sdelay $0x4  }
0x320: {  	v1 =	vsel vm9, $0x9D8, v1  }
0x321: {  	[tilespmem:$0x1E5B0] =	vst v1;
	v1 =	vld [tilespmem:$0x1E2B0];
	_ =	sdelay $0x4  }
0x322: {  	v1 =	vsel vm9, $0xAD8, v1  }
0x323: {  	[tilespmem:$0x1E5C0] =	vst v1;
	v1 =	vld [tilespmem:$0x1E2C0];
	_ =	sdelay $0x4  }
0x324: {  	v1 =	vsel vm9, $0xBD8, v1  }
0x325: {  	[tilespmem:$0x1E5D0] =	vst v1;
	v1 =	vld [tilespmem:$0x1E2D0];
	_ =	sdelay $0x4  }
0x326: {  	v1 =	vsel vm9, $0x1E0, v1  }
0x327: {  	[tilespmem:$0x1E5E0] =	vst v1;
	v1 =	vld [tilespmem:$0x1E2E0];
	_ =	sdelay $0x4  }
0x328: {  	v1 =	vsel vm9, $0x2E0, v1  }
0x329: {  	[tilespmem:$0x1E5F0] =	vst v1;
	v1 =	vld [tilespmem:$0x1E2F0];
	_ =	sdelay $0x4  }
0x32a: {  	v1 =	vsel vm9, $0x3E0, v1  }
0x32b: {  	[tilespmem:$0x1E600] =	vst v1;
	v1 =	vld [tilespmem:$0x1E300];
	_ =	sdelay $0x4  }
0x32c: {  	v1 =	vsel vm9, $0x8E0, v1  }
0x32d: {  	[tilespmem:$0x1E610] =	vst v1;
	v1 =	vld [tilespmem:$0x1E310];
	_ =	sdelay $0x4  }
0x32e: {  	v1 =	vsel vm9, $0x9E0, v1  }
0x32f: {  	[tilespmem:$0x1E620] =	vst v1;
	v1 =	vld [tilespmem:$0x1E320];
	_ =	sdelay $0x4  }
0x330: {  	v1 =	vsel vm9, $0xAE0, v1  }
0x331: {  	[tilespmem:$0x1E630] =	vst v1;
	v1 =	vld [tilespmem:$0x1E330];
	_ =	sdelay $0x4  }
0x332: {  	v1 =	vsel vm9, $0xBE0, v1  }
0x333: {  	[tilespmem:$0x1E640] =	vst v1;
	v1 =	vld [tilespmem:$0x1E340];
	_ =	sdelay $0x4  }
0x334: {  	v1 =	vsel vm9, $0x1E8, v1  }
0x335: {  	[tilespmem:$0x1E650] =	vst v1;
	v1 =	vld [tilespmem:$0x1E350];
	_ =	sdelay $0x4  }
0x336: {  	v1 =	vsel vm9, $0x2E8, v1  }
0x337: {  	[tilespmem:$0x1E660] =	vst v1;
	v1 =	vld [tilespmem:$0x1E360];
	_ =	sdelay $0x4  }
0x338: {  	v1 =	vsel vm9, $0x3E8, v1  }
0x339: {  	[tilespmem:$0x1E670] =	vst v1;
	v1 =	vld [tilespmem:$0x1E370];
	_ =	sdelay $0x4  }
0x33a: {  	v1 =	vsel vm9, $0x8E8, v1  }
0x33b: {  	[tilespmem:$0x1E680] =	vst v1;
	v1 =	vld [tilespmem:$0x1E380];
	_ =	sdelay $0x4  }
0x33c: {  	v1 =	vsel vm9, $0x9E8, v1  }
0x33d: {  	[tilespmem:$0x1E690] =	vst v1;
	v1 =	vld [tilespmem:$0x1E390];
	_ =	sdelay $0x4  }
0x33e: {  	v1 =	vsel vm9, $0xAE8, v1  }
0x33f: {  	[tilespmem:$0x1E6A0] =	vst v1;
	v1 =	vld [tilespmem:$0x1E3A0];
	_ =	sdelay $0x4  }
0x340: {  	v1 =	vsel vm9, $0xBE8, v1  }
0x341: {  	[tilespmem:$0x1E6B0] =	vst v1;
	v1 =	vld [tilespmem:$0x1E3B0];
	_ =	sdelay $0x4  }
0x342: {  	v1 =	vsel vm9, $0x1F0, v1  }
0x343: {  	[tilespmem:$0x1E6C0] =	vst v1;
	v1 =	vld [tilespmem:$0x1E3C0];
	_ =	sdelay $0x4  }
0x344: {  	v1 =	vsel vm9, $0x2F0, v1  }
0x345: {  	[tilespmem:$0x1E6D0] =	vst v1;
	v1 =	vld [tilespmem:$0x1E3D0];
	_ =	sdelay $0x4  }
0x346: {  	v1 =	vsel vm9, $0x3F0, v1  }
0x347: {  	[tilespmem:$0x1E6E0] =	vst v1;
	v1 =	vld [tilespmem:$0x1E3E0];
	_ =	sdelay $0x4  }
0x348: {  	v1 =	vsel vm9, $0x8F0, v1  }
0x349: {  	[tilespmem:$0x1E6F0] =	vst v1;
	v1 =	vld [tilespmem:$0x1E3F0];
	_ =	sdelay $0x4  }
0x34a: {  	v1 =	vsel vm9, $0x9F0, v1  }
0x34b: {  	[tilespmem:$0x1E700] =	vst v1;
	v1 =	vld [tilespmem:$0x1E400];
	_ =	sdelay $0x4  }
0x34c: {  	v1 =	vsel vm9, $0xAF0, v1  }
0x34d: {  	[tilespmem:$0x1E710] =	vst v1;
	v1 =	vld [tilespmem:$0x1E410];
	_ =	sdelay $0x4  }
0x34e: {  	v1 =	vsel vm9, $0xBF0, v1  }
0x34f: {  	[tilespmem:$0x1E720] =	vst v1;
	v1 =	vld [tilespmem:$0x1E420];
	_ =	sdelay $0x4  }
0x350: {  	v1 =	vsel vm9, $0x1F8, v1  }
0x351: {  	[tilespmem:$0x1E730] =	vst v1;
	v1 =	vld [tilespmem:$0x1E430];
	_ =	sdelay $0x4  }
0x352: {  	v1 =	vsel vm9, $0x2F8, v1  }
0x353: {  	[tilespmem:$0x1E740] =	vst v1;
	v1 =	vld [tilespmem:$0x1E440];
	_ =	sdelay $0x4  }
0x354: {  	v1 =	vsel vm9, $0x3F8, v1  }
0x355: {  	[tilespmem:$0x1E750] =	vst v1;
	v1 =	vld [tilespmem:$0x1E450];
	_ =	sdelay $0x2  }
0x356: {  	v0 =	vld [tilespmem:$0x1DE40];
	_ =	sdelay $0x1  }
0x357: {  	v1 =	vsel vm9, $0x8F8, v1  }
0x358: {  	[tilespmem:$0x1E760] =	vst v1;
	v1 =	vld [tilespmem:$0x1E460];
	_ =	sdelay $0x1  }
0x359: {  	v0 =	vsel vm7, $0xA7E, v0  }
0x35a: {  	v0 =	vsel vm8, $0xA7F, v0  }
0x35b: {  	[tilespmem:$0x1E470] =	vst v0;
	v0 =	vld [tilespmem:$0x1E160]  }
0x35c: {  	v1 =	vsel vm9, $0x9F8, v1  }
0x35d: {  	[tilespmem:$0x1E770] =	vst v1;
	v1 =	vld [tilespmem:$0x1E470];
	_ =	sdelay $0x2  }
0x35e: {  	v0 =	vsel vm8, $0xB7F, v0  }
0x35f: {  	v0 =	vsel vm9, $0xBF8, v0  }
0x360: {  	[tilespmem:$0x1E790] =	vst v0;
	v0 =	vld [tilespmem:$0x1E480];
	v1 =	vsel vm9, $0xAF8, v1  }
0x361: {  	[tilespmem:$0x1E780] =	vst v1;
	v1 =	vld [tilespmem:$0x1E790];
	_ =	sdelay $0x2  }
0x362: {  	vm10 =	vcmask $0x2724  }
0x363: {  	v0 =	vsel vm10, $0xBC1, v0  }
0x364: {  	[tilespmem:$0x1E7A0] =	vst v0;
	v0 =	vld [tilespmem:$0x1E490];
	v1 =	vsel vm10, $0xBF9, v1  }
0x365: {  	[tilespmem:$0x1EAA0] =	vst v1;
	v1 =	vld [tilespmem:$0x1E7A0];
	_ =	sdelay $0x3  }
0x366: {  	vm11 =	vcmask $0x2B28;
	v0 =	vsel vm10, $0x1C9, v0  }
0x367: {  	[tilespmem:$0x1E7B0] =	vst v0;
	v0 =	vld [tilespmem:$0x1E4A0];
	v1 =	vsel vm11, $0xBC2, v1  }
0x368: {  	[tilespmem:$0x1EAB0] =	vst v1;
	v1 =	vld [tilespmem:$0x1E7B0];
	_ =	sdelay $0x3  }
0x369: {  	v0 =	vsel vm10, $0x2C9, v0  }
0x36a: {  	[tilespmem:$0x1E7C0] =	vst v0;
	v0 =	vld [tilespmem:$0x1E4B0];
	v1 =	vsel vm11, $0x1CA, v1  }
0x36b: {  	[tilespmem:$0x1EAC0] =	vst v1;
	v1 =	vld [tilespmem:$0x1E7C0];
	_ =	sdelay $0x3  }
0x36c: {  	v0 =	vsel vm10, $0x3C9, v0  }
0x36d: {  	[tilespmem:$0x1E7D0] =	vst v0;
	v0 =	vld [tilespmem:$0x1E4C0];
	v1 =	vsel vm11, $0x2CA, v1  }
0x36e: {  	[tilespmem:$0x1EAD0] =	vst v1;
	v1 =	vld [tilespmem:$0x1E7D0];
	_ =	sdelay $0x3  }
0x36f: {  	v0 =	vsel vm10, $0x8C9, v0  }
0x370: {  	[tilespmem:$0x1E7E0] =	vst v0;
	v0 =	vld [tilespmem:$0x1E4D0];
	v1 =	vsel vm11, $0x3CA, v1  }
0x371: {  	[tilespmem:$0x1EAE0] =	vst v1;
	v1 =	vld [tilespmem:$0x1E7E0];
	_ =	sdelay $0x3  }
0x372: {  	v0 =	vsel vm10, $0x9C9, v0  }
0x373: {  	[tilespmem:$0x1E7F0] =	vst v0;
	v0 =	vld [tilespmem:$0x1E4E0];
	v1 =	vsel vm11, $0x8CA, v1  }
0x374: {  	[tilespmem:$0x1EAF0] =	vst v1;
	v1 =	vld [tilespmem:$0x1E7F0];
	_ =	sdelay $0x3  }
0x375: {  	v0 =	vsel vm10, $0xAC9, v0  }
0x376: {  	[tilespmem:$0x1E800] =	vst v0;
	v0 =	vld [tilespmem:$0x1E4F0];
	v1 =	vsel vm11, $0x9CA, v1  }
0x377: {  	[tilespmem:$0x1EB00] =	vst v1;
	v1 =	vld [tilespmem:$0x1E800];
	_ =	sdelay $0x3  }
0x378: {  	v0 =	vsel vm10, $0xBC9, v0  }
0x379: {  	[tilespmem:$0x1E810] =	vst v0;
	v0 =	vld [tilespmem:$0x1E500];
	v1 =	vsel vm11, $0xACA, v1  }
0x37a: {  	[tilespmem:$0x1EB10] =	vst v1;
	v1 =	vld [tilespmem:$0x1E810];
	_ =	sdelay $0x3  }
0x37b: {  	v0 =	vsel vm10, $0x1D1, v0  }
0x37c: {  	[tilespmem:$0x1E820] =	vst v0;
	v0 =	vld [tilespmem:$0x1E510];
	v1 =	vsel vm11, $0xBCA, v1  }
0x37d: {  	[tilespmem:$0x1EB20] =	vst v1;
	v1 =	vld [tilespmem:$0x1E820];
	_ =	sdelay $0x3  }
0x37e: {  	v0 =	vsel vm10, $0x2D1, v0  }
0x37f: {  	[tilespmem:$0x1E830] =	vst v0;
	v0 =	vld [tilespmem:$0x1E520];
	v1 =	vsel vm11, $0x1D2, v1  }
0x380: {  	[tilespmem:$0x1EB30] =	vst v1;
	v1 =	vld [tilespmem:$0x1E830];
	_ =	sdelay $0x3  }
0x381: {  	v0 =	vsel vm10, $0x3D1, v0  }
0x382: {  	[tilespmem:$0x1E840] =	vst v0;
	v0 =	vld [tilespmem:$0x1E530];
	v1 =	vsel vm11, $0x2D2, v1  }
0x383: {  	[tilespmem:$0x1EB40] =	vst v1;
	v1 =	vld [tilespmem:$0x1E840];
	_ =	sdelay $0x3  }
0x384: {  	v0 =	vsel vm10, $0x8D1, v0  }
0x385: {  	[tilespmem:$0x1E850] =	vst v0;
	v0 =	vld [tilespmem:$0x1E540];
	v1 =	vsel vm11, $0x3D2, v1  }
0x386: {  	[tilespmem:$0x1EB50] =	vst v1;
	v1 =	vld [tilespmem:$0x1E850];
	_ =	sdelay $0x3  }
0x387: {  	v0 =	vsel vm10, $0x9D1, v0  }
0x388: {  	[tilespmem:$0x1E860] =	vst v0;
	v0 =	vld [tilespmem:$0x1E550];
	v1 =	vsel vm11, $0x8D2, v1  }
0x389: {  	[tilespmem:$0x1EB60] =	vst v1;
	v1 =	vld [tilespmem:$0x1E860];
	_ =	sdelay $0x3  }
0x38a: {  	v0 =	vsel vm10, $0xAD1, v0  }
0x38b: {  	[tilespmem:$0x1E870] =	vst v0;
	v0 =	vld [tilespmem:$0x1E560];
	v1 =	vsel vm11, $0x9D2, v1  }
0x38c: {  	[tilespmem:$0x1EB70] =	vst v1;
	v1 =	vld [tilespmem:$0x1E870];
	_ =	sdelay $0x3  }
0x38d: {  	v0 =	vsel vm10, $0xBD1, v0  }
0x38e: {  	[tilespmem:$0x1E880] =	vst v0;
	v0 =	vld [tilespmem:$0x1E570];
	v1 =	vsel vm11, $0xAD2, v1  }
0x38f: {  	[tilespmem:$0x1EB80] =	vst v1;
	v1 =	vld [tilespmem:$0x1E880];
	_ =	sdelay $0x3  }
0x390: {  	v0 =	vsel vm10, $0x1D9, v0  }
0x391: {  	[tilespmem:$0x1E890] =	vst v0;
	v0 =	vld [tilespmem:$0x1E580];
	v1 =	vsel vm11, $0xBD2, v1  }
0x392: {  	[tilespmem:$0x1EB90] =	vst v1;
	v1 =	vld [tilespmem:$0x1E890];
	_ =	sdelay $0x3  }
0x393: {  	v0 =	vsel vm10, $0x2D9, v0  }
0x394: {  	[tilespmem:$0x1E8A0] =	vst v0;
	v0 =	vld [tilespmem:$0x1E590];
	v1 =	vsel vm11, $0x1DA, v1  }
0x395: {  	[tilespmem:$0x1EBA0] =	vst v1;
	v1 =	vld [tilespmem:$0x1E8A0];
	_ =	sdelay $0x3  }
0x396: {  	v0 =	vsel vm10, $0x3D9, v0  }
0x397: {  	[tilespmem:$0x1E8B0] =	vst v0;
	v0 =	vld [tilespmem:$0x1E5A0];
	v1 =	vsel vm11, $0x2DA, v1  }
0x398: {  	[tilespmem:$0x1EBB0] =	vst v1;
	v1 =	vld [tilespmem:$0x1E8B0];
	_ =	sdelay $0x3  }
0x399: {  	v0 =	vsel vm10, $0x8D9, v0  }
0x39a: {  	[tilespmem:$0x1E8C0] =	vst v0;
	v0 =	vld [tilespmem:$0x1E5B0];
	v1 =	vsel vm11, $0x3DA, v1  }
0x39b: {  	[tilespmem:$0x1EBC0] =	vst v1;
	v1 =	vld [tilespmem:$0x1E8C0];
	_ =	sdelay $0x3  }
0x39c: {  	v0 =	vsel vm10, $0x9D9, v0  }
0x39d: {  	[tilespmem:$0x1E8D0] =	vst v0;
	v0 =	vld [tilespmem:$0x1E5C0];
	v1 =	vsel vm11, $0x8DA, v1  }
0x39e: {  	[tilespmem:$0x1EBD0] =	vst v1;
	v1 =	vld [tilespmem:$0x1E8D0];
	_ =	sdelay $0x3  }
0x39f: {  	v0 =	vsel vm10, $0xAD9, v0  }
0x3a0: {  	[tilespmem:$0x1E8E0] =	vst v0;
	v0 =	vld [tilespmem:$0x1E5D0];
	v1 =	vsel vm11, $0x9DA, v1  }
0x3a1: {  	[tilespmem:$0x1EBE0] =	vst v1;
	v1 =	vld [tilespmem:$0x1E8E0];
	_ =	sdelay $0x3  }
0x3a2: {  	v0 =	vsel vm10, $0xBD9, v0  }
0x3a3: {  	[tilespmem:$0x1E8F0] =	vst v0;
	v0 =	vld [tilespmem:$0x1E5E0];
	v1 =	vsel vm11, $0xADA, v1  }
0x3a4: {  	[tilespmem:$0x1EBF0] =	vst v1;
	v1 =	vld [tilespmem:$0x1E8F0];
	_ =	sdelay $0x3  }
0x3a5: {  	v0 =	vsel vm10, $0x1E1, v0  }
0x3a6: {  	[tilespmem:$0x1E900] =	vst v0;
	v0 =	vld [tilespmem:$0x1E5F0];
	v1 =	vsel vm11, $0xBDA, v1  }
0x3a7: {  	[tilespmem:$0x1EC00] =	vst v1;
	v1 =	vld [tilespmem:$0x1E900];
	_ =	sdelay $0x3  }
0x3a8: {  	v0 =	vsel vm10, $0x2E1, v0  }
0x3a9: {  	[tilespmem:$0x1E910] =	vst v0;
	v0 =	vld [tilespmem:$0x1E600];
	v1 =	vsel vm11, $0x1E2, v1  }
0x3aa: {  	[tilespmem:$0x1EC10] =	vst v1;
	v1 =	vld [tilespmem:$0x1E910];
	_ =	sdelay $0x3  }
0x3ab: {  	v0 =	vsel vm10, $0x3E1, v0  }
0x3ac: {  	[tilespmem:$0x1E920] =	vst v0;
	v0 =	vld [tilespmem:$0x1E610];
	v1 =	vsel vm11, $0x2E2, v1  }
0x3ad: {  	[tilespmem:$0x1EC20] =	vst v1;
	v1 =	vld [tilespmem:$0x1E920];
	_ =	sdelay $0x3  }
0x3ae: {  	v0 =	vsel vm10, $0x8E1, v0  }
0x3af: {  	[tilespmem:$0x1E930] =	vst v0;
	v0 =	vld [tilespmem:$0x1E620];
	v1 =	vsel vm11, $0x3E2, v1  }
0x3b0: {  	[tilespmem:$0x1EC30] =	vst v1;
	v1 =	vld [tilespmem:$0x1E930];
	_ =	sdelay $0x3  }
0x3b1: {  	v0 =	vsel vm10, $0x9E1, v0  }
0x3b2: {  	[tilespmem:$0x1E940] =	vst v0;
	v0 =	vld [tilespmem:$0x1E630];
	v1 =	vsel vm11, $0x8E2, v1  }
0x3b3: {  	[tilespmem:$0x1EC40] =	vst v1;
	v1 =	vld [tilespmem:$0x1E940];
	_ =	sdelay $0x3  }
0x3b4: {  	v0 =	vsel vm10, $0xAE1, v0  }
0x3b5: {  	[tilespmem:$0x1E950] =	vst v0;
	v0 =	vld [tilespmem:$0x1E640];
	v1 =	vsel vm11, $0x9E2, v1  }
0x3b6: {  	[tilespmem:$0x1EC50] =	vst v1;
	v1 =	vld [tilespmem:$0x1E950];
	_ =	sdelay $0x3  }
0x3b7: {  	v0 =	vsel vm10, $0xBE1, v0  }
0x3b8: {  	[tilespmem:$0x1E960] =	vst v0;
	v0 =	vld [tilespmem:$0x1E650];
	v1 =	vsel vm11, $0xAE2, v1  }
0x3b9: {  	[tilespmem:$0x1EC60] =	vst v1;
	v1 =	vld [tilespmem:$0x1E960];
	_ =	sdelay $0x3  }
0x3ba: {  	v0 =	vsel vm10, $0x1E9, v0  }
0x3bb: {  	[tilespmem:$0x1E970] =	vst v0;
	v0 =	vld [tilespmem:$0x1E660];
	v1 =	vsel vm11, $0xBE2, v1  }
0x3bc: {  	[tilespmem:$0x1EC70] =	vst v1;
	v1 =	vld [tilespmem:$0x1E970];
	_ =	sdelay $0x3  }
0x3bd: {  	v0 =	vsel vm10, $0x2E9, v0  }
0x3be: {  	[tilespmem:$0x1E980] =	vst v0;
	v0 =	vld [tilespmem:$0x1E670];
	v1 =	vsel vm11, $0x1EA, v1  }
0x3bf: {  	[tilespmem:$0x1EC80] =	vst v1;
	v1 =	vld [tilespmem:$0x1E980];
	_ =	sdelay $0x3  }
0x3c0: {  	v0 =	vsel vm10, $0x3E9, v0  }
0x3c1: {  	[tilespmem:$0x1E990] =	vst v0;
	v0 =	vld [tilespmem:$0x1E680];
	v1 =	vsel vm11, $0x2EA, v1  }
0x3c2: {  	[tilespmem:$0x1EC90] =	vst v1;
	v1 =	vld [tilespmem:$0x1E990];
	_ =	sdelay $0x3  }
0x3c3: {  	v0 =	vsel vm10, $0x8E9, v0  }
0x3c4: {  	[tilespmem:$0x1E9A0] =	vst v0;
	v0 =	vld [tilespmem:$0x1E690];
	v1 =	vsel vm11, $0x3EA, v1  }
0x3c5: {  	[tilespmem:$0x1ECA0] =	vst v1;
	v1 =	vld [tilespmem:$0x1E9A0];
	_ =	sdelay $0x3  }
0x3c6: {  	v0 =	vsel vm10, $0x9E9, v0  }
0x3c7: {  	[tilespmem:$0x1E9B0] =	vst v0;
	v0 =	vld [tilespmem:$0x1E6A0];
	v1 =	vsel vm11, $0x8EA, v1  }
0x3c8: {  	[tilespmem:$0x1ECB0] =	vst v1;
	v1 =	vld [tilespmem:$0x1E9B0];
	_ =	sdelay $0x3  }
0x3c9: {  	v0 =	vsel vm10, $0xAE9, v0  }
0x3ca: {  	[tilespmem:$0x1E9C0] =	vst v0;
	v0 =	vld [tilespmem:$0x1E6B0];
	v1 =	vsel vm11, $0x9EA, v1  }
0x3cb: {  	[tilespmem:$0x1ECC0] =	vst v1;
	v1 =	vld [tilespmem:$0x1E9C0];
	_ =	sdelay $0x3  }
0x3cc: {  	v0 =	vsel vm10, $0xBE9, v0  }
0x3cd: {  	[tilespmem:$0x1E9D0] =	vst v0;
	v0 =	vld [tilespmem:$0x1E6C0];
	v1 =	vsel vm11, $0xAEA, v1  }
0x3ce: {  	[tilespmem:$0x1ECD0] =	vst v1;
	v1 =	vld [tilespmem:$0x1E9D0];
	_ =	sdelay $0x3  }
0x3cf: {  	v0 =	vsel vm10, $0x1F1, v0  }
0x3d0: {  	[tilespmem:$0x1E9E0] =	vst v0;
	v0 =	vld [tilespmem:$0x1E6D0];
	v1 =	vsel vm11, $0xBEA, v1  }
0x3d1: {  	[tilespmem:$0x1ECE0] =	vst v1;
	v1 =	vld [tilespmem:$0x1E9E0];
	_ =	sdelay $0x3  }
0x3d2: {  	v0 =	vsel vm10, $0x2F1, v0  }
0x3d3: {  	[tilespmem:$0x1E9F0] =	vst v0;
	v0 =	vld [tilespmem:$0x1E6E0];
	v1 =	vsel vm11, $0x1F2, v1  }
0x3d4: {  	[tilespmem:$0x1ECF0] =	vst v1;
	v1 =	vld [tilespmem:$0x1E9F0];
	_ =	sdelay $0x3  }
0x3d5: {  	v0 =	vsel vm10, $0x3F1, v0  }
0x3d6: {  	[tilespmem:$0x1EA00] =	vst v0;
	v0 =	vld [tilespmem:$0x1E6F0];
	v1 =	vsel vm11, $0x2F2, v1  }
0x3d7: {  	[tilespmem:$0x1ED00] =	vst v1;
	v1 =	vld [tilespmem:$0x1EA00];
	_ =	sdelay $0x3  }
0x3d8: {  	v0 =	vsel vm10, $0x8F1, v0  }
0x3d9: {  	[tilespmem:$0x1EA10] =	vst v0;
	v0 =	vld [tilespmem:$0x1E700];
	v1 =	vsel vm11, $0x3F2, v1  }
0x3da: {  	[tilespmem:$0x1ED10] =	vst v1;
	v1 =	vld [tilespmem:$0x1EA10];
	_ =	sdelay $0x3  }
0x3db: {  	v0 =	vsel vm10, $0x9F1, v0  }
0x3dc: {  	[tilespmem:$0x1EA20] =	vst v0;
	v0 =	vld [tilespmem:$0x1E710];
	v1 =	vsel vm11, $0x8F2, v1  }
0x3dd: {  	[tilespmem:$0x1ED20] =	vst v1;
	v1 =	vld [tilespmem:$0x1EA20];
	_ =	sdelay $0x3  }
0x3de: {  	v0 =	vsel vm10, $0xAF1, v0  }
0x3df: {  	[tilespmem:$0x1EA30] =	vst v0;
	v0 =	vld [tilespmem:$0x1E720];
	v1 =	vsel vm11, $0x9F2, v1  }
0x3e0: {  	[tilespmem:$0x1ED30] =	vst v1;
	v1 =	vld [tilespmem:$0x1EA30];
	_ =	sdelay $0x3  }
0x3e1: {  	v0 =	vsel vm10, $0xBF1, v0  }
0x3e2: {  	[tilespmem:$0x1EA40] =	vst v0;
	v0 =	vld [tilespmem:$0x1E730];
	v1 =	vsel vm11, $0xAF2, v1  }
0x3e3: {  	[tilespmem:$0x1ED40] =	vst v1;
	v1 =	vld [tilespmem:$0x1EA40];
	_ =	sdelay $0x3  }
0x3e4: {  	v0 =	vsel vm10, $0x1F9, v0  }
0x3e5: {  	[tilespmem:$0x1EA50] =	vst v0;
	v0 =	vld [tilespmem:$0x1E740];
	v1 =	vsel vm11, $0xBF2, v1  }
0x3e6: {  	[tilespmem:$0x1ED50] =	vst v1;
	v1 =	vld [tilespmem:$0x1EA50];
	_ =	sdelay $0x3  }
0x3e7: {  	v0 =	vsel vm10, $0x2F9, v0  }
0x3e8: {  	[tilespmem:$0x1EA60] =	vst v0;
	v0 =	vld [tilespmem:$0x1E750];
	v1 =	vsel vm11, $0x1FA, v1  }
0x3e9: {  	[tilespmem:$0x1ED60] =	vst v1;
	v1 =	vld [tilespmem:$0x1EA60];
	_ =	sdelay $0x3  }
0x3ea: {  	v0 =	vsel vm10, $0x3F9, v0  }
0x3eb: {  	[tilespmem:$0x1EA70] =	vst v0;
	v0 =	vld [tilespmem:$0x1E760];
	v1 =	vsel vm11, $0x2FA, v1  }
0x3ec: {  	[tilespmem:$0x1ED70] =	vst v1;
	v1 =	vld [tilespmem:$0x1EA70];
	_ =	sdelay $0x3  }
0x3ed: {  	v0 =	vsel vm10, $0x8F9, v0  }
0x3ee: {  	[tilespmem:$0x1EA80] =	vst v0;
	v0 =	vld [tilespmem:$0x1E770];
	v1 =	vsel vm11, $0x3FA, v1  }
0x3ef: {  	[tilespmem:$0x1ED80] =	vst v1;
	v1 =	vld [tilespmem:$0x1EA80];
	_ =	sdelay $0x3  }
0x3f0: {  	v0 =	vsel vm10, $0x9F9, v0  }
0x3f1: {  	[tilespmem:$0x1EA90] =	vst v0;
	v1 =	vsel vm11, $0x8FA, v1  }
0x3f2: {  	v0 =	vld [tilespmem:$0x1E780];
	[tilespmem:$0x1ED90] =	vst v1  }
0x3f3: {  	v1 =	vld [tilespmem:$0x1EA90];
	_ =	sdelay $0x4  }
0x3f4: {  	v1 =	vsel vm11, $0x9FA, v1  }
0x3f5: {  	[tilespmem:$0x1EDA0] =	vst v1;
	v1 =	vld [tilespmem:$0x1EAB0];
	_ =	sdelay $0x3  }
0x3f6: {  	vm12 =	vcmask $0x2F2C  }
0x3f7: {  	v1 =	vsel vm12, $0xBC3, v1  }
0x3f8: {  	[tilespmem:$0x1EDC0] =	vst v1;
	v1 =	vld [tilespmem:$0x1EAC0];
	_ =	sdelay $0x4  }
0x3f9: {  	v1 =	vsel vm12, $0x1CB, v1  }
0x3fa: {  	[tilespmem:$0x1EDD0] =	vst v1;
	v1 =	vld [tilespmem:$0x1EAD0];
	_ =	sdelay $0x4  }
0x3fb: {  	v1 =	vsel vm12, $0x2CB, v1  }
0x3fc: {  	[tilespmem:$0x1EDE0] =	vst v1;
	v1 =	vld [tilespmem:$0x1EAE0];
	_ =	sdelay $0x4  }
0x3fd: {  	v1 =	vsel vm12, $0x3CB, v1  }
0x3fe: {  	[tilespmem:$0x1EDF0] =	vst v1;
	v1 =	vld [tilespmem:$0x1EAF0];
	_ =	sdelay $0x4  }
0x3ff: {  	v1 =	vsel vm12, $0x8CB, v1  }
0x400: {  	[tilespmem:$0x1EE00] =	vst v1;
	v1 =	vld [tilespmem:$0x1EB00];
	_ =	sdelay $0x4  }
0x401: {  	v1 =	vsel vm12, $0x9CB, v1  }
0x402: {  	[tilespmem:$0x1EE10] =	vst v1;
	v1 =	vld [tilespmem:$0x1EB10];
	_ =	sdelay $0x4  }
0x403: {  	v1 =	vsel vm12, $0xACB, v1  }
0x404: {  	[tilespmem:$0x1EE20] =	vst v1;
	v1 =	vld [tilespmem:$0x1EB20];
	_ =	sdelay $0x4  }
0x405: {  	v1 =	vsel vm12, $0xBCB, v1  }
0x406: {  	[tilespmem:$0x1EE30] =	vst v1;
	v1 =	vld [tilespmem:$0x1EB30];
	_ =	sdelay $0x4  }
0x407: {  	v1 =	vsel vm12, $0x1D3, v1  }
0x408: {  	[tilespmem:$0x1EE40] =	vst v1;
	v1 =	vld [tilespmem:$0x1EB40];
	_ =	sdelay $0x4  }
0x409: {  	v1 =	vsel vm12, $0x2D3, v1  }
0x40a: {  	[tilespmem:$0x1EE50] =	vst v1;
	v1 =	vld [tilespmem:$0x1EB50];
	_ =	sdelay $0x4  }
0x40b: {  	v1 =	vsel vm12, $0x3D3, v1  }
0x40c: {  	[tilespmem:$0x1EE60] =	vst v1;
	v1 =	vld [tilespmem:$0x1EB60];
	_ =	sdelay $0x4  }
0x40d: {  	v1 =	vsel vm12, $0x8D3, v1  }
0x40e: {  	[tilespmem:$0x1EE70] =	vst v1;
	v1 =	vld [tilespmem:$0x1EB70];
	_ =	sdelay $0x4  }
0x40f: {  	v1 =	vsel vm12, $0x9D3, v1  }
0x410: {  	[tilespmem:$0x1EE80] =	vst v1;
	v1 =	vld [tilespmem:$0x1EB80];
	_ =	sdelay $0x4  }
0x411: {  	v1 =	vsel vm12, $0xAD3, v1  }
0x412: {  	[tilespmem:$0x1EE90] =	vst v1;
	v1 =	vld [tilespmem:$0x1EB90];
	_ =	sdelay $0x4  }
0x413: {  	v1 =	vsel vm12, $0xBD3, v1  }
0x414: {  	[tilespmem:$0x1EEA0] =	vst v1;
	v1 =	vld [tilespmem:$0x1EBA0];
	_ =	sdelay $0x4  }
0x415: {  	v1 =	vsel vm12, $0x1DB, v1  }
0x416: {  	[tilespmem:$0x1EEB0] =	vst v1;
	v1 =	vld [tilespmem:$0x1EBB0];
	_ =	sdelay $0x4  }
0x417: {  	v1 =	vsel vm12, $0x2DB, v1  }
0x418: {  	[tilespmem:$0x1EEC0] =	vst v1;
	v1 =	vld [tilespmem:$0x1EBC0];
	_ =	sdelay $0x4  }
0x419: {  	v1 =	vsel vm12, $0x3DB, v1  }
0x41a: {  	[tilespmem:$0x1EED0] =	vst v1;
	v1 =	vld [tilespmem:$0x1EBD0];
	_ =	sdelay $0x4  }
0x41b: {  	v1 =	vsel vm12, $0x8DB, v1  }
0x41c: {  	[tilespmem:$0x1EEE0] =	vst v1;
	v1 =	vld [tilespmem:$0x1EBE0];
	_ =	sdelay $0x4  }
0x41d: {  	v1 =	vsel vm12, $0x9DB, v1  }
0x41e: {  	[tilespmem:$0x1EEF0] =	vst v1;
	v1 =	vld [tilespmem:$0x1EBF0];
	_ =	sdelay $0x4  }
0x41f: {  	v1 =	vsel vm12, $0xADB, v1  }
0x420: {  	[tilespmem:$0x1EF00] =	vst v1;
	v1 =	vld [tilespmem:$0x1EC00];
	_ =	sdelay $0x4  }
0x421: {  	v1 =	vsel vm12, $0xBDB, v1  }
0x422: {  	[tilespmem:$0x1EF10] =	vst v1;
	v1 =	vld [tilespmem:$0x1EC10];
	_ =	sdelay $0x4  }
0x423: {  	v1 =	vsel vm12, $0x1E3, v1  }
0x424: {  	[tilespmem:$0x1EF20] =	vst v1;
	v1 =	vld [tilespmem:$0x1EC20];
	_ =	sdelay $0x4  }
0x425: {  	v1 =	vsel vm12, $0x2E3, v1  }
0x426: {  	[tilespmem:$0x1EF30] =	vst v1;
	v1 =	vld [tilespmem:$0x1EC30];
	_ =	sdelay $0x4  }
0x427: {  	v1 =	vsel vm12, $0x3E3, v1  }
0x428: {  	[tilespmem:$0x1EF40] =	vst v1;
	v1 =	vld [tilespmem:$0x1EC40];
	_ =	sdelay $0x4  }
0x429: {  	v1 =	vsel vm12, $0x8E3, v1  }
0x42a: {  	[tilespmem:$0x1EF50] =	vst v1;
	v1 =	vld [tilespmem:$0x1EC50];
	_ =	sdelay $0x4  }
0x42b: {  	v1 =	vsel vm12, $0x9E3, v1  }
0x42c: {  	[tilespmem:$0x1EF60] =	vst v1;
	v1 =	vld [tilespmem:$0x1EC60];
	_ =	sdelay $0x4  }
0x42d: {  	v1 =	vsel vm12, $0xAE3, v1  }
0x42e: {  	[tilespmem:$0x1EF70] =	vst v1;
	v1 =	vld [tilespmem:$0x1EC70];
	_ =	sdelay $0x4  }
0x42f: {  	v1 =	vsel vm12, $0xBE3, v1  }
0x430: {  	[tilespmem:$0x1EF80] =	vst v1;
	v1 =	vld [tilespmem:$0x1EC80];
	_ =	sdelay $0x4  }
0x431: {  	v1 =	vsel vm12, $0x1EB, v1  }
0x432: {  	[tilespmem:$0x1EF90] =	vst v1;
	v1 =	vld [tilespmem:$0x1EC90];
	_ =	sdelay $0x4  }
0x433: {  	v1 =	vsel vm12, $0x2EB, v1  }
0x434: {  	[tilespmem:$0x1EFA0] =	vst v1;
	v1 =	vld [tilespmem:$0x1ECA0];
	_ =	sdelay $0x4  }
0x435: {  	v1 =	vsel vm12, $0x3EB, v1  }
0x436: {  	[tilespmem:$0x1EFB0] =	vst v1;
	v1 =	vld [tilespmem:$0x1ECB0];
	_ =	sdelay $0x4  }
0x437: {  	v1 =	vsel vm12, $0x8EB, v1  }
0x438: {  	[tilespmem:$0x1EFC0] =	vst v1;
	v1 =	vld [tilespmem:$0x1ECC0];
	_ =	sdelay $0x4  }
0x439: {  	v1 =	vsel vm12, $0x9EB, v1  }
0x43a: {  	[tilespmem:$0x1EFD0] =	vst v1;
	v1 =	vld [tilespmem:$0x1ECD0];
	_ =	sdelay $0x4  }
0x43b: {  	v1 =	vsel vm12, $0xAEB, v1  }
0x43c: {  	[tilespmem:$0x1EFE0] =	vst v1;
	v1 =	vld [tilespmem:$0x1ECE0];
	_ =	sdelay $0x4  }
0x43d: {  	v1 =	vsel vm12, $0xBEB, v1  }
0x43e: {  	[tilespmem:$0x1EFF0] =	vst v1;
	v1 =	vld [tilespmem:$0x1ECF0];
	_ =	sdelay $0x4  }
0x43f: {  	v1 =	vsel vm12, $0x1F3, v1  }
0x440: {  	[tilespmem:$0x1F000] =	vst v1;
	v1 =	vld [tilespmem:$0x1ED00];
	_ =	sdelay $0x4  }
0x441: {  	v1 =	vsel vm12, $0x2F3, v1  }
0x442: {  	[tilespmem:$0x1F010] =	vst v1;
	v1 =	vld [tilespmem:$0x1ED10];
	_ =	sdelay $0x4  }
0x443: {  	v1 =	vsel vm12, $0x3F3, v1  }
0x444: {  	[tilespmem:$0x1F020] =	vst v1;
	v1 =	vld [tilespmem:$0x1ED20];
	_ =	sdelay $0x4  }
0x445: {  	v1 =	vsel vm12, $0x8F3, v1  }
0x446: {  	[tilespmem:$0x1F030] =	vst v1;
	v1 =	vld [tilespmem:$0x1ED30];
	_ =	sdelay $0x4  }
0x447: {  	v1 =	vsel vm12, $0x9F3, v1  }
0x448: {  	[tilespmem:$0x1F040] =	vst v1;
	v1 =	vld [tilespmem:$0x1ED40];
	_ =	sdelay $0x4  }
0x449: {  	v1 =	vsel vm12, $0xAF3, v1  }
0x44a: {  	[tilespmem:$0x1F050] =	vst v1;
	v1 =	vld [tilespmem:$0x1ED50];
	_ =	sdelay $0x4  }
0x44b: {  	v1 =	vsel vm12, $0xBF3, v1  }
0x44c: {  	[tilespmem:$0x1F060] =	vst v1;
	v1 =	vld [tilespmem:$0x1ED60];
	_ =	sdelay $0x4  }
0x44d: {  	v1 =	vsel vm12, $0x1FB, v1  }
0x44e: {  	[tilespmem:$0x1F070] =	vst v1;
	v1 =	vld [tilespmem:$0x1ED70];
	_ =	sdelay $0x4  }
0x44f: {  	v1 =	vsel vm12, $0x2FB, v1  }
0x450: {  	[tilespmem:$0x1F080] =	vst v1;
	v1 =	vld [tilespmem:$0x1ED80];
	_ =	sdelay $0x4  }
0x451: {  	v1 =	vsel vm12, $0x3FB, v1  }
0x452: {  	v0 =	vsel vm10, $0xAF9, v0;
	[tilespmem:$0x1F090] =	vst v1;
	v1 =	vld [tilespmem:$0x1ED90]  }
0x453: {  	v0 =	vsel vm11, $0xAFA, v0  }
0x454: {  	[tilespmem:$0x1EDB0] =	vst v0;
	v0 =	vld [tilespmem:$0x1EAA0];
	_ =	sdelay $0x2  }
0x455: {  	v1 =	vsel vm12, $0x8FB, v1  }
0x456: {  	[tilespmem:$0x1F0A0] =	vst v1;
	v1 =	vld [tilespmem:$0x1EDA0]  }
0x457: {  	v0 =	vsel vm11, $0xBFA, v0  }
0x458: {  	v0 =	vsel vm12, $0xBFB, v0  }
0x459: {  	[tilespmem:$0x1F0D0] =	vst v0;
	v0 =	vld [tilespmem:$0x1EDC0];
	_ =	sdelay $0x1  }
0x45a: {  	v1 =	vsel vm12, $0x9FB, v1  }
0x45b: {  	[tilespmem:$0x1F0B0] =	vst v1;
	v1 =	vld [tilespmem:$0x1EDB0]  }
0x45c: {  	vm13 =	vcmask $0x3330  }
0x45d: {  	v0 =	vsel vm13, $0xBC4, v0  }
0x45e: {  	[tilespmem:$0x1F0E0] =	vst v0;
	v0 =	vld [tilespmem:$0x1EDD0];
	_ =	sdelay $0x1  }
0x45f: {  	v1 =	vsel vm12, $0xAFB, v1  }
0x460: {  	[tilespmem:$0x1F0C0] =	vst v1;
	v1 =	vld [tilespmem:$0x1F0D0];
	_ =	sdelay $0x1  }
0x461: {  	v0 =	vsel vm13, $0x1CC, v0  }
0x462: {  	[tilespmem:$0x1F0F0] =	vst v0;
	v0 =	vld [tilespmem:$0x1EDE0];
	_ =	sdelay $0x1  }
0x463: {  	v1 =	vsel vm13, $0xBFC, v1  }
0x464: {  	[tilespmem:$0x1F3E0] =	vst v1;
	v1 =	vld [tilespmem:$0x1F0E0];
	_ =	sdelay $0x1  }
0x465: {  	v0 =	vsel vm13, $0x2CC, v0  }
0x466: {  	[tilespmem:$0x1F100] =	vst v0;
	v0 =	vld [tilespmem:$0x1EDF0]  }
0x467: {  	vm14 =	vcmask $0x3734  }
0x468: {  	v1 =	vsel vm14, $0xBC5, v1  }
0x469: {  	[tilespmem:$0x1F760] =	vst v1;
	v1 =	vld [tilespmem:$0x1F0F0];
	_ =	sdelay $0x1  }
0x46a: {  	v0 =	vsel vm13, $0x3CC, v0  }
0x46b: {  	v3 =	vsel vm15, $0x202, v3;
	v12 =	vsel vm15, $0x80A, v12;
	[tilespmem:$0x1F110] =	vst v0;
	v0 =	vld [tilespmem:$0x1EE00]  }
0x46c: {  	v21 =	vsel vm15, $0xA12, v21;
	v30 =	vsel vm15, $0x122, v30;
	v39 =	vsel vm15, $0x32A, v39  }
0x46d: {  	v3 =	vsel vm4, $0x203, v3;
	v12 =	vsel vm4, $0x80B, v12;
	v1 =	vsel vm14, $0x1CD, v1  }
0x46e: {  	v21 =	vsel vm4, $0xA13, v21;
	v30 =	vsel vm4, $0x123, v30;
	v39 =	vsel vm4, $0x32B, v39;
	[tilespmem:$0x1F780] =	vst v1;
	v1 =	vld [tilespmem:$0x1F100]  }
0x46f: {  	v3 =	vsel vm5, $0x204, v3;
	v12 =	vsel vm5, $0x80C, v12;
	v21 =	vsel vm5, $0xA14, v21  }
0x470: {  	v30 =	vsel vm5, $0x124, v30;
	v39 =	vsel vm5, $0x32C, v39;
	v0 =	vsel vm13, $0x8CC, v0  }
0x471: {  	v3 =	vsel vm6, $0x205, v3;
	v12 =	vsel vm6, $0x80D, v12;
	v21 =	vsel vm6, $0xA15, v21;
	[tilespmem:$0x1F120] =	vst v0;
	v0 =	vld [tilespmem:$0x1EE10]  }
0x472: {  	v30 =	vsel vm6, $0x125, v30;
	v39 =	vsel vm6, $0x32D, v39;
	v2 =	vsel vm15, $0x102, v2  }
0x473: {  	v11 =	vsel vm15, $0x30A, v11;
	v20 =	vsel vm15, $0x912, v20;
	v1 =	vsel vm14, $0x2CD, v1  }
0x474: {  	v29 =	vsel vm15, $0xB1A, v29;
	v38 =	vsel vm15, $0x22A, v38;
	v47 =	vsel vm15, $0x832, v47;
	[tilespmem:$0x1F790] =	vst v1;
	v1 =	vld [tilespmem:$0x1F110]  }
0x475: {  	v48 =	vsel vm15, $0x932, v48;
	v3 =	vsel vm7, $0x206, v3;
	v12 =	vsel vm7, $0x80E, v12  }
0x476: {  	v21 =	vsel vm7, $0xA16, v21;
	v30 =	vsel vm7, $0x126, v30;
	v0 =	vsel vm13, $0x9CC, v0  }
0x477: {  	v39 =	vsel vm7, $0x32E, v39;
	v2 =	vsel vm4, $0x103, v2;
	v11 =	vsel vm4, $0x30B, v11;
	[tilespmem:$0x1F130] =	vst v0;
	v0 =	vld [tilespmem:$0x1EE20]  }
0x478: {  	v20 =	vsel vm4, $0x913, v20;
	v29 =	vsel vm4, $0xB1B, v29;
	v38 =	vsel vm4, $0x22B, v38  }
0x479: {  	v47 =	vsel vm4, $0x833, v47;
	v48 =	vsel vm4, $0x933, v48;
	v1 =	vsel vm14, $0x3CD, v1  }
0x47a: {  	v3 =	vsel vm8, $0x207, v3;
	v12 =	vsel vm8, $0x80F, v12;
	v21 =	vsel vm8, $0xA17, v21;
	[tilespmem:$0x1F7B0] =	vst v1;
	v1 =	vld [tilespmem:$0x1F120]  }
0x47b: {  	v30 =	vsel vm8, $0x127, v30;
	v39 =	vsel vm8, $0x32F, v39;
	v2 =	vsel vm5, $0x104, v2  }
0x47c: {  	v11 =	vsel vm5, $0x30C, v11;
	v20 =	vsel vm5, $0x914, v20;
	v0 =	vsel vm13, $0xACC, v0  }
0x47d: {  	v29 =	vsel vm5, $0xB1C, v29;
	v38 =	vsel vm5, $0x22C, v38;
	v47 =	vsel vm5, $0x834, v47;
	[tilespmem:$0x1F140] =	vst v0;
	v0 =	vld [tilespmem:$0x1EE30]  }
0x47e: {  	v48 =	vsel vm5, $0x934, v48;
	v3 =	vsel vm9, $0x280, v3;
	v12 =	vsel vm9, $0x888, v12  }
0x47f: {  	v21 =	vsel vm9, $0xA90, v21;
	v30 =	vsel vm9, $0x1A0, v30;
	v1 =	vsel vm14, $0x8CD, v1  }
0x480: {  	v39 =	vsel vm9, $0x3A8, v39;
	v2 =	vsel vm6, $0x105, v2;
	v11 =	vsel vm6, $0x30D, v11;
	[tilespmem:$0x1F7D0] =	vst v1;
	v1 =	vld [tilespmem:$0x1F130]  }
0x481: {  	v20 =	vsel vm6, $0x915, v20;
	v29 =	vsel vm6, $0xB1D, v29;
	v38 =	vsel vm6, $0x22D, v38  }
0x482: {  	v47 =	vsel vm6, $0x835, v47;
	v48 =	vsel vm6, $0x935, v48;
	v0 =	vsel vm13, $0xBCC, v0  }
0x483: {  	v3 =	vsel vm10, $0x281, v3;
	v12 =	vsel vm10, $0x889, v12;
	v21 =	vsel vm10, $0xA91, v21;
	[tilespmem:$0x1F150] =	vst v0;
	v0 =	vld [tilespmem:$0x1EE40]  }
0x484: {  	v30 =	vsel vm10, $0x1A1, v30;
	v39 =	vsel vm10, $0x3A9, v39;
	v2 =	vsel vm7, $0x106, v2  }
0x485: {  	v11 =	vsel vm7, $0x30E, v11;
	v20 =	vsel vm7, $0x916, v20;
	v1 =	vsel vm14, $0x9CD, v1  }
0x486: {  	v29 =	vsel vm7, $0xB1E, v29;
	v38 =	vsel vm7, $0x22E, v38;
	v47 =	vsel vm7, $0x836, v47;
	[tilespmem:$0x1F7F0] =	vst v1;
	v1 =	vld [tilespmem:$0x1F140]  }
0x487: {  	v48 =	vsel vm7, $0x936, v48;
	v3 =	vsel vm11, $0x282, v3;
	v12 =	vsel vm11, $0x88A, v12  }
0x488: {  	v21 =	vsel vm11, $0xA92, v21;
	v30 =	vsel vm11, $0x1A2, v30;
	v0 =	vsel vm13, $0x1D4, v0  }
0x489: {  	v39 =	vsel vm11, $0x3AA, v39;
	v2 =	vsel vm8, $0x107, v2;
	v11 =	vsel vm8, $0x30F, v11;
	[tilespmem:$0x1F160] =	vst v0;
	v0 =	vld [tilespmem:$0x1EE50]  }
0x48a: {  	v20 =	vsel vm8, $0x917, v20;
	v29 =	vsel vm8, $0xB1F, v29;
	v38 =	vsel vm8, $0x22F, v38  }
0x48b: {  	v47 =	vsel vm8, $0x837, v47;
	v48 =	vsel vm8, $0x937, v48;
	v1 =	vsel vm14, $0xACD, v1  }
0x48c: {  	v3 =	vsel vm12, $0x283, v3;
	v12 =	vsel vm12, $0x88B, v12;
	v21 =	vsel vm12, $0xA93, v21;
	[tilespmem:$0x1F810] =	vst v1;
	v1 =	vld [tilespmem:$0x1F150]  }
0x48d: {  	v30 =	vsel vm12, $0x1A3, v30;
	v39 =	vsel vm12, $0x3AB, v39;
	v2 =	vsel vm9, $0x180, v2  }
0x48e: {  	v11 =	vsel vm9, $0x388, v11;
	v20 =	vsel vm9, $0x990, v20;
	v0 =	vsel vm13, $0x2D4, v0  }
0x48f: {  	v29 =	vsel vm9, $0xB98, v29;
	v38 =	vsel vm9, $0x2A8, v38;
	v47 =	vsel vm9, $0x8B0, v47;
	[tilespmem:$0x1F170] =	vst v0;
	v0 =	vld [tilespmem:$0x1EE60]  }
0x490: {  	v48 =	vsel vm9, $0x9B0, v48;
	v3 =	vsel vm13, $0x284, v3;
	v12 =	vsel vm13, $0x88C, v12  }
0x491: {  	v21 =	vsel vm13, $0xA94, v21;
	v30 =	vsel vm13, $0x1A4, v30;
	v1 =	vsel vm14, $0xBCD, v1  }
0x492: {  	v39 =	vsel vm13, $0x3AC, v39;
	v2 =	vsel vm10, $0x181, v2;
	v11 =	vsel vm10, $0x389, v11;
	[tilespmem:$0x1F830] =	vst v1;
	v1 =	vld [tilespmem:$0x1F160]  }
0x493: {  	v20 =	vsel vm10, $0x991, v20;
	v29 =	vsel vm10, $0xB99, v29;
	v38 =	vsel vm10, $0x2A9, v38  }
0x494: {  	v47 =	vsel vm10, $0x8B1, v47;
	v48 =	vsel vm10, $0x9B1, v48;
	v0 =	vsel vm13, $0x3D4, v0  }
0x495: {  	v2 =	vsel vm11, $0x182, v2;
	v11 =	vsel vm11, $0x38A, v11;
	v20 =	vsel vm11, $0x992, v20;
	[tilespmem:$0x1F180] =	vst v0;
	v0 =	vld [tilespmem:$0x1EE70]  }
0x496: {  	v29 =	vsel vm11, $0xB9A, v29;
	v38 =	vsel vm11, $0x2AA, v38;
	v47 =	vsel vm11, $0x8B2, v47  }
0x497: {  	v48 =	vsel vm11, $0x9B2, v48;
	v2 =	vsel vm12, $0x183, v2;
	v1 =	vsel vm14, $0x1D5, v1  }
0x498: {  	v11 =	vsel vm12, $0x38B, v11;
	v20 =	vsel vm12, $0x993, v20;
	v29 =	vsel vm12, $0xB9B, v29;
	[tilespmem:$0x1F850] =	vst v1;
	v1 =	vld [tilespmem:$0x1F170]  }
0x499: {  	v38 =	vsel vm12, $0x2AB, v38;
	v47 =	vsel vm12, $0x8B3, v47;
	v48 =	vsel vm12, $0x9B3, v48  }
0x49a: {  	v2 =	vsel vm13, $0x184, v2;
	v11 =	vsel vm13, $0x38C, v11;
	v0 =	vsel vm13, $0x8D4, v0  }
0x49b: {  	v20 =	vsel vm13, $0x994, v20;
	v29 =	vsel vm13, $0xB9C, v29;
	v38 =	vsel vm13, $0x2AC, v38;
	[tilespmem:$0x1F190] =	vst v0;
	v0 =	vld [tilespmem:$0x1EE80]  }
0x49c: {  	v47 =	vsel vm13, $0x8B4, v47;
	v48 =	vsel vm13, $0x9B4, v48;
	v4 =	vsel vm15, $0x302, v4  }
0x49d: {  	v5 =	vsel vm15, $0x802, v5;
	v6 =	vsel vm15, $0x902, v6;
	v1 =	vsel vm14, $0x2D5, v1  }
0x49e: {  	v13 =	vsel vm15, $0x90A, v13;
	v14 =	vsel vm15, $0xA0A, v14;
	v15 =	vsel vm15, $0xB0A, v15;
	[tilespmem:$0x1F860] =	vst v1;
	v1 =	vld [tilespmem:$0x1F180]  }
0x49f: {  	v22 =	vsel vm15, $0xB12, v22;
	v23 =	vsel vm15, $0x11A, v23;
	v24 =	vsel vm15, $0x21A, v24  }
0x4a0: {  	v31 =	vsel vm15, $0x222, v31;
	v32 =	vsel vm15, $0x322, v32;
	v0 =	vsel vm13, $0x9D4, v0  }
0x4a1: {  	v33 =	vsel vm15, $0x822, v33;
	v40 =	vsel vm15, $0x82A, v40;
	v41 =	vsel vm15, $0x92A, v41;
	[tilespmem:$0x1F1A0] =	vst v0;
	v0 =	vld [tilespmem:$0x1EE90]  }
0x4a2: {  	v42 =	vsel vm15, $0xA2A, v42;
	v49 =	vsel vm15, $0xA32, v49;
	v50 =	vsel vm15, $0xB32, v50  }
0x4a3: {  	v51 =	vsel vm15, $0x13A, v51;
	v7 =	vsel vm15, $0xA02, v7;
	v1 =	vsel vm14, $0x3D5, v1  }
0x4a4: {  	v8 =	vsel vm15, $0xB02, v8;
	v9 =	vsel vm15, $0x10A, v9;
	v10 =	vsel vm15, $0x20A, v10;
	[tilespmem:$0x1F880] =	vst v1;
	v1 =	vld [tilespmem:$0x1F190]  }
0x4a5: {  	v16 =	vsel vm15, $0x112, v16;
	v17 =	vsel vm15, $0x212, v17;
	v18 =	vsel vm15, $0x312, v18  }
0x4a6: {  	v19 =	vsel vm15, $0x812, v19;
	v25 =	vsel vm15, $0x31A, v25;
	v0 =	vsel vm13, $0xAD4, v0  }
0x4a7: {  	v26 =	vsel vm15, $0x81A, v26;
	v27 =	vsel vm15, $0x91A, v27;
	v28 =	vsel vm15, $0xA1A, v28;
	[tilespmem:$0x1F1B0] =	vst v0;
	v0 =	vld [tilespmem:$0x1EEA0]  }
0x4a8: {  	v34 =	vsel vm15, $0x922, v34;
	v35 =	vsel vm15, $0xA22, v35;
	v36 =	vsel vm15, $0xB22, v36  }
0x4a9: {  	v37 =	vsel vm15, $0x12A, v37;
	v43 =	vsel vm15, $0xB2A, v43;
	v1 =	vsel vm14, $0x8D5, v1  }
0x4aa: {  	v44 =	vsel vm15, $0x132, v44;
	v45 =	vsel vm15, $0x232, v45;
	v46 =	vsel vm15, $0x332, v46;
	[tilespmem:$0x1F8A0] =	vst v1;
	v1 =	vld [tilespmem:$0x1F1A0]  }
0x4ab: {  	v52 =	vsel vm15, $0x23A, v52;
	v53 =	vsel vm15, $0x33A, v53;
	v54 =	vsel vm15, $0x83A, v54  }
0x4ac: {  	v4 =	vsel vm4, $0x303, v4;
	v5 =	vsel vm4, $0x803, v5;
	v0 =	vsel vm13, $0xBD4, v0  }
0x4ad: {  	v6 =	vsel vm4, $0x903, v6;
	v13 =	vsel vm4, $0x90B, v13;
	v14 =	vsel vm4, $0xA0B, v14;
	[tilespmem:$0x1F1C0] =	vst v0;
	v0 =	vld [tilespmem:$0x1EEB0]  }
0x4ae: {  	v15 =	vsel vm4, $0xB0B, v15;
	v22 =	vsel vm4, $0xB13, v22;
	v24 =	vsel vm4, $0x21B, v24  }
0x4af: {  	v31 =	vsel vm4, $0x223, v31;
	v32 =	vsel vm4, $0x323, v32;
	v1 =	vsel vm14, $0x9D5, v1  }
0x4b0: {  	v33 =	vsel vm4, $0x823, v33;
	v40 =	vsel vm4, $0x82B, v40;
	v41 =	vsel vm4, $0x92B, v41;
	[tilespmem:$0x1F8C0] =	vst v1;
	v1 =	vld [tilespmem:$0x1F1B0]  }
0x4b1: {  	v42 =	vsel vm4, $0xA2B, v42;
	v49 =	vsel vm4, $0xA33, v49;
	v50 =	vsel vm4, $0xB33, v50  }
0x4b2: {  	v7 =	vsel vm4, $0xA03, v7;
	v8 =	vsel vm4, $0xB03, v8;
	v0 =	vsel vm13, $0x1DC, v0  }
0x4b3: {  	v9 =	vsel vm4, $0x10B, v9;
	v10 =	vsel vm4, $0x20B, v10;
	v17 =	vsel vm4, $0x213, v17;
	[tilespmem:$0x1F1D0] =	vst v0;
	v0 =	vld [tilespmem:$0x1EEC0]  }
0x4b4: {  	v18 =	vsel vm4, $0x313, v18;
	v19 =	vsel vm4, $0x813, v19;
	v25 =	vsel vm4, $0x31B, v25  }
0x4b5: {  	v26 =	vsel vm4, $0x81B, v26;
	v27 =	vsel vm4, $0x91B, v27;
	v1 =	vsel vm14, $0xAD5, v1  }
0x4b6: {  	v28 =	vsel vm4, $0xA1B, v28;
	v34 =	vsel vm4, $0x923, v34;
	v35 =	vsel vm4, $0xA23, v35;
	[tilespmem:$0x1F8E0] =	vst v1;
	v1 =	vld [tilespmem:$0x1F1C0]  }
0x4b7: {  	v36 =	vsel vm4, $0xB23, v36;
	v43 =	vsel vm4, $0xB2B, v43;
	v45 =	vsel vm4, $0x233, v45  }
0x4b8: {  	v46 =	vsel vm4, $0x333, v46;
	v52 =	vsel vm4, $0x23B, v52;
	v0 =	vsel vm13, $0x2DC, v0  }
0x4b9: {  	v53 =	vsel vm4, $0x33B, v53;
	v54 =	vsel vm4, $0x83B, v54;
	v4 =	vsel vm5, $0x304, v4;
	[tilespmem:$0x1F1E0] =	vst v0;
	v0 =	vld [tilespmem:$0x1EED0]  }
0x4ba: {  	v5 =	vsel vm5, $0x804, v5;
	v6 =	vsel vm5, $0x904, v6;
	v13 =	vsel vm5, $0x90C, v13  }
0x4bb: {  	v14 =	vsel vm5, $0xA0C, v14;
	v15 =	vsel vm5, $0xB0C, v15;
	v1 =	vsel vm14, $0xBD5, v1  }
0x4bc: {  	v22 =	vsel vm5, $0xB14, v22;
	v24 =	vsel vm5, $0x21C, v24;
	v31 =	vsel vm5, $0x224, v31;
	[tilespmem:$0x1F900] =	vst v1;
	v1 =	vld [tilespmem:$0x1F1D0]  }
0x4bd: {  	v32 =	vsel vm5, $0x324, v32;
	v33 =	vsel vm5, $0x824, v33;
	v40 =	vsel vm5, $0x82C, v40  }
0x4be: {  	v41 =	vsel vm5, $0x92C, v41;
	v42 =	vsel vm5, $0xA2C, v42;
	v0 =	vsel vm13, $0x3DC, v0  }
0x4bf: {  	v49 =	vsel vm5, $0xA34, v49;
	v50 =	vsel vm5, $0xB34, v50;
	v7 =	vsel vm5, $0xA04, v7;
	[tilespmem:$0x1F1F0] =	vst v0;
	v0 =	vld [tilespmem:$0x1EEE0]  }
0x4c0: {  	v8 =	vsel vm5, $0xB04, v8;
	v9 =	vsel vm5, $0x10C, v9;
	v10 =	vsel vm5, $0x20C, v10  }
0x4c1: {  	v17 =	vsel vm5, $0x214, v17;
	v18 =	vsel vm5, $0x314, v18;
	v1 =	vsel vm14, $0x1DD, v1  }
0x4c2: {  	v19 =	vsel vm5, $0x814, v19;
	v25 =	vsel vm5, $0x31C, v25;
	v26 =	vsel vm5, $0x81C, v26;
	[tilespmem:$0x1F920] =	vst v1;
	v1 =	vld [tilespmem:$0x1F1E0]  }
0x4c3: {  	v27 =	vsel vm5, $0x91C, v27;
	v28 =	vsel vm5, $0xA1C, v28;
	v34 =	vsel vm5, $0x924, v34  }
0x4c4: {  	v35 =	vsel vm5, $0xA24, v35;
	v36 =	vsel vm5, $0xB24, v36;
	v0 =	vsel vm13, $0x8DC, v0  }
0x4c5: {  	v43 =	vsel vm5, $0xB2C, v43;
	v45 =	vsel vm5, $0x234, v45;
	v46 =	vsel vm5, $0x334, v46;
	[tilespmem:$0x1F200] =	vst v0;
	v0 =	vld [tilespmem:$0x1EEF0]  }
0x4c6: {  	v52 =	vsel vm5, $0x23C, v52;
	v53 =	vsel vm5, $0x33C, v53;
	v54 =	vsel vm5, $0x83C, v54  }
0x4c7: {  	v4 =	vsel vm6, $0x305, v4;
	v5 =	vsel vm6, $0x805, v5;
	v1 =	vsel vm14, $0x2DD, v1  }
0x4c8: {  	v6 =	vsel vm6, $0x905, v6;
	v13 =	vsel vm6, $0x90D, v13;
	v14 =	vsel vm6, $0xA0D, v14;
	[tilespmem:$0x1F930] =	vst v1;
	v1 =	vld [tilespmem:$0x1F1F0]  }
0x4c9: {  	v15 =	vsel vm6, $0xB0D, v15;
	v22 =	vsel vm6, $0xB15, v22;
	v24 =	vsel vm6, $0x21D, v24  }
0x4ca: {  	v31 =	vsel vm6, $0x225, v31;
	v32 =	vsel vm6, $0x325, v32;
	v0 =	vsel vm13, $0x9DC, v0  }
0x4cb: {  	v33 =	vsel vm6, $0x825, v33;
	v40 =	vsel vm6, $0x82D, v40;
	v41 =	vsel vm6, $0x92D, v41;
	[tilespmem:$0x1F210] =	vst v0;
	v0 =	vld [tilespmem:$0x1EF00]  }
0x4cc: {  	v42 =	vsel vm6, $0xA2D, v42;
	v49 =	vsel vm6, $0xA35, v49;
	v50 =	vsel vm6, $0xB35, v50  }
0x4cd: {  	v7 =	vsel vm6, $0xA05, v7;
	v8 =	vsel vm6, $0xB05, v8;
	v1 =	vsel vm14, $0x3DD, v1  }
0x4ce: {  	v9 =	vsel vm6, $0x10D, v9;
	v10 =	vsel vm6, $0x20D, v10;
	v17 =	vsel vm6, $0x215, v17;
	[tilespmem:$0x1F950] =	vst v1;
	v1 =	vld [tilespmem:$0x1F200]  }
0x4cf: {  	v18 =	vsel vm6, $0x315, v18;
	v19 =	vsel vm6, $0x815, v19;
	v25 =	vsel vm6, $0x31D, v25  }
0x4d0: {  	v26 =	vsel vm6, $0x81D, v26;
	v27 =	vsel vm6, $0x91D, v27;
	v0 =	vsel vm13, $0xADC, v0  }
0x4d1: {  	v28 =	vsel vm6, $0xA1D, v28;
	v34 =	vsel vm6, $0x925, v34;
	v35 =	vsel vm6, $0xA25, v35;
	[tilespmem:$0x1F220] =	vst v0;
	v0 =	vld [tilespmem:$0x1EF10]  }
0x4d2: {  	v36 =	vsel vm6, $0xB25, v36;
	v43 =	vsel vm6, $0xB2D, v43;
	v45 =	vsel vm6, $0x235, v45  }
0x4d3: {  	v46 =	vsel vm6, $0x335, v46;
	v52 =	vsel vm6, $0x23D, v52;
	v1 =	vsel vm14, $0x8DD, v1  }
0x4d4: {  	v53 =	vsel vm6, $0x33D, v53;
	v54 =	vsel vm6, $0x83D, v54;
	v4 =	vsel vm7, $0x306, v4;
	[tilespmem:$0x1F970] =	vst v1;
	v1 =	vld [tilespmem:$0x1F210]  }
0x4d5: {  	v5 =	vsel vm7, $0x806, v5;
	v6 =	vsel vm7, $0x906, v6;
	v13 =	vsel vm7, $0x90E, v13  }
0x4d6: {  	v14 =	vsel vm7, $0xA0E, v14;
	v15 =	vsel vm7, $0xB0E, v15;
	v0 =	vsel vm13, $0xBDC, v0  }
0x4d7: {  	v22 =	vsel vm7, $0xB16, v22;
	v24 =	vsel vm7, $0x21E, v24;
	v31 =	vsel vm7, $0x226, v31;
	[tilespmem:$0x1F230] =	vst v0;
	v0 =	vld [tilespmem:$0x1EF20]  }
0x4d8: {  	v32 =	vsel vm7, $0x326, v32;
	v33 =	vsel vm7, $0x826, v33;
	v40 =	vsel vm7, $0x82E, v40  }
0x4d9: {  	v41 =	vsel vm7, $0x92E, v41;
	v42 =	vsel vm7, $0xA2E, v42;
	v1 =	vsel vm14, $0x9DD, v1  }
0x4da: {  	v49 =	vsel vm7, $0xA36, v49;
	v50 =	vsel vm7, $0xB36, v50;
	v55 =	vsel vm15, $0x93A, v55;
	[tilespmem:$0x1F990] =	vst v1;
	v1 =	vld [tilespmem:$0x1F220]  }
0x4db: {  	v56 =	vsel vm15, $0xA3A, v56;
	v7 =	vsel vm7, $0xA06, v7;
	v8 =	vsel vm7, $0xB06, v8  }
0x4dc: {  	v9 =	vsel vm7, $0x10E, v9;
	v10 =	vsel vm7, $0x20E, v10;
	v0 =	vsel vm13, $0x1E4, v0  }
0x4dd: {  	v17 =	vsel vm7, $0x216, v17;
	v18 =	vsel vm7, $0x316, v18;
	v19 =	vsel vm7, $0x816, v19;
	[tilespmem:$0x1F240] =	vst v0;
	v0 =	vld [tilespmem:$0x1EF30]  }
0x4de: {  	v25 =	vsel vm7, $0x31E, v25;
	v26 =	vsel vm7, $0x81E, v26;
	v27 =	vsel vm7, $0x91E, v27  }
0x4df: {  	v28 =	vsel vm7, $0xA1E, v28;
	v34 =	vsel vm7, $0x926, v34;
	v1 =	vsel vm14, $0xADD, v1  }
0x4e0: {  	v35 =	vsel vm7, $0xA26, v35;
	v36 =	vsel vm7, $0xB26, v36;
	v43 =	vsel vm7, $0xB2E, v43;
	[tilespmem:$0x1F9B0] =	vst v1;
	v1 =	vld [tilespmem:$0x1F230]  }
0x4e1: {  	v45 =	vsel vm7, $0x236, v45;
	v46 =	vsel vm7, $0x336, v46;
	v52 =	vsel vm7, $0x23E, v52  }
0x4e2: {  	v53 =	vsel vm7, $0x33E, v53;
	v54 =	vsel vm7, $0x83E, v54;
	v0 =	vsel vm13, $0x2E4, v0  }
0x4e3: {  	v4 =	vsel vm8, $0x307, v4;
	v5 =	vsel vm8, $0x807, v5;
	v6 =	vsel vm8, $0x907, v6;
	[tilespmem:$0x1F250] =	vst v0;
	v0 =	vld [tilespmem:$0x1EF40]  }
0x4e4: {  	v13 =	vsel vm8, $0x90F, v13;
	v14 =	vsel vm8, $0xA0F, v14;
	v15 =	vsel vm8, $0xB0F, v15  }
0x4e5: {  	v22 =	vsel vm8, $0xB17, v22;
	v24 =	vsel vm8, $0x21F, v24;
	v1 =	vsel vm14, $0xBDD, v1  }
0x4e6: {  	v31 =	vsel vm8, $0x227, v31;
	v32 =	vsel vm8, $0x327, v32;
	v33 =	vsel vm8, $0x827, v33;
	[tilespmem:$0x1F9D0] =	vst v1;
	v1 =	vld [tilespmem:$0x1F240]  }
0x4e7: {  	v40 =	vsel vm8, $0x82F, v40;
	v41 =	vsel vm8, $0x92F, v41;
	v42 =	vsel vm8, $0xA2F, v42  }
0x4e8: {  	v49 =	vsel vm8, $0xA37, v49;
	v50 =	vsel vm8, $0xB37, v50;
	v0 =	vsel vm13, $0x3E4, v0  }
0x4e9: {  	v57 =	vsel vm15, $0xB3A, v57;
	v58 =	vsel vm15, $0x142, v58;
	v59 =	vsel vm15, $0x242, v59;
	[tilespmem:$0x1F260] =	vst v0;
	v0 =	vld [tilespmem:$0x1EF50]  }
0x4ea: {  	v55 =	vsel vm4, $0x93B, v55;
	v56 =	vsel vm4, $0xA3B, v56;
	v7 =	vsel vm8, $0xA07, v7  }
0x4eb: {  	v8 =	vsel vm8, $0xB07, v8;
	v9 =	vsel vm8, $0x10F, v9;
	v1 =	vsel vm14, $0x1E5, v1  }
0x4ec: {  	v10 =	vsel vm8, $0x20F, v10;
	v17 =	vsel vm8, $0x217, v17;
	v18 =	vsel vm8, $0x317, v18;
	[tilespmem:$0x1F9F0] =	vst v1;
	v1 =	vld [tilespmem:$0x1F250]  }
0x4ed: {  	v19 =	vsel vm8, $0x817, v19;
	v25 =	vsel vm8, $0x31F, v25;
	v26 =	vsel vm8, $0x81F, v26  }
0x4ee: {  	v27 =	vsel vm8, $0x91F, v27;
	v28 =	vsel vm8, $0xA1F, v28;
	v0 =	vsel vm13, $0x8E4, v0  }
0x4ef: {  	v34 =	vsel vm8, $0x927, v34;
	v35 =	vsel vm8, $0xA27, v35;
	v36 =	vsel vm8, $0xB27, v36;
	[tilespmem:$0x1F270] =	vst v0;
	v0 =	vld [tilespmem:$0x1EF60]  }
0x4f0: {  	v43 =	vsel vm8, $0xB2F, v43;
	v45 =	vsel vm8, $0x237, v45;
	v46 =	vsel vm8, $0x337, v46  }
0x4f1: {  	v52 =	vsel vm8, $0x23F, v52;
	v53 =	vsel vm8, $0x33F, v53;
	v1 =	vsel vm14, $0x2E5, v1  }
0x4f2: {  	v54 =	vsel vm8, $0x83F, v54;
	v4 =	vsel vm9, $0x380, v4;
	v5 =	vsel vm9, $0x880, v5;
	[tilespmem:$0x1FA00] =	vst v1;
	v1 =	vld [tilespmem:$0x1F260]  }
0x4f3: {  	v6 =	vsel vm9, $0x980, v6;
	v13 =	vsel vm9, $0x988, v13;
	v14 =	vsel vm9, $0xA88, v14  }
0x4f4: {  	v15 =	vsel vm9, $0xB88, v15;
	v22 =	vsel vm9, $0xB90, v22;
	v0 =	vsel vm13, $0x9E4, v0  }
0x4f5: {  	v24 =	vsel vm9, $0x298, v24;
	v31 =	vsel vm9, $0x2A0, v31;
	v32 =	vsel vm9, $0x3A0, v32;
	[tilespmem:$0x1F280] =	vst v0;
	v0 =	vld [tilespmem:$0x1EF70]  }
0x4f6: {  	v33 =	vsel vm9, $0x8A0, v33;
	v40 =	vsel vm9, $0x8A8, v40;
	v41 =	vsel vm9, $0x9A8, v41  }
0x4f7: {  	v42 =	vsel vm9, $0xAA8, v42;
	v49 =	vsel vm9, $0xAB0, v49;
	v1 =	vsel vm14, $0x3E5, v1  }
0x4f8: {  	v50 =	vsel vm9, $0xBB0, v50;
	v60 =	vsel vm15, $0x342, v60;
	v57 =	vsel vm4, $0xB3B, v57;
	[tilespmem:$0x1FA20] =	vst v1;
	v1 =	vld [tilespmem:$0x1F270]  }
0x4f9: {  	v59 =	vsel vm4, $0x243, v59;
	v55 =	vsel vm5, $0x93C, v55;
	v56 =	vsel vm5, $0xA3C, v56  }
0x4fa: {  	v7 =	vsel vm9, $0xA80, v7;
	v8 =	vsel vm9, $0xB80, v8;
	v0 =	vsel vm13, $0xAE4, v0  }
0x4fb: {  	v9 =	vsel vm9, $0x188, v9;
	v10 =	vsel vm9, $0x288, v10;
	v17 =	vsel vm9, $0x290, v17;
	[tilespmem:$0x1F290] =	vst v0;
	v0 =	vld [tilespmem:$0x1EF80]  }
0x4fc: {  	v18 =	vsel vm9, $0x390, v18;
	v19 =	vsel vm9, $0x890, v19;
	v25 =	vsel vm9, $0x398, v25  }
0x4fd: {  	v26 =	vsel vm9, $0x898, v26;
	v27 =	vsel vm9, $0x998, v27;
	v1 =	vsel vm14, $0x8E5, v1  }
0x4fe: {  	v28 =	vsel vm9, $0xA98, v28;
	v34 =	vsel vm9, $0x9A0, v34;
	v35 =	vsel vm9, $0xAA0, v35;
	[tilespmem:$0x1FA40] =	vst v1;
	v1 =	vld [tilespmem:$0x1F280]  }
0x4ff: {  	v36 =	vsel vm9, $0xBA0, v36;
	v43 =	vsel vm9, $0xBA8, v43;
	v45 =	vsel vm9, $0x2B0, v45  }
0x500: {  	v46 =	vsel vm9, $0x3B0, v46;
	v52 =	vsel vm9, $0x2B8, v52;
	v0 =	vsel vm13, $0xBE4, v0  }
0x501: {  	v53 =	vsel vm9, $0x3B8, v53;
	v54 =	vsel vm9, $0x8B8, v54;
	v4 =	vsel vm10, $0x381, v4;
	[tilespmem:$0x1F2A0] =	vst v0;
	v0 =	vld [tilespmem:$0x1EF90]  }
0x502: {  	v5 =	vsel vm10, $0x881, v5;
	v6 =	vsel vm10, $0x981, v6;
	v13 =	vsel vm10, $0x989, v13  }
0x503: {  	v14 =	vsel vm10, $0xA89, v14;
	v15 =	vsel vm10, $0xB89, v15;
	v1 =	vsel vm14, $0x9E5, v1  }
0x504: {  	v22 =	vsel vm10, $0xB91, v22;
	v24 =	vsel vm10, $0x299, v24;
	v31 =	vsel vm10, $0x2A1, v31;
	[tilespmem:$0x1FA60] =	vst v1;
	v1 =	vld [tilespmem:$0x1F290]  }
0x505: {  	v32 =	vsel vm10, $0x3A1, v32;
	v33 =	vsel vm10, $0x8A1, v33;
	v40 =	vsel vm10, $0x8A9, v40  }
0x506: {  	v41 =	vsel vm10, $0x9A9, v41;
	v42 =	vsel vm10, $0xAA9, v42;
	v0 =	vsel vm13, $0x1EC, v0  }
0x507: {  	v49 =	vsel vm10, $0xAB1, v49;
	v50 =	vsel vm10, $0xBB1, v50;
	v60 =	vsel vm4, $0x343, v60;
	[tilespmem:$0x1F2B0] =	vst v0;
	v0 =	vld [tilespmem:$0x1EFA0]  }
0x508: {  	v57 =	vsel vm5, $0xB3C, v57;
	v59 =	vsel vm5, $0x244, v59;
	v55 =	vsel vm6, $0x93D, v55  }
0x509: {  	v56 =	vsel vm6, $0xA3D, v56;
	v7 =	vsel vm10, $0xA81, v7;
	v1 =	vsel vm14, $0xAE5, v1  }
0x50a: {  	v8 =	vsel vm10, $0xB81, v8;
	v9 =	vsel vm10, $0x189, v9;
	v10 =	vsel vm10, $0x289, v10;
	[tilespmem:$0x1FA80] =	vst v1;
	v1 =	vld [tilespmem:$0x1F2A0]  }
0x50b: {  	v17 =	vsel vm10, $0x291, v17;
	v18 =	vsel vm10, $0x391, v18;
	v19 =	vsel vm10, $0x891, v19  }
0x50c: {  	v25 =	vsel vm10, $0x399, v25;
	v26 =	vsel vm10, $0x899, v26;
	v0 =	vsel vm13, $0x2EC, v0  }
0x50d: {  	v27 =	vsel vm10, $0x999, v27;
	v28 =	vsel vm10, $0xA99, v28;
	v34 =	vsel vm10, $0x9A1, v34;
	[tilespmem:$0x1F2C0] =	vst v0;
	v0 =	vld [tilespmem:$0x1EFB0]  }
0x50e: {  	v35 =	vsel vm10, $0xAA1, v35;
	v36 =	vsel vm10, $0xBA1, v36;
	v43 =	vsel vm10, $0xBA9, v43  }
0x50f: {  	v45 =	vsel vm10, $0x2B1, v45;
	v46 =	vsel vm10, $0x3B1, v46;
	v1 =	vsel vm14, $0xBE5, v1  }
0x510: {  	v52 =	vsel vm10, $0x2B9, v52;
	v53 =	vsel vm10, $0x3B9, v53;
	v54 =	vsel vm10, $0x8B9, v54;
	[tilespmem:$0x1FAA0] =	vst v1;
	v1 =	vld [tilespmem:$0x1F2B0]  }
0x511: {  	v4 =	vsel vm11, $0x382, v4;
	v5 =	vsel vm11, $0x882, v5;
	v6 =	vsel vm11, $0x982, v6  }
0x512: {  	v13 =	vsel vm11, $0x98A, v13;
	v14 =	vsel vm11, $0xA8A, v14;
	v0 =	vsel vm13, $0x3EC, v0  }
0x513: {  	v15 =	vsel vm11, $0xB8A, v15;
	v22 =	vsel vm11, $0xB92, v22;
	v24 =	vsel vm11, $0x29A, v24;
	[tilespmem:$0x1F2D0] =	vst v0;
	v0 =	vld [tilespmem:$0x1EFC0]  }
0x514: {  	v31 =	vsel vm11, $0x2A2, v31;
	v32 =	vsel vm11, $0x3A2, v32;
	v33 =	vsel vm11, $0x8A2, v33  }
0x515: {  	v40 =	vsel vm11, $0x8AA, v40;
	v41 =	vsel vm11, $0x9AA, v41;
	v1 =	vsel vm14, $0x1ED, v1  }
0x516: {  	v42 =	vsel vm11, $0xAAA, v42;
	v49 =	vsel vm11, $0xAB2, v49;
	v50 =	vsel vm11, $0xBB2, v50;
	[tilespmem:$0x1FAC0] =	vst v1;
	v1 =	vld [tilespmem:$0x1F2C0]  }
0x517: {  	v60 =	vsel vm5, $0x344, v60;
	v57 =	vsel vm6, $0xB3D, v57;
	v59 =	vsel vm6, $0x245, v59  }
0x518: {  	v55 =	vsel vm7, $0x93E, v55;
	v56 =	vsel vm7, $0xA3E, v56;
	v0 =	vsel vm13, $0x8EC, v0  }
0x519: {  	v7 =	vsel vm11, $0xA82, v7;
	v8 =	vsel vm11, $0xB82, v8;
	v9 =	vsel vm11, $0x18A, v9;
	[tilespmem:$0x1F2E0] =	vst v0;
	v0 =	vld [tilespmem:$0x1EFD0]  }
0x51a: {  	v10 =	vsel vm11, $0x28A, v10;
	v17 =	vsel vm11, $0x292, v17;
	v18 =	vsel vm11, $0x392, v18  }
0x51b: {  	v19 =	vsel vm11, $0x892, v19;
	v25 =	vsel vm11, $0x39A, v25;
	v1 =	vsel vm14, $0x2ED, v1  }
0x51c: {  	v26 =	vsel vm11, $0x89A, v26;
	v27 =	vsel vm11, $0x99A, v27;
	v28 =	vsel vm11, $0xA9A, v28;
	[tilespmem:$0x1FAD0] =	vst v1;
	v1 =	vld [tilespmem:$0x1F2D0]  }
0x51d: {  	v34 =	vsel vm11, $0x9A2, v34;
	v35 =	vsel vm11, $0xAA2, v35;
	v36 =	vsel vm11, $0xBA2, v36  }
0x51e: {  	v43 =	vsel vm11, $0xBAA, v43;
	v45 =	vsel vm11, $0x2B2, v45;
	v0 =	vsel vm13, $0x9EC, v0  }
0x51f: {  	v46 =	vsel vm11, $0x3B2, v46;
	v52 =	vsel vm11, $0x2BA, v52;
	v53 =	vsel vm11, $0x3BA, v53;
	[tilespmem:$0x1F2F0] =	vst v0;
	v0 =	vld [tilespmem:$0x1EFE0]  }
0x520: {  	v54 =	vsel vm11, $0x8BA, v54;
	v4 =	vsel vm12, $0x383, v4;
	v5 =	vsel vm12, $0x883, v5  }
0x521: {  	v6 =	vsel vm12, $0x983, v6;
	v13 =	vsel vm12, $0x98B, v13;
	v1 =	vsel vm14, $0x3ED, v1  }
0x522: {  	v14 =	vsel vm12, $0xA8B, v14;
	v15 =	vsel vm12, $0xB8B, v15;
	v22 =	vsel vm12, $0xB93, v22;
	[tilespmem:$0x1FAF0] =	vst v1;
	v1 =	vld [tilespmem:$0x1F2E0]  }
0x523: {  	v24 =	vsel vm12, $0x29B, v24;
	v31 =	vsel vm12, $0x2A3, v31;
	v32 =	vsel vm12, $0x3A3, v32  }
0x524: {  	v33 =	vsel vm12, $0x8A3, v33;
	v40 =	vsel vm12, $0x8AB, v40;
	v0 =	vsel vm13, $0xAEC, v0  }
0x525: {  	v41 =	vsel vm12, $0x9AB, v41;
	v42 =	vsel vm12, $0xAAB, v42;
	v49 =	vsel vm12, $0xAB3, v49;
	[tilespmem:$0x1F300] =	vst v0;
	v0 =	vld [tilespmem:$0x1EFF0]  }
0x526: {  	v50 =	vsel vm12, $0xBB3, v50;
	v60 =	vsel vm6, $0x345, v60;
	v57 =	vsel vm7, $0xB3E, v57  }
0x527: {  	v59 =	vsel vm7, $0x246, v59;
	v55 =	vsel vm8, $0x93F, v55;
	v1 =	vsel vm14, $0x8ED, v1  }
0x528: {  	v56 =	vsel vm8, $0xA3F, v56;
	v7 =	vsel vm12, $0xA83, v7;
	v8 =	vsel vm12, $0xB83, v8;
	[tilespmem:$0x1FB10] =	vst v1;
	v1 =	vld [tilespmem:$0x1F2F0]  }
0x529: {  	v9 =	vsel vm12, $0x18B, v9;
	v10 =	vsel vm12, $0x28B, v10;
	v17 =	vsel vm12, $0x293, v17  }
0x52a: {  	v18 =	vsel vm12, $0x393, v18;
	v19 =	vsel vm12, $0x893, v19;
	v0 =	vsel vm13, $0xBEC, v0  }
0x52b: {  	v25 =	vsel vm12, $0x39B, v25;
	v26 =	vsel vm12, $0x89B, v26;
	v27 =	vsel vm12, $0x99B, v27;
	[tilespmem:$0x1F310] =	vst v0;
	v0 =	vld [tilespmem:$0x1F000]  }
0x52c: {  	v28 =	vsel vm12, $0xA9B, v28;
	v34 =	vsel vm12, $0x9A3, v34;
	v35 =	vsel vm12, $0xAA3, v35  }
0x52d: {  	v61 =	vsel vm15, $0x842, v61;
	v62 =	vsel vm15, $0x942, v62;
	v1 =	vsel vm14, $0x9ED, v1  }
0x52e: {  	v63 =	vsel vm15, $0xA42, v63;
	v2 =	vsel vm14, $0x185, v2;
	vm15 =	vcmask $0x3B38;
	[tilespmem:$0x1FB30] =	vst v1;
	v1 =	vld [tilespmem:$0x1F300]  }
0x52f: {  	v36 =	vsel vm12, $0xBA3, v36;
	v4 =	vsel vm13, $0x384, v4;
	v2 =	vsel vm15, $0x186, v2  }
0x530: {  	v5 =	vsel vm13, $0x884, v5;
	v4 =	vsel vm14, $0x385, v4;
	[tilespmem:$0x1F3F0] =	vst v2;
	v0 =	vsel vm13, $0x1F4, v0  }
0x531: {  	v43 =	vsel vm12, $0xBAB, v43;
	v5 =	vsel vm14, $0x885, v5;
	v4 =	vsel vm15, $0x386, v4;
	[tilespmem:$0x1F320] =	vst v0;
	v0 =	vld [tilespmem:$0x1F010]  }
0x532: {  	v45 =	vsel vm12, $0x2B3, v45;
	v6 =	vsel vm13, $0x984, v6;
	v5 =	vsel vm15, $0x886, v5;
	[tilespmem:$0x1F410] =	vst v4  }
0x533: {  	v7 =	vsel vm13, $0xA84, v7;
	v6 =	vsel vm14, $0x985, v6;
	[tilespmem:$0x1F420] =	vst v5;
	v1 =	vsel vm14, $0xAED, v1  }
0x534: {  	v46 =	vsel vm12, $0x3B3, v46;
	v7 =	vsel vm14, $0xA85, v7;
	v6 =	vsel vm15, $0x986, v6;
	[tilespmem:$0x1FB50] =	vst v1;
	v1 =	vld [tilespmem:$0x1F310]  }
0x535: {  	v52 =	vsel vm12, $0x2BB, v52;
	v8 =	vsel vm13, $0xB84, v8;
	v7 =	vsel vm15, $0xA86, v7;
	[tilespmem:$0x1F430] =	vst v6  }
0x536: {  	v9 =	vsel vm13, $0x18C, v9;
	v8 =	vsel vm14, $0xB85, v8;
	[tilespmem:$0x1F440] =	vst v7;
	v0 =	vsel vm13, $0x2F4, v0  }
0x537: {  	v53 =	vsel vm12, $0x3BB, v53;
	v9 =	vsel vm14, $0x18D, v9;
	v8 =	vsel vm15, $0xB86, v8;
	[tilespmem:$0x1F330] =	vst v0;
	v0 =	vld [tilespmem:$0x1F020]  }
0x538: {  	v54 =	vsel vm12, $0x8BB, v54;
	v10 =	vsel vm13, $0x28C, v10;
	v9 =	vsel vm15, $0x18E, v9;
	[tilespmem:$0x1F450] =	vst v8  }
0x539: {  	v13 =	vsel vm13, $0x98C, v13;
	v10 =	vsel vm14, $0x28D, v10;
	[tilespmem:$0x1F460] =	vst v9;
	v1 =	vsel vm14, $0xBED, v1  }
0x53a: {  	v14 =	vsel vm13, $0xA8C, v14;
	v11 =	vsel vm14, $0x38D, v11;
	v10 =	vsel vm15, $0x28E, v10;
	[tilespmem:$0x1FB70] =	vst v1;
	v1 =	vld [tilespmem:$0x1F320]  }
0x53b: {  	v15 =	vsel vm13, $0xB8C, v15;
	v22 =	vsel vm13, $0xB94, v22;
	v11 =	vsel vm15, $0x38E, v11;
	[tilespmem:$0x1F470] =	vst v10  }
0x53c: {  	v24 =	vsel vm13, $0x29C, v24;
	v12 =	vsel vm14, $0x88D, v12;
	[tilespmem:$0x1F480] =	vst v11;
	v0 =	vsel vm13, $0x3F4, v0  }
0x53d: {  	v31 =	vsel vm13, $0x2A4, v31;
	v13 =	vsel vm14, $0x98D, v13;
	v12 =	vsel vm15, $0x88E, v12;
	[tilespmem:$0x1F340] =	vst v0;
	v0 =	vld [tilespmem:$0x1F030]  }
0x53e: {  	v32 =	vsel vm13, $0x3A4, v32;
	v33 =	vsel vm13, $0x8A4, v33;
	v13 =	vsel vm15, $0x98E, v13;
	[tilespmem:$0x1F490] =	vst v12  }
0x53f: {  	v40 =	vsel vm13, $0x8AC, v40;
	v14 =	vsel vm14, $0xA8D, v14;
	[tilespmem:$0x1F4A0] =	vst v13;
	v1 =	vsel vm14, $0x1F5, v1  }
0x540: {  	v41 =	vsel vm13, $0x9AC, v41;
	v15 =	vsel vm14, $0xB8D, v15;
	v14 =	vsel vm15, $0xA8E, v14;
	[tilespmem:$0x1FB90] =	vst v1;
	v1 =	vld [tilespmem:$0x1F330]  }
0x541: {  	v42 =	vsel vm13, $0xAAC, v42;
	v17 =	vsel vm13, $0x294, v17;
	v15 =	vsel vm15, $0xB8E, v15;
	[tilespmem:$0x1F4B0] =	vst v14  }
0x542: {  	v18 =	vsel vm13, $0x394, v18;
	v17 =	vsel vm14, $0x295, v17;
	[tilespmem:$0x1F4C0] =	vst v15;
	v0 =	vsel vm13, $0x8F4, v0  }
0x543: {  	v49 =	vsel vm13, $0xAB4, v49;
	v18 =	vsel vm14, $0x395, v18;
	v17 =	vsel vm15, $0x296, v17;
	[tilespmem:$0x1F350] =	vst v0;
	v0 =	vld [tilespmem:$0x1F040]  }
0x544: {  	v50 =	vsel vm13, $0xBB4, v50;
	v19 =	vsel vm13, $0x894, v19;
	v18 =	vsel vm15, $0x396, v18;
	[tilespmem:$0x1F4D0] =	vst v17  }
0x545: {  	v60 =	vsel vm7, $0x346, v60;
	v19 =	vsel vm14, $0x895, v19;
	[tilespmem:$0x1F4E0] =	vst v18;
	v1 =	vsel vm14, $0x2F5, v1  }
0x546: {  	v57 =	vsel vm8, $0xB3F, v57;
	v20 =	vsel vm14, $0x995, v20;
	v19 =	vsel vm15, $0x896, v19;
	[tilespmem:$0x1FBA0] =	vst v1;
	v1 =	vld [tilespmem:$0x1F340]  }
0x547: {  	v59 =	vsel vm8, $0x247, v59;
	v55 =	vsel vm9, $0x9B8, v55;
	v20 =	vsel vm15, $0x996, v20;
	[tilespmem:$0x1F4F0] =	vst v19  }
0x548: {  	v56 =	vsel vm9, $0xAB8, v56;
	v21 =	vsel vm14, $0xA95, v21;
	[tilespmem:$0x1F500] =	vst v20;
	v0 =	vsel vm13, $0x9F4, v0  }
0x549: {  	v25 =	vsel vm13, $0x39C, v25;
	v22 =	vsel vm14, $0xB95, v22;
	v21 =	vsel vm15, $0xA96, v21;
	[tilespmem:$0x1F360] =	vst v0;
	v0 =	vld [tilespmem:$0x1F050]  }
0x54a: {  	v26 =	vsel vm13, $0x89C, v26;
	v27 =	vsel vm13, $0x99C, v27;
	v22 =	vsel vm15, $0xB96, v22;
	[tilespmem:$0x1F510] =	vst v21  }
0x54b: {  	v28 =	vsel vm13, $0xA9C, v28;
	v24 =	vsel vm14, $0x29D, v24;
	[tilespmem:$0x1F520] =	vst v22;
	v1 =	vsel vm14, $0x3F5, v1  }
0x54c: {  	v34 =	vsel vm13, $0x9A4, v34;
	v25 =	vsel vm14, $0x39D, v25;
	v24 =	vsel vm15, $0x29E, v24;
	[tilespmem:$0x1FBC0] =	vst v1;
	v1 =	vld [tilespmem:$0x1F350]  }
0x54d: {  	v35 =	vsel vm13, $0xAA4, v35;
	v36 =	vsel vm13, $0xBA4, v36;
	v25 =	vsel vm15, $0x39E, v25;
	[tilespmem:$0x1F530] =	vst v24  }
0x54e: {  	v43 =	vsel vm13, $0xBAC, v43;
	v26 =	vsel vm14, $0x89D, v26;
	[tilespmem:$0x1F540] =	vst v25;
	v0 =	vsel vm13, $0xAF4, v0  }
0x54f: {  	v45 =	vsel vm13, $0x2B4, v45;
	v27 =	vsel vm14, $0x99D, v27;
	v26 =	vsel vm15, $0x89E, v26;
	[tilespmem:$0x1F370] =	vst v0;
	v0 =	vld [tilespmem:$0x1F060]  }
0x550: {  	v46 =	vsel vm13, $0x3B4, v46;
	v52 =	vsel vm13, $0x2BC, v52;
	v27 =	vsel vm15, $0x99E, v27;
	[tilespmem:$0x1F550] =	vst v26  }
0x551: {  	v53 =	vsel vm13, $0x3BC, v53;
	v28 =	vsel vm14, $0xA9D, v28;
	[tilespmem:$0x1F560] =	vst v27;
	v1 =	vsel vm14, $0x8F5, v1  }
0x552: {  	v54 =	vsel vm13, $0x8BC, v54;
	v29 =	vsel vm14, $0xB9D, v29;
	v28 =	vsel vm15, $0xA9E, v28;
	[tilespmem:$0x1FBE0] =	vst v1;
	v1 =	vld [tilespmem:$0x1F360]  }
0x553: {  	v60 =	vsel vm8, $0x347, v60;
	v57 =	vsel vm9, $0xBB8, v57;
	v29 =	vsel vm15, $0xB9E, v29;
	[tilespmem:$0x1F570] =	vst v28  }
0x554: {  	v59 =	vsel vm9, $0x2C0, v59;
	v31 =	vsel vm14, $0x2A5, v31;
	[tilespmem:$0x1F580] =	vst v29;
	v0 =	vsel vm13, $0xBF4, v0  }
0x555: {  	v55 =	vsel vm10, $0x9B9, v55;
	v32 =	vsel vm14, $0x3A5, v32;
	v31 =	vsel vm15, $0x2A6, v31;
	[tilespmem:$0x1F380] =	vst v0;
	v0 =	vld [tilespmem:$0x1F070]  }
0x556: {  	v56 =	vsel vm10, $0xAB9, v56;
	v61 =	vsel vm4, $0x843, v61;
	v32 =	vsel vm15, $0x3A6, v32;
	[tilespmem:$0x1F590] =	vst v31  }
0x557: {  	v60 =	vsel vm9, $0x3C0, v60;
	v33 =	vsel vm14, $0x8A5, v33;
	[tilespmem:$0x1F5A0] =	vst v32;
	v1 =	vsel vm14, $0x9F5, v1  }
0x558: {  	v57 =	vsel vm10, $0xBB9, v57;
	v3 =	vsel vm14, $0x285, v3;
	v33 =	vsel vm15, $0x8A6, v33;
	[tilespmem:$0x1FC00] =	vst v1;
	v1 =	vld [tilespmem:$0x1F370]  }
0x559: {  	v59 =	vsel vm10, $0x2C1, v59;
	v55 =	vsel vm11, $0x9BA, v55;
	v2 =	vsel vm15, $0x286, v3;
	[tilespmem:$0x1F5B0] =	vst v33  }
0x55a: {  	v56 =	vsel vm11, $0xABA, v56;
	v34 =	vsel vm14, $0x9A5, v34;
	[tilespmem:$0x1F400] =	vst v2;
	v0 =	vsel vm13, $0x1FC, v0  }
0x55b: {  	v61 =	vsel vm5, $0x844, v61;
	v35 =	vsel vm14, $0xAA5, v35;
	v4 =	vsel vm15, $0x9A6, v34;
	[tilespmem:$0x1F390] =	vst v0;
	v0 =	vld [tilespmem:$0x1F080]  }
0x55c: {  	v60 =	vsel vm10, $0x3C1, v60;
	v57 =	vsel vm11, $0xBBA, v57;
	v5 =	vsel vm15, $0xAA6, v35;
	[tilespmem:$0x1F5C0] =	vst v4  }
0x55d: {  	v59 =	vsel vm11, $0x2C2, v59;
	v36 =	vsel vm14, $0xBA5, v36;
	[tilespmem:$0x1F5D0] =	vst v5;
	v1 =	vsel vm14, $0xAF5, v1  }
0x55e: {  	v55 =	vsel vm12, $0x9BB, v55;
	v38 =	vsel vm14, $0x2AD, v38;
	v6 =	vsel vm15, $0xBA6, v36;
	[tilespmem:$0x1FC20] =	vst v1;
	v1 =	vld [tilespmem:$0x1F380]  }
0x55f: {  	v56 =	vsel vm12, $0xABB, v56;
	v61 =	vsel vm6, $0x845, v61;
	v7 =	vsel vm15, $0x2AE, v38;
	[tilespmem:$0x1F5E0] =	vst v6  }
0x560: {  	v60 =	vsel vm11, $0x3C2, v60;
	v39 =	vsel vm14, $0x3AD, v39;
	[tilespmem:$0x1F5F0] =	vst v7;
	v0 =	vsel vm13, $0x2FC, v0  }
0x561: {  	v57 =	vsel vm12, $0xBBB, v57;
	v40 =	vsel vm14, $0x8AD, v40;
	v8 =	vsel vm15, $0x3AE, v39;
	[tilespmem:$0x1F3A0] =	vst v0;
	v0 =	vld [tilespmem:$0x1F090]  }
0x562: {  	v59 =	vsel vm12, $0x2C3, v59;
	v55 =	vsel vm13, $0x9BC, v55;
	v9 =	vsel vm15, $0x8AE, v40;
	[tilespmem:$0x1F600] =	vst v8  }
0x563: {  	v56 =	vsel vm13, $0xABC, v56;
	v41 =	vsel vm14, $0x9AD, v41;
	[tilespmem:$0x1F610] =	vst v9;
	v1 =	vsel vm14, $0xBF5, v1  }
0x564: {  	v61 =	vsel vm7, $0x846, v61;
	v42 =	vsel vm14, $0xAAD, v42;
	v10 =	vsel vm15, $0x9AE, v41;
	[tilespmem:$0x1FC40] =	vst v1;
	v1 =	vld [tilespmem:$0x1F390]  }
0x565: {  	v60 =	vsel vm12, $0x3C3, v60;
	v57 =	vsel vm13, $0xBBC, v57;
	v11 =	vsel vm15, $0xAAE, v42;
	[tilespmem:$0x1F620] =	vst v10  }
0x566: {  	v59 =	vsel vm13, $0x2C4, v59;
	v43 =	vsel vm14, $0xBAD, v43;
	[tilespmem:$0x1F630] =	vst v11;
	v0 =	vsel vm13, $0x3FC, v0  }
0x567: {  	v61 =	vsel vm8, $0x847, v61;
	v45 =	vsel vm14, $0x2B5, v45;
	v12 =	vsel vm15, $0xBAE, v43;
	[tilespmem:$0x1F3B0] =	vst v0;
	v0 =	vld [tilespmem:$0x1F0A0]  }
0x568: {  	v60 =	vsel vm13, $0x3C4, v60;
	v62 =	vsel vm4, $0x943, v62;
	v13 =	vsel vm15, $0x2B6, v45;
	[tilespmem:$0x1F640] =	vst v12  }
0x569: {  	v61 =	vsel vm9, $0x8C0, v61;
	v46 =	vsel vm14, $0x3B5, v46;
	[tilespmem:$0x1F650] =	vst v13;
	v1 =	vsel vm14, $0x1FD, v1  }
0x56a: {  	v62 =	vsel vm5, $0x944, v62;
	v47 =	vsel vm14, $0x8B5, v47;
	v14 =	vsel vm15, $0x3B6, v46;
	[tilespmem:$0x1FC60] =	vst v1;
	v1 =	vld [tilespmem:$0x1F3A0]  }
0x56b: {  	v61 =	vsel vm10, $0x8C1, v61;
	v62 =	vsel vm6, $0x945, v62;
	v15 =	vsel vm15, $0x8B6, v47;
	[tilespmem:$0x1F660] =	vst v14  }
0x56c: {  	v61 =	vsel vm11, $0x8C2, v61;
	v48 =	vsel vm14, $0x9B5, v48;
	[tilespmem:$0x1F670] =	vst v15;
	v0 =	vsel vm13, $0x8FC, v0  }
0x56d: {  	v62 =	vsel vm7, $0x946, v62;
	v49 =	vsel vm14, $0xAB5, v49;
	v17 =	vsel vm15, $0x9B6, v48;
	[tilespmem:$0x1F3C0] =	vst v0;
	v0 =	vld [tilespmem:$0x1F0B0]  }
0x56e: {  	v61 =	vsel vm12, $0x8C3, v61;
	v62 =	vsel vm8, $0x947, v62;
	v18 =	vsel vm15, $0xAB6, v49;
	[tilespmem:$0x1F680] =	vst v17  }
0x56f: {  	v61 =	vsel vm13, $0x8C4, v61;
	v50 =	vsel vm14, $0xBB5, v50;
	[tilespmem:$0x1F690] =	vst v18;
	v1 =	vsel vm14, $0x2FD, v1  }
0x570: {  	v63 =	vsel vm4, $0xA43, v63;
	v52 =	vsel vm14, $0x2BD, v52;
	v19 =	vsel vm15, $0xBB6, v50;
	[tilespmem:$0x1FC70] =	vst v1;
	v1 =	vld [tilespmem:$0x1F3B0]  }
0x571: {  	v62 =	vsel vm9, $0x9C0, v62;
	v63 =	vsel vm5, $0xA44, v63;
	v24 =	vsel vm15, $0x2BE, v52;
	[tilespmem:$0x1F6A0] =	vst v19  }
0x572: {  	v62 =	vsel vm10, $0x9C1, v62;
	v53 =	vsel vm14, $0x3BD, v53;
	[tilespmem:$0x1F6B0] =	vst v24;
	v0 =	vsel vm13, $0x9FC, v0  }
0x573: {  	v63 =	vsel vm6, $0xA45, v63;
	v54 =	vsel vm14, $0x8BD, v54;
	v25 =	vsel vm15, $0x3BE, v53;
	[tilespmem:$0x1F3D0] =	vst v0;
	v0 =	vld [tilespmem:$0x1F0C0]  }
0x574: {  	v62 =	vsel vm11, $0x9C2, v62;
	v63 =	vsel vm7, $0xA46, v63;
	v26 =	vsel vm15, $0x8BE, v54;
	[tilespmem:$0x1F6C0] =	vst v25  }
0x575: {  	v62 =	vsel vm12, $0x9C3, v62;
	v55 =	vsel vm14, $0x9BD, v55;
	[tilespmem:$0x1F6D0] =	vst v26;
	v1 =	vsel vm14, $0x3FD, v1  }
0x576: {  	v63 =	vsel vm8, $0xA47, v63;
	v56 =	vsel vm14, $0xABD, v56;
	v27 =	vsel vm15, $0x9BE, v55;
	[tilespmem:$0x1FC90] =	vst v1;
	v1 =	vld [tilespmem:$0x1F3C0]  }
0x577: {  	v62 =	vsel vm13, $0x9C4, v62;
	v57 =	vsel vm14, $0xBBD, v57;
	v28 =	vsel vm15, $0xABE, v56;
	[tilespmem:$0x1F6E0] =	vst v27  }
0x578: {  	v63 =	vsel vm9, $0xAC0, v63;
	v29 =	vsel vm15, $0xBBE, v57;
	[tilespmem:$0x1F6F0] =	vst v28;
	v0 =	vsel vm13, $0xAFC, v0  }
0x579: {  	v30 =	vsel vm14, $0x1A5, v30;
	v59 =	vsel vm14, $0x2C5, v59;
	[tilespmem:$0x1F700] =	vst v29;
	v0 =	vsel vm14, $0xAFD, v0  }
0x57a: {  	v63 =	vsel vm10, $0xAC1, v63;
	v21 =	vsel vm15, $0x1A6, v30;
	v30 =	vsel vm15, $0x2C6, v59;
	[tilespmem:$0x1FCF0] =	vst v0;
	v0 =	vld [tilespmem:$0x1F3E0]  }
0x57b: {  	v63 =	vsel vm11, $0xAC2, v63;
	v60 =	vsel vm14, $0x3C5, v60;
	[tilespmem:$0x1F710] =	vst v30;
	v35 =	vld [tilespmem:$0x1F760];
	v1 =	vsel vm14, $0x8FD, v1  }
0x57c: {  	v63 =	vsel vm12, $0xAC3, v63;
	v61 =	vsel vm14, $0x8C5, v61;
	v31 =	vsel vm15, $0x3C6, v60;
	[tilespmem:$0x1FCB0] =	vst v1;
	v1 =	vld [tilespmem:$0x1F3D0]  }
0x57d: {  	v63 =	vsel vm13, $0xAC4, v63;
	v62 =	vsel vm14, $0x9C5, v62;
	v32 =	vsel vm15, $0x8C6, v61;
	[tilespmem:$0x1F720] =	vst v31;
	v38 =	vld [tilespmem:$0x1F790]  }
0x57e: {  	v23 =	vsel vm4, $0x11B, v23;
	v63 =	vsel vm14, $0xAC5, v63;
	v33 =	vsel vm15, $0x9C6, v62;
	[tilespmem:$0x1F730] =	vst v32;
	v39 =	vld [tilespmem:$0x1F7B0]  }
0x57f: {  	v51 =	vsel vm4, $0x13B, v51;
	v16 =	vsel vm4, $0x113, v16;
	v34 =	vsel vm15, $0xAC6, v63;
	[tilespmem:$0x1F740] =	vst v33;
	v40 =	vld [tilespmem:$0x1F7D0]  }
0x580: {  	v37 =	vsel vm4, $0x12B, v37;
	v44 =	vsel vm4, $0x133, v44;
	[tilespmem:$0x1F750] =	vst v34;
	v36 =	vsel vm15, $0xBC6, v35;
	v41 =	vld [tilespmem:$0x1F7F0]  }
0x581: {  	v23 =	vsel vm5, $0x11C, v23;
	v51 =	vsel vm5, $0x13C, v51;
	[tilespmem:$0x1F770] =	vst v36;
	v42 =	vld [tilespmem:$0x1F810];
	v1 =	vsel vm14, $0x9FD, v1  }
0x582: {  	v16 =	vsel vm5, $0x114, v16;
	v37 =	vsel vm5, $0x12C, v37;
	v43 =	vld [tilespmem:$0x1F830];
	[tilespmem:$0x1FCD0] =	vst v1;
	v1 =	vsel vm15, $0x2CE, v38  }
0x583: {  	v44 =	vsel vm5, $0x134, v44;
	v23 =	vsel vm6, $0x11D, v23;
	v45 =	vld [tilespmem:$0x1F860];
	[tilespmem:$0x1F7A0] =	vst v1;
	v1 =	vsel vm15, $0x3CE, v39  }
0x584: {  	v51 =	vsel vm6, $0x13D, v51;
	v16 =	vsel vm6, $0x115, v16;
	v46 =	vld [tilespmem:$0x1F880];
	[tilespmem:$0x1F7C0] =	vst v1;
	v1 =	vsel vm15, $0x8CE, v40  }
0x585: {  	v37 =	vsel vm6, $0x12D, v37;
	v44 =	vsel vm6, $0x135, v44;
	v47 =	vld [tilespmem:$0x1F8A0];
	[tilespmem:$0x1F7E0] =	vst v1;
	v1 =	vsel vm15, $0x9CE, v41  }
0x586: {  	v23 =	vsel vm7, $0x11E, v23;
	v51 =	vsel vm7, $0x13E, v51;
	v48 =	vld [tilespmem:$0x1F8C0];
	[tilespmem:$0x1F800] =	vst v1;
	v1 =	vsel vm15, $0xACE, v42  }
0x587: {  	v16 =	vsel vm7, $0x116, v16;
	v37 =	vsel vm7, $0x12E, v37;
	v49 =	vld [tilespmem:$0x1F8E0];
	[tilespmem:$0x1F820] =	vst v1;
	v1 =	vsel vm15, $0xBCE, v43  }
0x588: {  	v44 =	vsel vm7, $0x136, v44;
	v23 =	vsel vm8, $0x11F, v23;
	v50 =	vld [tilespmem:$0x1F900];
	[tilespmem:$0x1F840] =	vst v1;
	v1 =	vsel vm15, $0x2D6, v45  }
0x589: {  	v51 =	vsel vm8, $0x13F, v51;
	v16 =	vsel vm8, $0x117, v16;
	v52 =	vld [tilespmem:$0x1F930];
	[tilespmem:$0x1F870] =	vst v1;
	v1 =	vsel vm15, $0x3D6, v46  }
0x58a: {  	v37 =	vsel vm8, $0x12F, v37;
	v44 =	vsel vm8, $0x137, v44;
	v53 =	vld [tilespmem:$0x1F950];
	[tilespmem:$0x1F890] =	vst v1;
	v1 =	vsel vm15, $0x8D6, v47  }
0x58b: {  	v23 =	vsel vm9, $0x198, v23;
	v51 =	vsel vm9, $0x1B8, v51;
	v54 =	vld [tilespmem:$0x1F970];
	[tilespmem:$0x1F8B0] =	vst v1;
	v1 =	vsel vm15, $0x9D6, v48  }
0x58c: {  	v58 =	vsel vm4, $0x143, v58;
	v16 =	vsel vm9, $0x190, v16;
	v55 =	vld [tilespmem:$0x1F990];
	[tilespmem:$0x1F8D0] =	vst v1;
	v1 =	vsel vm15, $0xAD6, v49  }
0x58d: {  	v37 =	vsel vm9, $0x1A8, v37;
	v44 =	vsel vm9, $0x1B0, v44;
	v56 =	vld [tilespmem:$0x1F9B0];
	[tilespmem:$0x1F8F0] =	vst v1;
	v1 =	vsel vm15, $0xBD6, v50  }
0x58e: {  	v23 =	vsel vm10, $0x199, v23;
	v51 =	vsel vm10, $0x1B9, v51;
	v57 =	vld [tilespmem:$0x1F9D0];
	[tilespmem:$0x1F910] =	vst v1;
	v1 =	vsel vm15, $0x2DE, v52  }
0x58f: {  	v58 =	vsel vm5, $0x144, v58;
	v16 =	vsel vm10, $0x191, v16;
	v59 =	vld [tilespmem:$0x1FA00];
	[tilespmem:$0x1F940] =	vst v1;
	v1 =	vsel vm15, $0x3DE, v53  }
0x590: {  	v37 =	vsel vm10, $0x1A9, v37;
	v44 =	vsel vm10, $0x1B1, v44;
	v60 =	vld [tilespmem:$0x1FA20];
	[tilespmem:$0x1F960] =	vst v1;
	v1 =	vsel vm15, $0x8DE, v54  }
0x591: {  	v23 =	vsel vm11, $0x19A, v23;
	v51 =	vsel vm11, $0x1BA, v51;
	v61 =	vld [tilespmem:$0x1FA40];
	[tilespmem:$0x1F980] =	vst v1;
	v1 =	vsel vm15, $0x9DE, v55  }
0x592: {  	v58 =	vsel vm6, $0x145, v58;
	v16 =	vsel vm11, $0x192, v16;
	v62 =	vld [tilespmem:$0x1FA60];
	[tilespmem:$0x1F9A0] =	vst v1;
	v1 =	vsel vm15, $0xADE, v56  }
0x593: {  	v37 =	vsel vm11, $0x1AA, v37;
	v44 =	vsel vm11, $0x1B2, v44;
	v63 =	vld [tilespmem:$0x1FA80];
	[tilespmem:$0x1F9C0] =	vst v1;
	v1 =	vsel vm15, $0xBDE, v57  }
0x594: {  	v23 =	vsel vm12, $0x19B, v23;
	v51 =	vsel vm12, $0x1BB, v51;
	v8 =	vld [tilespmem:$0x1FAA0];
	[tilespmem:$0x1F9E0] =	vst v1;
	v1 =	vsel vm15, $0x2E6, v59  }
0x595: {  	v58 =	vsel vm7, $0x146, v58;
	v16 =	vsel vm12, $0x193, v16;
	v10 =	vld [tilespmem:$0x1FAD0];
	[tilespmem:$0x1FA10] =	vst v1;
	v1 =	vsel vm15, $0x3E6, v60  }
0x596: {  	v37 =	vsel vm12, $0x1AB, v37;
	v44 =	vsel vm12, $0x1B3, v44;
	v11 =	vld [tilespmem:$0x1FAF0];
	[tilespmem:$0x1FA30] =	vst v1;
	v1 =	vsel vm15, $0x8E6, v61  }
0x597: {  	v23 =	vsel vm13, $0x19C, v23;
	v58 =	vsel vm8, $0x147, v58;
	v12 =	vld [tilespmem:$0x1FB10];
	[tilespmem:$0x1FA50] =	vst v1;
	v1 =	vsel vm15, $0x9E6, v62  }
0x598: {  	v51 =	vsel vm13, $0x1BC, v51;
	v58 =	vsel vm9, $0x1C0, v58;
	v13 =	vld [tilespmem:$0x1FB30];
	[tilespmem:$0x1FA70] =	vst v1;
	v1 =	vsel vm15, $0xAE6, v63  }
0x599: {  	v16 =	vsel vm13, $0x194, v16;
	v58 =	vsel vm10, $0x1C1, v58;
	v14 =	vld [tilespmem:$0x1FB50];
	[tilespmem:$0x1FA90] =	vst v1;
	v1 =	vsel vm15, $0xBE6, v8  }
0x59a: {  	v37 =	vsel vm13, $0x1AC, v37;
	v58 =	vsel vm11, $0x1C2, v58;
	v15 =	vld [tilespmem:$0x1FB70];
	[tilespmem:$0x1FAB0] =	vst v1;
	v1 =	vsel vm15, $0x2EE, v10  }
0x59b: {  	v44 =	vsel vm13, $0x1B4, v44;
	v58 =	vsel vm12, $0x1C3, v58;
	v18 =	vld [tilespmem:$0x1FBA0];
	[tilespmem:$0x1FAE0] =	vst v1;
	v1 =	vsel vm15, $0x3EE, v11  }
0x59c: {  	v58 =	vsel vm13, $0x1C4, v58;
	v23 =	vsel vm14, $0x19D, v23;
	v19 =	vld [tilespmem:$0x1FBC0];
	[tilespmem:$0x1FB00] =	vst v1;
	v1 =	vsel vm15, $0x8EE, v12  }
0x59d: {  	v37 =	vsel vm14, $0x1AD, v37;
	v44 =	vsel vm14, $0x1B5, v44;
	[tilespmem:$0x1FB20] =	vst v1;
	v1 =	vsel vm15, $0x9EE, v13  }
0x59e: {  	s4 =	simm.s32 $0x0;
	v51 =	vsel vm14, $0x1BD, v51;
	v22 =	vsel vm15, $0x1AE, v37;
	v37 =	vld [tilespmem:$0x1F780];
	[tilespmem:$0x1FB40] =	vst v1;
	v1 =	vsel vm15, $0xAEE, v14  }
0x59f: {  	v20 =	vsel vm15, $0x19E, v23;
	v23 =	vsel vm15, $0x1B6, v44;
	[smem:$0x7FF] =	sst s4;
	v44 =	vld [tilespmem:$0x1F850];
	[tilespmem:$0x1FB60] =	vst v1;
	v1 =	vsel vm15, $0xBEE, v15  }
0x5a0: {  	v58 =	vsel vm14, $0x1C5, v58;
	v2 =	vsel vm15, $0x1BE, v51;
	s0 =	rddreg [dreg:$0x0];
	v51 =	vld [tilespmem:$0x1F920];
	[tilespmem:$0x1FB80] =	vst v1;
	v1 =	vsel vm15, $0x2F6, v18  }
0x5a1: {  	v3 =	vsel vm15, $0x1C6, v58;
	s7 =	rddreg [dreg:$0x1];
	v0 =	vsel vm14, $0xBFD, v0;
	v58 =	vld [tilespmem:$0x1F9F0];
	[tilespmem:$0x1FBB0] =	vst v1;
	v1 =	vsel vm15, $0x3F6, v19  }
0x5a2: {  	v16 =	vsel vm14, $0x195, v16;
	s2 =	rddreg [dreg:$0x2];
	v0 =	vsel vm15, $0xBFE, v0;
	v9 =	vld [tilespmem:$0x1FAC0];
	[tilespmem:$0x1FBD0] =	vst v1  }
0x5a3: {  	v16 =	vsel vm15, $0x196, v16;
	s1 =	rddreg [dreg:$0x3];
	v17 =	vld [tilespmem:$0x1FB90];
	_ =	strace $0x80000047;
	[tilespmem:$0x1FD10] =	vst v0  }
0x5a4: {  	[tilespmem:$0x1FE30] =	vst v16  }
0x5a5: {  	[tilespmem:$0x1FE40] =	vst v20  }
0x5a6: {  	[tilespmem:$0x1FEB0] =	vst v21  }
0x5a7: {  	[tilespmem:$0x1FED0] =	vst v22  }
0x5a8: {  	v10 =	vsel vm15, $0x1F6, v17;
	[tilespmem:$0x1FF20] =	vst v23  }
0x5a9: {  	v9 =	vsel vm15, $0x1EE, v9;
	[tilespmem:$0x1FF50] =	vst v10  }
0x5aa: {  	[tilespmem:$0x1FF80] =	vst v9  }
0x5ab: {  	[tilespmem:$0x1FF90] =	vst v2;
	v24 =	vld [tilespmem:$0x1FBE0]  }
0x5ac: {  	v7 =	vsel vm15, $0x1E6, v58;
	[tilespmem:$0x1FFB0] =	vst v3;
	v34 =	vld [tilespmem:$0x1FD20]  }
0x5ad: {  	v6 =	vsel vm15, $0x1DE, v51;
	[tilespmem:$0x1FFC0] =	vst v7;
	v35 =	vld [tilespmem:$0x1FD30]  }
0x5ae: {  	v5 =	vsel vm15, $0x1CE, v37;
	[tilespmem:$0x1FFD0] =	vst v6;
	v37 =	vld [tilespmem:$0x1FD40]  }
0x5af: {  	v4 =	vsel vm15, $0x1D6, v44;
	[tilespmem:$0x1FFE0] =	vst v5;
	v39 =	vld [tilespmem:$0x1FD50]  }
0x5b0: {  	[tilespmem:$0x1FFF0] =	vst v4;
	v41 =	vld [tilespmem:$0x1FD60];
	v1 =	vsel vm15, $0x8F6, v24  }
0x5b1: {  	v43 =	vld [tilespmem:$0x1FD70];
	v0 =	vand.u32 $0xFF, v34;
	[tilespmem:$0x1FBF0] =	vst v1  }
0x5b2: {  	v58 =	vld [tilespmem:$0x1FDF0];
	v36 =	vand.u32 $0xFF, v35;
	[tilespmem:$0x1FE20] =	vst v0  }
0x5b3: {  	v47 =	vld [tilespmem:$0x1FD90];
	v38 =	vand.u32 $0xFF, v37;
	[tilespmem:$0x1FE50] =	vst v36  }
0x5b4: {  	v28 =	vld [tilespmem:$0x1FC60];
	v40 =	vand.u32 $0xFF, v39;
	[tilespmem:$0x1FE60] =	vst v38  }
0x5b5: {  	v49 =	vld [tilespmem:$0x1FDA0];
	v42 =	vand.u32 $0xFF, v41;
	[tilespmem:$0x1FE70] =	vst v40  }
0x5b6: {  	v51 =	vld [tilespmem:$0x1FDB0];
	v44 =	vand.u32 $0xFF, v43;
	[tilespmem:$0x1FE80] =	vst v42  }
0x5b7: {  	v62 =	vld [tilespmem:$0x1FE10];
	v59 =	vand.u32 $0xFF, v58;
	[tilespmem:$0x1FE90] =	vst v44  }
0x5b8: {  	v54 =	vld [tilespmem:$0x1FDD0];
	v48 =	vand.u32 $0xFF, v47;
	[tilespmem:$0x1FEA0] =	vst v59  }
0x5b9: {  	v56 =	vld [tilespmem:$0x1FDE0];
	v11 =	vsel vm15, $0x1FE, v28;
	[tilespmem:$0x1FEC0] =	vst v48  }
0x5ba: {  	v45 =	vld [tilespmem:$0x1FD80];
	v50 =	vand.u32 $0xFF, v49;
	[tilespmem:$0x1FEE0] =	vst v11  }
0x5bb: {  	v60 =	vld [tilespmem:$0x1FE00];
	v52 =	vand.u32 $0xFF, v51;
	[tilespmem:$0x1FEF0] =	vst v50  }
0x5bc: {  	v25 =	vld [tilespmem:$0x1FC00];
	v63 =	vand.u32 $0xFF, v62;
	[tilespmem:$0x1FF00] =	vst v52  }
0x5bd: {  	v26 =	vld [tilespmem:$0x1FC20];
	v55 =	vand.u32 $0xFF, v54;
	[tilespmem:$0x1FF10] =	vst v63  }
0x5be: {  	v27 =	vld [tilespmem:$0x1FC40];
	v57 =	vand.u32 $0xFF, v56;
	[tilespmem:$0x1FF30] =	vst v55  }
0x5bf: {  	v29 =	vld [tilespmem:$0x1FC70];
	v46 =	vand.u32 $0xFF, v45;
	[tilespmem:$0x1FF40] =	vst v57  }
0x5c0: {  	s5 =	srdreg.scid;
	v30 =	vld [tilespmem:$0x1FC90];
	v61 =	vand.u32 $0xFF, v60;
	[tilespmem:$0x1FF70] =	vst v46  }
0x5c1: {  	s3 =	stileid.u32;
	s13 =	simm.s32 $0x1;
	s14 =	simm.s32 $0x1000;
	v31 =	vld [tilespmem:$0x1FCB0];
	v1 =	vsel vm15, $0x9F6, v25;
	[tilespmem:$0x1FFA0] =	vst v61  }
0x5c2: {  	s15 =	simm.s32 $0x2;
	s16 =	simm.s32 $0x3;
	s5 =	sand.u32 $0x1, s5;
	v32 =	vld [tilespmem:$0x1FCD0];
	[tilespmem:$0x1FC10] =	vst v1;
	v1 =	vsel vm15, $0xAF6, v26  }
0x5c3: {  	s17 =	simm.s32 $0x0;
	s6 =	sshll.u32 s3, $0x1;
	s8 =	ssub.s32 $0x2, s5;
	v33 =	vld [tilespmem:$0x1FCF0];
	[tilespmem:$0x1FC30] =	vst v1;
	v1 =	vsel vm15, $0xBF6, v27  }
0x5c4: {  	p0 =	sgt.u32 s3, $0xC;
	s10 =	sor.u32 s5, s6;
	s28 =	sshrl.u32 s8, $0x1;
	v53 =	vld [tilespmem:$0x1FDC0];
	[tilespmem:$0x1FC50] =	vst v1;
	v1 =	vsel vm15, $0x2FE, v29  }
0x5c5: {  	s6 =	ssub.s32 $0x4F51, s10;
	s9 =	smul.u32 $0x186C00, s10;
	s29 =	sshll.u32 s10, $0x7;
	[tilespmem:$0x1FC80] =	vst v1;
	v1 =	vsel vm15, $0x3FE, v30  }
.Ltmp0:
0x5c6: {  	s30 =	sshll.u32 s10, $0x8;
	s10 =	sor.u32 $0x20, s10;
	[tilespmem:$0x1FCA0] =	vst v1;
	v1 =	vsel vm15, $0x8FE, v31;
	(pc) =	sbr.rel .LBB2_1-.Ltmp0, $4  }
0x5c7: {  	s11 =	ssub.s32 s8, s28;
	s5 =	sshrl.u32 s6, $0x5;
	s9 =	sshrl.u32 s9, $0x3;
	[tilespmem:$0x1FCC0] =	vst v1;
	v1 =	vsel vm15, $0x9FE, v32  }
0x5c8: {  	s12 =	sadd.s32 $0x1, s5;
	s6 =	sadd.s32 s0, s29;
	s7 =	sadd.s32 s7, s30;
	[tilespmem:$0x1FCE0] =	vst v1;
	v1 =	vsel vm15, $0xAFE, v33  }
0x5c9: {  	s31 =	sadd.s32 s2, s9;
	s9 =	smax.u32 s11, $0x1;
	s11 =	simm.s32 $0x400;
	[tilespmem:$0x1FD00] =	vst v1;
	v1 =	vand.u32 $0xFF, v53  }
0x5ca: {  	s8 =	sadd.s32 $0x30D00, s31;
	[dreg:$0x4] =	wrdreg s12;
	s12 =	simm.s32 $0xC3800;
	[tilespmem:$0x1FF60] =	vst v1  }
.LBB2_5:
0x5cb: {  	s17 =	sadd.s32 $0x1, s17  }
0x5cc: {  	p1 =	sne.s32 s17, s9  }
.Ltmp1:
0x5cd: {  	_ = 	snop;
	(pc) =	sbr.rel @!p1 .LBB2_6-.Ltmp1, $1  }
0x5ce: {  	_ =	sdelay $0x3  }
.LBB2_1:
0x5cf: {  	v61 =	vld [tilespmem:$0x1F630]  }
0x5d0: {  	v51 =	vld [tilespmem:$0x1F640]  }
0x5d1: {  	v63 =	vld [tilespmem:$0x1F650]  }
0x5d2: {  	v0 =	vld [tilespmem:$0x1F660]  }
0x5d3: {  	v59 =	vld [tilespmem:$0x1F670]  }
0x5d4: {  	v2 =	vld [tilespmem:$0x1F680]  }
0x5d5: {  	v3 =	vld [tilespmem:$0x1F690]  }
0x5d6: {  	v4 =	vld [tilespmem:$0x1F6A0]  }
0x5d7: {  	v5 =	vld [tilespmem:$0x1F6B0]  }
0x5d8: {  	v6 =	vld [tilespmem:$0x1F6C0]  }
0x5d9: {  	v7 =	vld [tilespmem:$0x1F6D0]  }
0x5da: {  	v9 =	vld [tilespmem:$0x1F6E0]  }
0x5db: {  	v10 =	vld [tilespmem:$0x1F6F0]  }
0x5dc: {  	v11 =	vld [tilespmem:$0x1F700]  }
0x5dd: {  	v12 =	vld [tilespmem:$0x1F710]  }
0x5de: {  	v13 =	vld [tilespmem:$0x1F720]  }
0x5df: {  	v14 =	vld [tilespmem:$0x1F730]  }
0x5e0: {  	v17 =	vld [tilespmem:$0x1F740]  }
0x5e1: {  	v18 =	vld [tilespmem:$0x1F750]  }
0x5e2: {  	v62 =	vld [tilespmem:$0x1F770]  }
0x5e3: {  	v37 =	vld [tilespmem:$0x1F7A0]  }
0x5e4: {  	v20 =	vld [tilespmem:$0x1F7C0]  }
0x5e5: {  	v21 =	vld [tilespmem:$0x1F7E0]  }
0x5e6: {  	v22 =	vld [tilespmem:$0x1F800]  }
0x5e7: {  	v25 =	vld [tilespmem:$0x1F820]  }
0x5e8: {  	v30 =	vld [tilespmem:$0x1F840]  }
0x5e9: {  	v26 =	vld [tilespmem:$0x1F870]  }
0x5ea: {  	v44 =	vld [tilespmem:$0x1F890]  }
0x5eb: {  	v27 =	vld [tilespmem:$0x1F8B0]  }
0x5ec: {  	v15 =	vld [tilespmem:$0x1F8D0]  }
0x5ed: {  	v16 =	vld [tilespmem:$0x1F8F0]  }
0x5ee: {  	v28 =	vld [tilespmem:$0x1F910]  }
0x5ef: {  	v29 =	vld [tilespmem:$0x1F940]  }
0x5f0: {  	v32 =	vld [tilespmem:$0x1F960]  }
0x5f1: {  	v1 =	vld [tilespmem:$0x1F980]  }
0x5f2: {  	v33 =	vld [tilespmem:$0x1F9A0]  }
0x5f3: {  	v34 =	vld [tilespmem:$0x1F9C0]  }
0x5f4: {  	v24 =	vld [tilespmem:$0x1F9E0]  }
0x5f5: {  	v35 =	vld [tilespmem:$0x1FA10]  }
0x5f6: {  	v58 =	vld [tilespmem:$0x1FA30]  }
0x5f7: {  	v36 =	vld [tilespmem:$0x1FA50]  }
0x5f8: {  	v39 =	vld [tilespmem:$0x1FA70]  }
0x5f9: {  	v23 =	vld [tilespmem:$0x1FA90]  }
0x5fa: {  	v31 =	vld [tilespmem:$0x1FAB0]  }
0x5fb: {  	v40 =	vld [tilespmem:$0x1FAE0]  }
0x5fc: {  	v41 =	vld [tilespmem:$0x1FB00]  }
0x5fd: {  	v42 =	vld [tilespmem:$0x1FB20]  }
0x5fe: {  	v43 =	vld [tilespmem:$0x1FB40]  }
0x5ff: {  	v38 =	vld [tilespmem:$0x1FB60]  }
0x600: {  	v46 =	vld [tilespmem:$0x1FB80]  }
0x601: {  	v47 =	vld [tilespmem:$0x1FBB0]  }
0x602: {  	v48 =	vld [tilespmem:$0x1FBD0]  }
0x603: {  	v49 =	vld [tilespmem:$0x1FBF0]  }
0x604: {  	v50 =	vld [tilespmem:$0x1FC10]  }
0x605: {  	v45 =	vld [tilespmem:$0x1FC30]  }
0x606: {  	v53 =	vld [tilespmem:$0x1FC50]  }
0x607: {  	v54 =	vld [tilespmem:$0x1FC80]  }
0x608: {  	v55 =	vld [tilespmem:$0x1FCA0]  }
0x609: {  	v56 =	vld [tilespmem:$0x1FCC0]  }
0x60a: {  	v52 =	vld [tilespmem:$0x1FCE0]  }
0x60b: {  	[tilespmem:s4], [sflag:$0x1] =	stream.strided.gather [hbm4b:s6+s11], $0x800, s12, s11, $0x38;
	v57 =	vld [tilespmem:$0x1FD00]  }
0x60c: {  	s18 =	smov.u32 s10;
	s19 =	simm.s32 $0x0;
	v60 =	vld [tilespmem:$0x1FD10]  }
.LBB2_2:
0x60d: {  	p1 =	sge.u32 s19, s5  }
0x60e: {  	s20 =	smulhi.u32 @!p1 $0x14FA6D7B, s18;
	s21 =	sshra.s32 @!p1 s18, $0x1F  }
0x60f: {  	s21 =	smul.u32 @!p1 $0x14FA6D7B, s21;
	_ =	sdelay $0x1  }
0x610: {  	s20 =	sadd.s32 @!p1 s21, s20  }
0x611: {  	s21 =	sshrl.u32 @!p1 s20, $0x1F;
	s20 =	sshra.s32 @!p1 s20, $0x6  }
0x612: {  	s20 =	sadd.s32 @!p1 s21, s20  }
0x613: {  	s21 =	smul.u32 @!p1 $0xFFFFFCF3, s20;
	_ =	sdelay $0x1  }
0x614: {  	s21 =	sadd.s32 @!p1 s18, s21  }
0x615: {  	p2 =	slt.s32 @!p1 s18, $0x1;
	p3 =	sne.s32 @!p1 s21, $0x0  }
0x616: {  	p2 =	por @!p1 !p2, !p3  }
0x617: {  	p2 =	por @!p1 !p2, !p2  }
0x618: {  	s22 =	simm.s32 @!p1 $0x1;
	p2 =	por !p2, p1  }
0x619: {  	s22 =	simm.s32 @p2 $0x0  }
0x61a: {  	p2 =	slt.s32 @!p1 s21, $0x0;
	s21 =	sshll.u32 @!p1 s21, $0xA;
	s20 =	ssub.s32 @!p1 s20, s22  }
0x61b: {  	s22 =	sadd.s32 @!p1 $0xC3400, s21;
	p2 =	por !p2, p1;
	s20 =	smul.u32 @!p1 $0x187000, s20  }
0x61c: {  	s23 =	sand.u32 $0x1, s19;
	_ =	swait.ge [sflag:s13], $0x800;
	s22 =	smov.u32 @p2 s21  }
0x61d: {  	[sflag:s13] =	ssyncset.done $0x0;
	s24 =	simm.s32 @!p1 $0xC3800;
	s20 =	sadd.s32 @!p1 s22, s20  }
0x61e: {  	[sflag:s13] =	ssyncadd.s32 $0xFFFFF800;
	s21 =	sshll.u32 @!p1 s23, $0xB;
	s20 =	sshrl.u32 @!p1 s20, $0x3  }
0x61f: {  	s21 =	sxor.u32 @!p1 $0x800, s21;
	s22 =	simm.s32 @!p1 $0x400;
	s20 =	sadd.s32 @!p1 s0, s20  }
0x620: {  	[tilespmem:s21], [sflag:$0x1] =	stream.strided.gather @!p1 [hbm4b:s20+s22], $0x800, s24, s22, $0x38;
	[tilespmem:$0x3000] =	vst v63  }
0x621: {  	p1 =	slt.u32 s19, $0x2  }
0x622: {  	s20 =	simm.s32 @!p1 $0x2  }
0x623: {  	_ =	swait.ge @!p1 [sflag:s20], $0x800  }
0x624: {  	v8 =	vld [tilespmem:$0x1FE20];
	_ =	sdelay $0x2  }
0x625: {  	[sflag:s20] =	ssyncset.done @!p1 $0x0  }
0x626: {  	s25 =	sshll.u32 s23, $0xC;
	[sflag:s20] =	ssyncadd.s32 @!p1 $0xFFFFF800;
	s20 =	sshll.u32 s23, $0xB  }
0x627: {  	v19 =	vld [tilespmem:s20+$0x0];
	v8 =	vor.u32 s25, v8;
	_ =	sdelay $0x4  }
0x628: {  	[tilespmem:v8+s14+$0x0] =	vst.idx.msk $0xffff, v19;
	v19 =	vld [tilespmem:$0x1F3F0];
	_ =	sdelay $0x4  }
0x629: {  	v8 =	vld [tilespmem:s20+$0x10];
	v19 =	vor.u32 s25, v19;
	_ =	sdelay $0x4  }
0x62a: {  	[tilespmem:v19+s14+$0x0] =	vst.idx.msk $0xffff, v8;
	v19 =	vld [tilespmem:$0x1F400];
	_ =	sdelay $0x4  }
0x62b: {  	v8 =	vld [tilespmem:s20+$0x20];
	v19 =	vor.u32 s25, v19;
	_ =	sdelay $0x4  }
0x62c: {  	[tilespmem:v19+s14+$0x0] =	vst.idx.msk $0xffff, v8;
	v19 =	vld [tilespmem:$0x1F410];
	_ =	sdelay $0x4  }
0x62d: {  	v8 =	vld [tilespmem:s20+$0x30];
	v19 =	vor.u32 s25, v19;
	_ =	sdelay $0x4  }
0x62e: {  	[tilespmem:v19+s14+$0x0] =	vst.idx.msk $0xffff, v8;
	v19 =	vld [tilespmem:$0x1F420];
	_ =	sdelay $0x4  }
0x62f: {  	v8 =	vld [tilespmem:s20+$0x40];
	v19 =	vor.u32 s25, v19;
	_ =	sdelay $0x4  }
0x630: {  	[tilespmem:v19+s14+$0x0] =	vst.idx.msk $0xffff, v8;
	v19 =	vld [tilespmem:$0x1F430];
	_ =	sdelay $0x4  }
0x631: {  	v8 =	vld [tilespmem:s20+$0x50];
	v19 =	vor.u32 s25, v19;
	_ =	sdelay $0x4  }
0x632: {  	[tilespmem:v19+s14+$0x0] =	vst.idx.msk $0xffff, v8;
	v19 =	vld [tilespmem:$0x1F440];
	_ =	sdelay $0x4  }
0x633: {  	v8 =	vld [tilespmem:s20+$0x60];
	v19 =	vor.u32 s25, v19;
	_ =	sdelay $0x4  }
0x634: {  	[tilespmem:v19+s14+$0x0] =	vst.idx.msk $0xffff, v8;
	v19 =	vld [tilespmem:$0x1F450];
	_ =	sdelay $0x4  }
0x635: {  	v8 =	vld [tilespmem:s20+$0x70];
	v19 =	vor.u32 s25, v19;
	_ =	sdelay $0x4  }
0x636: {  	[tilespmem:v19+s14+$0x0] =	vst.idx.msk $0xffff, v8;
	v19 =	vld [tilespmem:$0x1FE50];
	_ =	sdelay $0x4  }
0x637: {  	v8 =	vld [tilespmem:s20+$0x80];
	v19 =	vor.u32 s25, v19;
	_ =	sdelay $0x4  }
0x638: {  	[tilespmem:v19+s14+$0x0] =	vst.idx.msk $0xffff, v8;
	v19 =	vld [tilespmem:$0x1F460];
	_ =	sdelay $0x4  }
0x639: {  	v8 =	vld [tilespmem:s20+$0x90];
	v19 =	vor.u32 s25, v19;
	_ =	sdelay $0x4  }
0x63a: {  	[tilespmem:v19+s14+$0x0] =	vst.idx.msk $0xffff, v8;
	v19 =	vld [tilespmem:$0x1F470];
	_ =	sdelay $0x4  }
0x63b: {  	v8 =	vld [tilespmem:s20+$0xA0];
	v19 =	vor.u32 s25, v19;
	_ =	sdelay $0x4  }
0x63c: {  	[tilespmem:v19+s14+$0x0] =	vst.idx.msk $0xffff, v8;
	v19 =	vld [tilespmem:$0x1F480];
	_ =	sdelay $0x4  }
0x63d: {  	v8 =	vld [tilespmem:s20+$0xB0];
	v19 =	vor.u32 s25, v19;
	_ =	sdelay $0x4  }
0x63e: {  	[tilespmem:v19+s14+$0x0] =	vst.idx.msk $0xffff, v8;
	v19 =	vld [tilespmem:$0x1F490];
	_ =	sdelay $0x4  }
0x63f: {  	v8 =	vld [tilespmem:s20+$0xC0];
	v19 =	vor.u32 s25, v19;
	_ =	sdelay $0x4  }
0x640: {  	[tilespmem:v19+s14+$0x0] =	vst.idx.msk $0xffff, v8;
	v19 =	vld [tilespmem:$0x1F4A0];
	_ =	sdelay $0x4  }
0x641: {  	v8 =	vld [tilespmem:s20+$0xD0];
	v19 =	vor.u32 s25, v19;
	_ =	sdelay $0x4  }
0x642: {  	[tilespmem:v19+s14+$0x0] =	vst.idx.msk $0xffff, v8;
	v19 =	vld [tilespmem:$0x1F4B0];
	_ =	sdelay $0x4  }
0x643: {  	v8 =	vld [tilespmem:s20+$0xE0];
	v19 =	vor.u32 s25, v19;
	_ =	sdelay $0x4  }
0x644: {  	[tilespmem:v19+s14+$0x0] =	vst.idx.msk $0xffff, v8;
	v19 =	vld [tilespmem:$0x1F4C0];
	_ =	sdelay $0x4  }
0x645: {  	v8 =	vld [tilespmem:s20+$0xF0];
	v19 =	vor.u32 s25, v19;
	_ =	sdelay $0x4  }
0x646: {  	[tilespmem:v19+s14+$0x0] =	vst.idx.msk $0xffff, v8;
	v19 =	vld [tilespmem:$0x1FE60];
	_ =	sdelay $0x4  }
0x647: {  	v8 =	vld [tilespmem:s20+$0x100];
	v19 =	vor.u32 s25, v19;
	_ =	sdelay $0x4  }
0x648: {  	[tilespmem:v19+s14+$0x0] =	vst.idx.msk $0xffff, v8;
	v19 =	vld [tilespmem:$0x1FE30];
	_ =	sdelay $0x4  }
0x649: {  	v8 =	vld [tilespmem:s20+$0x110];
	v19 =	vor.u32 s25, v19;
	_ =	sdelay $0x4  }
0x64a: {  	[tilespmem:v19+s14+$0x0] =	vst.idx.msk $0xffff, v8;
	v19 =	vld [tilespmem:$0x1F4D0];
	_ =	sdelay $0x4  }
0x64b: {  	v8 =	vld [tilespmem:s20+$0x120];
	v19 =	vor.u32 s25, v19;
	_ =	sdelay $0x4  }
0x64c: {  	[tilespmem:v19+s14+$0x0] =	vst.idx.msk $0xffff, v8;
	v19 =	vld [tilespmem:$0x1F4E0];
	_ =	sdelay $0x4  }
0x64d: {  	v8 =	vld [tilespmem:s20+$0x130];
	v19 =	vor.u32 s25, v19;
	_ =	sdelay $0x4  }
0x64e: {  	[tilespmem:v19+s14+$0x0] =	vst.idx.msk $0xffff, v8;
	v19 =	vld [tilespmem:$0x1F4F0];
	_ =	sdelay $0x4  }
0x64f: {  	v8 =	vld [tilespmem:s20+$0x140];
	v19 =	vor.u32 s25, v19;
	_ =	sdelay $0x4  }
0x650: {  	[tilespmem:v19+s14+$0x0] =	vst.idx.msk $0xffff, v8;
	v19 =	vld [tilespmem:$0x1F500];
	_ =	sdelay $0x4  }
0x651: {  	v8 =	vld [tilespmem:s20+$0x150];
	v19 =	vor.u32 s25, v19;
	_ =	sdelay $0x4  }
0x652: {  	[tilespmem:v19+s14+$0x0] =	vst.idx.msk $0xffff, v8;
	v19 =	vld [tilespmem:$0x1F510];
	_ =	sdelay $0x4  }
0x653: {  	v8 =	vld [tilespmem:s20+$0x160];
	v19 =	vor.u32 s25, v19;
	_ =	sdelay $0x4  }
0x654: {  	[tilespmem:v19+s14+$0x0] =	vst.idx.msk $0xffff, v8;
	v19 =	vld [tilespmem:$0x1F520];
	_ =	sdelay $0x4  }
0x655: {  	v8 =	vld [tilespmem:s20+$0x170];
	v19 =	vor.u32 s25, v19;
	_ =	sdelay $0x4  }
0x656: {  	[tilespmem:v19+s14+$0x0] =	vst.idx.msk $0xffff, v8;
	v19 =	vld [tilespmem:$0x1FE70];
	_ =	sdelay $0x4  }
0x657: {  	v8 =	vld [tilespmem:s20+$0x180];
	v19 =	vor.u32 s25, v19;
	_ =	sdelay $0x4  }
0x658: {  	[tilespmem:v19+s14+$0x0] =	vst.idx.msk $0xffff, v8;
	v19 =	vld [tilespmem:$0x1FE40];
	_ =	sdelay $0x4  }
0x659: {  	v8 =	vld [tilespmem:s20+$0x190];
	v19 =	vor.u32 s25, v19;
	_ =	sdelay $0x4  }
0x65a: {  	[tilespmem:v19+s14+$0x0] =	vst.idx.msk $0xffff, v8;
	v19 =	vld [tilespmem:$0x1F530];
	_ =	sdelay $0x4  }
0x65b: {  	v8 =	vld [tilespmem:s20+$0x1A0];
	v19 =	vor.u32 s25, v19;
	_ =	sdelay $0x4  }
0x65c: {  	[tilespmem:v19+s14+$0x0] =	vst.idx.msk $0xffff, v8;
	v19 =	vld [tilespmem:$0x1F540];
	_ =	sdelay $0x4  }
0x65d: {  	v8 =	vld [tilespmem:s20+$0x1B0];
	v19 =	vor.u32 s25, v19;
	_ =	sdelay $0x4  }
0x65e: {  	[tilespmem:v19+s14+$0x0] =	vst.idx.msk $0xffff, v8;
	v19 =	vld [tilespmem:$0x1F550];
	_ =	sdelay $0x4  }
0x65f: {  	v8 =	vld [tilespmem:s20+$0x1C0];
	v19 =	vor.u32 s25, v19;
	_ =	sdelay $0x4  }
0x660: {  	[tilespmem:v19+s14+$0x0] =	vst.idx.msk $0xffff, v8;
	v19 =	vld [tilespmem:$0x1F560];
	_ =	sdelay $0x4  }
0x661: {  	v8 =	vld [tilespmem:s20+$0x1D0];
	v19 =	vor.u32 s25, v19;
	_ =	sdelay $0x4  }
0x662: {  	[tilespmem:v19+s14+$0x0] =	vst.idx.msk $0xffff, v8;
	v19 =	vld [tilespmem:$0x1F570];
	_ =	sdelay $0x4  }
0x663: {  	v8 =	vld [tilespmem:s20+$0x1E0];
	v19 =	vor.u32 s25, v19;
	_ =	sdelay $0x4  }
0x664: {  	[tilespmem:v19+s14+$0x0] =	vst.idx.msk $0xffff, v8;
	v19 =	vld [tilespmem:$0x1F580];
	_ =	sdelay $0x4  }
0x665: {  	v8 =	vld [tilespmem:s20+$0x1F0];
	v19 =	vor.u32 s25, v19;
	_ =	sdelay $0x4  }
0x666: {  	[tilespmem:v19+s14+$0x0] =	vst.idx.msk $0xffff, v8;
	v19 =	vld [tilespmem:$0x1FE80];
	_ =	sdelay $0x4  }
0x667: {  	v8 =	vld [tilespmem:s20+$0x200];
	v19 =	vor.u32 s25, v19;
	_ =	sdelay $0x4  }
0x668: {  	[tilespmem:v19+s14+$0x0] =	vst.idx.msk $0xffff, v8;
	v19 =	vld [tilespmem:$0x1FEB0];
	_ =	sdelay $0x4  }
0x669: {  	v8 =	vld [tilespmem:s20+$0x210];
	v19 =	vor.u32 s25, v19;
	_ =	sdelay $0x4  }
0x66a: {  	[tilespmem:v19+s14+$0x0] =	vst.idx.msk $0xffff, v8;
	v19 =	vld [tilespmem:$0x1F590];
	_ =	sdelay $0x4  }
0x66b: {  	v8 =	vld [tilespmem:s20+$0x220];
	v19 =	vor.u32 s25, v19;
	_ =	sdelay $0x4  }
0x66c: {  	[tilespmem:v19+s14+$0x0] =	vst.idx.msk $0xffff, v8;
	v19 =	vld [tilespmem:$0x1F5A0];
	_ =	sdelay $0x4  }
0x66d: {  	v8 =	vld [tilespmem:s20+$0x230];
	v19 =	vor.u32 s25, v19;
	_ =	sdelay $0x4  }
0x66e: {  	[tilespmem:v19+s14+$0x0] =	vst.idx.msk $0xffff, v8;
	v19 =	vld [tilespmem:$0x1F5B0];
	_ =	sdelay $0x4  }
0x66f: {  	v8 =	vld [tilespmem:s20+$0x240];
	v19 =	vor.u32 s25, v19;
	_ =	sdelay $0x4  }
0x670: {  	[tilespmem:v19+s14+$0x0] =	vst.idx.msk $0xffff, v8;
	v19 =	vld [tilespmem:$0x1F5C0];
	_ =	sdelay $0x4  }
0x671: {  	v8 =	vld [tilespmem:s20+$0x250];
	v19 =	vor.u32 s25, v19;
	_ =	sdelay $0x4  }
0x672: {  	[tilespmem:v19+s14+$0x0] =	vst.idx.msk $0xffff, v8;
	v19 =	vld [tilespmem:$0x1F5D0];
	_ =	sdelay $0x4  }
0x673: {  	v8 =	vld [tilespmem:s20+$0x260];
	v19 =	vor.u32 s25, v19;
	_ =	sdelay $0x4  }
0x674: {  	[tilespmem:v19+s14+$0x0] =	vst.idx.msk $0xffff, v8;
	v19 =	vld [tilespmem:$0x1F5E0];
	_ =	sdelay $0x4  }
0x675: {  	v8 =	vld [tilespmem:s20+$0x270];
	v19 =	vor.u32 s25, v19;
	_ =	sdelay $0x4  }
0x676: {  	[tilespmem:v19+s14+$0x0] =	vst.idx.msk $0xffff, v8;
	v19 =	vld [tilespmem:$0x1FE90];
	_ =	sdelay $0x4  }
0x677: {  	v8 =	vld [tilespmem:s20+$0x280];
	v19 =	vor.u32 s25, v19;
	_ =	sdelay $0x4  }
0x678: {  	[tilespmem:v19+s14+$0x0] =	vst.idx.msk $0xffff, v8;
	v19 =	vld [tilespmem:$0x1FED0];
	_ =	sdelay $0x4  }
0x679: {  	v8 =	vld [tilespmem:s20+$0x290];
	v19 =	vor.u32 s25, v19;
	_ =	sdelay $0x4  }
0x67a: {  	[tilespmem:v19+s14+$0x0] =	vst.idx.msk $0xffff, v8;
	v19 =	vld [tilespmem:$0x1F5F0];
	_ =	sdelay $0x4  }
0x67b: {  	v8 =	vld [tilespmem:s20+$0x2A0];
	v19 =	vor.u32 s25, v19;
	_ =	sdelay $0x4  }
0x67c: {  	[tilespmem:v19+s14+$0x0] =	vst.idx.msk $0xffff, v8;
	v19 =	vld [tilespmem:$0x1F600];
	_ =	sdelay $0x4  }
0x67d: {  	v8 =	vld [tilespmem:s20+$0x2B0];
	v19 =	vor.u32 s25, v19;
	_ =	sdelay $0x4  }
0x67e: {  	[tilespmem:v19+s14+$0x0] =	vst.idx.msk $0xffff, v8;
	v19 =	vld [tilespmem:$0x1F610];
	_ =	sdelay $0x4  }
0x67f: {  	v8 =	vld [tilespmem:s20+$0x2C0];
	v19 =	vor.u32 s25, v19;
	_ =	sdelay $0x4  }
0x680: {  	[tilespmem:v19+s14+$0x0] =	vst.idx.msk $0xffff, v8;
	v19 =	vld [tilespmem:$0x1F620];
	_ =	sdelay $0x4  }
0x681: {  	v8 =	vld [tilespmem:s20+$0x2D0];
	v19 =	vor.u32 s25, v19;
	_ =	sdelay $0x4  }
0x682: {  	[tilespmem:v19+s14+$0x0] =	vst.idx.msk $0xffff, v8  }
0x683: {  	v19 =	vor.u32 s25, v61;
	v8 =	vld [tilespmem:s20+$0x2E0];
	_ =	sdelay $0x4  }
0x684: {  	[tilespmem:v19+s14+$0x0] =	vst.idx.msk $0xffff, v8  }
0x685: {  	v19 =	vor.u32 s25, v51;
	v8 =	vld [tilespmem:s20+$0x2F0];
	_ =	sdelay $0x4  }
0x686: {  	[tilespmem:v19+s14+$0x0] =	vst.idx.msk $0xffff, v8;
	v19 =	vld [tilespmem:$0x1FF70];
	_ =	sdelay $0x4  }
0x687: {  	v8 =	vld [tilespmem:s20+$0x300];
	v19 =	vor.u32 s25, v19;
	_ =	sdelay $0x4  }
0x688: {  	[tilespmem:v19+s14+$0x0] =	vst.idx.msk $0xffff, v8;
	v19 =	vld [tilespmem:$0x1FF20];
	_ =	sdelay $0x4  }
0x689: {  	v8 =	vld [tilespmem:s20+$0x310];
	v19 =	vor.u32 s25, v19;
	_ =	sdelay $0x4  }
0x68a: {  	[tilespmem:v19+s14+$0x0] =	vst.idx.msk $0xffff, v8  }
0x68b: {  	v19 =	vor.u32 s25, v63;
	v8 =	vld [tilespmem:s20+$0x320];
	_ =	sdelay $0x4  }
0x68c: {  	[tilespmem:v19+s14+$0x0] =	vst.idx.msk $0xffff, v8  }
0x68d: {  	v19 =	vor.u32 s25, v0;
	v8 =	vld [tilespmem:s20+$0x330];
	_ =	sdelay $0x4  }
0x68e: {  	[tilespmem:v19+s14+$0x0] =	vst.idx.msk $0xffff, v8  }
0x68f: {  	v19 =	vor.u32 s25, v59;
	v8 =	vld [tilespmem:s20+$0x340];
	_ =	sdelay $0x4  }
0x690: {  	[tilespmem:v19+s14+$0x0] =	vst.idx.msk $0xffff, v8  }
0x691: {  	v19 =	vor.u32 s25, v2;
	v8 =	vld [tilespmem:s20+$0x350];
	_ =	sdelay $0x4  }
0x692: {  	[tilespmem:v19+s14+$0x0] =	vst.idx.msk $0xffff, v8  }
0x693: {  	v19 =	vor.u32 s25, v3;
	v8 =	vld [tilespmem:s20+$0x360];
	_ =	sdelay $0x4  }
0x694: {  	[tilespmem:v19+s14+$0x0] =	vst.idx.msk $0xffff, v8  }
0x695: {  	v19 =	vor.u32 s25, v4;
	v8 =	vld [tilespmem:s20+$0x370];
	_ =	sdelay $0x4  }
0x696: {  	[tilespmem:v19+s14+$0x0] =	vst.idx.msk $0xffff, v8;
	v19 =	vld [tilespmem:$0x1FEC0];
	_ =	sdelay $0x4  }
0x697: {  	v8 =	vld [tilespmem:s20+$0x380];
	v19 =	vor.u32 s25, v19;
	_ =	sdelay $0x4  }
0x698: {  	[tilespmem:v19+s14+$0x0] =	vst.idx.msk $0xffff, v8;
	v19 =	vld [tilespmem:$0x1FF90];
	_ =	sdelay $0x4  }
0x699: {  	v8 =	vld [tilespmem:s20+$0x390];
	v19 =	vor.u32 s25, v19;
	_ =	sdelay $0x4  }
0x69a: {  	[tilespmem:v19+s14+$0x0] =	vst.idx.msk $0xffff, v8  }
0x69b: {  	v19 =	vor.u32 s25, v5;
	v8 =	vld [tilespmem:s20+$0x3A0];
	_ =	sdelay $0x4  }
0x69c: {  	[tilespmem:v19+s14+$0x0] =	vst.idx.msk $0xffff, v8  }
0x69d: {  	v19 =	vor.u32 s25, v6;
	v8 =	vld [tilespmem:s20+$0x3B0];
	_ =	sdelay $0x4  }
0x69e: {  	[tilespmem:v19+s14+$0x0] =	vst.idx.msk $0xffff, v8  }
0x69f: {  	v19 =	vor.u32 s25, v7;
	v8 =	vld [tilespmem:s20+$0x3C0];
	_ =	sdelay $0x4  }
0x6a0: {  	[tilespmem:v19+s14+$0x0] =	vst.idx.msk $0xffff, v8  }
0x6a1: {  	v19 =	vor.u32 s25, v9;
	v8 =	vld [tilespmem:s20+$0x3D0];
	_ =	sdelay $0x4  }
0x6a2: {  	[tilespmem:v19+s14+$0x0] =	vst.idx.msk $0xffff, v8  }
0x6a3: {  	v19 =	vor.u32 s25, v10;
	v8 =	vld [tilespmem:s20+$0x3E0];
	_ =	sdelay $0x4  }
0x6a4: {  	[tilespmem:v19+s14+$0x0] =	vst.idx.msk $0xffff, v8  }
0x6a5: {  	v19 =	vor.u32 s25, v11;
	v8 =	vld [tilespmem:s20+$0x3F0];
	_ =	sdelay $0x4  }
0x6a6: {  	[tilespmem:v19+s14+$0x0] =	vst.idx.msk $0xffff, v8;
	v19 =	vld [tilespmem:$0x1FEF0];
	_ =	sdelay $0x4  }
0x6a7: {  	v8 =	vld [tilespmem:s20+$0x400];
	v19 =	vor.u32 s25, v19;
	_ =	sdelay $0x4  }
0x6a8: {  	[tilespmem:v19+s14+$0x0] =	vst.idx.msk $0xffff, v8;
	v19 =	vld [tilespmem:$0x1FFB0];
	_ =	sdelay $0x4  }
0x6a9: {  	v8 =	vld [tilespmem:s20+$0x410];
	v19 =	vor.u32 s25, v19;
	_ =	sdelay $0x4  }
0x6aa: {  	[tilespmem:v19+s14+$0x0] =	vst.idx.msk $0xffff, v8  }
0x6ab: {  	v19 =	vor.u32 s25, v12;
	v8 =	vld [tilespmem:s20+$0x420];
	_ =	sdelay $0x4  }
0x6ac: {  	[tilespmem:v19+s14+$0x0] =	vst.idx.msk $0xffff, v8  }
0x6ad: {  	v19 =	vor.u32 s25, v13;
	v8 =	vld [tilespmem:s20+$0x430];
	_ =	sdelay $0x4  }
0x6ae: {  	[tilespmem:v19+s14+$0x0] =	vst.idx.msk $0xffff, v8  }
0x6af: {  	v19 =	vor.u32 s25, v14;
	v8 =	vld [tilespmem:s20+$0x440];
	_ =	sdelay $0x4  }
0x6b0: {  	[tilespmem:v19+s14+$0x0] =	vst.idx.msk $0xffff, v8  }
0x6b1: {  	v19 =	vor.u32 s25, v17;
	v8 =	vld [tilespmem:s20+$0x450];
	_ =	sdelay $0x4  }
0x6b2: {  	[tilespmem:v19+s14+$0x0] =	vst.idx.msk $0xffff, v8  }
0x6b3: {  	v19 =	vor.u32 s25, v18;
	v8 =	vld [tilespmem:s20+$0x460];
	_ =	sdelay $0x4  }
0x6b4: {  	[tilespmem:v19+s14+$0x0] =	vst.idx.msk $0xffff, v8  }
0x6b5: {  	v19 =	vor.u32 s25, v62;
	v8 =	vld [tilespmem:s20+$0x470];
	_ =	sdelay $0x4  }
0x6b6: {  	[tilespmem:v19+s14+$0x0] =	vst.idx.msk $0xffff, v8;
	v19 =	vld [tilespmem:$0x1FF00];
	_ =	sdelay $0x4  }
0x6b7: {  	v8 =	vld [tilespmem:s20+$0x480];
	v19 =	vor.u32 s25, v19;
	_ =	sdelay $0x4  }
0x6b8: {  	[tilespmem:v19+s14+$0x0] =	vst.idx.msk $0xffff, v8;
	v19 =	vld [tilespmem:$0x1FFE0];
	_ =	sdelay $0x4  }
0x6b9: {  	v8 =	vld [tilespmem:s20+$0x490];
	v19 =	vor.u32 s25, v19;
	_ =	sdelay $0x4  }
0x6ba: {  	[tilespmem:v19+s14+$0x0] =	vst.idx.msk $0xffff, v8  }
0x6bb: {  	v19 =	vor.u32 s25, v37;
	v8 =	vld [tilespmem:s20+$0x4A0];
	_ =	sdelay $0x4  }
0x6bc: {  	[tilespmem:v19+s14+$0x0] =	vst.idx.msk $0xffff, v8  }
0x6bd: {  	v19 =	vor.u32 s25, v20;
	v8 =	vld [tilespmem:s20+$0x4B0];
	_ =	sdelay $0x4  }
0x6be: {  	[tilespmem:v19+s14+$0x0] =	vst.idx.msk $0xffff, v8  }
0x6bf: {  	v19 =	vor.u32 s25, v21;
	v8 =	vld [tilespmem:s20+$0x4C0];
	_ =	sdelay $0x4  }
0x6c0: {  	[tilespmem:v19+s14+$0x0] =	vst.idx.msk $0xffff, v8  }
0x6c1: {  	v19 =	vor.u32 s25, v22;
	v8 =	vld [tilespmem:s20+$0x4D0];
	_ =	sdelay $0x4  }
0x6c2: {  	[tilespmem:v19+s14+$0x0] =	vst.idx.msk $0xffff, v8  }
0x6c3: {  	v19 =	vor.u32 s25, v25;
	v8 =	vld [tilespmem:s20+$0x4E0];
	_ =	sdelay $0x4  }
0x6c4: {  	[tilespmem:v19+s14+$0x0] =	vst.idx.msk $0xffff, v8  }
0x6c5: {  	v19 =	vor.u32 s25, v30;
	v8 =	vld [tilespmem:s20+$0x4F0];
	_ =	sdelay $0x4  }
0x6c6: {  	[tilespmem:v19+s14+$0x0] =	vst.idx.msk $0xffff, v8;
	v19 =	vld [tilespmem:$0x1FF60];
	_ =	sdelay $0x4  }
0x6c7: {  	v8 =	vld [tilespmem:s20+$0x500];
	v19 =	vor.u32 s25, v19;
	_ =	sdelay $0x4  }
0x6c8: {  	[tilespmem:v19+s14+$0x0] =	vst.idx.msk $0xffff, v8;
	v19 =	vld [tilespmem:$0x1FFF0];
	_ =	sdelay $0x4  }
0x6c9: {  	v8 =	vld [tilespmem:s20+$0x510];
	v19 =	vor.u32 s25, v19;
	_ =	sdelay $0x4  }
0x6ca: {  	[tilespmem:v19+s14+$0x0] =	vst.idx.msk $0xffff, v8  }
0x6cb: {  	v19 =	vor.u32 s25, v26;
	v8 =	vld [tilespmem:s20+$0x520];
	_ =	sdelay $0x4  }
0x6cc: {  	[tilespmem:v19+s14+$0x0] =	vst.idx.msk $0xffff, v8  }
0x6cd: {  	v19 =	vor.u32 s25, v44;
	v8 =	vld [tilespmem:s20+$0x530];
	_ =	sdelay $0x4  }
0x6ce: {  	[tilespmem:v19+s14+$0x0] =	vst.idx.msk $0xffff, v8  }
0x6cf: {  	v19 =	vor.u32 s25, v27;
	v8 =	vld [tilespmem:s20+$0x540];
	_ =	sdelay $0x4  }
0x6d0: {  	[tilespmem:v19+s14+$0x0] =	vst.idx.msk $0xffff, v8  }
0x6d1: {  	v19 =	vor.u32 s25, v15;
	v8 =	vld [tilespmem:s20+$0x550];
	_ =	sdelay $0x4  }
0x6d2: {  	[tilespmem:v19+s14+$0x0] =	vst.idx.msk $0xffff, v8  }
0x6d3: {  	v19 =	vor.u32 s25, v16;
	v8 =	vld [tilespmem:s20+$0x560];
	_ =	sdelay $0x4  }
0x6d4: {  	[tilespmem:v19+s14+$0x0] =	vst.idx.msk $0xffff, v8  }
0x6d5: {  	v19 =	vor.u32 s25, v28;
	v8 =	vld [tilespmem:s20+$0x570];
	_ =	sdelay $0x4  }
0x6d6: {  	[tilespmem:v19+s14+$0x0] =	vst.idx.msk $0xffff, v8;
	v19 =	vld [tilespmem:$0x1FF30];
	_ =	sdelay $0x4  }
0x6d7: {  	v8 =	vld [tilespmem:s20+$0x580];
	v19 =	vor.u32 s25, v19;
	_ =	sdelay $0x4  }
0x6d8: {  	[tilespmem:v19+s14+$0x0] =	vst.idx.msk $0xffff, v8;
	v19 =	vld [tilespmem:$0x1FFD0];
	_ =	sdelay $0x4  }
0x6d9: {  	v8 =	vld [tilespmem:s20+$0x590];
	v19 =	vor.u32 s25, v19;
	_ =	sdelay $0x4  }
0x6da: {  	[tilespmem:v19+s14+$0x0] =	vst.idx.msk $0xffff, v8  }
0x6db: {  	v19 =	vor.u32 s25, v29;
	v8 =	vld [tilespmem:s20+$0x5A0];
	_ =	sdelay $0x4  }
0x6dc: {  	[tilespmem:v19+s14+$0x0] =	vst.idx.msk $0xffff, v8  }
0x6dd: {  	v19 =	vor.u32 s25, v32;
	v8 =	vld [tilespmem:s20+$0x5B0];
	_ =	sdelay $0x4  }
0x6de: {  	[tilespmem:v19+s14+$0x0] =	vst.idx.msk $0xffff, v8  }
0x6df: {  	v19 =	vor.u32 s25, v1;
	v8 =	vld [tilespmem:s20+$0x5C0];
	_ =	sdelay $0x4  }
0x6e0: {  	[tilespmem:v19+s14+$0x0] =	vst.idx.msk $0xffff, v8  }
0x6e1: {  	v19 =	vor.u32 s25, v33;
	v8 =	vld [tilespmem:s20+$0x5D0];
	_ =	sdelay $0x4  }
0x6e2: {  	[tilespmem:v19+s14+$0x0] =	vst.idx.msk $0xffff, v8  }
0x6e3: {  	v19 =	vor.u32 s25, v34;
	v8 =	vld [tilespmem:s20+$0x5E0];
	_ =	sdelay $0x4  }
0x6e4: {  	[tilespmem:v19+s14+$0x0] =	vst.idx.msk $0xffff, v8  }
0x6e5: {  	v19 =	vor.u32 s25, v24;
	v8 =	vld [tilespmem:s20+$0x5F0];
	_ =	sdelay $0x4  }
0x6e6: {  	[tilespmem:v19+s14+$0x0] =	vst.idx.msk $0xffff, v8;
	v19 =	vld [tilespmem:$0x1FF40];
	_ =	sdelay $0x4  }
0x6e7: {  	v8 =	vld [tilespmem:s20+$0x600];
	v19 =	vor.u32 s25, v19;
	_ =	sdelay $0x4  }
0x6e8: {  	[tilespmem:v19+s14+$0x0] =	vst.idx.msk $0xffff, v8;
	v19 =	vld [tilespmem:$0x1FFC0];
	_ =	sdelay $0x4  }
0x6e9: {  	v8 =	vld [tilespmem:s20+$0x610];
	v19 =	vor.u32 s25, v19;
	_ =	sdelay $0x4  }
0x6ea: {  	[tilespmem:v19+s14+$0x0] =	vst.idx.msk $0xffff, v8  }
0x6eb: {  	v19 =	vor.u32 s25, v35;
	v8 =	vld [tilespmem:s20+$0x620];
	_ =	sdelay $0x4  }
0x6ec: {  	[tilespmem:v19+s14+$0x0] =	vst.idx.msk $0xffff, v8  }
0x6ed: {  	v19 =	vor.u32 s25, v58;
	v8 =	vld [tilespmem:s20+$0x630];
	_ =	sdelay $0x4  }
0x6ee: {  	[tilespmem:v19+s14+$0x0] =	vst.idx.msk $0xffff, v8  }
0x6ef: {  	v19 =	vor.u32 s25, v36;
	v8 =	vld [tilespmem:s20+$0x640];
	_ =	sdelay $0x4  }
0x6f0: {  	[tilespmem:v19+s14+$0x0] =	vst.idx.msk $0xffff, v8  }
0x6f1: {  	v19 =	vor.u32 s25, v39;
	v8 =	vld [tilespmem:s20+$0x650];
	_ =	sdelay $0x4  }
0x6f2: {  	[tilespmem:v19+s14+$0x0] =	vst.idx.msk $0xffff, v8  }
0x6f3: {  	v19 =	vor.u32 s25, v23;
	v8 =	vld [tilespmem:s20+$0x660];
	_ =	sdelay $0x4  }
0x6f4: {  	[tilespmem:v19+s14+$0x0] =	vst.idx.msk $0xffff, v8  }
0x6f5: {  	v19 =	vor.u32 s25, v31;
	v8 =	vld [tilespmem:s20+$0x670];
	_ =	sdelay $0x4  }
0x6f6: {  	[tilespmem:v19+s14+$0x0] =	vst.idx.msk $0xffff, v8;
	v19 =	vld [tilespmem:$0x1FEA0];
	_ =	sdelay $0x4  }
0x6f7: {  	v8 =	vld [tilespmem:s20+$0x680];
	v19 =	vor.u32 s25, v19;
	_ =	sdelay $0x4  }
0x6f8: {  	[tilespmem:v19+s14+$0x0] =	vst.idx.msk $0xffff, v8;
	v19 =	vld [tilespmem:$0x1FF80];
	_ =	sdelay $0x4  }
0x6f9: {  	v8 =	vld [tilespmem:s20+$0x690];
	v19 =	vor.u32 s25, v19;
	_ =	sdelay $0x4  }
0x6fa: {  	[tilespmem:v19+s14+$0x0] =	vst.idx.msk $0xffff, v8  }
0x6fb: {  	v19 =	vor.u32 s25, v40;
	v8 =	vld [tilespmem:s20+$0x6A0];
	_ =	sdelay $0x4  }
0x6fc: {  	[tilespmem:v19+s14+$0x0] =	vst.idx.msk $0xffff, v8  }
0x6fd: {  	v19 =	vor.u32 s25, v41;
	v8 =	vld [tilespmem:s20+$0x6B0];
	_ =	sdelay $0x4  }
0x6fe: {  	[tilespmem:v19+s14+$0x0] =	vst.idx.msk $0xffff, v8  }
0x6ff: {  	v19 =	vor.u32 s25, v42;
	v8 =	vld [tilespmem:s20+$0x6C0];
	_ =	sdelay $0x4  }
0x700: {  	[tilespmem:v19+s14+$0x0] =	vst.idx.msk $0xffff, v8  }
0x701: {  	v19 =	vor.u32 s25, v43;
	v8 =	vld [tilespmem:s20+$0x6D0];
	_ =	sdelay $0x4  }
0x702: {  	[tilespmem:v19+s14+$0x0] =	vst.idx.msk $0xffff, v8  }
0x703: {  	v19 =	vor.u32 s25, v38;
	v8 =	vld [tilespmem:s20+$0x6E0];
	_ =	sdelay $0x4  }
0x704: {  	[tilespmem:v19+s14+$0x0] =	vst.idx.msk $0xffff, v8  }
0x705: {  	v19 =	vor.u32 s25, v46;
	v8 =	vld [tilespmem:s20+$0x6F0];
	_ =	sdelay $0x4  }
0x706: {  	[tilespmem:v19+s14+$0x0] =	vst.idx.msk $0xffff, v8;
	v19 =	vld [tilespmem:$0x1FFA0];
	_ =	sdelay $0x4  }
0x707: {  	v8 =	vld [tilespmem:s20+$0x700];
	v19 =	vor.u32 s25, v19;
	_ =	sdelay $0x4  }
0x708: {  	[tilespmem:v19+s14+$0x0] =	vst.idx.msk $0xffff, v8;
	v19 =	vld [tilespmem:$0x1FF50];
	_ =	sdelay $0x4  }
0x709: {  	v8 =	vld [tilespmem:s20+$0x710];
	v19 =	vor.u32 s25, v19;
	_ =	sdelay $0x4  }
0x70a: {  	[tilespmem:v19+s14+$0x0] =	vst.idx.msk $0xffff, v8  }
0x70b: {  	v19 =	vor.u32 s25, v47;
	v8 =	vld [tilespmem:s20+$0x720];
	_ =	sdelay $0x4  }
0x70c: {  	[tilespmem:v19+s14+$0x0] =	vst.idx.msk $0xffff, v8  }
0x70d: {  	v19 =	vor.u32 s25, v48;
	v8 =	vld [tilespmem:s20+$0x730];
	_ =	sdelay $0x4  }
0x70e: {  	[tilespmem:v19+s14+$0x0] =	vst.idx.msk $0xffff, v8  }
0x70f: {  	v19 =	vor.u32 s25, v49;
	v8 =	vld [tilespmem:s20+$0x740];
	_ =	sdelay $0x4  }
0x710: {  	[tilespmem:v19+s14+$0x0] =	vst.idx.msk $0xffff, v8  }
0x711: {  	v19 =	vor.u32 s25, v50;
	v8 =	vld [tilespmem:s20+$0x750];
	_ =	sdelay $0x4  }
0x712: {  	[tilespmem:v19+s14+$0x0] =	vst.idx.msk $0xffff, v8  }
0x713: {  	v19 =	vor.u32 s25, v45;
	v8 =	vld [tilespmem:s20+$0x760];
	_ =	sdelay $0x4  }
0x714: {  	[tilespmem:v19+s14+$0x0] =	vst.idx.msk $0xffff, v8  }
0x715: {  	v19 =	vor.u32 s25, v53;
	v8 =	vld [tilespmem:s20+$0x770];
	_ =	sdelay $0x4  }
0x716: {  	[tilespmem:v19+s14+$0x0] =	vst.idx.msk $0xffff, v8;
	v19 =	vld [tilespmem:$0x1FF10];
	_ =	sdelay $0x4  }
0x717: {  	v8 =	vld [tilespmem:s20+$0x780];
	v19 =	vor.u32 s25, v19;
	_ =	sdelay $0x4  }
0x718: {  	[tilespmem:v19+s14+$0x0] =	vst.idx.msk $0xffff, v8;
	v19 =	vld [tilespmem:$0x1FEE0];
	_ =	sdelay $0x4  }
0x719: {  	v8 =	vld [tilespmem:s20+$0x790];
	v19 =	vor.u32 s25, v19;
	_ =	sdelay $0x4  }
0x71a: {  	[tilespmem:v19+s14+$0x0] =	vst.idx.msk $0xffff, v8  }
0x71b: {  	v19 =	vor.u32 s25, v54;
	v8 =	vld [tilespmem:s20+$0x7A0];
	_ =	sdelay $0x4  }
0x71c: {  	[tilespmem:v19+s14+$0x0] =	vst.idx.msk $0xffff, v8  }
0x71d: {  	v19 =	vor.u32 s25, v55;
	v8 =	vld [tilespmem:s20+$0x7B0];
	_ =	sdelay $0x4  }
0x71e: {  	[tilespmem:v19+s14+$0x0] =	vst.idx.msk $0xffff, v8  }
0x71f: {  	v19 =	vor.u32 s25, v56;
	v8 =	vld [tilespmem:s20+$0x7C0];
	_ =	sdelay $0x3  }
0x720: {  	s26 =	sadd.s32 $0xFFFFFFE0, s18  }
0x721: {  	s28 =	smulhi.u32 $0x14FA6D7B, s26;
	s29 =	sshra.s32 s26, $0x1F;
	[tilespmem:v19+s14+$0x0] =	vst.idx.msk $0xffff, v8  }
0x722: {  	s24 =	smul.u32 $0x14FA6D7B, s29;
	v19 =	vor.u32 s25, v52;
	v8 =	vld [tilespmem:s20+$0x7D0];
	_ =	sdelay $0x1  }
0x723: {  	s23 =	sadd.s32 s24, s28  }
0x724: {  	s24 =	sshrl.u32 s23, $0x1F;
	s23 =	sshra.s32 s23, $0x6  }
0x725: {  	s23 =	sadd.s32 s24, s23  }
0x726: {  	s24 =	smul.u32 $0xFFFFFCF3, s23;
	[tilespmem:v19+s14+$0x0] =	vst.idx.msk $0xffff, v8  }
0x727: {  	v19 =	vor.u32 s25, v57;
	v8 =	vld [tilespmem:s20+$0x7E0]  }
0x728: {  	s24 =	sadd.s32 s26, s24  }
0x729: {  	p5 =	slt.s32 s26, $0x1;
	p6 =	sne.s32 s24, $0x0  }
0x72a: {  	p1 =	por !p5, !p6  }
0x72b: {  	s22 =	simm.s32 $0x1;
	p1 =	por !p1, !p1  }
0x72c: {  	s22 =	simm.s32 @!p1 $0x0;
	[tilespmem:v19+s14+$0x0] =	vst.idx.msk $0xffff, v8  }
0x72d: {  	s21 =	sshll.u32 s24, $0xB;
	s22 =	ssub.s32 s23, s22;
	v19 =	vor.u32 s25, v60;
	v8 =	vld [tilespmem:s20+$0x7F0]  }
0x72e: {  	p1 =	slt.s32 s24, $0x0;
	s23 =	sadd.s32 $0x186800, s21;
	s22 =	smul.u32 $0x186C00, s22  }
0x72f: {  	s19 =	sadd.s32 $0x1, s19;
	s31 =	rddreg [dreg:$0x4];
	s21 =	smov.u32 @p1 s23  }
0x730: {  	p1 =	sne.s32 s31, s19;
	s21 =	sadd.s32 s21, s22  }
.Ltmp2:
0x731: {  	s21 =	sshrl.u32 s21, $0x3;
	(pc) =	sbr.rel @p1 .LBB2_2-.Ltmp2, $4  }
0x732: {  	s30 =	sadd.s32 $0x1000, s25;
	s21 =	sadd.s32 s2, s21;
	[tilespmem:v19+s14+$0x0] =	vst.idx.msk $0xffff, v8  }
0x733: {  	[hbm4b:s21+s4] =	stream.linear.scatter [tilespmem:s30], [sflag:$0x2], $0x400, $0x38;
	[tilespmem:$0x3000] =	vst v63  }
0x734: {  	s18 =	sadd.s32 $0x20, s18;
	s20 =	sadd.s32 $0x1800, s25;
	s21 =	sadd.s32 $0x80, s21  }
0x735: {  	[hbm4b:s21+s4] =	stream.linear.scatter [tilespmem:s20], [sflag:$0x2], $0x400, $0x38;
	[tilespmem:$0x3000] =	vst v63  }
0x736: {  	_ =	swait.ge [sflag:s15], $0x800  }
0x737: {  	[sflag:s15] =	ssyncset.done $0x0  }
0x738: {  	[sflag:s15] =	ssyncadd.s32 $0xFFFFF800  }
0x739: {  	_ =	swait.ge [sflag:s15], $0x800  }
0x73a: {  	v16 =	vld [tilespmem:$0x1FE30]  }
0x73b: {  	v20 =	vld [tilespmem:$0x1FE40]  }
0x73c: {  	v21 =	vld [tilespmem:$0x1FEB0]  }
0x73d: {  	v22 =	vld [tilespmem:$0x1FED0]  }
0x73e: {  	v23 =	vld [tilespmem:$0x1FF20]  }
0x73f: {  	v2 =	vld [tilespmem:$0x1FF90]  }
0x740: {  	v3 =	vld [tilespmem:$0x1FFB0]  }
0x741: {  	v5 =	vld [tilespmem:$0x1FFE0]  }
0x742: {  	v4 =	vld [tilespmem:$0x1FFF0]  }
0x743: {  	v6 =	vld [tilespmem:$0x1FFD0]  }
0x744: {  	v7 =	vld [tilespmem:$0x1FFC0]  }
0x745: {  	v9 =	vld [tilespmem:$0x1FF80]  }
0x746: {  	v10 =	vld [tilespmem:$0x1FF50]  }
0x747: {  	v11 =	vld [tilespmem:$0x1FEE0]  }
0x748: {  	v0 =	vld [tilespmem:$0x1FE20]  }
0x749: {  	v12 =	vld [tilespmem:$0x1FE50]  }
0x74a: {  	v13 =	vld [tilespmem:$0x1FE60]  }
0x74b: {  	v14 =	vld [tilespmem:$0x1FE70]  }
0x74c: {  	v17 =	vld [tilespmem:$0x1FE80]  }
0x74d: {  	v18 =	vld [tilespmem:$0x1FE90]  }
0x74e: {  	v24 =	vld [tilespmem:$0x1FF70]  }
0x74f: {  	v25 =	vld [tilespmem:$0x1FEC0]  }
0x750: {  	v26 =	vld [tilespmem:$0x1FEF0]  }
0x751: {  	v27 =	vld [tilespmem:$0x1FF00]  }
0x752: {  	v1 =	vld [tilespmem:$0x1FF60]  }
.Ltmp3:
0x753: {  	v28 =	vld [tilespmem:$0x1FF30];
	(pc) =	sbr.rel @p0 .LBB2_5-.Ltmp3, $4  }
0x754: {  	v29 =	vld [tilespmem:$0x1FF40]  }
0x755: {  	v30 =	vld [tilespmem:$0x1FEA0]  }
0x756: {  	[sflag:s15] =	ssyncset.done $0x0;
	v31 =	vld [tilespmem:$0x1FFA0]  }
0x757: {  	v32 =	vld [tilespmem:$0x1FF10];
	[sflag:s15] =	ssyncadd.s32 $0xFFFFF800  }
0x758: {  	[tilespmem:s4], [sflag:$0x3] =	stream.linear.gather [hbm4b:s7+s4], $0x800, $0x38;
	[tilespmem:$0x3000] =	vst v63  }
0x759: {  	_ =	swait.ge [sflag:s16], $0x800  }
0x75a: {  	[sflag:s16] =	ssyncset.done $0x0  }
0x75b: {  	[sflag:s16] =	ssyncadd.s32 $0xFFFFF800  }
0x75c: {  	v8 =	vld [tilespmem:$0x0];
	_ =	sdelay $0x2  }
0x75d: {  	v19 =	vld [tilespmem:$0x1F3F0];
	_ =	sdelay $0x1  }
0x75e: {  	[tilespmem:v0+s14+$0x0] =	vst.idx.msk $0xffff, v8  }
0x75f: {  	v8 =	vld [tilespmem:$0x10];
	_ =	sdelay $0x4  }
0x760: {  	[tilespmem:v19+s14+$0x0] =	vst.idx.msk $0xffff, v8  }
0x761: {  	v8 =	vld [tilespmem:$0x80];
	_ =	sdelay $0x2  }
0x762: {  	v15 =	vld [tilespmem:$0x1F460];
	_ =	sdelay $0x1  }
0x763: {  	[tilespmem:v12+s14+$0x0] =	vst.idx.msk $0xffff, v8  }
0x764: {  	v8 =	vld [tilespmem:$0x90];
	_ =	sdelay $0x4  }
0x765: {  	[tilespmem:v15+s14+$0x0] =	vst.idx.msk $0xffff, v8  }
0x766: {  	v8 =	vld [tilespmem:$0x100];
	_ =	sdelay $0x4  }
0x767: {  	[tilespmem:v13+s14+$0x0] =	vst.idx.msk $0xffff, v8  }
0x768: {  	v8 =	vld [tilespmem:$0x110];
	_ =	sdelay $0x4  }
0x769: {  	[tilespmem:v16+s14+$0x0] =	vst.idx.msk $0xffff, v8  }
0x76a: {  	v8 =	vld [tilespmem:$0x180];
	_ =	sdelay $0x4  }
0x76b: {  	[tilespmem:v14+s14+$0x0] =	vst.idx.msk $0xffff, v8  }
0x76c: {  	v8 =	vld [tilespmem:$0x190];
	_ =	sdelay $0x4  }
0x76d: {  	[tilespmem:v20+s14+$0x0] =	vst.idx.msk $0xffff, v8  }
0x76e: {  	v8 =	vld [tilespmem:$0x200];
	_ =	sdelay $0x4  }
0x76f: {  	[tilespmem:v17+s14+$0x0] =	vst.idx.msk $0xffff, v8  }
0x770: {  	v8 =	vld [tilespmem:$0x210];
	_ =	sdelay $0x4  }
0x771: {  	[tilespmem:v21+s14+$0x0] =	vst.idx.msk $0xffff, v8  }
0x772: {  	v8 =	vld [tilespmem:$0x280];
	_ =	sdelay $0x4  }
0x773: {  	[tilespmem:v18+s14+$0x0] =	vst.idx.msk $0xffff, v8  }
0x774: {  	v8 =	vld [tilespmem:$0x290];
	_ =	sdelay $0x4  }
0x775: {  	[tilespmem:v22+s14+$0x0] =	vst.idx.msk $0xffff, v8  }
0x776: {  	v8 =	vld [tilespmem:$0x300];
	_ =	sdelay $0x4  }
0x777: {  	[tilespmem:v24+s14+$0x0] =	vst.idx.msk $0xffff, v8  }
0x778: {  	v8 =	vld [tilespmem:$0x310];
	_ =	sdelay $0x4  }
0x779: {  	[tilespmem:v23+s14+$0x0] =	vst.idx.msk $0xffff, v8  }
0x77a: {  	v8 =	vld [tilespmem:$0x380];
	_ =	sdelay $0x4  }
0x77b: {  	[tilespmem:v25+s14+$0x0] =	vst.idx.msk $0xffff, v8  }
0x77c: {  	v8 =	vld [tilespmem:$0x390];
	_ =	sdelay $0x4  }
0x77d: {  	[tilespmem:v2+s14+$0x0] =	vst.idx.msk $0xffff, v8  }
0x77e: {  	v8 =	vld [tilespmem:$0x400];
	_ =	sdelay $0x4  }
0x77f: {  	[tilespmem:v26+s14+$0x0] =	vst.idx.msk $0xffff, v8  }
0x780: {  	v8 =	vld [tilespmem:$0x410];
	_ =	sdelay $0x4  }
0x781: {  	[tilespmem:v3+s14+$0x0] =	vst.idx.msk $0xffff, v8  }
0x782: {  	v8 =	vld [tilespmem:$0x480];
	_ =	sdelay $0x4  }
0x783: {  	[tilespmem:v27+s14+$0x0] =	vst.idx.msk $0xffff, v8  }
0x784: {  	v8 =	vld [tilespmem:$0x490];
	_ =	sdelay $0x4  }
0x785: {  	[tilespmem:v5+s14+$0x0] =	vst.idx.msk $0xffff, v8  }
0x786: {  	v8 =	vld [tilespmem:$0x500];
	_ =	sdelay $0x4  }
0x787: {  	[tilespmem:v1+s14+$0x0] =	vst.idx.msk $0xffff, v8  }
0x788: {  	v8 =	vld [tilespmem:$0x510];
	_ =	sdelay $0x4  }
0x789: {  	[tilespmem:v4+s14+$0x0] =	vst.idx.msk $0xffff, v8  }
0x78a: {  	v8 =	vld [tilespmem:$0x580];
	_ =	sdelay $0x4  }
0x78b: {  	[tilespmem:v28+s14+$0x0] =	vst.idx.msk $0xffff, v8  }
0x78c: {  	v8 =	vld [tilespmem:$0x590];
	_ =	sdelay $0x4  }
0x78d: {  	[tilespmem:v6+s14+$0x0] =	vst.idx.msk $0xffff, v8  }
0x78e: {  	v8 =	vld [tilespmem:$0x600];
	_ =	sdelay $0x4  }
0x78f: {  	[tilespmem:v29+s14+$0x0] =	vst.idx.msk $0xffff, v8  }
0x790: {  	v8 =	vld [tilespmem:$0x610];
	_ =	sdelay $0x4  }
0x791: {  	[tilespmem:v7+s14+$0x0] =	vst.idx.msk $0xffff, v8  }
0x792: {  	v8 =	vld [tilespmem:$0x680];
	_ =	sdelay $0x4  }
0x793: {  	[tilespmem:v30+s14+$0x0] =	vst.idx.msk $0xffff, v8  }
0x794: {  	v8 =	vld [tilespmem:$0x690];
	_ =	sdelay $0x4  }
0x795: {  	[tilespmem:v9+s14+$0x0] =	vst.idx.msk $0xffff, v8  }
0x796: {  	v8 =	vld [tilespmem:$0x700];
	_ =	sdelay $0x4  }
0x797: {  	[tilespmem:v31+s14+$0x0] =	vst.idx.msk $0xffff, v8  }
0x798: {  	v8 =	vld [tilespmem:$0x710];
	_ =	sdelay $0x4  }
0x799: {  	[tilespmem:v10+s14+$0x0] =	vst.idx.msk $0xffff, v8  }
0x79a: {  	v8 =	vld [tilespmem:$0x780];
	_ =	sdelay $0x4  }
0x79b: {  	[tilespmem:v32+s14+$0x0] =	vst.idx.msk $0xffff, v8  }
0x79c: {  	v8 =	vld [tilespmem:$0x790];
	_ =	sdelay $0x4  }
.Ltmp4:
0x79d: {  	[tilespmem:v11+s14+$0x0] =	vst.idx.msk $0xffff, v8;
	(pc) =	sbr.rel .LBB2_5-.Ltmp4, $4  }
0x79e: {  	[hbm4b:s8+s4] =	stream.linear.scatter [tilespmem:s14], [sflag:$0x3], $0x200, $0x38;
	[tilespmem:$0x3000] =	vst v63  }
0x79f: {  	_ =	swait.ge [sflag:s16], $0x200  }
0x7a0: {  	[sflag:s16] =	ssyncset.done $0x0  }
0x7a1: {  	[sflag:s16] =	ssyncadd.s32 $0xFFFFFE00  }
.LBB2_6:
0x7a2: {  	_ =	sfence.sel $0x180000  }
0x7a3: {  	[bflag:$0x0] =	sbarrier.arrive $0xFFFF  }
0x7a4: {  	p0 =	sne.s32 s3, $0x0;
	_ =	strace $0x90000047  }
0x7a5: {  	s0 =	sadd.s32 @!p0 $0x100000, s1;
	[bflag:$0x2] =	sbarrier.arrive $0xFFFF  }
0x7a6: {  	[sflag:s0] =	ssyncadd.tile.s32 @!p0 $0x1;
	_ =	shalt  }
.Lfunc_end2:
_tile_overlayer_lowered:
.L_overlay_start_2:
0x7a7: {  	(tag) =	ssettag $0x2  }
0x7a8: {  	s0 =	rddreg [dreg:$0x0];
	s2 =	stileid.u32  }
0x7a9: {  	s1 =	rddreg [dreg:$0x1];
	p0 =	sne.s32 s2, $0x0  }
0x7aa: {  	s3 =	rddreg [dreg:$0x2];
	[bflag:$0x3] =	sbarrier.arrive $0xFFFF;
	s2 =	simm.s32 @!p0 $0x1C03  }
0x7ab: {  	[timem:s3], [sflag:s2] =	dma.local @!p0 [hbm:s0], s1  }
0x7ac: {  	s0 =	simm.s32 @!p0 $0x3  }
0x7ad: {  	_ =	swait.ge @!p0 [sflag:s0], s1  }
0x7ae: {  	s1 =	ssub.s32 @!p0 $0x0, s1;
	[sflag:s0] =	ssyncset.done @!p0 $0x0  }
0x7af: {  	[sflag:s0] =	ssyncadd.s32 @!p0 s1  }
0x7b0: {  	[bflag:$0x3] =	sbarrier.arrive $0xFFFF  }
0x7b1: {  	_ =	shalt  }

</sc_bundles>
